<compile_context>
chip_gen: v7x
topology: tpu7x:2x2x1
jax: 0.10.2.dev20260603
libtpu: 0.0.44.dev20260713+nightly
codegen_flags: <defaults>
</compile_context>

<pallas_src>
import functools

import jax
import jax.numpy as jnp
from jax import lax
from jax.experimental import pallas as pl
from jax.experimental.pallas import tpu as pltpu
from jax.experimental.pallas import tpu_sc as plsc

_S = 64.0
_M3 = 0.35

_B = 1024
_C = 100000
_BR = 2000
_NB = _C // _BR

_NC = 2
_NS = 16
_L = 16
_NW = _NC * _NS
_PER_W = _B // _NW


def _scale_body(x_ref, o_ref):
    o_ref[...] = x_ref[...] * _S


def _scale_t(logits_t):
    return pl.pallas_call(
        _scale_body,
        grid=(_NB,),
        in_specs=[pl.BlockSpec((_BR, _B), lambda i: (i, 0))],
        out_specs=pl.BlockSpec((_BR, _B), lambda i: (i, 0)),
        out_shape=jax.ShapeDtypeStruct((_C, _B), jnp.float32),
    )(logits_t)


_sc_mesh = plsc.VectorSubcoreMesh(
    core_axis_name="c", subcore_axis_name="s", num_cores=_NC, num_subcores=_NS
)


@functools.partial(
    pl.kernel,
    mesh=_sc_mesh,
    scratch_types=[
        pltpu.VMEM((_PER_W,), jnp.int32),
        pltpu.VMEM((_PER_W, _PER_W), jnp.float32),
        pltpu.SemaphoreType.DMA,
    ],
)
def _sc_fix_t(logits_t, out_buf, labels_hbm, lab_v, wins, sem):
    wid = lax.axis_index("s") * _NC + lax.axis_index("c")
    base = wid * _PER_W
    pltpu.sync_copy(labels_hbm.at[pl.ds(base, _PER_W)], lab_v)
    chunks = [lab_v[pl.ds(j * _L, _L)] for j in range(_PER_W // _L)]
    rows = [chunks[r // _L][r % _L] for r in range(_PER_W)]
    gathers = [
        pltpu.async_copy(
            logits_t.at[rows[r], pl.ds(base, _PER_W)], wins.at[r], sem
        )
        for r in range(_PER_W)
    ]
    for g in gathers:
        g.wait()
    for r in range(_PER_W):
        for j in range(_PER_W // _L):
            x = wins[r, pl.ds(j * _L, _L)]
            hit = chunks[j] == rows[r]
            wins[r, pl.ds(j * _L, _L)] = jnp.where(hit, (x - _M3) * _S, x * _S)
    scatters = [
        pltpu.async_copy(
            wins.at[r], out_buf.at[rows[r], pl.ds(base, _PER_W)], sem
        )
        for r in range(_PER_W)
    ]
    for s in scatters:
        s.wait()


@jax.jit
def _combined(logits, labels):
    logits_t = logits.T
    scaled_t = _scale_t(logits_t)
    buf = jax.new_ref(scaled_t)
    _sc_fix_t(logits_t, buf, labels)
    return jax.freeze(buf).T


def kernel(logits, labels):
    return _combined(logits, labels.astype(jnp.int32))

# --- scband reference (transcript-rebuilt; emitter-appended) ---
"""Pipeline reference for scband-combined-margin-loss-2430951489682 (READ-ONLY COPY).

The authoritative reference and input builder live on the scoring server;
editing this copy changes nothing except your own understanding.
"""

import jax, jax.numpy as jnp
import numpy as np

S = 64.0
M1 = 1.0
M2 = 0.0
M3 = 0.35


def setup_inputs(seed: int = 0) -> dict:
    key = jax.random.key(seed)
    k1, k2 = jax.random.split(key)
    logits = jax.random.uniform(k1, (1024, 100000), dtype=jnp.float32)  # cosine sims in [0,1)
    labels = jax.random.randint(k2, (1024,), 0, 100000, dtype=jnp.int64)
    return {"logits": logits, "labels": labels}


def reference(logits, labels):
    # index_positive = where(labels != -1); with this data all labels are valid,
    # which matches the common training path (every sample has a class).
    B = logits.shape[0]
    idx = jnp.arange(B)
    # CombinedMarginLoss with m1==1.0, m2==0.0, m3>0 -> CosFace branch:
    # target_logit = logits[i, labels[i]]; final = target_logit - m3; scatter back; scale by s.
    target_logit = logits[idx, labels]
    final_target_logit = target_logit - M3
    logits = logits.at[idx, labels].set(final_target_logit)
    logits = logits * S
    return logits

if __name__ == "__main__":
    import jax
    _d = setup_inputs()
    print(jax.jit(kernel)(*tuple(_d.values())))

</pallas_src>

<mosaic_0001>
#map = affine_map<(d0, d1) -> (0, 0)>
#map1 = affine_map<(d0, d1) -> (0)>
module attributes {stable_mosaic.version = 14 : i64} {
  func.func @new_body(%arg0: i32, %arg1: i32, %arg2: memref<100000x1024xf32, #tpu.memory_space<hbm>>, %arg3: memref<100000x1024xf32, #tpu.memory_space<hbm>>, %arg4: memref<1024xi32, #tpu.memory_space<hbm>>, %arg5: memref<100000x1024xf32, #tpu.memory_space<hbm>>, %arg6: memref<32xi32, #tpu.memory_space<vmem>>, %arg7: memref<32x32xf32, #tpu.memory_space<vmem>>, %arg8: memref<!tpu.dma_semaphore, #tpu.memory_space<semaphore_mem>>) attributes {dimension_semantics = [#tpu.dimension_semantics<core_parallel>, #tpu.dimension_semantics<subcore_parallel>], iteration_bounds = array<i64: 2, 16>, scalar_prefetch = 0 : i64, scratch_operands = 3 : i64, tpu.core_type = #tpu.core_type<sc_vector_subcore>, window_params = [{transform_indices = #map}, {transform_indices = #map}, {transform_indices = #map1}, {transform_indices = #map}]} {
    %mul3A = arith.constant 2 : i32
    %mul3A_0 = arith.muli %arg1, %mul3A : i32
    %add3A = arith.addi %mul3A_0, %arg0 : i32
    %mul3A_1 = arith.constant 32 : i32
    %mul3A_2 = arith.muli %add3A, %mul3A_1 : i32
    "tpu.region"() ({
      %run_scoped3A = tpu.sem_alloc : memref<!tpu.dma_semaphore, #tpu.memory_space<semaphore_mem>>
      %dma_start3A_2944 = tpu.memref_slice %arg4[%mul3A_2] : memref<1024xi32, #tpu.memory_space<hbm>> -> memref<32xi32, #tpu.memory_space<hbm>>
      %dma_start3A_2945 = tpu.memref_slice %arg4[%mul3A_2] : memref<1024xi32, #tpu.memory_space<hbm>> -> memref<32xi32, #tpu.memory_space<hbm>>
      tpu.enqueue_dma source(%dma_start3A_2945 : memref<32xi32, #tpu.memory_space<hbm>>) target(%arg6 : memref<32xi32, #tpu.memory_space<vmem>>) target_semaphore(%run_scoped3A : memref<!tpu.dma_semaphore, #tpu.memory_space<semaphore_mem>>)
      %dma_wait3A_2946 = tpu.memref_slice %arg4[%mul3A_2] : memref<1024xi32, #tpu.memory_space<hbm>> -> memref<32xi32, #tpu.memory_space<hbm>>
      %dma_wait3A_2947 = tpu.memref_slice %arg4[%mul3A_2] : memref<1024xi32, #tpu.memory_space<hbm>> -> memref<32xi32, #tpu.memory_space<hbm>>
      tpu.wait_dma2 semaphore(%run_scoped3A : memref<!tpu.dma_semaphore, #tpu.memory_space<semaphore_mem>>) src(%dma_wait3A_2947 : memref<32xi32, #tpu.memory_space<hbm>>) dst(%arg6 : memref<32xi32, #tpu.memory_space<vmem>>)
      tpu.yield
    }) : () -> ()
    %get3A = arith.constant 0 : index
    %get3A_3 = tpu.vector_load %arg6[%get3A] {strides = array<i32>} : memref<32xi32, #tpu.memory_space<vmem>>, vector<16xi32>,
    %get3A_4 = vector.shape_cast %get3A_3 : vector<16xi32> to vector<16xi32>
    %get3A_5 = arith.constant 16 : index
    %get3A_6 = tpu.vector_load %arg6[%get3A_5] {strides = array<i32>} : memref<32xi32, #tpu.memory_space<vmem>>, vector<16xi32>,
    %get3A_7 = vector.shape_cast %get3A_6 : vector<16xi32> to vector<16xi32>
    %slice3A = vector.extract_strided_slice %get3A_4 {offsets = [0], sizes = [1], strides = [1]} : vector<16xi32> to vector<1xi32>
    %squeeze3A = vector.extract %slice3A[0] : i32 from vector<1xi32>
    %slice3A_8 = vector.extract_strided_slice %get3A_4 {offsets = [1], sizes = [1], strides = [1]} : vector<16xi32> to vector<1xi32>
    %squeeze3A_9 = vector.extract %slice3A_8[0] : i32 from vector<1xi32>
    %slice3A_10 = vector.extract_strided_slice %get3A_4 {offsets = [2], sizes = [1], strides = [1]} : vector<16xi32> to vector<1xi32>
    %squeeze3A_11 = vector.extract %slice3A_10[0] : i32 from vector<1xi32>
    %slice3A_12 = vector.extract_strided_slice %get3A_4 {offsets = [3], sizes = [1], strides = [1]} : vector<16xi32> to vector<1xi32>
    %squeeze3A_13 = vector.extract %slice3A_12[0] : i32 from vector<1xi32>
    %slice3A_14 = vector.extract_strided_slice %get3A_4 {offsets = [4], sizes = [1], strides = [1]} : vector<16xi32> to vector<1xi32>
    %squeeze3A_15 = vector.extract %slice3A_14[0] : i32 from vector<1xi32>
    %slice3A_16 = vector.extract_strided_slice %get3A_4 {offsets = [5], sizes = [1], strides = [1]} : vector<16xi32> to vector<1xi32>
    %squeeze3A_17 = vector.extract %slice3A_16[0] : i32 from vector<1xi32>
    %slice3A_18 = vector.extract_strided_slice %get3A_4 {offsets = [6], sizes = [1], strides = [1]} : vector<16xi32> to vector<1xi32>
    %squeeze3A_19 = vector.extract %slice3A_18[0] : i32 from vector<1xi32>
    %slice3A_20 = vector.extract_strided_slice %get3A_4 {offsets = [7], sizes = [1], strides = [1]} : vector<16xi32> to vector<1xi32>
    %squeeze3A_21 = vector.extract %slice3A_20[0] : i32 from vector<1xi32>
    %slice3A_22 = vector.extract_strided_slice %get3A_4 {offsets = [8], sizes = [1], strides = [1]} : vector<16xi32> to vector<1xi32>
    %squeeze3A_23 = vector.extract %slice3A_22[0] : i32 from vector<1xi32>
    %slice3A_24 = vector.extract_strided_slice %get3A_4 {offsets = [9], sizes = [1], strides = [1]} : vector<16xi32> to vector<1xi32>
    %squeeze3A_25 = vector.extract %slice3A_24[0] : i32 from vector<1xi32>
    %slice3A_26 = vector.extract_strided_slice %get3A_4 {offsets = [10], sizes = [1], strides = [1]} : vector<16xi32> to vector<1xi32>
    %squeeze3A_27 = vector.extract %slice3A_26[0] : i32 from vector<1xi32>
    %slice3A_28 = vector.extract_strided_slice %get3A_4 {offsets = [11], sizes = [1], strides = [1]} : vector<16xi32> to vector<1xi32>
    %squeeze3A_29 = vector.extract %slice3A_28[0] : i32 from vector<1xi32>
    %slice3A_30 = vector.extract_strided_slice %get3A_4 {offsets = [12], sizes = [1], strides = [1]} : vector<16xi32> to vector<1xi32>
    %squeeze3A_31 = vector.extract %slice3A_30[0] : i32 from vector<1xi32>
    %slice3A_32 = vector.extract_strided_slice %get3A_4 {offsets = [13], sizes = [1], strides = [1]} : vector<16xi32> to vector<1xi32>
    %squeeze3A_33 = vector.extract %slice3A_32[0] : i32 from vector<1xi32>
    %slice3A_34 = vector.extract_strided_slice %get3A_4 {offsets = [14], sizes = [1], strides = [1]} : vector<16xi32> to vector<1xi32>
    %squeeze3A_35 = vector.extract %slice3A_34[0] : i32 from vector<1xi32>
    %slice3A_36 = vector.extract_strided_slice %get3A_4 {offsets = [15], sizes = [1], strides = [1]} : vector<16xi32> to vector<1xi32>
    %squeeze3A_37 = vector.extract %slice3A_36[0] : i32 from vector<1xi32>
    %slice3A_38 = vector.extract_strided_slice %get3A_7 {offsets = [0], sizes = [1], strides = [1]} : vector<16xi32> to vector<1xi32>
    %squeeze3A_39 = vector.extract %slice3A_38[0] : i32 from vector<1xi32>
    %slice3A_40 = vector.extract_strided_slice %get3A_7 {offsets = [1], sizes = [1], strides = [1]} : vector<16xi32> to vector<1xi32>
    %squeeze3A_41 = vector.extract %slice3A_40[0] : i32 from vector<1xi32>
    %slice3A_42 = vector.extract_strided_slice %get3A_7 {offsets = [2], sizes = [1], strides = [1]} : vector<16xi32> to vector<1xi32>
    %squeeze3A_43 = vector.extract %slice3A_42[0] : i32 from vector<1xi32>
    %slice3A_44 = vector.extract_strided_slice %get3A_7 {offsets = [3], sizes = [1], strides = [1]} : vector<16xi32> to vector<1xi32>
    %squeeze3A_45 = vector.extract %slice3A_44[0] : i32 from vector<1xi32>
    %slice3A_46 = vector.extract_strided_slice %get3A_7 {offsets = [4], sizes = [1], strides = [1]} : vector<16xi32> to vector<1xi32>
    %squeeze3A_47 = vector.extract %slice3A_46[0] : i32 from vector<1xi32>
    %slice3A_48 = vector.extract_strided_slice %get3A_7 {offsets = [5], sizes = [1], strides = [1]} : vector<16xi32> to vector<1xi32>
    %squeeze3A_49 = vector.extract %slice3A_48[0] : i32 from vector<1xi32>
    %slice3A_50 = vector.extract_strided_slice %get3A_7 {offsets = [6], sizes = [1], strides = [1]} : vector<16xi32> to vector<1xi32>
    %squeeze3A_51 = vector.extract %slice3A_50[0] : i32 from vector<1xi32>
    %slice3A_52 = vector.extract_strided_slice %get3A_7 {offsets = [7], sizes = [1], strides = [1]} : vector<16xi32> to vector<1xi32>
    %squeeze3A_53 = vector.extract %slice3A_52[0] : i32 from vector<1xi32>
    %slice3A_54 = vector.extract_strided_slice %get3A_7 {offsets = [8], sizes = [1], strides = [1]} : vector<16xi32> to vector<1xi32>
    %squeeze3A_55 = vector.extract %slice3A_54[0] : i32 from vector<1xi32>
    %slice3A_56 = vector.extract_strided_slice %get3A_7 {offsets = [9], sizes = [1], strides = [1]} : vector<16xi32> to vector<1xi32>
    %squeeze3A_57 = vector.extract %slice3A_56[0] : i32 from vector<1xi32>
    %slice3A_58 = vector.extract_strided_slice %get3A_7 {offsets = [10], sizes = [1], strides = [1]} : vector<16xi32> to vector<1xi32>
    %squeeze3A_59 = vector.extract %slice3A_58[0] : i32 from vector<1xi32>
    %slice3A_60 = vector.extract_strided_slice %get3A_7 {offsets = [11], sizes = [1], strides = [1]} : vector<16xi32> to vector<1xi32>
    %squeeze3A_61 = vector.extract %slice3A_60[0] : i32 from vector<1xi32>
    %slice3A_62 = vector.extract_strided_slice %get3A_7 {offsets = [12], sizes = [1], strides = [1]} : vector<16xi32> to vector<1xi32>
    %squeeze3A_63 = vector.extract %slice3A_62[0] : i32 from vector<1xi32>
    %slice3A_64 = vector.extract_strided_slice %get3A_7 {offsets = [13], sizes = [1], strides = [1]} : vector<16xi32> to vector<1xi32>
    %squeeze3A_65 = vector.extract %slice3A_64[0] : i32 from vector<1xi32>
    %slice3A_66 = vector.extract_strided_slice %get3A_7 {offsets = [14], sizes = [1], strides = [1]} : vector<16xi32> to vector<1xi32>
    %squeeze3A_67 = vector.extract %slice3A_66[0] : i32 from vector<1xi32>
    %slice3A_68 = vector.extract_strided_slice %get3A_7 {offsets = [15], sizes = [1], strides = [1]} : vector<16xi32> to vector<1xi32>
    %squeeze3A_69 = vector.extract %slice3A_68[0] : i32 from vector<1xi32>
    %dma_start3A = arith.constant 0 : i32
    %dma_start3A_70 = arith.constant 0 : i32
    %dma_start3A_71 = tpu.memref_slice %arg7[%dma_start3A, %dma_start3A_70] : memref<32x32xf32, #tpu.memory_space<vmem>> -> memref<1x32xf32, #tpu.memory_space<vmem>>
    %dma_start3A_72 = tpu.memref_squeeze %dma_start3A_71 : memref<1x32xf32, #tpu.memory_space<vmem>> -> memref<32xf32, #tpu.memory_space<vmem>>
    %dma_start3A_73 = tpu.memref_slice %arg2[%squeeze3A, %mul3A_2] : memref<100000x1024xf32, #tpu.memory_space<hbm>> -> memref<1x32xf32, #tpu.memory_space<hbm>>
    %dma_start3A_74 = tpu.memref_squeeze %dma_start3A_73 : memref<1x32xf32, #tpu.memory_space<hbm>> -> memref<32xf32, #tpu.memory_space<hbm>>
    %dma_start3A_75 = arith.constant 0 : i32
    %dma_start3A_76 = tpu.memref_slice %arg7[%dma_start3A, %dma_start3A_75] : memref<32x32xf32, #tpu.memory_space<vmem>> -> memref<1x32xf32, #tpu.memory_space<vmem>>
    %dma_start3A_77 = tpu.memref_squeeze %dma_start3A_76 : memref<1x32xf32, #tpu.memory_space<vmem>> -> memref<32xf32, #tpu.memory_space<vmem>>
    %dma_start3A_78 = tpu.memref_slice %arg2[%squeeze3A, %mul3A_2] : memref<100000x1024xf32, #tpu.memory_space<hbm>> -> memref<1x32xf32, #tpu.memory_space<hbm>>
    %dma_start3A_79 = tpu.memref_squeeze %dma_start3A_78 : memref<1x32xf32, #tpu.memory_space<hbm>> -> memref<32xf32, #tpu.memory_space<hbm>>
    tpu.enqueue_dma source(%dma_start3A_79 : memref<32xf32, #tpu.memory_space<hbm>>) target(%dma_start3A_77 : memref<32xf32, #tpu.memory_space<vmem>>) target_semaphore(%arg8 : memref<!tpu.dma_semaphore, #tpu.memory_space<semaphore_mem>>)
    %dma_start3A_80 = arith.constant 1 : i32
    %dma_start3A_81 = arith.constant 0 : i32
    %dma_start3A_82 = tpu.memref_slice %arg7[%dma_start3A_80, %dma_start3A_81] : memref<32x32xf32, #tpu.memory_space<vmem>> -> memref<1x32xf32, #tpu.memory_space<vmem>>
    %dma_start3A_83 = tpu.memref_squeeze %dma_start3A_82 : memref<1x32xf32, #tpu.memory_space<vmem>> -> memref<32xf32, #tpu.memory_space<vmem>>
    %dma_start3A_84 = tpu.memref_slice %arg2[%squeeze3A_9, %mul3A_2] : memref<100000x1024xf32, #tpu.memory_space<hbm>> -> memref<1x32xf32, #tpu.memory_space<hbm>>
    %dma_start3A_85 = tpu.memref_squeeze %dma_start3A_84 : memref<1x32xf32, #tpu.memory_space<hbm>> -> memref<32xf32, #tpu.memory_space<hbm>>
    %dma_start3A_86 = arith.constant 0 : i32
    %dma_start3A_87 = tpu.memref_slice %arg7[%dma_start3A_80, %dma_start3A_86] : memref<32x32xf32, #tpu.memory_space<vmem>> -> memref<1x32xf32, #tpu.memory_space<vmem>>
    %dma_start3A_88 = tpu.memref_squeeze %dma_start3A_87 : memref<1x32xf32, #tpu.memory_space<vmem>> -> memref<32xf32, #tpu.memory_space<vmem>>
    %dma_start3A_89 = tpu.memref_slice %arg2[%squeeze3A_9, %mul3A_2] : memref<100000x1024xf32, #tpu.memory_space<hbm>> -> memref<1x32xf32, #tpu.memory_space<hbm>>
    %dma_start3A_90 = tpu.memref_squeeze %dma_start3A_89 : memref<1x32xf32, #tpu.memory_space<hbm>> -> memref<32xf32, #tpu.memory_space<hbm>>
    tpu.enqueue_dma source(%dma_start3A_90 : memref<32xf32, #tpu.memory_space<hbm>>) target(%dma_start3A_88 : memref<32xf32, #tpu.memory_space<vmem>>) target_semaphore(%arg8 : memref<!tpu.dma_semaphore, #tpu.memory_space<semaphore_mem>>)
    %dma_start3A_91 = arith.constant 2 : i32
    %dma_start3A_92 = arith.constant 0 : i32
    %dma_start3A_93 = tpu.memref_slice %arg7[%dma_start3A_91, %dma_start3A_92] : memref<32x32xf32, #tpu.memory_space<vmem>> -> memref<1x32xf32, #tpu.memory_space<vmem>>
    %dma_start3A_94 = tpu.memref_squeeze %dma_start3A_93 : memref<1x32xf32, #tpu.memory_space<vmem>> -> memref<32xf32, #tpu.memory_space<vmem>>
    %dma_start3A_95 = tpu.memref_slice %arg2[%squeeze3A_11, %mul3A_2] : memref<100000x1024xf32, #tpu.memory_space<hbm>> -> memref<1x32xf32, #tpu.memory_space<hbm>>
    %dma_start3A_96 = tpu.memref_squeeze %dma_start3A_95 : memref<1x32xf32, #tpu.memory_space<hbm>> -> memref<32xf32, #tpu.memory_space<hbm>>
    %dma_start3A_97 = arith.constant 0 : i32
    %dma_start3A_98 = tpu.memref_slice %arg7[%dma_start3A_91, %dma_start3A_97] : memref<32x32xf32, #tpu.memory_space<vmem>> -> memref<1x32xf32, #tpu.memory_space<vmem>>
    %dma_start3A_99 = tpu.memref_squeeze %dma_start3A_98 : memref<1x32xf32, #tpu.memory_space<vmem>> -> memref<32xf32, #tpu.memory_space<vmem>>
    %dma_start3A_100 = tpu.memref_slice %arg2[%squeeze3A_11, %mul3A_2] : memref<100000x1024xf32, #tpu.memory_space<hbm>> -> memref<1x32xf32, #tpu.memory_space<hbm>>
    %dma_start3A_101 = tpu.memref_squeeze %dma_start3A_100 : memref<1x32xf32, #tpu.memory_space<hbm>> -> memref<32xf32, #tpu.memory_space<hbm>>
    tpu.enqueue_dma source(%dma_start3A_101 : memref<32xf32, #tpu.memory_space<hbm>>) target(%dma_start3A_99 : memref<32xf32, #tpu.memory_space<vmem>>) target_semaphore(%arg8 : memref<!tpu.dma_semaphore, #tpu.memory_space<semaphore_mem>>)
    %dma_start3A_102 = arith.constant 3 : i32
    %dma_start3A_103 = arith.constant 0 : i32
    %dma_start3A_104 = tpu.memref_slice %arg7[%dma_start3A_102, %dma_start3A_103] : memref<32x32xf32, #tpu.memory_space<vmem>> -> memref<1x32xf32, #tpu.memory_space<vmem>>
    %dma_start3A_105 = tpu.memref_squeeze %dma_start3A_104 : memref<1x32xf32, #tpu.memory_space<vmem>> -> memref<32xf32, #tpu.memory_space<vmem>>
    %dma_start3A_106 = tpu.memref_slice %arg2[%squeeze3A_13, %mul3A_2] : memref<100000x1024xf32, #tpu.memory_space<hbm>> -> memref<1x32xf32, #tpu.memory_space<hbm>>
    %dma_start3A_107 = tpu.memref_squeeze %dma_start3A_106 : memref<1x32xf32, #tpu.memory_space<hbm>> -> memref<32xf32, #tpu.memory_space<hbm>>
    %dma_start3A_108 = arith.constant 0 : i32
    %dma_start3A_109 = tpu.memref_slice %arg7[%dma_start3A_102, %dma_start3A_108] : memref<32x32xf32, #tpu.memory_space<vmem>> -> memref<1x32xf32, #tpu.memory_space<vmem>>
    %dma_start3A_110 = tpu.memref_squeeze %dma_start3A_109 : memref<1x32xf32, #tpu.memory_space<vmem>> -> memref<32xf32, #tpu.memory_space<vmem>>
    %dma_start3A_111 = tpu.memref_slice %arg2[%squeeze3A_13, %mul3A_2] : memref<100000x1024xf32, #tpu.memory_space<hbm>> -> memref<1x32xf32, #tpu.memory_space<hbm>>
    %dma_start3A_112 = tpu.memref_squeeze %dma_start3A_111 : memref<1x32xf32, #tpu.memory_space<hbm>> -> memref<32xf32, #tpu.memory_space<hbm>>
    tpu.enqueue_dma source(%dma_start3A_112 : memref<32xf32, #tpu.memory_space<hbm>>) target(%dma_start3A_110 : memref<32xf32, #tpu.memory_space<vmem>>) target_semaphore(%arg8 : memref<!tpu.dma_semaphore, #tpu.memory_space<semaphore_mem>>)
    %dma_start3A_113 = arith.constant 4 : i32
    %dma_start3A_114 = arith.constant 0 : i32
    %dma_start3A_115 = tpu.memref_slice %arg7[%dma_start3A_113, %dma_start3A_114] : memref<32x32xf32, #tpu.memory_space<vmem>> -> memref<1x32xf32, #tpu.memory_space<vmem>>
    %dma_start3A_116 = tpu.memref_squeeze %dma_start3A_115 : memref<1x32xf32, #tpu.memory_space<vmem>> -> memref<32xf32, #tpu.memory_space<vmem>>
    %dma_start3A_117 = tpu.memref_slice %arg2[%squeeze3A_15, %mul3A_2] : memref<100000x1024xf32, #tpu.memory_space<hbm>> -> memref<1x32xf32, #tpu.memory_space<hbm>>
    %dma_start3A_118 = tpu.memref_squeeze %dma_start3A_117 : memref<1x32xf32, #tpu.memory_space<hbm>> -> memref<32xf32, #tpu.memory_space<hbm>>
    %dma_start3A_119 = arith.constant 0 : i32
    %dma_start3A_120 = tpu.memref_slice %arg7[%dma_start3A_113, %dma_start3A_119] : memref<32x32xf32, #tpu.memory_space<vmem>> -> memref<1x32xf32, #tpu.memory_space<vmem>>
    %dma_start3A_121 = tpu.memref_squeeze %dma_start3A_120 : memref<1x32xf32, #tpu.memory_space<vmem>> -> memref<32xf32, #tpu.memory_space<vmem>>
    %dma_start3A_122 = tpu.memref_slice %arg2[%squeeze3A_15, %mul3A_2] : memref<100000x1024xf32, #tpu.memory_space<hbm>> -> memref<1x32xf32, #tpu.memory_space<hbm>>
    %dma_start3A_123 = tpu.memref_squeeze %dma_start3A_122 : memref<1x32xf32, #tpu.memory_space<hbm>> -> memref<32xf32, #tpu.memory_space<hbm>>
    tpu.enqueue_dma source(%dma_start3A_123 : memref<32xf32, #tpu.memory_space<hbm>>) target(%dma_start3A_121 : memref<32xf32, #tpu.memory_space<vmem>>) target_semaphore(%arg8 : memref<!tpu.dma_semaphore, #tpu.memory_space<semaphore_mem>>)
    %dma_start3A_124 = arith.constant 5 : i32
    %dma_start3A_125 = arith.constant 0 : i32
    %dma_start3A_126 = tpu.memref_slice %arg7[%dma_start3A_124, %dma_start3A_125] : memref<32x32xf32, #tpu.memory_space<vmem>> -> memref<1x32xf32, #tpu.memory_space<vmem>>
    %dma_start3A_127 = tpu.memref_squeeze %dma_start3A_126 : memref<1x32xf32, #tpu.memory_space<vmem>> -> memref<32xf32, #tpu.memory_space<vmem>>
    %dma_start3A_128 = tpu.memref_slice %arg2[%squeeze3A_17, %mul3A_2] : memref<100000x1024xf32, #tpu.memory_space<hbm>> -> memref<1x32xf32, #tpu.memory_space<hbm>>
    %dma_start3A_129 = tpu.memref_squeeze %dma_start3A_128 : memref<1x32xf32, #tpu.memory_space<hbm>> -> memref<32xf32, #tpu.memory_space<hbm>>
    %dma_start3A_130 = arith.constant 0 : i32
    %dma_start3A_131 = tpu.memref_slice %arg7[%dma_start3A_124, %dma_start3A_130] : memref<32x32xf32, #tpu.memory_space<vmem>> -> memref<1x32xf32, #tpu.memory_space<vmem>>
    %dma_start3A_132 = tpu.memref_squeeze %dma_start3A_131 : memref<1x32xf32, #tpu.memory_space<vmem>> -> memref<32xf32, #tpu.memory_space<vmem>>
    %dma_start3A_133 = tpu.memref_slice %arg2[%squeeze3A_17, %mul3A_2] : memref<100000x1024xf32, #tpu.memory_space<hbm>> -> memref<1x32xf32, #tpu.memory_space<hbm>>
    %dma_start3A_134 = tpu.memref_squeeze %dma_start3A_133 : memref<1x32xf32, #tpu.memory_space<hbm>> -> memref<32xf32, #tpu.memory_space<hbm>>
    tpu.enqueue_dma source(%dma_start3A_134 : memref<32xf32, #tpu.memory_space<hbm>>) target(%dma_start3A_132 : memref<32xf32, #tpu.memory_space<vmem>>) target_semaphore(%arg8 : memref<!tpu.dma_semaphore, #tpu.memory_space<semaphore_mem>>)
    %dma_start3A_135 = arith.constant 6 : i32
    %dma_start3A_136 = arith.constant 0 : i32
    %dma_start3A_137 = tpu.memref_slice %arg7[%dma_start3A_135, %dma_start3A_136] : memref<32x32xf32, #tpu.memory_space<vmem>> -> memref<1x32xf32, #tpu.memory_space<vmem>>
    %dma_start3A_138 = tpu.memref_squeeze %dma_start3A_137 : memref<1x32xf32, #tpu.memory_space<vmem>> -> memref<32xf32, #tpu.memory_space<vmem>>
    %dma_start3A_139 = tpu.memref_slice %arg2[%squeeze3A_19, %mul3A_2] : memref<100000x1024xf32, #tpu.memory_space<hbm>> -> memref<1x32xf32, #tpu.memory_space<hbm>>
    %dma_start3A_140 = tpu.memref_squeeze %dma_start3A_139 : memref<1x32xf32, #tpu.memory_space<hbm>> -> memref<32xf32, #tpu.memory_space<hbm>>
    %dma_start3A_141 = arith.constant 0 : i32
    %dma_start3A_142 = tpu.memref_slice %arg7[%dma_start3A_135, %dma_start3A_141] : memref<32x32xf32, #tpu.memory_space<vmem>> -> memref<1x32xf32, #tpu.memory_space<vmem>>
    %dma_start3A_143 = tpu.memref_squeeze %dma_start3A_142 : memref<1x32xf32, #tpu.memory_space<vmem>> -> memref<32xf32, #tpu.memory_space<vmem>>
    %dma_start3A_144 = tpu.memref_slice %arg2[%squeeze3A_19, %mul3A_2] : memref<100000x1024xf32, #tpu.memory_space<hbm>> -> memref<1x32xf32, #tpu.memory_space<hbm>>
    %dma_start3A_145 = tpu.memref_squeeze %dma_start3A_144 : memref<1x32xf32, #tpu.memory_space<hbm>> -> memref<32xf32, #tpu.memory_space<hbm>>
    tpu.enqueue_dma source(%dma_start3A_145 : memref<32xf32, #tpu.memory_space<hbm>>) target(%dma_start3A_143 : memref<32xf32, #tpu.memory_space<vmem>>) target_semaphore(%arg8 : memref<!tpu.dma_semaphore, #tpu.memory_space<semaphore_mem>>)
    %dma_start3A_146 = arith.constant 7 : i32
    %dma_start3A_147 = arith.constant 0 : i32
    %dma_start3A_148 = tpu.memref_slice %arg7[%dma_start3A_146, %dma_start3A_147] : memref<32x32xf32, #tpu.memory_space<vmem>> -> memref<1x32xf32, #tpu.memory_space<vmem>>
    %dma_start3A_149 = tpu.memref_squeeze %dma_start3A_148 : memref<1x32xf32, #tpu.memory_space<vmem>> -> memref<32xf32, #tpu.memory_space<vmem>>
    %dma_start3A_150 = tpu.memref_slice %arg2[%squeeze3A_21, %mul3A_2] : memref<100000x1024xf32, #tpu.memory_space<hbm>> -> memref<1x32xf32, #tpu.memory_space<hbm>>
    %dma_start3A_151 = tpu.memref_squeeze %dma_start3A_150 : memref<1x32xf32, #tpu.memory_space<hbm>> -> memref<32xf32, #tpu.memory_space<hbm>>
    %dma_start3A_152 = arith.constant 0 : i32
    %dma_start3A_153 = tpu.memref_slice %arg7[%dma_start3A_146, %dma_start3A_152] : memref<32x32xf32, #tpu.memory_space<vmem>> -> memref<1x32xf32, #tpu.memory_space<vmem>>
    %dma_start3A_154 = tpu.memref_squeeze %dma_start3A_153 : memref<1x32xf32, #tpu.memory_space<vmem>> -> memref<32xf32, #tpu.memory_space<vmem>>
    %dma_start3A_155 = tpu.memref_slice %arg2[%squeeze3A_21, %mul3A_2] : memref<100000x1024xf32, #tpu.memory_space<hbm>> -> memref<1x32xf32, #tpu.memory_space<hbm>>
    %dma_start3A_156 = tpu.memref_squeeze %dma_start3A_155 : memref<1x32xf32, #tpu.memory_space<hbm>> -> memref<32xf32, #tpu.memory_space<hbm>>
    tpu.enqueue_dma source(%dma_start3A_156 : memref<32xf32, #tpu.memory_space<hbm>>) target(%dma_start3A_154 : memref<32xf32, #tpu.memory_space<vmem>>) target_semaphore(%arg8 : memref<!tpu.dma_semaphore, #tpu.memory_space<semaphore_mem>>)
    %dma_start3A_157 = arith.constant 8 : i32
    %dma_start3A_158 = arith.constant 0 : i32
    %dma_start3A_159 = tpu.memref_slice %arg7[%dma_start3A_157, %dma_start3A_158] : memref<32x32xf32, #tpu.memory_space<vmem>> -> memref<1x32xf32, #tpu.memory_space<vmem>>
    %dma_start3A_160 = tpu.memref_squeeze %dma_start3A_159 : memref<1x32xf32, #tpu.memory_space<vmem>> -> memref<32xf32, #tpu.memory_space<vmem>>
    %dma_start3A_161 = tpu.memref_slice %arg2[%squeeze3A_23, %mul3A_2] : memref<100000x1024xf32, #tpu.memory_space<hbm>> -> memref<1x32xf32, #tpu.memory_space<hbm>>
    %dma_start3A_162 = tpu.memref_squeeze %dma_start3A_161 : memref<1x32xf32, #tpu.memory_space<hbm>> -> memref<32xf32, #tpu.memory_space<hbm>>
    %dma_start3A_163 = arith.constant 0 : i32
    %dma_start3A_164 = tpu.memref_slice %arg7[%dma_start3A_157, %dma_start3A_163] : memref<32x32xf32, #tpu.memory_space<vmem>> -> memref<1x32xf32, #tpu.memory_space<vmem>>
    %dma_start3A_165 = tpu.memref_squeeze %dma_start3A_164 : memref<1x32xf32, #tpu.memory_space<vmem>> -> memref<32xf32, #tpu.memory_space<vmem>>
    %dma_start3A_166 = tpu.memref_slice %arg2[%squeeze3A_23, %mul3A_2] : memref<100000x1024xf32, #tpu.memory_space<hbm>> -> memref<1x32xf32, #tpu.memory_space<hbm>>
    %dma_start3A_167 = tpu.memref_squeeze %dma_start3A_166 : memref<1x32xf32, #tpu.memory_space<hbm>> -> memref<32xf32, #tpu.memory_space<hbm>>
    tpu.enqueue_dma source(%dma_start3A_167 : memref<32xf32, #tpu.memory_space<hbm>>) target(%dma_start3A_165 : memref<32xf32, #tpu.memory_space<vmem>>) target_semaphore(%arg8 : memref<!tpu.dma_semaphore, #tpu.memory_space<semaphore_mem>>)
    %dma_start3A_168 = arith.constant 9 : i32
    %dma_start3A_169 = arith.constant 0 : i32
    %dma_start3A_170 = tpu.memref_slice %arg7[%dma_start3A_168, %dma_start3A_169] : memref<32x32xf32, #tpu.memory_space<vmem>> -> memref<1x32xf32, #tpu.memory_space<vmem>>
    %dma_start3A_171 = tpu.memref_squeeze %dma_start3A_170 : memref<1x32xf32, #tpu.memory_space<vmem>> -> memref<32xf32, #tpu.memory_space<vmem>>
    %dma_start3A_172 = tpu.memref_slice %arg2[%squeeze3A_25, %mul3A_2] : memref<100000x1024xf32, #tpu.memory_space<hbm>> -> memref<1x32xf32, #tpu.memory_space<hbm>>
    %dma_start3A_173 = tpu.memref_squeeze %dma_start3A_172 : memref<1x32xf32, #tpu.memory_space<hbm>> -> memref<32xf32, #tpu.memory_space<hbm>>
    %dma_start3A_174 = arith.constant 0 : i32
    %dma_start3A_175 = tpu.memref_slice %arg7[%dma_start3A_168, %dma_start3A_174] : memref<32x32xf32, #tpu.memory_space<vmem>> -> memref<1x32xf32, #tpu.memory_space<vmem>>
    %dma_start3A_176 = tpu.memref_squeeze %dma_start3A_175 : memref<1x32xf32, #tpu.memory_space<vmem>> -> memref<32xf32, #tpu.memory_space<vmem>>
    %dma_start3A_177 = tpu.memref_slice %arg2[%squeeze3A_25, %mul3A_2] : memref<100000x1024xf32, #tpu.memory_space<hbm>> -> memref<1x32xf32, #tpu.memory_space<hbm>>
    %dma_start3A_178 = tpu.memref_squeeze %dma_start3A_177 : memref<1x32xf32, #tpu.memory_space<hbm>> -> memref<32xf32, #tpu.memory_space<hbm>>
    tpu.enqueue_dma source(%dma_start3A_178 : memref<32xf32, #tpu.memory_space<hbm>>) target(%dma_start3A_176 : memref<32xf32, #tpu.memory_space<vmem>>) target_semaphore(%arg8 : memref<!tpu.dma_semaphore, #tpu.memory_space<semaphore_mem>>)
    %dma_start3A_179 = arith.constant 10 : i32
    %dma_start3A_180 = arith.constant 0 : i32
    %dma_start3A_181 = tpu.memref_slice %arg7[%dma_start3A_179, %dma_start3A_180] : memref<32x32xf32, #tpu.memory_space<vmem>> -> memref<1x32xf32, #tpu.memory_space<vmem>>
    %dma_start3A_182 = tpu.memref_squeeze %dma_start3A_181 : memref<1x32xf32, #tpu.memory_space<vmem>> -> memref<32xf32, #tpu.memory_space<vmem>>
    %dma_start3A_183 = tpu.memref_slice %arg2[%squeeze3A_27, %mul3A_2] : memref<100000x1024xf32, #tpu.memory_space<hbm>> -> memref<1x32xf32, #tpu.memory_space<hbm>>
    %dma_start3A_184 = tpu.memref_squeeze %dma_start3A_183 : memref<1x32xf32, #tpu.memory_space<hbm>> -> memref<32xf32, #tpu.memory_space<hbm>>
    %dma_start3A_185 = arith.constant 0 : i32
    %dma_start3A_186 = tpu.memref_slice %arg7[%dma_start3A_179, %dma_start3A_185] : memref<32x32xf32, #tpu.memory_space<vmem>> -> memref<1x32xf32, #tpu.memory_space<vmem>>
    %dma_start3A_187 = tpu.memref_squeeze %dma_start3A_186 : memref<1x32xf32, #tpu.memory_space<vmem>> -> memref<32xf32, #tpu.memory_space<vmem>>
    %dma_start3A_188 = tpu.memref_slice %arg2[%squeeze3A_27, %mul3A_2] : memref<100000x1024xf32, #tpu.memory_space<hbm>> -> memref<1x32xf32, #tpu.memory_space<hbm>>
    %dma_start3A_189 = tpu.memref_squeeze %dma_start3A_188 : memref<1x32xf32, #tpu.memory_space<hbm>> -> memref<32xf32, #tpu.memory_space<hbm>>
    tpu.enqueue_dma source(%dma_start3A_189 : memref<32xf32, #tpu.memory_space<hbm>>) target(%dma_start3A_187 : memref<32xf32, #tpu.memory_space<vmem>>) target_semaphore(%arg8 : memref<!tpu.dma_semaphore, #tpu.memory_space<semaphore_mem>>)
    %dma_start3A_190 = arith.constant 11 : i32
    %dma_start3A_191 = arith.constant 0 : i32
    %dma_start3A_192 = tpu.memref_slice %arg7[%dma_start3A_190, %dma_start3A_191] : memref<32x32xf32, #tpu.memory_space<vmem>> -> memref<1x32xf32, #tpu.memory_space<vmem>>
    %dma_start3A_193 = tpu.memref_squeeze %dma_start3A_192 : memref<1x32xf32, #tpu.memory_space<vmem>> -> memref<32xf32, #tpu.memory_space<vmem>>
    %dma_start3A_194 = tpu.memref_slice %arg2[%squeeze3A_29, %mul3A_2] : memref<100000x1024xf32, #tpu.memory_space<hbm>> -> memref<1x32xf32, #tpu.memory_space<hbm>>
    %dma_start3A_195 = tpu.memref_squeeze %dma_start3A_194 : memref<1x32xf32, #tpu.memory_space<hbm>> -> memref<32xf32, #tpu.memory_space<hbm>>
    %dma_start3A_196 = arith.constant 0 : i32
    %dma_start3A_197 = tpu.memref_slice %arg7[%dma_start3A_190, %dma_start3A_196] : memref<32x32xf32, #tpu.memory_space<vmem>> -> memref<1x32xf32, #tpu.memory_space<vmem>>
    %dma_start3A_198 = tpu.memref_squeeze %dma_start3A_197 : memref<1x32xf32, #tpu.memory_space<vmem>> -> memref<32xf32, #tpu.memory_space<vmem>>
    %dma_start3A_199 = tpu.memref_slice %arg2[%squeeze3A_29, %mul3A_2] : memref<100000x1024xf32, #tpu.memory_space<hbm>> -> memref<1x32xf32, #tpu.memory_space<hbm>>
    %dma_start3A_200 = tpu.memref_squeeze %dma_start3A_199 : memref<1x32xf32, #tpu.memory_space<hbm>> -> memref<32xf32, #tpu.memory_space<hbm>>
    tpu.enqueue_dma source(%dma_start3A_200 : memref<32xf32, #tpu.memory_space<hbm>>) target(%dma_start3A_198 : memref<32xf32, #tpu.memory_space<vmem>>) target_semaphore(%arg8 : memref<!tpu.dma_semaphore, #tpu.memory_space<semaphore_mem>>)
    %dma_start3A_201 = arith.constant 12 : i32
    %dma_start3A_202 = arith.constant 0 : i32
    %dma_start3A_203 = tpu.memref_slice %arg7[%dma_start3A_201, %dma_start3A_202] : memref<32x32xf32, #tpu.memory_space<vmem>> -> memref<1x32xf32, #tpu.memory_space<vmem>>
    %dma_start3A_204 = tpu.memref_squeeze %dma_start3A_203 : memref<1x32xf32, #tpu.memory_space<vmem>> -> memref<32xf32, #tpu.memory_space<vmem>>
    %dma_start3A_205 = tpu.memref_slice %arg2[%squeeze3A_31, %mul3A_2] : memref<100000x1024xf32, #tpu.memory_space<hbm>> -> memref<1x32xf32, #tpu.memory_space<hbm>>
    %dma_start3A_206 = tpu.memref_squeeze %dma_start3A_205 : memref<1x32xf32, #tpu.memory_space<hbm>> -> memref<32xf32, #tpu.memory_space<hbm>>
    %dma_start3A_207 = arith.constant 0 : i32
    %dma_start3A_208 = tpu.memref_slice %arg7[%dma_start3A_201, %dma_start3A_207] : memref<32x32xf32, #tpu.memory_space<vmem>> -> memref<1x32xf32, #tpu.memory_space<vmem>>
    %dma_start3A_209 = tpu.memref_squeeze %dma_start3A_208 : memref<1x32xf32, #tpu.memory_space<vmem>> -> memref<32xf32, #tpu.memory_space<vmem>>
    %dma_start3A_210 = tpu.memref_slice %arg2[%squeeze3A_31, %mul3A_2] : memref<100000x1024xf32, #tpu.memory_space<hbm>> -> memref<1x32xf32, #tpu.memory_space<hbm>>
    %dma_start3A_211 = tpu.memref_squeeze %dma_start3A_210 : memref<1x32xf32, #tpu.memory_space<hbm>> -> memref<32xf32, #tpu.memory_space<hbm>>
    tpu.enqueue_dma source(%dma_start3A_211 : memref<32xf32, #tpu.memory_space<hbm>>) target(%dma_start3A_209 : memref<32xf32, #tpu.memory_space<vmem>>) target_semaphore(%arg8 : memref<!tpu.dma_semaphore, #tpu.memory_space<semaphore_mem>>)
    %dma_start3A_212 = arith.constant 13 : i32
    %dma_start3A_213 = arith.constant 0 : i32
    %dma_start3A_214 = tpu.memref_slice %arg7[%dma_start3A_212, %dma_start3A_213] : memref<32x32xf32, #tpu.memory_space<vmem>> -> memref<1x32xf32, #tpu.memory_space<vmem>>
    %dma_start3A_215 = tpu.memref_squeeze %dma_start3A_214 : memref<1x32xf32, #tpu.memory_space<vmem>> -> memref<32xf32, #tpu.memory_space<vmem>>
    %dma_start3A_216 = tpu.memref_slice %arg2[%squeeze3A_33, %mul3A_2] : memref<100000x1024xf32, #tpu.memory_space<hbm>> -> memref<1x32xf32, #tpu.memory_space<hbm>>
    %dma_start3A_217 = tpu.memref_squeeze %dma_start3A_216 : memref<1x32xf32, #tpu.memory_space<hbm>> -> memref<32xf32, #tpu.memory_space<hbm>>
    %dma_start3A_218 = arith.constant 0 : i32
    %dma_start3A_219 = tpu.memref_slice %arg7[%dma_start3A_212, %dma_start3A_218] : memref<32x32xf32, #tpu.memory_space<vmem>> -> memref<1x32xf32, #tpu.memory_space<vmem>>
    %dma_start3A_220 = tpu.memref_squeeze %dma_start3A_219 : memref<1x32xf32, #tpu.memory_space<vmem>> -> memref<32xf32, #tpu.memory_space<vmem>>
    %dma_start3A_221 = tpu.memref_slice %arg2[%squeeze3A_33, %mul3A_2] : memref<100000x1024xf32, #tpu.memory_space<hbm>> -> memref<1x32xf32, #tpu.memory_space<hbm>>
    %dma_start3A_222 = tpu.memref_squeeze %dma_start3A_221 : memref<1x32xf32, #tpu.memory_space<hbm>> -> memref<32xf32, #tpu.memory_space<hbm>>
    tpu.enqueue_dma source(%dma_start3A_222 : memref<32xf32, #tpu.memory_space<hbm>>) target(%dma_start3A_220 : memref<32xf32, #tpu.memory_space<vmem>>) target_semaphore(%arg8 : memref<!tpu.dma_semaphore, #tpu.memory_space<semaphore_mem>>)
    %dma_start3A_223 = arith.constant 14 : i32
    %dma_start3A_224 = arith.constant 0 : i32
    %dma_start3A_225 = tpu.memref_slice %arg7[%dma_start3A_223, %dma_start3A_224] : memref<32x32xf32, #tpu.memory_space<vmem>> -> memref<1x32xf32, #tpu.memory_space<vmem>>
    %dma_start3A_226 = tpu.memref_squeeze %dma_start3A_225 : memref<1x32xf32, #tpu.memory_space<vmem>> -> memref<32xf32, #tpu.memory_space<vmem>>
    %dma_start3A_227 = tpu.memref_slice %arg2[%squeeze3A_35, %mul3A_2] : memref<100000x1024xf32, #tpu.memory_space<hbm>> -> memref<1x32xf32, #tpu.memory_space<hbm>>
    %dma_start3A_228 = tpu.memref_squeeze %dma_start3A_227 : memref<1x32xf32, #tpu.memory_space<hbm>> -> memref<32xf32, #tpu.memory_space<hbm>>
    %dma_start3A_229 = arith.constant 0 : i32
    %dma_start3A_230 = tpu.memref_slice %arg7[%dma_start3A_223, %dma_start3A_229] : memref<32x32xf32, #tpu.memory_space<vmem>> -> memref<1x32xf32, #tpu.memory_space<vmem>>
    %dma_start3A_231 = tpu.memref_squeeze %dma_start3A_230 : memref<1x32xf32, #tpu.memory_space<vmem>> -> memref<32xf32, #tpu.memory_space<vmem>>
    %dma_start3A_232 = tpu.memref_slice %arg2[%squeeze3A_35, %mul3A_2] : memref<100000x1024xf32, #tpu.memory_space<hbm>> -> memref<1x32xf32, #tpu.memory_space<hbm>>
    %dma_start3A_233 = tpu.memref_squeeze %dma_start3A_232 : memref<1x32xf32, #tpu.memory_space<hbm>> -> memref<32xf32, #tpu.memory_space<hbm>>
    tpu.enqueue_dma source(%dma_start3A_233 : memref<32xf32, #tpu.memory_space<hbm>>) target(%dma_start3A_231 : memref<32xf32, #tpu.memory_space<vmem>>) target_semaphore(%arg8 : memref<!tpu.dma_semaphore, #tpu.memory_space<semaphore_mem>>)
    %dma_start3A_234 = arith.constant 15 : i32
    %dma_start3A_235 = arith.constant 0 : i32
    %dma_start3A_236 = tpu.memref_slice %arg7[%dma_start3A_234, %dma_start3A_235] : memref<32x32xf32, #tpu.memory_space<vmem>> -> memref<1x32xf32, #tpu.memory_space<vmem>>
    %dma_start3A_237 = tpu.memref_squeeze %dma_start3A_236 : memref<1x32xf32, #tpu.memory_space<vmem>> -> memref<32xf32, #tpu.memory_space<vmem>>
    %dma_start3A_238 = tpu.memref_slice %arg2[%squeeze3A_37, %mul3A_2] : memref<100000x1024xf32, #tpu.memory_space<hbm>> -> memref<1x32xf32, #tpu.memory_space<hbm>>
    %dma_start3A_239 = tpu.memref_squeeze %dma_start3A_238 : memref<1x32xf32, #tpu.memory_space<hbm>> -> memref<32xf32, #tpu.memory_space<hbm>>
    %dma_start3A_240 = arith.constant 0 : i32
    %dma_start3A_241 = tpu.memref_slice %arg7[%dma_start3A_234, %dma_start3A_240] : memref<32x32xf32, #tpu.memory_space<vmem>> -> memref<1x32xf32, #tpu.memory_space<vmem>>
    %dma_start3A_242 = tpu.memref_squeeze %dma_start3A_241 : memref<1x32xf32, #tpu.memory_space<vmem>> -> memref<32xf32, #tpu.memory_space<vmem>>
    %dma_start3A_243 = tpu.memref_slice %arg2[%squeeze3A_37, %mul3A_2] : memref<100000x1024xf32, #tpu.memory_space<hbm>> -> memref<1x32xf32, #tpu.memory_space<hbm>>
    %dma_start3A_244 = tpu.memref_squeeze %dma_start3A_243 : memref<1x32xf32, #tpu.memory_space<hbm>> -> memref<32xf32, #tpu.memory_space<hbm>>
    tpu.enqueue_dma source(%dma_start3A_244 : memref<32xf32, #tpu.memory_space<hbm>>) target(%dma_start3A_242 : memref<32xf32, #tpu.memory_space<vmem>>) target_semaphore(%arg8 : memref<!tpu.dma_semaphore, #tpu.memory_space<semaphore_mem>>)
    %dma_start3A_245 = arith.constant 16 : i32
    %dma_start3A_246 = arith.constant 0 : i32
    %dma_start3A_247 = tpu.memref_slice %arg7[%dma_start3A_245, %dma_start3A_246] : memref<32x32xf32, #tpu.memory_space<vmem>> -> memref<1x32xf32, #tpu.memory_space<vmem>>
    %dma_start3A_248 = tpu.memref_squeeze %dma_start3A_247 : memref<1x32xf32, #tpu.memory_space<vmem>> -> memref<32xf32, #tpu.memory_space<vmem>>
    %dma_start3A_249 = tpu.memref_slice %arg2[%squeeze3A_39, %mul3A_2] : memref<100000x1024xf32, #tpu.memory_space<hbm>> -> memref<1x32xf32, #tpu.memory_space<hbm>>
    %dma_start3A_250 = tpu.memref_squeeze %dma_start3A_249 : memref<1x32xf32, #tpu.memory_space<hbm>> -> memref<32xf32, #tpu.memory_space<hbm>>
    %dma_start3A_251 = arith.constant 0 : i32
    %dma_start3A_252 = tpu.memref_slice %arg7[%dma_start3A_245, %dma_start3A_251] : memref<32x32xf32, #tpu.memory_space<vmem>> -> memref<1x32xf32, #tpu.memory_space<vmem>>
    %dma_start3A_253 = tpu.memref_squeeze %dma_start3A_252 : memref<1x32xf32, #tpu.memory_space<vmem>> -> memref<32xf32, #tpu.memory_space<vmem>>
    %dma_start3A_254 = tpu.memref_slice %arg2[%squeeze3A_39, %mul3A_2] : memref<100000x1024xf32, #tpu.memory_space<hbm>> -> memref<1x32xf32, #tpu.memory_space<hbm>>
    %dma_start3A_255 = tpu.memref_squeeze %dma_start3A_254 : memref<1x32xf32, #tpu.memory_space<hbm>> -> memref<32xf32, #tpu.memory_space<hbm>>
    tpu.enqueue_dma source(%dma_start3A_255 : memref<32xf32, #tpu.memory_space<hbm>>) target(%dma_start3A_253 : memref<32xf32, #tpu.memory_space<vmem>>) target_semaphore(%arg8 : memref<!tpu.dma_semaphore, #tpu.memory_space<semaphore_mem>>)
    %dma_start3A_256 = arith.constant 17 : i32
    %dma_start3A_257 = arith.constant 0 : i32
    %dma_start3A_258 = tpu.memref_slice %arg7[%dma_start3A_256, %dma_start3A_257] : memref<32x32xf32, #tpu.memory_space<vmem>> -> memref<1x32xf32, #tpu.memory_space<vmem>>
    %dma_start3A_259 = tpu.memref_squeeze %dma_start3A_258 : memref<1x32xf32, #tpu.memory_space<vmem>> -> memref<32xf32, #tpu.memory_space<vmem>>
    %dma_start3A_260 = tpu.memref_slice %arg2[%squeeze3A_41, %mul3A_2] : memref<100000x1024xf32, #tpu.memory_space<hbm>> -> memref<1x32xf32, #tpu.memory_space<hbm>>
    %dma_start3A_261 = tpu.memref_squeeze %dma_start3A_260 : memref<1x32xf32, #tpu.memory_space<hbm>> -> memref<32xf32, #tpu.memory_space<hbm>>
    %dma_start3A_262 = arith.constant 0 : i32
    %dma_start3A_263 = tpu.memref_slice %arg7[%dma_start3A_256, %dma_start3A_262] : memref<32x32xf32, #tpu.memory_space<vmem>> -> memref<1x32xf32, #tpu.memory_space<vmem>>
    %dma_start3A_264 = tpu.memref_squeeze %dma_start3A_263 : memref<1x32xf32, #tpu.memory_space<vmem>> -> memref<32xf32, #tpu.memory_space<vmem>>
    %dma_start3A_265 = tpu.memref_slice %arg2[%squeeze3A_41, %mul3A_2] : memref<100000x1024xf32, #tpu.memory_space<hbm>> -> memref<1x32xf32, #tpu.memory_space<hbm>>
    %dma_start3A_266 = tpu.memref_squeeze %dma_start3A_265 : memref<1x32xf32, #tpu.memory_space<hbm>> -> memref<32xf32, #tpu.memory_space<hbm>>
    tpu.enqueue_dma source(%dma_start3A_266 : memref<32xf32, #tpu.memory_space<hbm>>) target(%dma_start3A_264 : memref<32xf32, #tpu.memory_space<vmem>>) target_semaphore(%arg8 : memref<!tpu.dma_semaphore, #tpu.memory_space<semaphore_mem>>)
    %dma_start3A_267 = arith.constant 18 : i32
    %dma_start3A_268 = arith.constant 0 : i32
    %dma_start3A_269 = tpu.memref_slice %arg7[%dma_start3A_267, %dma_start3A_268] : memref<32x32xf32, #tpu.memory_space<vmem>> -> memref<1x32xf32, #tpu.memory_space<vmem>>
    %dma_start3A_270 = tpu.memref_squeeze %dma_start3A_269 : memref<1x32xf32, #tpu.memory_space<vmem>> -> memref<32xf32, #tpu.memory_space<vmem>>
    %dma_start3A_271 = tpu.memref_slice %arg2[%squeeze3A_43, %mul3A_2] : memref<100000x1024xf32, #tpu.memory_space<hbm>> -> memref<1x32xf32, #tpu.memory_space<hbm>>
    %dma_start3A_272 = tpu.memref_squeeze %dma_start3A_271 : memref<1x32xf32, #tpu.memory_space<hbm>> -> memref<32xf32, #tpu.memory_space<hbm>>
    %dma_start3A_273 = arith.constant 0 : i32
    %dma_start3A_274 = tpu.memref_slice %arg7[%dma_start3A_267, %dma_start3A_273] : memref<32x32xf32, #tpu.memory_space<vmem>> -> memref<1x32xf32, #tpu.memory_space<vmem>>
    %dma_start3A_275 = tpu.memref_squeeze %dma_start3A_274 : memref<1x32xf32, #tpu.memory_space<vmem>> -> memref<32xf32, #tpu.memory_space<vmem>>
    %dma_start3A_276 = tpu.memref_slice %arg2[%squeeze3A_43, %mul3A_2] : memref<100000x1024xf32, #tpu.memory_space<hbm>> -> memref<1x32xf32, #tpu.memory_space<hbm>>
    %dma_start3A_277 = tpu.memref_squeeze %dma_start3A_276 : memref<1x32xf32, #tpu.memory_space<hbm>> -> memref<32xf32, #tpu.memory_space<hbm>>
    tpu.enqueue_dma source(%dma_start3A_277 : memref<32xf32, #tpu.memory_space<hbm>>) target(%dma_start3A_275 : memref<32xf32, #tpu.memory_space<vmem>>) target_semaphore(%arg8 : memref<!tpu.dma_semaphore, #tpu.memory_space<semaphore_mem>>)
    %dma_start3A_278 = arith.constant 19 : i32
    %dma_start3A_279 = arith.constant 0 : i32
    %dma_start3A_280 = tpu.memref_slice %arg7[%dma_start3A_278, %dma_start3A_279] : memref<32x32xf32, #tpu.memory_space<vmem>> -> memref<1x32xf32, #tpu.memory_space<vmem>>
    %dma_start3A_281 = tpu.memref_squeeze %dma_start3A_280 : memref<1x32xf32, #tpu.memory_space<vmem>> -> memref<32xf32, #tpu.memory_space<vmem>>
    %dma_start3A_282 = tpu.memref_slice %arg2[%squeeze3A_45, %mul3A_2] : memref<100000x1024xf32, #tpu.memory_space<hbm>> -> memref<1x32xf32, #tpu.memory_space<hbm>>
    %dma_start3A_283 = tpu.memref_squeeze %dma_start3A_282 : memref<1x32xf32, #tpu.memory_space<hbm>> -> memref<32xf32, #tpu.memory_space<hbm>>
    %dma_start3A_284 = arith.constant 0 : i32
    %dma_start3A_285 = tpu.memref_slice %arg7[%dma_start3A_278, %dma_start3A_284] : memref<32x32xf32, #tpu.memory_space<vmem>> -> memref<1x32xf32, #tpu.memory_space<vmem>>
    %dma_start3A_286 = tpu.memref_squeeze %dma_start3A_285 : memref<1x32xf32, #tpu.memory_space<vmem>> -> memref<32xf32, #tpu.memory_space<vmem>>
    %dma_start3A_287 = tpu.memref_slice %arg2[%squeeze3A_45, %mul3A_2] : memref<100000x1024xf32, #tpu.memory_space<hbm>> -> memref<1x32xf32, #tpu.memory_space<hbm>>
    %dma_start3A_288 = tpu.memref_squeeze %dma_start3A_287 : memref<1x32xf32, #tpu.memory_space<hbm>> -> memref<32xf32, #tpu.memory_space<hbm>>
    tpu.enqueue_dma source(%dma_start3A_288 : memref<32xf32, #tpu.memory_space<hbm>>) target(%dma_start3A_286 : memref<32xf32, #tpu.memory_space<vmem>>) target_semaphore(%arg8 : memref<!tpu.dma_semaphore, #tpu.memory_space<semaphore_mem>>)
    %dma_start3A_289 = arith.constant 20 : i32
    %dma_start3A_290 = arith.constant 0 : i32
    %dma_start3A_291 = tpu.memref_slice %arg7[%dma_start3A_289, %dma_start3A_290] : memref<32x32xf32, #tpu.memory_space<vmem>> -> memref<1x32xf32, #tpu.memory_space<vmem>>
    %dma_start3A_292 = tpu.memref_squeeze %dma_start3A_291 : memref<1x32xf32, #tpu.memory_space<vmem>> -> memref<32xf32, #tpu.memory_space<vmem>>
    %dma_start3A_293 = tpu.memref_slice %arg2[%squeeze3A_47, %mul3A_2] : memref<100000x1024xf32, #tpu.memory_space<hbm>> -> memref<1x32xf32, #tpu.memory_space<hbm>>
    %dma_start3A_294 = tpu.memref_squeeze %dma_start3A_293 : memref<1x32xf32, #tpu.memory_space<hbm>> -> memref<32xf32, #tpu.memory_space<hbm>>
    %dma_start3A_295 = arith.constant 0 : i32
    %dma_start3A_296 = tpu.memref_slice %arg7[%dma_start3A_289, %dma_start3A_295] : memref<32x32xf32, #tpu.memory_space<vmem>> -> memref<1x32xf32, #tpu.memory_space<vmem>>
    %dma_start3A_297 = tpu.memref_squeeze %dma_start3A_296 : memref<1x32xf32, #tpu.memory_space<vmem>> -> memref<32xf32, #tpu.memory_space<vmem>>
    %dma_start3A_298 = tpu.memref_slice %arg2[%squeeze3A_47, %mul3A_2] : memref<100000x1024xf32, #tpu.memory_space<hbm>> -> memref<1x32xf32, #tpu.memory_space<hbm>>
    %dma_start3A_299 = tpu.memref_squeeze %dma_start3A_298 : memref<1x32xf32, #tpu.memory_space<hbm>> -> memref<32xf32, #tpu.memory_space<hbm>>
    tpu.enqueue_dma source(%dma_start3A_299 : memref<32xf32, #tpu.memory_space<hbm>>) target(%dma_start3A_297 : memref<32xf32, #tpu.memory_space<vmem>>) target_semaphore(%arg8 : memref<!tpu.dma_semaphore, #tpu.memory_space<semaphore_mem>>)
    %dma_start3A_300 = arith.constant 21 : i32
    %dma_start3A_301 = arith.constant 0 : i32
    %dma_start3A_302 = tpu.memref_slice %arg7[%dma_start3A_300, %dma_start3A_301] : memref<32x32xf32, #tpu.memory_space<vmem>> -> memref<1x32xf32, #tpu.memory_space<vmem>>
    %dma_start3A_303 = tpu.memref_squeeze %dma_start3A_302 : memref<1x32xf32, #tpu.memory_space<vmem>> -> memref<32xf32, #tpu.memory_space<vmem>>
    %dma_start3A_304 = tpu.memref_slice %arg2[%squeeze3A_49, %mul3A_2] : memref<100000x1024xf32, #tpu.memory_space<hbm>> -> memref<1x32xf32, #tpu.memory_space<hbm>>
    %dma_start3A_305 = tpu.memref_squeeze %dma_start3A_304 : memref<1x32xf32, #tpu.memory_space<hbm>> -> memref<32xf32, #tpu.memory_space<hbm>>
    %dma_start3A_306 = arith.constant 0 : i32
    %dma_start3A_307 = tpu.memref_slice %arg7[%dma_start3A_300, %dma_start3A_306] : memref<32x32xf32, #tpu.memory_space<vmem>> -> memref<1x32xf32, #tpu.memory_space<vmem>>
    %dma_start3A_308 = tpu.memref_squeeze %dma_start3A_307 : memref<1x32xf32, #tpu.memory_space<vmem>> -> memref<32xf32, #tpu.memory_space<vmem>>
    %dma_start3A_309 = tpu.memref_slice %arg2[%squeeze3A_49, %mul3A_2] : memref<100000x1024xf32, #tpu.memory_space<hbm>> -> memref<1x32xf32, #tpu.memory_space<hbm>>
    %dma_start3A_310 = tpu.memref_squeeze %dma_start3A_309 : memref<1x32xf32, #tpu.memory_space<hbm>> -> memref<32xf32, #tpu.memory_space<hbm>>
    tpu.enqueue_dma source(%dma_start3A_310 : memref<32xf32, #tpu.memory_space<hbm>>) target(%dma_start3A_308 : memref<32xf32, #tpu.memory_space<vmem>>) target_semaphore(%arg8 : memref<!tpu.dma_semaphore, #tpu.memory_space<semaphore_mem>>)
    %dma_start3A_311 = arith.constant 22 : i32
    %dma_start3A_312 = arith.constant 0 : i32
    %dma_start3A_313 = tpu.memref_slice %arg7[%dma_start3A_311, %dma_start3A_312] : memref<32x32xf32, #tpu.memory_space<vmem>> -> memref<1x32xf32, #tpu.memory_space<vmem>>
    %dma_start3A_314 = tpu.memref_squeeze %dma_start3A_313 : memref<1x32xf32, #tpu.memory_space<vmem>> -> memref<32xf32, #tpu.memory_space<vmem>>
    %dma_start3A_315 = tpu.memref_slice %arg2[%squeeze3A_51, %mul3A_2] : memref<100000x1024xf32, #tpu.memory_space<hbm>> -> memref<1x32xf32, #tpu.memory_space<hbm>>
    %dma_start3A_316 = tpu.memref_squeeze %dma_start3A_315 : memref<1x32xf32, #tpu.memory_space<hbm>> -> memref<32xf32, #tpu.memory_space<hbm>>
    %dma_start3A_317 = arith.constant 0 : i32
    %dma_start3A_318 = tpu.memref_slice %arg7[%dma_start3A_311, %dma_start3A_317] : memref<32x32xf32, #tpu.memory_space<vmem>> -> memref<1x32xf32, #tpu.memory_space<vmem>>
    %dma_start3A_319 = tpu.memref_squeeze %dma_start3A_318 : memref<1x32xf32, #tpu.memory_space<vmem>> -> memref<32xf32, #tpu.memory_space<vmem>>
    %dma_start3A_320 = tpu.memref_slice %arg2[%squeeze3A_51, %mul3A_2] : memref<100000x1024xf32, #tpu.memory_space<hbm>> -> memref<1x32xf32, #tpu.memory_space<hbm>>
    %dma_start3A_321 = tpu.memref_squeeze %dma_start3A_320 : memref<1x32xf32, #tpu.memory_space<hbm>> -> memref<32xf32, #tpu.memory_space<hbm>>
    tpu.enqueue_dma source(%dma_start3A_321 : memref<32xf32, #tpu.memory_space<hbm>>) target(%dma_start3A_319 : memref<32xf32, #tpu.memory_space<vmem>>) target_semaphore(%arg8 : memref<!tpu.dma_semaphore, #tpu.memory_space<semaphore_mem>>)
    %dma_start3A_322 = arith.constant 23 : i32
    %dma_start3A_323 = arith.constant 0 : i32
    %dma_start3A_324 = tpu.memref_slice %arg7[%dma_start3A_322, %dma_start3A_323] : memref<32x32xf32, #tpu.memory_space<vmem>> -> memref<1x32xf32, #tpu.memory_space<vmem>>
    %dma_start3A_325 = tpu.memref_squeeze %dma_start3A_324 : memref<1x32xf32, #tpu.memory_space<vmem>> -> memref<32xf32, #tpu.memory_space<vmem>>
    %dma_start3A_326 = tpu.memref_slice %arg2[%squeeze3A_53, %mul3A_2] : memref<100000x1024xf32, #tpu.memory_space<hbm>> -> memref<1x32xf32, #tpu.memory_space<hbm>>
    %dma_start3A_327 = tpu.memref_squeeze %dma_start3A_326 : memref<1x32xf32, #tpu.memory_space<hbm>> -> memref<32xf32, #tpu.memory_space<hbm>>
    %dma_start3A_328 = arith.constant 0 : i32
    %dma_start3A_329 = tpu.memref_slice %arg7[%dma_start3A_322, %dma_start3A_328] : memref<32x32xf32, #tpu.memory_space<vmem>> -> memref<1x32xf32, #tpu.memory_space<vmem>>
    %dma_start3A_330 = tpu.memref_squeeze %dma_start3A_329 : memref<1x32xf32, #tpu.memory_space<vmem>> -> memref<32xf32, #tpu.memory_space<vmem>>
    %dma_start3A_331 = tpu.memref_slice %arg2[%squeeze3A_53, %mul3A_2] : memref<100000x1024xf32, #tpu.memory_space<hbm>> -> memref<1x32xf32, #tpu.memory_space<hbm>>
    %dma_start3A_332 = tpu.memref_squeeze %dma_start3A_331 : memref<1x32xf32, #tpu.memory_space<hbm>> -> memref<32xf32, #tpu.memory_space<hbm>>
    tpu.enqueue_dma source(%dma_start3A_332 : memref<32xf32, #tpu.memory_space<hbm>>) target(%dma_start3A_330 : memref<32xf32, #tpu.memory_space<vmem>>) target_semaphore(%arg8 : memref<!tpu.dma_semaphore, #tpu.memory_space<semaphore_mem>>)
    %dma_start3A_333 = arith.constant 24 : i32
    %dma_start3A_334 = arith.constant 0 : i32
    %dma_start3A_335 = tpu.memref_slice %arg7[%dma_start3A_333, %dma_start3A_334] : memref<32x32xf32, #tpu.memory_space<vmem>> -> memref<1x32xf32, #tpu.memory_space<vmem>>
    %dma_start3A_336 = tpu.memref_squeeze %dma_start3A_335 : memref<1x32xf32, #tpu.memory_space<vmem>> -> memref<32xf32, #tpu.memory_space<vmem>>
    %dma_start3A_337 = tpu.memref_slice %arg2[%squeeze3A_55, %mul3A_2] : memref<100000x1024xf32, #tpu.memory_space<hbm>> -> memref<1x32xf32, #tpu.memory_space<hbm>>
    %dma_start3A_338 = tpu.memref_squeeze %dma_start3A_337 : memref<1x32xf32, #tpu.memory_space<hbm>> -> memref<32xf32, #tpu.memory_space<hbm>>
    %dma_start3A_339 = arith.constant 0 : i32
    %dma_start3A_340 = tpu.memref_slice %arg7[%dma_start3A_333, %dma_start3A_339] : memref<32x32xf32, #tpu.memory_space<vmem>> -> memref<1x32xf32, #tpu.memory_space<vmem>>
    %dma_start3A_341 = tpu.memref_squeeze %dma_start3A_340 : memref<1x32xf32, #tpu.memory_space<vmem>> -> memref<32xf32, #tpu.memory_space<vmem>>
    %dma_start3A_342 = tpu.memref_slice %arg2[%squeeze3A_55, %mul3A_2] : memref<100000x1024xf32, #tpu.memory_space<hbm>> -> memref<1x32xf32, #tpu.memory_space<hbm>>
    %dma_start3A_343 = tpu.memref_squeeze %dma_start3A_342 : memref<1x32xf32, #tpu.memory_space<hbm>> -> memref<32xf32, #tpu.memory_space<hbm>>
    tpu.enqueue_dma source(%dma_start3A_343 : memref<32xf32, #tpu.memory_space<hbm>>) target(%dma_start3A_341 : memref<32xf32, #tpu.memory_space<vmem>>) target_semaphore(%arg8 : memref<!tpu.dma_semaphore, #tpu.memory_space<semaphore_mem>>)
    %dma_start3A_344 = arith.constant 25 : i32
    %dma_start3A_345 = arith.constant 0 : i32
    %dma_start3A_346 = tpu.memref_slice %arg7[%dma_start3A_344, %dma_start3A_345] : memref<32x32xf32, #tpu.memory_space<vmem>> -> memref<1x32xf32, #tpu.memory_space<vmem>>
    %dma_start3A_347 = tpu.memref_squeeze %dma_start3A_346 : memref<1x32xf32, #tpu.memory_space<vmem>> -> memref<32xf32, #tpu.memory_space<vmem>>
    %dma_start3A_348 = tpu.memref_slice %arg2[%squeeze3A_57, %mul3A_2] : memref<100000x1024xf32, #tpu.memory_space<hbm>> -> memref<1x32xf32, #tpu.memory_space<hbm>>
    %dma_start3A_349 = tpu.memref_squeeze %dma_start3A_348 : memref<1x32xf32, #tpu.memory_space<hbm>> -> memref<32xf32, #tpu.memory_space<hbm>>
    %dma_start3A_350 = arith.constant 0 : i32
    %dma_start3A_351 = tpu.memref_slice %arg7[%dma_start3A_344, %dma_start3A_350] : memref<32x32xf32, #tpu.memory_space<vmem>> -> memref<1x32xf32, #tpu.memory_space<vmem>>
    %dma_start3A_352 = tpu.memref_squeeze %dma_start3A_351 : memref<1x32xf32, #tpu.memory_space<vmem>> -> memref<32xf32, #tpu.memory_space<vmem>>
    %dma_start3A_353 = tpu.memref_slice %arg2[%squeeze3A_57, %mul3A_2] : memref<100000x1024xf32, #tpu.memory_space<hbm>> -> memref<1x32xf32, #tpu.memory_space<hbm>>
    %dma_start3A_354 = tpu.memref_squeeze %dma_start3A_353 : memref<1x32xf32, #tpu.memory_space<hbm>> -> memref<32xf32, #tpu.memory_space<hbm>>
    tpu.enqueue_dma source(%dma_start3A_354 : memref<32xf32, #tpu.memory_space<hbm>>) target(%dma_start3A_352 : memref<32xf32, #tpu.memory_space<vmem>>) target_semaphore(%arg8 : memref<!tpu.dma_semaphore, #tpu.memory_space<semaphore_mem>>)
    %dma_start3A_355 = arith.constant 26 : i32
    %dma_start3A_356 = arith.constant 0 : i32
    %dma_start3A_357 = tpu.memref_slice %arg7[%dma_start3A_355, %dma_start3A_356] : memref<32x32xf32, #tpu.memory_space<vmem>> -> memref<1x32xf32, #tpu.memory_space<vmem>>
    %dma_start3A_358 = tpu.memref_squeeze %dma_start3A_357 : memref<1x32xf32, #tpu.memory_space<vmem>> -> memref<32xf32, #tpu.memory_space<vmem>>
    %dma_start3A_359 = tpu.memref_slice %arg2[%squeeze3A_59, %mul3A_2] : memref<100000x1024xf32, #tpu.memory_space<hbm>> -> memref<1x32xf32, #tpu.memory_space<hbm>>
    %dma_start3A_360 = tpu.memref_squeeze %dma_start3A_359 : memref<1x32xf32, #tpu.memory_space<hbm>> -> memref<32xf32, #tpu.memory_space<hbm>>
    %dma_start3A_361 = arith.constant 0 : i32
    %dma_start3A_362 = tpu.memref_slice %arg7[%dma_start3A_355, %dma_start3A_361] : memref<32x32xf32, #tpu.memory_space<vmem>> -> memref<1x32xf32, #tpu.memory_space<vmem>>
    %dma_start3A_363 = tpu.memref_squeeze %dma_start3A_362 : memref<1x32xf32, #tpu.memory_space<vmem>> -> memref<32xf32, #tpu.memory_space<vmem>>
    %dma_start3A_364 = tpu.memref_slice %arg2[%squeeze3A_59, %mul3A_2] : memref<100000x1024xf32, #tpu.memory_space<hbm>> -> memref<1x32xf32, #tpu.memory_space<hbm>>
    %dma_start3A_365 = tpu.memref_squeeze %dma_start3A_364 : memref<1x32xf32, #tpu.memory_space<hbm>> -> memref<32xf32, #tpu.memory_space<hbm>>
    tpu.enqueue_dma source(%dma_start3A_365 : memref<32xf32, #tpu.memory_space<hbm>>) target(%dma_start3A_363 : memref<32xf32, #tpu.memory_space<vmem>>) target_semaphore(%arg8 : memref<!tpu.dma_semaphore, #tpu.memory_space<semaphore_mem>>)
    %dma_start3A_366 = arith.constant 27 : i32
    %dma_start3A_367 = arith.constant 0 : i32
    %dma_start3A_368 = tpu.memref_slice %arg7[%dma_start3A_366, %dma_start3A_367] : memref<32x32xf32, #tpu.memory_space<vmem>> -> memref<1x32xf32, #tpu.memory_space<vmem>>
    %dma_start3A_369 = tpu.memref_squeeze %dma_start3A_368 : memref<1x32xf32, #tpu.memory_space<vmem>> -> memref<32xf32, #tpu.memory_space<vmem>>
    %dma_start3A_370 = tpu.memref_slice %arg2[%squeeze3A_61, %mul3A_2] : memref<100000x1024xf32, #tpu.memory_space<hbm>> -> memref<1x32xf32, #tpu.memory_space<hbm>>
    %dma_start3A_371 = tpu.memref_squeeze %dma_start3A_370 : memref<1x32xf32, #tpu.memory_space<hbm>> -> memref<32xf32, #tpu.memory_space<hbm>>
    %dma_start3A_372 = arith.constant 0 : i32
    %dma_start3A_373 = tpu.memref_slice %arg7[%dma_start3A_366, %dma_start3A_372] : memref<32x32xf32, #tpu.memory_space<vmem>> -> memref<1x32xf32, #tpu.memory_space<vmem>>
    %dma_start3A_374 = tpu.memref_squeeze %dma_start3A_373 : memref<1x32xf32, #tpu.memory_space<vmem>> -> memref<32xf32, #tpu.memory_space<vmem>>
    %dma_start3A_375 = tpu.memref_slice %arg2[%squeeze3A_61, %mul3A_2] : memref<100000x1024xf32, #tpu.memory_space<hbm>> -> memref<1x32xf32, #tpu.memory_space<hbm>>
    %dma_start3A_376 = tpu.memref_squeeze %dma_start3A_375 : memref<1x32xf32, #tpu.memory_space<hbm>> -> memref<32xf32, #tpu.memory_space<hbm>>
    tpu.enqueue_dma source(%dma_start3A_376 : memref<32xf32, #tpu.memory_space<hbm>>) target(%dma_start3A_374 : memref<32xf32, #tpu.memory_space<vmem>>) target_semaphore(%arg8 : memref<!tpu.dma_semaphore, #tpu.memory_space<semaphore_mem>>)
    %dma_start3A_377 = arith.constant 28 : i32
    %dma_start3A_378 = arith.constant 0 : i32
    %dma_start3A_379 = tpu.memref_slice %arg7[%dma_start3A_377, %dma_start3A_378] : memref<32x32xf32, #tpu.memory_space<vmem>> -> memref<1x32xf32, #tpu.memory_space<vmem>>
    %dma_start3A_380 = tpu.memref_squeeze %dma_start3A_379 : memref<1x32xf32, #tpu.memory_space<vmem>> -> memref<32xf32, #tpu.memory_space<vmem>>
    %dma_start3A_381 = tpu.memref_slice %arg2[%squeeze3A_63, %mul3A_2] : memref<100000x1024xf32, #tpu.memory_space<hbm>> -> memref<1x32xf32, #tpu.memory_space<hbm>>
    %dma_start3A_382 = tpu.memref_squeeze %dma_start3A_381 : memref<1x32xf32, #tpu.memory_space<hbm>> -> memref<32xf32, #tpu.memory_space<hbm>>
    %dma_start3A_383 = arith.constant 0 : i32
    %dma_start3A_384 = tpu.memref_slice %arg7[%dma_start3A_377, %dma_start3A_383] : memref<32x32xf32, #tpu.memory_space<vmem>> -> memref<1x32xf32, #tpu.memory_space<vmem>>
    %dma_start3A_385 = tpu.memref_squeeze %dma_start3A_384 : memref<1x32xf32, #tpu.memory_space<vmem>> -> memref<32xf32, #tpu.memory_space<vmem>>
    %dma_start3A_386 = tpu.memref_slice %arg2[%squeeze3A_63, %mul3A_2] : memref<100000x1024xf32, #tpu.memory_space<hbm>> -> memref<1x32xf32, #tpu.memory_space<hbm>>
    %dma_start3A_387 = tpu.memref_squeeze %dma_start3A_386 : memref<1x32xf32, #tpu.memory_space<hbm>> -> memref<32xf32, #tpu.memory_space<hbm>>
    tpu.enqueue_dma source(%dma_start3A_387 : memref<32xf32, #tpu.memory_space<hbm>>) target(%dma_start3A_385 : memref<32xf32, #tpu.memory_space<vmem>>) target_semaphore(%arg8 : memref<!tpu.dma_semaphore, #tpu.memory_space<semaphore_mem>>)
    %dma_start3A_388 = arith.constant 29 : i32
    %dma_start3A_389 = arith.constant 0 : i32
    %dma_start3A_390 = tpu.memref_slice %arg7[%dma_start3A_388, %dma_start3A_389] : memref<32x32xf32, #tpu.memory_space<vmem>> -> memref<1x32xf32, #tpu.memory_space<vmem>>
    %dma_start3A_391 = tpu.memref_squeeze %dma_start3A_390 : memref<1x32xf32, #tpu.memory_space<vmem>> -> memref<32xf32, #tpu.memory_space<vmem>>
    %dma_start3A_392 = tpu.memref_slice %arg2[%squeeze3A_65, %mul3A_2] : memref<100000x1024xf32, #tpu.memory_space<hbm>> -> memref<1x32xf32, #tpu.memory_space<hbm>>
    %dma_start3A_393 = tpu.memref_squeeze %dma_start3A_392 : memref<1x32xf32, #tpu.memory_space<hbm>> -> memref<32xf32, #tpu.memory_space<hbm>>
    %dma_start3A_394 = arith.constant 0 : i32
    %dma_start3A_395 = tpu.memref_slice %arg7[%dma_start3A_388, %dma_start3A_394] : memref<32x32xf32, #tpu.memory_space<vmem>> -> memref<1x32xf32, #tpu.memory_space<vmem>>
    %dma_start3A_396 = tpu.memref_squeeze %dma_start3A_395 : memref<1x32xf32, #tpu.memory_space<vmem>> -> memref<32xf32, #tpu.memory_space<vmem>>
    %dma_start3A_397 = tpu.memref_slice %arg2[%squeeze3A_65, %mul3A_2] : memref<100000x1024xf32, #tpu.memory_space<hbm>> -> memref<1x32xf32, #tpu.memory_space<hbm>>
    %dma_start3A_398 = tpu.memref_squeeze %dma_start3A_397 : memref<1x32xf32, #tpu.memory_space<hbm>> -> memref<32xf32, #tpu.memory_space<hbm>>
    tpu.enqueue_dma source(%dma_start3A_398 : memref<32xf32, #tpu.memory_space<hbm>>) target(%dma_start3A_396 : memref<32xf32, #tpu.memory_space<vmem>>) target_semaphore(%arg8 : memref<!tpu.dma_semaphore, #tpu.memory_space<semaphore_mem>>)
    %dma_start3A_399 = arith.constant 30 : i32
    %dma_start3A_400 = arith.constant 0 : i32
    %dma_start3A_401 = tpu.memref_slice %arg7[%dma_start3A_399, %dma_start3A_400] : memref<32x32xf32, #tpu.memory_space<vmem>> -> memref<1x32xf32, #tpu.memory_space<vmem>>
    %dma_start3A_402 = tpu.memref_squeeze %dma_start3A_401 : memref<1x32xf32, #tpu.memory_space<vmem>> -> memref<32xf32, #tpu.memory_space<vmem>>
    %dma_start3A_403 = tpu.memref_slice %arg2[%squeeze3A_67, %mul3A_2] : memref<100000x1024xf32, #tpu.memory_space<hbm>> -> memref<1x32xf32, #tpu.memory_space<hbm>>
    %dma_start3A_404 = tpu.memref_squeeze %dma_start3A_403 : memref<1x32xf32, #tpu.memory_space<hbm>> -> memref<32xf32, #tpu.memory_space<hbm>>
    %dma_start3A_405 = arith.constant 0 : i32
    %dma_start3A_406 = tpu.memref_slice %arg7[%dma_start3A_399, %dma_start3A_405] : memref<32x32xf32, #tpu.memory_space<vmem>> -> memref<1x32xf32, #tpu.memory_space<vmem>>
    %dma_start3A_407 = tpu.memref_squeeze %dma_start3A_406 : memref<1x32xf32, #tpu.memory_space<vmem>> -> memref<32xf32, #tpu.memory_space<vmem>>
    %dma_start3A_408 = tpu.memref_slice %arg2[%squeeze3A_67, %mul3A_2] : memref<100000x1024xf32, #tpu.memory_space<hbm>> -> memref<1x32xf32, #tpu.memory_space<hbm>>
    %dma_start3A_409 = tpu.memref_squeeze %dma_start3A_408 : memref<1x32xf32, #tpu.memory_space<hbm>> -> memref<32xf32, #tpu.memory_space<hbm>>
    tpu.enqueue_dma source(%dma_start3A_409 : memref<32xf32, #tpu.memory_space<hbm>>) target(%dma_start3A_407 : memref<32xf32, #tpu.memory_space<vmem>>) target_semaphore(%arg8 : memref<!tpu.dma_semaphore, #tpu.memory_space<semaphore_mem>>)
    %dma_start3A_410 = arith.constant 31 : i32
    %dma_start3A_411 = arith.constant 0 : i32
    %dma_start3A_412 = tpu.memref_slice %arg7[%dma_start3A_410, %dma_start3A_411] : memref<32x32xf32, #tpu.memory_space<vmem>> -> memref<1x32xf32, #tpu.memory_space<vmem>>
    %dma_start3A_413 = tpu.memref_squeeze %dma_start3A_412 : memref<1x32xf32, #tpu.memory_space<vmem>> -> memref<32xf32, #tpu.memory_space<vmem>>
    %dma_start3A_414 = tpu.memref_slice %arg2[%squeeze3A_69, %mul3A_2] : memref<100000x1024xf32, #tpu.memory_space<hbm>> -> memref<1x32xf32, #tpu.memory_space<hbm>>
    %dma_start3A_415 = tpu.memref_squeeze %dma_start3A_414 : memref<1x32xf32, #tpu.memory_space<hbm>> -> memref<32xf32, #tpu.memory_space<hbm>>
    %dma_start3A_416 = arith.constant 0 : i32
    %dma_start3A_417 = tpu.memref_slice %arg7[%dma_start3A_410, %dma_start3A_416] : memref<32x32xf32, #tpu.memory_space<vmem>> -> memref<1x32xf32, #tpu.memory_space<vmem>>
    %dma_start3A_418 = tpu.memref_squeeze %dma_start3A_417 : memref<1x32xf32, #tpu.memory_space<vmem>> -> memref<32xf32, #tpu.memory_space<vmem>>
    %dma_start3A_419 = tpu.memref_slice %arg2[%squeeze3A_69, %mul3A_2] : memref<100000x1024xf32, #tpu.memory_space<hbm>> -> memref<1x32xf32, #tpu.memory_space<hbm>>
    %dma_start3A_420 = tpu.memref_squeeze %dma_start3A_419 : memref<1x32xf32, #tpu.memory_space<hbm>> -> memref<32xf32, #tpu.memory_space<hbm>>
    tpu.enqueue_dma source(%dma_start3A_420 : memref<32xf32, #tpu.memory_space<hbm>>) target(%dma_start3A_418 : memref<32xf32, #tpu.memory_space<vmem>>) target_semaphore(%arg8 : memref<!tpu.dma_semaphore, #tpu.memory_space<semaphore_mem>>)
    %dma_wait3A = arith.constant 0 : i32
    %dma_wait3A_421 = arith.constant 0 : i32
    %dma_wait3A_422 = tpu.memref_slice %arg7[%dma_wait3A, %dma_wait3A_421] : memref<32x32xf32, #tpu.memory_space<vmem>> -> memref<1x32xf32, #tpu.memory_space<vmem>>
    %dma_wait3A_423 = tpu.memref_squeeze %dma_wait3A_422 : memref<1x32xf32, #tpu.memory_space<vmem>> -> memref<32xf32, #tpu.memory_space<vmem>>
    %dma_wait3A_424 = tpu.memref_slice %arg2[%squeeze3A, %mul3A_2] : memref<100000x1024xf32, #tpu.memory_space<hbm>> -> memref<1x32xf32, #tpu.memory_space<hbm>>
    %dma_wait3A_425 = tpu.memref_squeeze %dma_wait3A_424 : memref<1x32xf32, #tpu.memory_space<hbm>> -> memref<32xf32, #tpu.memory_space<hbm>>
    %dma_wait3A_426 = arith.constant 0 : i32
    %dma_wait3A_427 = tpu.memref_slice %arg7[%dma_wait3A, %dma_wait3A_426] : memref<32x32xf32, #tpu.memory_space<vmem>> -> memref<1x32xf32, #tpu.memory_space<vmem>>
    %dma_wait3A_428 = tpu.memref_squeeze %dma_wait3A_427 : memref<1x32xf32, #tpu.memory_space<vmem>> -> memref<32xf32, #tpu.memory_space<vmem>>
    %dma_wait3A_429 = tpu.memref_slice %arg2[%squeeze3A, %mul3A_2] : memref<100000x1024xf32, #tpu.memory_space<hbm>> -> memref<1x32xf32, #tpu.memory_space<hbm>>
    %dma_wait3A_430 = tpu.memref_squeeze %dma_wait3A_429 : memref<1x32xf32, #tpu.memory_space<hbm>> -> memref<32xf32, #tpu.memory_space<hbm>>
    tpu.wait_dma2 semaphore(%arg8 : memref<!tpu.dma_semaphore, #tpu.memory_space<semaphore_mem>>) src(%dma_wait3A_430 : memref<32xf32, #tpu.memory_space<hbm>>) dst(%dma_wait3A_428 : memref<32xf32, #tpu.memory_space<vmem>>)
    %dma_wait3A_431 = arith.constant 1 : i32
    %dma_wait3A_432 = arith.constant 0 : i32
    %dma_wait3A_433 = tpu.memref_slice %arg7[%dma_wait3A_431, %dma_wait3A_432] : memref<32x32xf32, #tpu.memory_space<vmem>> -> memref<1x32xf32, #tpu.memory_space<vmem>>
    %dma_wait3A_434 = tpu.memref_squeeze %dma_wait3A_433 : memref<1x32xf32, #tpu.memory_space<vmem>> -> memref<32xf32, #tpu.memory_space<vmem>>
    %dma_wait3A_435 = tpu.memref_slice %arg2[%squeeze3A_9, %mul3A_2] : memref<100000x1024xf32, #tpu.memory_space<hbm>> -> memref<1x32xf32, #tpu.memory_space<hbm>>
    %dma_wait3A_436 = tpu.memref_squeeze %dma_wait3A_435 : memref<1x32xf32, #tpu.memory_space<hbm>> -> memref<32xf32, #tpu.memory_space<hbm>>
    %dma_wait3A_437 = arith.constant 0 : i32
    %dma_wait3A_438 = tpu.memref_slice %arg7[%dma_wait3A_431, %dma_wait3A_437] : memref<32x32xf32, #tpu.memory_space<vmem>> -> memref<1x32xf32, #tpu.memory_space<vmem>>
    %dma_wait3A_439 = tpu.memref_squeeze %dma_wait3A_438 : memref<1x32xf32, #tpu.memory_space<vmem>> -> memref<32xf32, #tpu.memory_space<vmem>>
    %dma_wait3A_440 = tpu.memref_slice %arg2[%squeeze3A_9, %mul3A_2] : memref<100000x1024xf32, #tpu.memory_space<hbm>> -> memref<1x32xf32, #tpu.memory_space<hbm>>
    %dma_wait3A_441 = tpu.memref_squeeze %dma_wait3A_440 : memref<1x32xf32, #tpu.memory_space<hbm>> -> memref<32xf32, #tpu.memory_space<hbm>>
    tpu.wait_dma2 semaphore(%arg8 : memref<!tpu.dma_semaphore, #tpu.memory_space<semaphore_mem>>) src(%dma_wait3A_441 : memref<32xf32, #tpu.memory_space<hbm>>) dst(%dma_wait3A_439 : memref<32xf32, #tpu.memory_space<vmem>>)
    %dma_wait3A_442 = arith.constant 2 : i32
    %dma_wait3A_443 = arith.constant 0 : i32
    %dma_wait3A_444 = tpu.memref_slice %arg7[%dma_wait3A_442, %dma_wait3A_443] : memref<32x32xf32, #tpu.memory_space<vmem>> -> memref<1x32xf32, #tpu.memory_space<vmem>>
    %dma_wait3A_445 = tpu.memref_squeeze %dma_wait3A_444 : memref<1x32xf32, #tpu.memory_space<vmem>> -> memref<32xf32, #tpu.memory_space<vmem>>
    %dma_wait3A_446 = tpu.memref_slice %arg2[%squeeze3A_11, %mul3A_2] : memref<100000x1024xf32, #tpu.memory_space<hbm>> -> memref<1x32xf32, #tpu.memory_space<hbm>>
    %dma_wait3A_447 = tpu.memref_squeeze %dma_wait3A_446 : memref<1x32xf32, #tpu.memory_space<hbm>> -> memref<32xf32, #tpu.memory_space<hbm>>
    %dma_wait3A_448 = arith.constant 0 : i32
    %dma_wait3A_449 = tpu.memref_slice %arg7[%dma_wait3A_442, %dma_wait3A_448] : memref<32x32xf32, #tpu.memory_space<vmem>> -> memref<1x32xf32, #tpu.memory_space<vmem>>
    %dma_wait3A_450 = tpu.memref_squeeze %dma_wait3A_449 : memref<1x32xf32, #tpu.memory_space<vmem>> -> memref<32xf32, #tpu.memory_space<vmem>>
    %dma_wait3A_451 = tpu.memref_slice %arg2[%squeeze3A_11, %mul3A_2] : memref<100000x1024xf32, #tpu.memory_space<hbm>> -> memref<1x32xf32, #tpu.memory_space<hbm>>
    %dma_wait3A_452 = tpu.memref_squeeze %dma_wait3A_451 : memref<1x32xf32, #tpu.memory_space<hbm>> -> memref<32xf32, #tpu.memory_space<hbm>>
    tpu.wait_dma2 semaphore(%arg8 : memref<!tpu.dma_semaphore, #tpu.memory_space<semaphore_mem>>) src(%dma_wait3A_452 : memref<32xf32, #tpu.memory_space<hbm>>) dst(%dma_wait3A_450 : memref<32xf32, #tpu.memory_space<vmem>>)
    %dma_wait3A_453 = arith.constant 3 : i32
    %dma_wait3A_454 = arith.constant 0 : i32
    %dma_wait3A_455 = tpu.memref_slice %arg7[%dma_wait3A_453, %dma_wait3A_454] : memref<32x32xf32, #tpu.memory_space<vmem>> -> memref<1x32xf32, #tpu.memory_space<vmem>>
    %dma_wait3A_456 = tpu.memref_squeeze %dma_wait3A_455 : memref<1x32xf32, #tpu.memory_space<vmem>> -> memref<32xf32, #tpu.memory_space<vmem>>
    %dma_wait3A_457 = tpu.memref_slice %arg2[%squeeze3A_13, %mul3A_2] : memref<100000x1024xf32, #tpu.memory_space<hbm>> -> memref<1x32xf32, #tpu.memory_space<hbm>>
    %dma_wait3A_458 = tpu.memref_squeeze %dma_wait3A_457 : memref<1x32xf32, #tpu.memory_space<hbm>> -> memref<32xf32, #tpu.memory_space<hbm>>
    %dma_wait3A_459 = arith.constant 0 : i32
    %dma_wait3A_460 = tpu.memref_slice %arg7[%dma_wait3A_453, %dma_wait3A_459] : memref<32x32xf32, #tpu.memory_space<vmem>> -> memref<1x32xf32, #tpu.memory_space<vmem>>
    %dma_wait3A_461 = tpu.memref_squeeze %dma_wait3A_460 : memref<1x32xf32, #tpu.memory_space<vmem>> -> memref<32xf32, #tpu.memory_space<vmem>>
    %dma_wait3A_462 = tpu.memref_slice %arg2[%squeeze3A_13, %mul3A_2] : memref<100000x1024xf32, #tpu.memory_space<hbm>> -> memref<1x32xf32, #tpu.memory_space<hbm>>
    %dma_wait3A_463 = tpu.memref_squeeze %dma_wait3A_462 : memref<1x32xf32, #tpu.memory_space<hbm>> -> memref<32xf32, #tpu.memory_space<hbm>>
    tpu.wait_dma2 semaphore(%arg8 : memref<!tpu.dma_semaphore, #tpu.memory_space<semaphore_mem>>) src(%dma_wait3A_463 : memref<32xf32, #tpu.memory_space<hbm>>) dst(%dma_wait3A_461 : memref<32xf32, #tpu.memory_space<vmem>>)
    %dma_wait3A_464 = arith.constant 4 : i32
    %dma_wait3A_465 = arith.constant 0 : i32
    %dma_wait3A_466 = tpu.memref_slice %arg7[%dma_wait3A_464, %dma_wait3A_465] : memref<32x32xf32, #tpu.memory_space<vmem>> -> memref<1x32xf32, #tpu.memory_space<vmem>>
    %dma_wait3A_467 = tpu.memref_squeeze %dma_wait3A_466 : memref<1x32xf32, #tpu.memory_space<vmem>> -> memref<32xf32, #tpu.memory_space<vmem>>
    %dma_wait3A_468 = tpu.memref_slice %arg2[%squeeze3A_15, %mul3A_2] : memref<100000x1024xf32, #tpu.memory_space<hbm>> -> memref<1x32xf32, #tpu.memory_space<hbm>>
    %dma_wait3A_469 = tpu.memref_squeeze %dma_wait3A_468 : memref<1x32xf32, #tpu.memory_space<hbm>> -> memref<32xf32, #tpu.memory_space<hbm>>
    %dma_wait3A_470 = arith.constant 0 : i32
    %dma_wait3A_471 = tpu.memref_slice %arg7[%dma_wait3A_464, %dma_wait3A_470] : memref<32x32xf32, #tpu.memory_space<vmem>> -> memref<1x32xf32, #tpu.memory_space<vmem>>
    %dma_wait3A_472 = tpu.memref_squeeze %dma_wait3A_471 : memref<1x32xf32, #tpu.memory_space<vmem>> -> memref<32xf32, #tpu.memory_space<vmem>>
    %dma_wait3A_473 = tpu.memref_slice %arg2[%squeeze3A_15, %mul3A_2] : memref<100000x1024xf32, #tpu.memory_space<hbm>> -> memref<1x32xf32, #tpu.memory_space<hbm>>
    %dma_wait3A_474 = tpu.memref_squeeze %dma_wait3A_473 : memref<1x32xf32, #tpu.memory_space<hbm>> -> memref<32xf32, #tpu.memory_space<hbm>>
    tpu.wait_dma2 semaphore(%arg8 : memref<!tpu.dma_semaphore, #tpu.memory_space<semaphore_mem>>) src(%dma_wait3A_474 : memref<32xf32, #tpu.memory_space<hbm>>) dst(%dma_wait3A_472 : memref<32xf32, #tpu.memory_space<vmem>>)
    %dma_wait3A_475 = arith.constant 5 : i32
    %dma_wait3A_476 = arith.constant 0 : i32
    %dma_wait3A_477 = tpu.memref_slice %arg7[%dma_wait3A_475, %dma_wait3A_476] : memref<32x32xf32, #tpu.memory_space<vmem>> -> memref<1x32xf32, #tpu.memory_space<vmem>>
    %dma_wait3A_478 = tpu.memref_squeeze %dma_wait3A_477 : memref<1x32xf32, #tpu.memory_space<vmem>> -> memref<32xf32, #tpu.memory_space<vmem>>
    %dma_wait3A_479 = tpu.memref_slice %arg2[%squeeze3A_17, %mul3A_2] : memref<100000x1024xf32, #tpu.memory_space<hbm>> -> memref<1x32xf32, #tpu.memory_space<hbm>>
    %dma_wait3A_480 = tpu.memref_squeeze %dma_wait3A_479 : memref<1x32xf32, #tpu.memory_space<hbm>> -> memref<32xf32, #tpu.memory_space<hbm>>
    %dma_wait3A_481 = arith.constant 0 : i32
    %dma_wait3A_482 = tpu.memref_slice %arg7[%dma_wait3A_475, %dma_wait3A_481] : memref<32x32xf32, #tpu.memory_space<vmem>> -> memref<1x32xf32, #tpu.memory_space<vmem>>
    %dma_wait3A_483 = tpu.memref_squeeze %dma_wait3A_482 : memref<1x32xf32, #tpu.memory_space<vmem>> -> memref<32xf32, #tpu.memory_space<vmem>>
    %dma_wait3A_484 = tpu.memref_slice %arg2[%squeeze3A_17, %mul3A_2] : memref<100000x1024xf32, #tpu.memory_space<hbm>> -> memref<1x32xf32, #tpu.memory_space<hbm>>
    %dma_wait3A_485 = tpu.memref_squeeze %dma_wait3A_484 : memref<1x32xf32, #tpu.memory_space<hbm>> -> memref<32xf32, #tpu.memory_space<hbm>>
    tpu.wait_dma2 semaphore(%arg8 : memref<!tpu.dma_semaphore, #tpu.memory_space<semaphore_mem>>) src(%dma_wait3A_485 : memref<32xf32, #tpu.memory_space<hbm>>) dst(%dma_wait3A_483 : memref<32xf32, #tpu.memory_space<vmem>>)
    %dma_wait3A_486 = arith.constant 6 : i32
    %dma_wait3A_487 = arith.constant 0 : i32
    %dma_wait3A_488 = tpu.memref_slice %arg7[%dma_wait3A_486, %dma_wait3A_487] : memref<32x32xf32, #tpu.memory_space<vmem>> -> memref<1x32xf32, #tpu.memory_space<vmem>>
    %dma_wait3A_489 = tpu.memref_squeeze %dma_wait3A_488 : memref<1x32xf32, #tpu.memory_space<vmem>> -> memref<32xf32, #tpu.memory_space<vmem>>
    %dma_wait3A_490 = tpu.memref_slice %arg2[%squeeze3A_19, %mul3A_2] : memref<100000x1024xf32, #tpu.memory_space<hbm>> -> memref<1x32xf32, #tpu.memory_space<hbm>>
    %dma_wait3A_491 = tpu.memref_squeeze %dma_wait3A_490 : memref<1x32xf32, #tpu.memory_space<hbm>> -> memref<32xf32, #tpu.memory_space<hbm>>
    %dma_wait3A_492 = arith.constant 0 : i32
    %dma_wait3A_493 = tpu.memref_slice %arg7[%dma_wait3A_486, %dma_wait3A_492] : memref<32x32xf32, #tpu.memory_space<vmem>> -> memref<1x32xf32, #tpu.memory_space<vmem>>
    %dma_wait3A_494 = tpu.memref_squeeze %dma_wait3A_493 : memref<1x32xf32, #tpu.memory_space<vmem>> -> memref<32xf32, #tpu.memory_space<vmem>>
    %dma_wait3A_495 = tpu.memref_slice %arg2[%squeeze3A_19, %mul3A_2] : memref<100000x1024xf32, #tpu.memory_space<hbm>> -> memref<1x32xf32, #tpu.memory_space<hbm>>
    %dma_wait3A_496 = tpu.memref_squeeze %dma_wait3A_495 : memref<1x32xf32, #tpu.memory_space<hbm>> -> memref<32xf32, #tpu.memory_space<hbm>>
    tpu.wait_dma2 semaphore(%arg8 : memref<!tpu.dma_semaphore, #tpu.memory_space<semaphore_mem>>) src(%dma_wait3A_496 : memref<32xf32, #tpu.memory_space<hbm>>) dst(%dma_wait3A_494 : memref<32xf32, #tpu.memory_space<vmem>>)
    %dma_wait3A_497 = arith.constant 7 : i32
    %dma_wait3A_498 = arith.constant 0 : i32
    %dma_wait3A_499 = tpu.memref_slice %arg7[%dma_wait3A_497, %dma_wait3A_498] : memref<32x32xf32, #tpu.memory_space<vmem>> -> memref<1x32xf32, #tpu.memory_space<vmem>>
    %dma_wait3A_500 = tpu.memref_squeeze %dma_wait3A_499 : memref<1x32xf32, #tpu.memory_space<vmem>> -> memref<32xf32, #tpu.memory_space<vmem>>
    %dma_wait3A_501 = tpu.memref_slice %arg2[%squeeze3A_21, %mul3A_2] : memref<100000x1024xf32, #tpu.memory_space<hbm>> -> memref<1x32xf32, #tpu.memory_space<hbm>>
    %dma_wait3A_502 = tpu.memref_squeeze %dma_wait3A_501 : memref<1x32xf32, #tpu.memory_space<hbm>> -> memref<32xf32, #tpu.memory_space<hbm>>
    %dma_wait3A_503 = arith.constant 0 : i32
    %dma_wait3A_504 = tpu.memref_slice %arg7[%dma_wait3A_497, %dma_wait3A_503] : memref<32x32xf32, #tpu.memory_space<vmem>> -> memref<1x32xf32, #tpu.memory_space<vmem>>
    %dma_wait3A_505 = tpu.memref_squeeze %dma_wait3A_504 : memref<1x32xf32, #tpu.memory_space<vmem>> -> memref<32xf32, #tpu.memory_space<vmem>>
    %dma_wait3A_506 = tpu.memref_slice %arg2[%squeeze3A_21, %mul3A_2] : memref<100000x1024xf32, #tpu.memory_space<hbm>> -> memref<1x32xf32, #tpu.memory_space<hbm>>
    %dma_wait3A_507 = tpu.memref_squeeze %dma_wait3A_506 : memref<1x32xf32, #tpu.memory_space<hbm>> -> memref<32xf32, #tpu.memory_space<hbm>>
    tpu.wait_dma2 semaphore(%arg8 : memref<!tpu.dma_semaphore, #tpu.memory_space<semaphore_mem>>) src(%dma_wait3A_507 : memref<32xf32, #tpu.memory_space<hbm>>) dst(%dma_wait3A_505 : memref<32xf32, #tpu.memory_space<vmem>>)
    %dma_wait3A_508 = arith.constant 8 : i32
    %dma_wait3A_509 = arith.constant 0 : i32
    %dma_wait3A_510 = tpu.memref_slice %arg7[%dma_wait3A_508, %dma_wait3A_509] : memref<32x32xf32, #tpu.memory_space<vmem>> -> memref<1x32xf32, #tpu.memory_space<vmem>>
    %dma_wait3A_511 = tpu.memref_squeeze %dma_wait3A_510 : memref<1x32xf32, #tpu.memory_space<vmem>> -> memref<32xf32, #tpu.memory_space<vmem>>
    %dma_wait3A_512 = tpu.memref_slice %arg2[%squeeze3A_23, %mul3A_2] : memref<100000x1024xf32, #tpu.memory_space<hbm>> -> memref<1x32xf32, #tpu.memory_space<hbm>>
    %dma_wait3A_513 = tpu.memref_squeeze %dma_wait3A_512 : memref<1x32xf32, #tpu.memory_space<hbm>> -> memref<32xf32, #tpu.memory_space<hbm>>
    %dma_wait3A_514 = arith.constant 0 : i32
    %dma_wait3A_515 = tpu.memref_slice %arg7[%dma_wait3A_508, %dma_wait3A_514] : memref<32x32xf32, #tpu.memory_space<vmem>> -> memref<1x32xf32, #tpu.memory_space<vmem>>
    %dma_wait3A_516 = tpu.memref_squeeze %dma_wait3A_515 : memref<1x32xf32, #tpu.memory_space<vmem>> -> memref<32xf32, #tpu.memory_space<vmem>>
    %dma_wait3A_517 = tpu.memref_slice %arg2[%squeeze3A_23, %mul3A_2] : memref<100000x1024xf32, #tpu.memory_space<hbm>> -> memref<1x32xf32, #tpu.memory_space<hbm>>
    %dma_wait3A_518 = tpu.memref_squeeze %dma_wait3A_517 : memref<1x32xf32, #tpu.memory_space<hbm>> -> memref<32xf32, #tpu.memory_space<hbm>>
    tpu.wait_dma2 semaphore(%arg8 : memref<!tpu.dma_semaphore, #tpu.memory_space<semaphore_mem>>) src(%dma_wait3A_518 : memref<32xf32, #tpu.memory_space<hbm>>) dst(%dma_wait3A_516 : memref<32xf32, #tpu.memory_space<vmem>>)
    %dma_wait3A_519 = arith.constant 9 : i32
    %dma_wait3A_520 = arith.constant 0 : i32
    %dma_wait3A_521 = tpu.memref_slice %arg7[%dma_wait3A_519, %dma_wait3A_520] : memref<32x32xf32, #tpu.memory_space<vmem>> -> memref<1x32xf32, #tpu.memory_space<vmem>>
    %dma_wait3A_522 = tpu.memref_squeeze %dma_wait3A_521 : memref<1x32xf32, #tpu.memory_space<vmem>> -> memref<32xf32, #tpu.memory_space<vmem>>
    %dma_wait3A_523 = tpu.memref_slice %arg2[%squeeze3A_25, %mul3A_2] : memref<100000x1024xf32, #tpu.memory_space<hbm>> -> memref<1x32xf32, #tpu.memory_space<hbm>>
    %dma_wait3A_524 = tpu.memref_squeeze %dma_wait3A_523 : memref<1x32xf32, #tpu.memory_space<hbm>> -> memref<32xf32, #tpu.memory_space<hbm>>
    %dma_wait3A_525 = arith.constant 0 : i32
    %dma_wait3A_526 = tpu.memref_slice %arg7[%dma_wait3A_519, %dma_wait3A_525] : memref<32x32xf32, #tpu.memory_space<vmem>> -> memref<1x32xf32, #tpu.memory_space<vmem>>
    %dma_wait3A_527 = tpu.memref_squeeze %dma_wait3A_526 : memref<1x32xf32, #tpu.memory_space<vmem>> -> memref<32xf32, #tpu.memory_space<vmem>>
    %dma_wait3A_528 = tpu.memref_slice %arg2[%squeeze3A_25, %mul3A_2] : memref<100000x1024xf32, #tpu.memory_space<hbm>> -> memref<1x32xf32, #tpu.memory_space<hbm>>
    %dma_wait3A_529 = tpu.memref_squeeze %dma_wait3A_528 : memref<1x32xf32, #tpu.memory_space<hbm>> -> memref<32xf32, #tpu.memory_space<hbm>>
    tpu.wait_dma2 semaphore(%arg8 : memref<!tpu.dma_semaphore, #tpu.memory_space<semaphore_mem>>) src(%dma_wait3A_529 : memref<32xf32, #tpu.memory_space<hbm>>) dst(%dma_wait3A_527 : memref<32xf32, #tpu.memory_space<vmem>>)
    %dma_wait3A_530 = arith.constant 10 : i32
    %dma_wait3A_531 = arith.constant 0 : i32
    %dma_wait3A_532 = tpu.memref_slice %arg7[%dma_wait3A_530, %dma_wait3A_531] : memref<32x32xf32, #tpu.memory_space<vmem>> -> memref<1x32xf32, #tpu.memory_space<vmem>>
    %dma_wait3A_533 = tpu.memref_squeeze %dma_wait3A_532 : memref<1x32xf32, #tpu.memory_space<vmem>> -> memref<32xf32, #tpu.memory_space<vmem>>
    %dma_wait3A_534 = tpu.memref_slice %arg2[%squeeze3A_27, %mul3A_2] : memref<100000x1024xf32, #tpu.memory_space<hbm>> -> memref<1x32xf32, #tpu.memory_space<hbm>>
    %dma_wait3A_535 = tpu.memref_squeeze %dma_wait3A_534 : memref<1x32xf32, #tpu.memory_space<hbm>> -> memref<32xf32, #tpu.memory_space<hbm>>
    %dma_wait3A_536 = arith.constant 0 : i32
    %dma_wait3A_537 = tpu.memref_slice %arg7[%dma_wait3A_530, %dma_wait3A_536] : memref<32x32xf32, #tpu.memory_space<vmem>> -> memref<1x32xf32, #tpu.memory_space<vmem>>
    %dma_wait3A_538 = tpu.memref_squeeze %dma_wait3A_537 : memref<1x32xf32, #tpu.memory_space<vmem>> -> memref<32xf32, #tpu.memory_space<vmem>>
    %dma_wait3A_539 = tpu.memref_slice %arg2[%squeeze3A_27, %mul3A_2] : memref<100000x1024xf32, #tpu.memory_space<hbm>> -> memref<1x32xf32, #tpu.memory_space<hbm>>
    %dma_wait3A_540 = tpu.memref_squeeze %dma_wait3A_539 : memref<1x32xf32, #tpu.memory_space<hbm>> -> memref<32xf32, #tpu.memory_space<hbm>>
    tpu.wait_dma2 semaphore(%arg8 : memref<!tpu.dma_semaphore, #tpu.memory_space<semaphore_mem>>) src(%dma_wait3A_540 : memref<32xf32, #tpu.memory_space<hbm>>) dst(%dma_wait3A_538 : memref<32xf32, #tpu.memory_space<vmem>>)
    %dma_wait3A_541 = arith.constant 11 : i32
    %dma_wait3A_542 = arith.constant 0 : i32
    %dma_wait3A_543 = tpu.memref_slice %arg7[%dma_wait3A_541, %dma_wait3A_542] : memref<32x32xf32, #tpu.memory_space<vmem>> -> memref<1x32xf32, #tpu.memory_space<vmem>>
    %dma_wait3A_544 = tpu.memref_squeeze %dma_wait3A_543 : memref<1x32xf32, #tpu.memory_space<vmem>> -> memref<32xf32, #tpu.memory_space<vmem>>
    %dma_wait3A_545 = tpu.memref_slice %arg2[%squeeze3A_29, %mul3A_2] : memref<100000x1024xf32, #tpu.memory_space<hbm>> -> memref<1x32xf32, #tpu.memory_space<hbm>>
    %dma_wait3A_546 = tpu.memref_squeeze %dma_wait3A_545 : memref<1x32xf32, #tpu.memory_space<hbm>> -> memref<32xf32, #tpu.memory_space<hbm>>
    %dma_wait3A_547 = arith.constant 0 : i32
    %dma_wait3A_548 = tpu.memref_slice %arg7[%dma_wait3A_541, %dma_wait3A_547] : memref<32x32xf32, #tpu.memory_space<vmem>> -> memref<1x32xf32, #tpu.memory_space<vmem>>
    %dma_wait3A_549 = tpu.memref_squeeze %dma_wait3A_548 : memref<1x32xf32, #tpu.memory_space<vmem>> -> memref<32xf32, #tpu.memory_space<vmem>>
    %dma_wait3A_550 = tpu.memref_slice %arg2[%squeeze3A_29, %mul3A_2] : memref<100000x1024xf32, #tpu.memory_space<hbm>> -> memref<1x32xf32, #tpu.memory_space<hbm>>
    %dma_wait3A_551 = tpu.memref_squeeze %dma_wait3A_550 : memref<1x32xf32, #tpu.memory_space<hbm>> -> memref<32xf32, #tpu.memory_space<hbm>>
    tpu.wait_dma2 semaphore(%arg8 : memref<!tpu.dma_semaphore, #tpu.memory_space<semaphore_mem>>) src(%dma_wait3A_551 : memref<32xf32, #tpu.memory_space<hbm>>) dst(%dma_wait3A_549 : memref<32xf32, #tpu.memory_space<vmem>>)
    %dma_wait3A_552 = arith.constant 12 : i32
    %dma_wait3A_553 = arith.constant 0 : i32
    %dma_wait3A_554 = tpu.memref_slice %arg7[%dma_wait3A_552, %dma_wait3A_553] : memref<32x32xf32, #tpu.memory_space<vmem>> -> memref<1x32xf32, #tpu.memory_space<vmem>>
    %dma_wait3A_555 = tpu.memref_squeeze %dma_wait3A_554 : memref<1x32xf32, #tpu.memory_space<vmem>> -> memref<32xf32, #tpu.memory_space<vmem>>
    %dma_wait3A_556 = tpu.memref_slice %arg2[%squeeze3A_31, %mul3A_2] : memref<100000x1024xf32, #tpu.memory_space<hbm>> -> memref<1x32xf32, #tpu.memory_space<hbm>>
    %dma_wait3A_557 = tpu.memref_squeeze %dma_wait3A_556 : memref<1x32xf32, #tpu.memory_space<hbm>> -> memref<32xf32, #tpu.memory_space<hbm>>
    %dma_wait3A_558 = arith.constant 0 : i32
    %dma_wait3A_559 = tpu.memref_slice %arg7[%dma_wait3A_552, %dma_wait3A_558] : memref<32x32xf32, #tpu.memory_space<vmem>> -> memref<1x32xf32, #tpu.memory_space<vmem>>
    %dma_wait3A_560 = tpu.memref_squeeze %dma_wait3A_559 : memref<1x32xf32, #tpu.memory_space<vmem>> -> memref<32xf32, #tpu.memory_space<vmem>>
    %dma_wait3A_561 = tpu.memref_slice %arg2[%squeeze3A_31, %mul3A_2] : memref<100000x1024xf32, #tpu.memory_space<hbm>> -> memref<1x32xf32, #tpu.memory_space<hbm>>
    %dma_wait3A_562 = tpu.memref_squeeze %dma_wait3A_561 : memref<1x32xf32, #tpu.memory_space<hbm>> -> memref<32xf32, #tpu.memory_space<hbm>>
    tpu.wait_dma2 semaphore(%arg8 : memref<!tpu.dma_semaphore, #tpu.memory_space<semaphore_mem>>) src(%dma_wait3A_562 : memref<32xf32, #tpu.memory_space<hbm>>) dst(%dma_wait3A_560 : memref<32xf32, #tpu.memory_space<vmem>>)
    %dma_wait3A_563 = arith.constant 13 : i32
    %dma_wait3A_564 = arith.constant 0 : i32
    %dma_wait3A_565 = tpu.memref_slice %arg7[%dma_wait3A_563, %dma_wait3A_564] : memref<32x32xf32, #tpu.memory_space<vmem>> -> memref<1x32xf32, #tpu.memory_space<vmem>>
    %dma_wait3A_566 = tpu.memref_squeeze %dma_wait3A_565 : memref<1x32xf32, #tpu.memory_space<vmem>> -> memref<32xf32, #tpu.memory_space<vmem>>
    %dma_wait3A_567 = tpu.memref_slice %arg2[%squeeze3A_33, %mul3A_2] : memref<100000x1024xf32, #tpu.memory_space<hbm>> -> memref<1x32xf32, #tpu.memory_space<hbm>>
    %dma_wait3A_568 = tpu.memref_squeeze %dma_wait3A_567 : memref<1x32xf32, #tpu.memory_space<hbm>> -> memref<32xf32, #tpu.memory_space<hbm>>
    %dma_wait3A_569 = arith.constant 0 : i32
    %dma_wait3A_570 = tpu.memref_slice %arg7[%dma_wait3A_563, %dma_wait3A_569] : memref<32x32xf32, #tpu.memory_space<vmem>> -> memref<1x32xf32, #tpu.memory_space<vmem>>
    %dma_wait3A_571 = tpu.memref_squeeze %dma_wait3A_570 : memref<1x32xf32, #tpu.memory_space<vmem>> -> memref<32xf32, #tpu.memory_space<vmem>>
    %dma_wait3A_572 = tpu.memref_slice %arg2[%squeeze3A_33, %mul3A_2] : memref<100000x1024xf32, #tpu.memory_space<hbm>> -> memref<1x32xf32, #tpu.memory_space<hbm>>
    %dma_wait3A_573 = tpu.memref_squeeze %dma_wait3A_572 : memref<1x32xf32, #tpu.memory_space<hbm>> -> memref<32xf32, #tpu.memory_space<hbm>>
    tpu.wait_dma2 semaphore(%arg8 : memref<!tpu.dma_semaphore, #tpu.memory_space<semaphore_mem>>) src(%dma_wait3A_573 : memref<32xf32, #tpu.memory_space<hbm>>) dst(%dma_wait3A_571 : memref<32xf32, #tpu.memory_space<vmem>>)
    %dma_wait3A_574 = arith.constant 14 : i32
    %dma_wait3A_575 = arith.constant 0 : i32
    %dma_wait3A_576 = tpu.memref_slice %arg7[%dma_wait3A_574, %dma_wait3A_575] : memref<32x32xf32, #tpu.memory_space<vmem>> -> memref<1x32xf32, #tpu.memory_space<vmem>>
    %dma_wait3A_577 = tpu.memref_squeeze %dma_wait3A_576 : memref<1x32xf32, #tpu.memory_space<vmem>> -> memref<32xf32, #tpu.memory_space<vmem>>
    %dma_wait3A_578 = tpu.memref_slice %arg2[%squeeze3A_35, %mul3A_2] : memref<100000x1024xf32, #tpu.memory_space<hbm>> -> memref<1x32xf32, #tpu.memory_space<hbm>>
    %dma_wait3A_579 = tpu.memref_squeeze %dma_wait3A_578 : memref<1x32xf32, #tpu.memory_space<hbm>> -> memref<32xf32, #tpu.memory_space<hbm>>
    %dma_wait3A_580 = arith.constant 0 : i32
    %dma_wait3A_581 = tpu.memref_slice %arg7[%dma_wait3A_574, %dma_wait3A_580] : memref<32x32xf32, #tpu.memory_space<vmem>> -> memref<1x32xf32, #tpu.memory_space<vmem>>
    %dma_wait3A_582 = tpu.memref_squeeze %dma_wait3A_581 : memref<1x32xf32, #tpu.memory_space<vmem>> -> memref<32xf32, #tpu.memory_space<vmem>>
    %dma_wait3A_583 = tpu.memref_slice %arg2[%squeeze3A_35, %mul3A_2] : memref<100000x1024xf32, #tpu.memory_space<hbm>> -> memref<1x32xf32, #tpu.memory_space<hbm>>
    %dma_wait3A_584 = tpu.memref_squeeze %dma_wait3A_583 : memref<1x32xf32, #tpu.memory_space<hbm>> -> memref<32xf32, #tpu.memory_space<hbm>>
    tpu.wait_dma2 semaphore(%arg8 : memref<!tpu.dma_semaphore, #tpu.memory_space<semaphore_mem>>) src(%dma_wait3A_584 : memref<32xf32, #tpu.memory_space<hbm>>) dst(%dma_wait3A_582 : memref<32xf32, #tpu.memory_space<vmem>>)
    %dma_wait3A_585 = arith.constant 15 : i32
    %dma_wait3A_586 = arith.constant 0 : i32
    %dma_wait3A_587 = tpu.memref_slice %arg7[%dma_wait3A_585, %dma_wait3A_586] : memref<32x32xf32, #tpu.memory_space<vmem>> -> memref<1x32xf32, #tpu.memory_space<vmem>>
    %dma_wait3A_588 = tpu.memref_squeeze %dma_wait3A_587 : memref<1x32xf32, #tpu.memory_space<vmem>> -> memref<32xf32, #tpu.memory_space<vmem>>
    %dma_wait3A_589 = tpu.memref_slice %arg2[%squeeze3A_37, %mul3A_2] : memref<100000x1024xf32, #tpu.memory_space<hbm>> -> memref<1x32xf32, #tpu.memory_space<hbm>>
    %dma_wait3A_590 = tpu.memref_squeeze %dma_wait3A_589 : memref<1x32xf32, #tpu.memory_space<hbm>> -> memref<32xf32, #tpu.memory_space<hbm>>
    %dma_wait3A_591 = arith.constant 0 : i32
    %dma_wait3A_592 = tpu.memref_slice %arg7[%dma_wait3A_585, %dma_wait3A_591] : memref<32x32xf32, #tpu.memory_space<vmem>> -> memref<1x32xf32, #tpu.memory_space<vmem>>
    %dma_wait3A_593 = tpu.memref_squeeze %dma_wait3A_592 : memref<1x32xf32, #tpu.memory_space<vmem>> -> memref<32xf32, #tpu.memory_space<vmem>>
    %dma_wait3A_594 = tpu.memref_slice %arg2[%squeeze3A_37, %mul3A_2] : memref<100000x1024xf32, #tpu.memory_space<hbm>> -> memref<1x32xf32, #tpu.memory_space<hbm>>
    %dma_wait3A_595 = tpu.memref_squeeze %dma_wait3A_594 : memref<1x32xf32, #tpu.memory_space<hbm>> -> memref<32xf32, #tpu.memory_space<hbm>>
    tpu.wait_dma2 semaphore(%arg8 : memref<!tpu.dma_semaphore, #tpu.memory_space<semaphore_mem>>) src(%dma_wait3A_595 : memref<32xf32, #tpu.memory_space<hbm>>) dst(%dma_wait3A_593 : memref<32xf32, #tpu.memory_space<vmem>>)
    %dma_wait3A_596 = arith.constant 16 : i32
    %dma_wait3A_597 = arith.constant 0 : i32
    %dma_wait3A_598 = tpu.memref_slice %arg7[%dma_wait3A_596, %dma_wait3A_597] : memref<32x32xf32, #tpu.memory_space<vmem>> -> memref<1x32xf32, #tpu.memory_space<vmem>>
    %dma_wait3A_599 = tpu.memref_squeeze %dma_wait3A_598 : memref<1x32xf32, #tpu.memory_space<vmem>> -> memref<32xf32, #tpu.memory_space<vmem>>
    %dma_wait3A_600 = tpu.memref_slice %arg2[%squeeze3A_39, %mul3A_2] : memref<100000x1024xf32, #tpu.memory_space<hbm>> -> memref<1x32xf32, #tpu.memory_space<hbm>>
    %dma_wait3A_601 = tpu.memref_squeeze %dma_wait3A_600 : memref<1x32xf32, #tpu.memory_space<hbm>> -> memref<32xf32, #tpu.memory_space<hbm>>
    %dma_wait3A_602 = arith.constant 0 : i32
    %dma_wait3A_603 = tpu.memref_slice %arg7[%dma_wait3A_596, %dma_wait3A_602] : memref<32x32xf32, #tpu.memory_space<vmem>> -> memref<1x32xf32, #tpu.memory_space<vmem>>
    %dma_wait3A_604 = tpu.memref_squeeze %dma_wait3A_603 : memref<1x32xf32, #tpu.memory_space<vmem>> -> memref<32xf32, #tpu.memory_space<vmem>>
    %dma_wait3A_605 = tpu.memref_slice %arg2[%squeeze3A_39, %mul3A_2] : memref<100000x1024xf32, #tpu.memory_space<hbm>> -> memref<1x32xf32, #tpu.memory_space<hbm>>
    %dma_wait3A_606 = tpu.memref_squeeze %dma_wait3A_605 : memref<1x32xf32, #tpu.memory_space<hbm>> -> memref<32xf32, #tpu.memory_space<hbm>>
    tpu.wait_dma2 semaphore(%arg8 : memref<!tpu.dma_semaphore, #tpu.memory_space<semaphore_mem>>) src(%dma_wait3A_606 : memref<32xf32, #tpu.memory_space<hbm>>) dst(%dma_wait3A_604 : memref<32xf32, #tpu.memory_space<vmem>>)
    %dma_wait3A_607 = arith.constant 17 : i32
    %dma_wait3A_608 = arith.constant 0 : i32
    %dma_wait3A_609 = tpu.memref_slice %arg7[%dma_wait3A_607, %dma_wait3A_608] : memref<32x32xf32, #tpu.memory_space<vmem>> -> memref<1x32xf32, #tpu.memory_space<vmem>>
    %dma_wait3A_610 = tpu.memref_squeeze %dma_wait3A_609 : memref<1x32xf32, #tpu.memory_space<vmem>> -> memref<32xf32, #tpu.memory_space<vmem>>
    %dma_wait3A_611 = tpu.memref_slice %arg2[%squeeze3A_41, %mul3A_2] : memref<100000x1024xf32, #tpu.memory_space<hbm>> -> memref<1x32xf32, #tpu.memory_space<hbm>>
    %dma_wait3A_612 = tpu.memref_squeeze %dma_wait3A_611 : memref<1x32xf32, #tpu.memory_space<hbm>> -> memref<32xf32, #tpu.memory_space<hbm>>
    %dma_wait3A_613 = arith.constant 0 : i32
    %dma_wait3A_614 = tpu.memref_slice %arg7[%dma_wait3A_607, %dma_wait3A_613] : memref<32x32xf32, #tpu.memory_space<vmem>> -> memref<1x32xf32, #tpu.memory_space<vmem>>
    %dma_wait3A_615 = tpu.memref_squeeze %dma_wait3A_614 : memref<1x32xf32, #tpu.memory_space<vmem>> -> memref<32xf32, #tpu.memory_space<vmem>>
    %dma_wait3A_616 = tpu.memref_slice %arg2[%squeeze3A_41, %mul3A_2] : memref<100000x1024xf32, #tpu.memory_space<hbm>> -> memref<1x32xf32, #tpu.memory_space<hbm>>
    %dma_wait3A_617 = tpu.memref_squeeze %dma_wait3A_616 : memref<1x32xf32, #tpu.memory_space<hbm>> -> memref<32xf32, #tpu.memory_space<hbm>>
    tpu.wait_dma2 semaphore(%arg8 : memref<!tpu.dma_semaphore, #tpu.memory_space<semaphore_mem>>) src(%dma_wait3A_617 : memref<32xf32, #tpu.memory_space<hbm>>) dst(%dma_wait3A_615 : memref<32xf32, #tpu.memory_space<vmem>>)
    %dma_wait3A_618 = arith.constant 18 : i32
    %dma_wait3A_619 = arith.constant 0 : i32
    %dma_wait3A_620 = tpu.memref_slice %arg7[%dma_wait3A_618, %dma_wait3A_619] : memref<32x32xf32, #tpu.memory_space<vmem>> -> memref<1x32xf32, #tpu.memory_space<vmem>>
    %dma_wait3A_621 = tpu.memref_squeeze %dma_wait3A_620 : memref<1x32xf32, #tpu.memory_space<vmem>> -> memref<32xf32, #tpu.memory_space<vmem>>
    %dma_wait3A_622 = tpu.memref_slice %arg2[%squeeze3A_43, %mul3A_2] : memref<100000x1024xf32, #tpu.memory_space<hbm>> -> memref<1x32xf32, #tpu.memory_space<hbm>>
    %dma_wait3A_623 = tpu.memref_squeeze %dma_wait3A_622 : memref<1x32xf32, #tpu.memory_space<hbm>> -> memref<32xf32, #tpu.memory_space<hbm>>
    %dma_wait3A_624 = arith.constant 0 : i32
    %dma_wait3A_625 = tpu.memref_slice %arg7[%dma_wait3A_618, %dma_wait3A_624] : memref<32x32xf32, #tpu.memory_space<vmem>> -> memref<1x32xf32, #tpu.memory_space<vmem>>
    %dma_wait3A_626 = tpu.memref_squeeze %dma_wait3A_625 : memref<1x32xf32, #tpu.memory_space<vmem>> -> memref<32xf32, #tpu.memory_space<vmem>>
    %dma_wait3A_627 = tpu.memref_slice %arg2[%squeeze3A_43, %mul3A_2] : memref<100000x1024xf32, #tpu.memory_space<hbm>> -> memref<1x32xf32, #tpu.memory_space<hbm>>
    %dma_wait3A_628 = tpu.memref_squeeze %dma_wait3A_627 : memref<1x32xf32, #tpu.memory_space<hbm>> -> memref<32xf32, #tpu.memory_space<hbm>>
    tpu.wait_dma2 semaphore(%arg8 : memref<!tpu.dma_semaphore, #tpu.memory_space<semaphore_mem>>) src(%dma_wait3A_628 : memref<32xf32, #tpu.memory_space<hbm>>) dst(%dma_wait3A_626 : memref<32xf32, #tpu.memory_space<vmem>>)
    %dma_wait3A_629 = arith.constant 19 : i32
    %dma_wait3A_630 = arith.constant 0 : i32
    %dma_wait3A_631 = tpu.memref_slice %arg7[%dma_wait3A_629, %dma_wait3A_630] : memref<32x32xf32, #tpu.memory_space<vmem>> -> memref<1x32xf32, #tpu.memory_space<vmem>>
    %dma_wait3A_632 = tpu.memref_squeeze %dma_wait3A_631 : memref<1x32xf32, #tpu.memory_space<vmem>> -> memref<32xf32, #tpu.memory_space<vmem>>
    %dma_wait3A_633 = tpu.memref_slice %arg2[%squeeze3A_45, %mul3A_2] : memref<100000x1024xf32, #tpu.memory_space<hbm>> -> memref<1x32xf32, #tpu.memory_space<hbm>>
    %dma_wait3A_634 = tpu.memref_squeeze %dma_wait3A_633 : memref<1x32xf32, #tpu.memory_space<hbm>> -> memref<32xf32, #tpu.memory_space<hbm>>
    %dma_wait3A_635 = arith.constant 0 : i32
    %dma_wait3A_636 = tpu.memref_slice %arg7[%dma_wait3A_629, %dma_wait3A_635] : memref<32x32xf32, #tpu.memory_space<vmem>> -> memref<1x32xf32, #tpu.memory_space<vmem>>
    %dma_wait3A_637 = tpu.memref_squeeze %dma_wait3A_636 : memref<1x32xf32, #tpu.memory_space<vmem>> -> memref<32xf32, #tpu.memory_space<vmem>>
    %dma_wait3A_638 = tpu.memref_slice %arg2[%squeeze3A_45, %mul3A_2] : memref<100000x1024xf32, #tpu.memory_space<hbm>> -> memref<1x32xf32, #tpu.memory_space<hbm>>
    %dma_wait3A_639 = tpu.memref_squeeze %dma_wait3A_638 : memref<1x32xf32, #tpu.memory_space<hbm>> -> memref<32xf32, #tpu.memory_space<hbm>>
    tpu.wait_dma2 semaphore(%arg8 : memref<!tpu.dma_semaphore, #tpu.memory_space<semaphore_mem>>) src(%dma_wait3A_639 : memref<32xf32, #tpu.memory_space<hbm>>) dst(%dma_wait3A_637 : memref<32xf32, #tpu.memory_space<vmem>>)
    %dma_wait3A_640 = arith.constant 20 : i32
    %dma_wait3A_641 = arith.constant 0 : i32
    %dma_wait3A_642 = tpu.memref_slice %arg7[%dma_wait3A_640, %dma_wait3A_641] : memref<32x32xf32, #tpu.memory_space<vmem>> -> memref<1x32xf32, #tpu.memory_space<vmem>>
    %dma_wait3A_643 = tpu.memref_squeeze %dma_wait3A_642 : memref<1x32xf32, #tpu.memory_space<vmem>> -> memref<32xf32, #tpu.memory_space<vmem>>
    %dma_wait3A_644 = tpu.memref_slice %arg2[%squeeze3A_47, %mul3A_2] : memref<100000x1024xf32, #tpu.memory_space<hbm>> -> memref<1x32xf32, #tpu.memory_space<hbm>>
    %dma_wait3A_645 = tpu.memref_squeeze %dma_wait3A_644 : memref<1x32xf32, #tpu.memory_space<hbm>> -> memref<32xf32, #tpu.memory_space<hbm>>
    %dma_wait3A_646 = arith.constant 0 : i32
    %dma_wait3A_647 = tpu.memref_slice %arg7[%dma_wait3A_640, %dma_wait3A_646] : memref<32x32xf32, #tpu.memory_space<vmem>> -> memref<1x32xf32, #tpu.memory_space<vmem>>
    %dma_wait3A_648 = tpu.memref_squeeze %dma_wait3A_647 : memref<1x32xf32, #tpu.memory_space<vmem>> -> memref<32xf32, #tpu.memory_space<vmem>>
    %dma_wait3A_649 = tpu.memref_slice %arg2[%squeeze3A_47, %mul3A_2] : memref<100000x1024xf32, #tpu.memory_space<hbm>> -> memref<1x32xf32, #tpu.memory_space<hbm>>
    %dma_wait3A_650 = tpu.memref_squeeze %dma_wait3A_649 : memref<1x32xf32, #tpu.memory_space<hbm>> -> memref<32xf32, #tpu.memory_space<hbm>>
    tpu.wait_dma2 semaphore(%arg8 : memref<!tpu.dma_semaphore, #tpu.memory_space<semaphore_mem>>) src(%dma_wait3A_650 : memref<32xf32, #tpu.memory_space<hbm>>) dst(%dma_wait3A_648 : memref<32xf32, #tpu.memory_space<vmem>>)
    %dma_wait3A_651 = arith.constant 21 : i32
    %dma_wait3A_652 = arith.constant 0 : i32
    %dma_wait3A_653 = tpu.memref_slice %arg7[%dma_wait3A_651, %dma_wait3A_652] : memref<32x32xf32, #tpu.memory_space<vmem>> -> memref<1x32xf32, #tpu.memory_space<vmem>>
    %dma_wait3A_654 = tpu.memref_squeeze %dma_wait3A_653 : memref<1x32xf32, #tpu.memory_space<vmem>> -> memref<32xf32, #tpu.memory_space<vmem>>
    %dma_wait3A_655 = tpu.memref_slice %arg2[%squeeze3A_49, %mul3A_2] : memref<100000x1024xf32, #tpu.memory_space<hbm>> -> memref<1x32xf32, #tpu.memory_space<hbm>>
    %dma_wait3A_656 = tpu.memref_squeeze %dma_wait3A_655 : memref<1x32xf32, #tpu.memory_space<hbm>> -> memref<32xf32, #tpu.memory_space<hbm>>
    %dma_wait3A_657 = arith.constant 0 : i32
    %dma_wait3A_658 = tpu.memref_slice %arg7[%dma_wait3A_651, %dma_wait3A_657] : memref<32x32xf32, #tpu.memory_space<vmem>> -> memref<1x32xf32, #tpu.memory_space<vmem>>
    %dma_wait3A_659 = tpu.memref_squeeze %dma_wait3A_658 : memref<1x32xf32, #tpu.memory_space<vmem>> -> memref<32xf32, #tpu.memory_space<vmem>>
    %dma_wait3A_660 = tpu.memref_slice %arg2[%squeeze3A_49, %mul3A_2] : memref<100000x1024xf32, #tpu.memory_space<hbm>> -> memref<1x32xf32, #tpu.memory_space<hbm>>
    %dma_wait3A_661 = tpu.memref_squeeze %dma_wait3A_660 : memref<1x32xf32, #tpu.memory_space<hbm>> -> memref<32xf32, #tpu.memory_space<hbm>>
    tpu.wait_dma2 semaphore(%arg8 : memref<!tpu.dma_semaphore, #tpu.memory_space<semaphore_mem>>) src(%dma_wait3A_661 : memref<32xf32, #tpu.memory_space<hbm>>) dst(%dma_wait3A_659 : memref<32xf32, #tpu.memory_space<vmem>>)
    %dma_wait3A_662 = arith.constant 22 : i32
    %dma_wait3A_663 = arith.constant 0 : i32
    %dma_wait3A_664 = tpu.memref_slice %arg7[%dma_wait3A_662, %dma_wait3A_663] : memref<32x32xf32, #tpu.memory_space<vmem>> -> memref<1x32xf32, #tpu.memory_space<vmem>>
    %dma_wait3A_665 = tpu.memref_squeeze %dma_wait3A_664 : memref<1x32xf32, #tpu.memory_space<vmem>> -> memref<32xf32, #tpu.memory_space<vmem>>
    %dma_wait3A_666 = tpu.memref_slice %arg2[%squeeze3A_51, %mul3A_2] : memref<100000x1024xf32, #tpu.memory_space<hbm>> -> memref<1x32xf32, #tpu.memory_space<hbm>>
    %dma_wait3A_667 = tpu.memref_squeeze %dma_wait3A_666 : memref<1x32xf32, #tpu.memory_space<hbm>> -> memref<32xf32, #tpu.memory_space<hbm>>
    %dma_wait3A_668 = arith.constant 0 : i32
    %dma_wait3A_669 = tpu.memref_slice %arg7[%dma_wait3A_662, %dma_wait3A_668] : memref<32x32xf32, #tpu.memory_space<vmem>> -> memref<1x32xf32, #tpu.memory_space<vmem>>
    %dma_wait3A_670 = tpu.memref_squeeze %dma_wait3A_669 : memref<1x32xf32, #tpu.memory_space<vmem>> -> memref<32xf32, #tpu.memory_space<vmem>>
    %dma_wait3A_671 = tpu.memref_slice %arg2[%squeeze3A_51, %mul3A_2] : memref<100000x1024xf32, #tpu.memory_space<hbm>> -> memref<1x32xf32, #tpu.memory_space<hbm>>
    %dma_wait3A_672 = tpu.memref_squeeze %dma_wait3A_671 : memref<1x32xf32, #tpu.memory_space<hbm>> -> memref<32xf32, #tpu.memory_space<hbm>>
    tpu.wait_dma2 semaphore(%arg8 : memref<!tpu.dma_semaphore, #tpu.memory_space<semaphore_mem>>) src(%dma_wait3A_672 : memref<32xf32, #tpu.memory_space<hbm>>) dst(%dma_wait3A_670 : memref<32xf32, #tpu.memory_space<vmem>>)
    %dma_wait3A_673 = arith.constant 23 : i32
    %dma_wait3A_674 = arith.constant 0 : i32
    %dma_wait3A_675 = tpu.memref_slice %arg7[%dma_wait3A_673, %dma_wait3A_674] : memref<32x32xf32, #tpu.memory_space<vmem>> -> memref<1x32xf32, #tpu.memory_space<vmem>>
    %dma_wait3A_676 = tpu.memref_squeeze %dma_wait3A_675 : memref<1x32xf32, #tpu.memory_space<vmem>> -> memref<32xf32, #tpu.memory_space<vmem>>
    %dma_wait3A_677 = tpu.memref_slice %arg2[%squeeze3A_53, %mul3A_2] : memref<100000x1024xf32, #tpu.memory_space<hbm>> -> memref<1x32xf32, #tpu.memory_space<hbm>>
    %dma_wait3A_678 = tpu.memref_squeeze %dma_wait3A_677 : memref<1x32xf32, #tpu.memory_space<hbm>> -> memref<32xf32, #tpu.memory_space<hbm>>
    %dma_wait3A_679 = arith.constant 0 : i32
    %dma_wait3A_680 = tpu.memref_slice %arg7[%dma_wait3A_673, %dma_wait3A_679] : memref<32x32xf32, #tpu.memory_space<vmem>> -> memref<1x32xf32, #tpu.memory_space<vmem>>
    %dma_wait3A_681 = tpu.memref_squeeze %dma_wait3A_680 : memref<1x32xf32, #tpu.memory_space<vmem>> -> memref<32xf32, #tpu.memory_space<vmem>>
    %dma_wait3A_682 = tpu.memref_slice %arg2[%squeeze3A_53, %mul3A_2] : memref<100000x1024xf32, #tpu.memory_space<hbm>> -> memref<1x32xf32, #tpu.memory_space<hbm>>
    %dma_wait3A_683 = tpu.memref_squeeze %dma_wait3A_682 : memref<1x32xf32, #tpu.memory_space<hbm>> -> memref<32xf32, #tpu.memory_space<hbm>>
    tpu.wait_dma2 semaphore(%arg8 : memref<!tpu.dma_semaphore, #tpu.memory_space<semaphore_mem>>) src(%dma_wait3A_683 : memref<32xf32, #tpu.memory_space<hbm>>) dst(%dma_wait3A_681 : memref<32xf32, #tpu.memory_space<vmem>>)
    %dma_wait3A_684 = arith.constant 24 : i32
    %dma_wait3A_685 = arith.constant 0 : i32
    %dma_wait3A_686 = tpu.memref_slice %arg7[%dma_wait3A_684, %dma_wait3A_685] : memref<32x32xf32, #tpu.memory_space<vmem>> -> memref<1x32xf32, #tpu.memory_space<vmem>>
    %dma_wait3A_687 = tpu.memref_squeeze %dma_wait3A_686 : memref<1x32xf32, #tpu.memory_space<vmem>> -> memref<32xf32, #tpu.memory_space<vmem>>
    %dma_wait3A_688 = tpu.memref_slice %arg2[%squeeze3A_55, %mul3A_2] : memref<100000x1024xf32, #tpu.memory_space<hbm>> -> memref<1x32xf32, #tpu.memory_space<hbm>>
    %dma_wait3A_689 = tpu.memref_squeeze %dma_wait3A_688 : memref<1x32xf32, #tpu.memory_space<hbm>> -> memref<32xf32, #tpu.memory_space<hbm>>
    %dma_wait3A_690 = arith.constant 0 : i32
    %dma_wait3A_691 = tpu.memref_slice %arg7[%dma_wait3A_684, %dma_wait3A_690] : memref<32x32xf32, #tpu.memory_space<vmem>> -> memref<1x32xf32, #tpu.memory_space<vmem>>
    %dma_wait3A_692 = tpu.memref_squeeze %dma_wait3A_691 : memref<1x32xf32, #tpu.memory_space<vmem>> -> memref<32xf32, #tpu.memory_space<vmem>>
    %dma_wait3A_693 = tpu.memref_slice %arg2[%squeeze3A_55, %mul3A_2] : memref<100000x1024xf32, #tpu.memory_space<hbm>> -> memref<1x32xf32, #tpu.memory_space<hbm>>
    %dma_wait3A_694 = tpu.memref_squeeze %dma_wait3A_693 : memref<1x32xf32, #tpu.memory_space<hbm>> -> memref<32xf32, #tpu.memory_space<hbm>>
    tpu.wait_dma2 semaphore(%arg8 : memref<!tpu.dma_semaphore, #tpu.memory_space<semaphore_mem>>) src(%dma_wait3A_694 : memref<32xf32, #tpu.memory_space<hbm>>) dst(%dma_wait3A_692 : memref<32xf32, #tpu.memory_space<vmem>>)
    %dma_wait3A_695 = arith.constant 25 : i32
    %dma_wait3A_696 = arith.constant 0 : i32
    %dma_wait3A_697 = tpu.memref_slice %arg7[%dma_wait3A_695, %dma_wait3A_696] : memref<32x32xf32, #tpu.memory_space<vmem>> -> memref<1x32xf32, #tpu.memory_space<vmem>>
    %dma_wait3A_698 = tpu.memref_squeeze %dma_wait3A_697 : memref<1x32xf32, #tpu.memory_space<vmem>> -> memref<32xf32, #tpu.memory_space<vmem>>
    %dma_wait3A_699 = tpu.memref_slice %arg2[%squeeze3A_57, %mul3A_2] : memref<100000x1024xf32, #tpu.memory_space<hbm>> -> memref<1x32xf32, #tpu.memory_space<hbm>>
    %dma_wait3A_700 = tpu.memref_squeeze %dma_wait3A_699 : memref<1x32xf32, #tpu.memory_space<hbm>> -> memref<32xf32, #tpu.memory_space<hbm>>
    %dma_wait3A_701 = arith.constant 0 : i32
    %dma_wait3A_702 = tpu.memref_slice %arg7[%dma_wait3A_695, %dma_wait3A_701] : memref<32x32xf32, #tpu.memory_space<vmem>> -> memref<1x32xf32, #tpu.memory_space<vmem>>
    %dma_wait3A_703 = tpu.memref_squeeze %dma_wait3A_702 : memref<1x32xf32, #tpu.memory_space<vmem>> -> memref<32xf32, #tpu.memory_space<vmem>>
    %dma_wait3A_704 = tpu.memref_slice %arg2[%squeeze3A_57, %mul3A_2] : memref<100000x1024xf32, #tpu.memory_space<hbm>> -> memref<1x32xf32, #tpu.memory_space<hbm>>
    %dma_wait3A_705 = tpu.memref_squeeze %dma_wait3A_704 : memref<1x32xf32, #tpu.memory_space<hbm>> -> memref<32xf32, #tpu.memory_space<hbm>>
    tpu.wait_dma2 semaphore(%arg8 : memref<!tpu.dma_semaphore, #tpu.memory_space<semaphore_mem>>) src(%dma_wait3A_705 : memref<32xf32, #tpu.memory_space<hbm>>) dst(%dma_wait3A_703 : memref<32xf32, #tpu.memory_space<vmem>>)
    %dma_wait3A_706 = arith.constant 26 : i32
    %dma_wait3A_707 = arith.constant 0 : i32
    %dma_wait3A_708 = tpu.memref_slice %arg7[%dma_wait3A_706, %dma_wait3A_707] : memref<32x32xf32, #tpu.memory_space<vmem>> -> memref<1x32xf32, #tpu.memory_space<vmem>>
    %dma_wait3A_709 = tpu.memref_squeeze %dma_wait3A_708 : memref<1x32xf32, #tpu.memory_space<vmem>> -> memref<32xf32, #tpu.memory_space<vmem>>
    %dma_wait3A_710 = tpu.memref_slice %arg2[%squeeze3A_59, %mul3A_2] : memref<100000x1024xf32, #tpu.memory_space<hbm>> -> memref<1x32xf32, #tpu.memory_space<hbm>>
    %dma_wait3A_711 = tpu.memref_squeeze %dma_wait3A_710 : memref<1x32xf32, #tpu.memory_space<hbm>> -> memref<32xf32, #tpu.memory_space<hbm>>
    %dma_wait3A_712 = arith.constant 0 : i32
    %dma_wait3A_713 = tpu.memref_slice %arg7[%dma_wait3A_706, %dma_wait3A_712] : memref<32x32xf32, #tpu.memory_space<vmem>> -> memref<1x32xf32, #tpu.memory_space<vmem>>
    %dma_wait3A_714 = tpu.memref_squeeze %dma_wait3A_713 : memref<1x32xf32, #tpu.memory_space<vmem>> -> memref<32xf32, #tpu.memory_space<vmem>>
    %dma_wait3A_715 = tpu.memref_slice %arg2[%squeeze3A_59, %mul3A_2] : memref<100000x1024xf32, #tpu.memory_space<hbm>> -> memref<1x32xf32, #tpu.memory_space<hbm>>
    %dma_wait3A_716 = tpu.memref_squeeze %dma_wait3A_715 : memref<1x32xf32, #tpu.memory_space<hbm>> -> memref<32xf32, #tpu.memory_space<hbm>>
    tpu.wait_dma2 semaphore(%arg8 : memref<!tpu.dma_semaphore, #tpu.memory_space<semaphore_mem>>) src(%dma_wait3A_716 : memref<32xf32, #tpu.memory_space<hbm>>) dst(%dma_wait3A_714 : memref<32xf32, #tpu.memory_space<vmem>>)
    %dma_wait3A_717 = arith.constant 27 : i32
    %dma_wait3A_718 = arith.constant 0 : i32
    %dma_wait3A_719 = tpu.memref_slice %arg7[%dma_wait3A_717, %dma_wait3A_718] : memref<32x32xf32, #tpu.memory_space<vmem>> -> memref<1x32xf32, #tpu.memory_space<vmem>>
    %dma_wait3A_720 = tpu.memref_squeeze %dma_wait3A_719 : memref<1x32xf32, #tpu.memory_space<vmem>> -> memref<32xf32, #tpu.memory_space<vmem>>
    %dma_wait3A_721 = tpu.memref_slice %arg2[%squeeze3A_61, %mul3A_2] : memref<100000x1024xf32, #tpu.memory_space<hbm>> -> memref<1x32xf32, #tpu.memory_space<hbm>>
    %dma_wait3A_722 = tpu.memref_squeeze %dma_wait3A_721 : memref<1x32xf32, #tpu.memory_space<hbm>> -> memref<32xf32, #tpu.memory_space<hbm>>
    %dma_wait3A_723 = arith.constant 0 : i32
    %dma_wait3A_724 = tpu.memref_slice %arg7[%dma_wait3A_717, %dma_wait3A_723] : memref<32x32xf32, #tpu.memory_space<vmem>> -> memref<1x32xf32, #tpu.memory_space<vmem>>
    %dma_wait3A_725 = tpu.memref_squeeze %dma_wait3A_724 : memref<1x32xf32, #tpu.memory_space<vmem>> -> memref<32xf32, #tpu.memory_space<vmem>>
    %dma_wait3A_726 = tpu.memref_slice %arg2[%squeeze3A_61, %mul3A_2] : memref<100000x1024xf32, #tpu.memory_space<hbm>> -> memref<1x32xf32, #tpu.memory_space<hbm>>
    %dma_wait3A_727 = tpu.memref_squeeze %dma_wait3A_726 : memref<1x32xf32, #tpu.memory_space<hbm>> -> memref<32xf32, #tpu.memory_space<hbm>>
    tpu.wait_dma2 semaphore(%arg8 : memref<!tpu.dma_semaphore, #tpu.memory_space<semaphore_mem>>) src(%dma_wait3A_727 : memref<32xf32, #tpu.memory_space<hbm>>) dst(%dma_wait3A_725 : memref<32xf32, #tpu.memory_space<vmem>>)
    %dma_wait3A_728 = arith.constant 28 : i32
    %dma_wait3A_729 = arith.constant 0 : i32
    %dma_wait3A_730 = tpu.memref_slice %arg7[%dma_wait3A_728, %dma_wait3A_729] : memref<32x32xf32, #tpu.memory_space<vmem>> -> memref<1x32xf32, #tpu.memory_space<vmem>>
    %dma_wait3A_731 = tpu.memref_squeeze %dma_wait3A_730 : memref<1x32xf32, #tpu.memory_space<vmem>> -> memref<32xf32, #tpu.memory_space<vmem>>
    %dma_wait3A_732 = tpu.memref_slice %arg2[%squeeze3A_63, %mul3A_2] : memref<100000x1024xf32, #tpu.memory_space<hbm>> -> memref<1x32xf32, #tpu.memory_space<hbm>>
    %dma_wait3A_733 = tpu.memref_squeeze %dma_wait3A_732 : memref<1x32xf32, #tpu.memory_space<hbm>> -> memref<32xf32, #tpu.memory_space<hbm>>
    %dma_wait3A_734 = arith.constant 0 : i32
    %dma_wait3A_735 = tpu.memref_slice %arg7[%dma_wait3A_728, %dma_wait3A_734] : memref<32x32xf32, #tpu.memory_space<vmem>> -> memref<1x32xf32, #tpu.memory_space<vmem>>
    %dma_wait3A_736 = tpu.memref_squeeze %dma_wait3A_735 : memref<1x32xf32, #tpu.memory_space<vmem>> -> memref<32xf32, #tpu.memory_space<vmem>>
    %dma_wait3A_737 = tpu.memref_slice %arg2[%squeeze3A_63, %mul3A_2] : memref<100000x1024xf32, #tpu.memory_space<hbm>> -> memref<1x32xf32, #tpu.memory_space<hbm>>
    %dma_wait3A_738 = tpu.memref_squeeze %dma_wait3A_737 : memref<1x32xf32, #tpu.memory_space<hbm>> -> memref<32xf32, #tpu.memory_space<hbm>>
    tpu.wait_dma2 semaphore(%arg8 : memref<!tpu.dma_semaphore, #tpu.memory_space<semaphore_mem>>) src(%dma_wait3A_738 : memref<32xf32, #tpu.memory_space<hbm>>) dst(%dma_wait3A_736 : memref<32xf32, #tpu.memory_space<vmem>>)
    %dma_wait3A_739 = arith.constant 29 : i32
    %dma_wait3A_740 = arith.constant 0 : i32
    %dma_wait3A_741 = tpu.memref_slice %arg7[%dma_wait3A_739, %dma_wait3A_740] : memref<32x32xf32, #tpu.memory_space<vmem>> -> memref<1x32xf32, #tpu.memory_space<vmem>>
    %dma_wait3A_742 = tpu.memref_squeeze %dma_wait3A_741 : memref<1x32xf32, #tpu.memory_space<vmem>> -> memref<32xf32, #tpu.memory_space<vmem>>
    %dma_wait3A_743 = tpu.memref_slice %arg2[%squeeze3A_65, %mul3A_2] : memref<100000x1024xf32, #tpu.memory_space<hbm>> -> memref<1x32xf32, #tpu.memory_space<hbm>>
    %dma_wait3A_744 = tpu.memref_squeeze %dma_wait3A_743 : memref<1x32xf32, #tpu.memory_space<hbm>> -> memref<32xf32, #tpu.memory_space<hbm>>
    %dma_wait3A_745 = arith.constant 0 : i32
    %dma_wait3A_746 = tpu.memref_slice %arg7[%dma_wait3A_739, %dma_wait3A_745] : memref<32x32xf32, #tpu.memory_space<vmem>> -> memref<1x32xf32, #tpu.memory_space<vmem>>
    %dma_wait3A_747 = tpu.memref_squeeze %dma_wait3A_746 : memref<1x32xf32, #tpu.memory_space<vmem>> -> memref<32xf32, #tpu.memory_space<vmem>>
    %dma_wait3A_748 = tpu.memref_slice %arg2[%squeeze3A_65, %mul3A_2] : memref<100000x1024xf32, #tpu.memory_space<hbm>> -> memref<1x32xf32, #tpu.memory_space<hbm>>
    %dma_wait3A_749 = tpu.memref_squeeze %dma_wait3A_748 : memref<1x32xf32, #tpu.memory_space<hbm>> -> memref<32xf32, #tpu.memory_space<hbm>>
    tpu.wait_dma2 semaphore(%arg8 : memref<!tpu.dma_semaphore, #tpu.memory_space<semaphore_mem>>) src(%dma_wait3A_749 : memref<32xf32, #tpu.memory_space<hbm>>) dst(%dma_wait3A_747 : memref<32xf32, #tpu.memory_space<vmem>>)
    %dma_wait3A_750 = arith.constant 30 : i32
    %dma_wait3A_751 = arith.constant 0 : i32
    %dma_wait3A_752 = tpu.memref_slice %arg7[%dma_wait3A_750, %dma_wait3A_751] : memref<32x32xf32, #tpu.memory_space<vmem>> -> memref<1x32xf32, #tpu.memory_space<vmem>>
    %dma_wait3A_753 = tpu.memref_squeeze %dma_wait3A_752 : memref<1x32xf32, #tpu.memory_space<vmem>> -> memref<32xf32, #tpu.memory_space<vmem>>
    %dma_wait3A_754 = tpu.memref_slice %arg2[%squeeze3A_67, %mul3A_2] : memref<100000x1024xf32, #tpu.memory_space<hbm>> -> memref<1x32xf32, #tpu.memory_space<hbm>>
    %dma_wait3A_755 = tpu.memref_squeeze %dma_wait3A_754 : memref<1x32xf32, #tpu.memory_space<hbm>> -> memref<32xf32, #tpu.memory_space<hbm>>
    %dma_wait3A_756 = arith.constant 0 : i32
    %dma_wait3A_757 = tpu.memref_slice %arg7[%dma_wait3A_750, %dma_wait3A_756] : memref<32x32xf32, #tpu.memory_space<vmem>> -> memref<1x32xf32, #tpu.memory_space<vmem>>
    %dma_wait3A_758 = tpu.memref_squeeze %dma_wait3A_757 : memref<1x32xf32, #tpu.memory_space<vmem>> -> memref<32xf32, #tpu.memory_space<vmem>>
    %dma_wait3A_759 = tpu.memref_slice %arg2[%squeeze3A_67, %mul3A_2] : memref<100000x1024xf32, #tpu.memory_space<hbm>> -> memref<1x32xf32, #tpu.memory_space<hbm>>
    %dma_wait3A_760 = tpu.memref_squeeze %dma_wait3A_759 : memref<1x32xf32, #tpu.memory_space<hbm>> -> memref<32xf32, #tpu.memory_space<hbm>>
    tpu.wait_dma2 semaphore(%arg8 : memref<!tpu.dma_semaphore, #tpu.memory_space<semaphore_mem>>) src(%dma_wait3A_760 : memref<32xf32, #tpu.memory_space<hbm>>) dst(%dma_wait3A_758 : memref<32xf32, #tpu.memory_space<vmem>>)
    %dma_wait3A_761 = arith.constant 31 : i32
    %dma_wait3A_762 = arith.constant 0 : i32
    %dma_wait3A_763 = tpu.memref_slice %arg7[%dma_wait3A_761, %dma_wait3A_762] : memref<32x32xf32, #tpu.memory_space<vmem>> -> memref<1x32xf32, #tpu.memory_space<vmem>>
    %dma_wait3A_764 = tpu.memref_squeeze %dma_wait3A_763 : memref<1x32xf32, #tpu.memory_space<vmem>> -> memref<32xf32, #tpu.memory_space<vmem>>
    %dma_wait3A_765 = tpu.memref_slice %arg2[%squeeze3A_69, %mul3A_2] : memref<100000x1024xf32, #tpu.memory_space<hbm>> -> memref<1x32xf32, #tpu.memory_space<hbm>>
    %dma_wait3A_766 = tpu.memref_squeeze %dma_wait3A_765 : memref<1x32xf32, #tpu.memory_space<hbm>> -> memref<32xf32, #tpu.memory_space<hbm>>
    %dma_wait3A_767 = arith.constant 0 : i32
    %dma_wait3A_768 = tpu.memref_slice %arg7[%dma_wait3A_761, %dma_wait3A_767] : memref<32x32xf32, #tpu.memory_space<vmem>> -> memref<1x32xf32, #tpu.memory_space<vmem>>
    %dma_wait3A_769 = tpu.memref_squeeze %dma_wait3A_768 : memref<1x32xf32, #tpu.memory_space<vmem>> -> memref<32xf32, #tpu.memory_space<vmem>>
    %dma_wait3A_770 = tpu.memref_slice %arg2[%squeeze3A_69, %mul3A_2] : memref<100000x1024xf32, #tpu.memory_space<hbm>> -> memref<1x32xf32, #tpu.memory_space<hbm>>
    %dma_wait3A_771 = tpu.memref_squeeze %dma_wait3A_770 : memref<1x32xf32, #tpu.memory_space<hbm>> -> memref<32xf32, #tpu.memory_space<hbm>>
    tpu.wait_dma2 semaphore(%arg8 : memref<!tpu.dma_semaphore, #tpu.memory_space<semaphore_mem>>) src(%dma_wait3A_771 : memref<32xf32, #tpu.memory_space<hbm>>) dst(%dma_wait3A_769 : memref<32xf32, #tpu.memory_space<vmem>>)
    %get3A_772 = arith.constant 0 : i32
    %get3A_773 = arith.index_cast %get3A_772 : i32 to index
    %get3A_774 = arith.constant 0 : index
    %get3A_775 = tpu.vector_load %arg7[%get3A_773, %get3A_774] {strides = array<i32>} : memref<32x32xf32, #tpu.memory_space<vmem>>, vector<1x16xf32>,
    %get3A_776 = vector.shape_cast %get3A_775 : vector<1x16xf32> to vector<16xf32>
    %eq3A = vector.broadcast %squeeze3A : i32 to vector<16xi32>
    %eq3A_777 = arith.cmpi eq, %get3A_4, %eq3A : vector<16xi32>
    %sub3A = arith.constant 3.500000e-01 : f32
    %sub3A_778 = vector.broadcast %sub3A : f32 to vector<16xf32>
    %sub3A_779 = arith.subf %get3A_776, %sub3A_778 : vector<16xf32>
    %mul3A_780 = arith.constant 6.400000e+01 : f32
    %mul3A_781 = vector.broadcast %mul3A_780 : f32 to vector<16xf32>
    %mul3A_782 = arith.mulf %sub3A_779, %mul3A_781 : vector<16xf32>
    %mul3A_783 = arith.constant 6.400000e+01 : f32
    %mul3A_784 = vector.broadcast %mul3A_783 : f32 to vector<16xf32>
    %mul3A_785 = arith.mulf %get3A_776, %mul3A_784 : vector<16xf32>
    %select_n3A = arith.select %eq3A_777, %mul3A_782, %mul3A_785 : vector<16xi1>, vector<16xf32>
    %swap3A = arith.constant 0 : i32
    %swap3A_786 = arith.index_cast %swap3A : i32 to index
    %swap3A_787 = arith.constant 0 : index
    %swap3A_788 = tpu.vector_load %arg7[%swap3A_786, %swap3A_787] {strides = array<i32>} : memref<32x32xf32, #tpu.memory_space<vmem>>, vector<1x16xf32>,
    %swap3A_789 = vector.shape_cast %swap3A_788 : vector<1x16xf32> to vector<16xf32>
    %swap3A_790 = vector.shape_cast %select_n3A : vector<16xf32> to vector<1x16xf32>
    tpu.vector_store %arg7[%swap3A_786, %swap3A_787], %swap3A_790 {strides = array<i32>} : memref<32x32xf32, #tpu.memory_space<vmem>>, vector<1x16xf32>,
    %get3A_791 = arith.constant 0 : i32
    %get3A_792 = arith.index_cast %get3A_791 : i32 to index
    %get3A_793 = arith.constant 16 : index
    %get3A_794 = tpu.vector_load %arg7[%get3A_792, %get3A_793] {strides = array<i32>} : memref<32x32xf32, #tpu.memory_space<vmem>>, vector<1x16xf32>,
    %get3A_795 = vector.shape_cast %get3A_794 : vector<1x16xf32> to vector<16xf32>
    %eq3A_796 = vector.broadcast %squeeze3A : i32 to vector<16xi32>
    %eq3A_797 = arith.cmpi eq, %get3A_7, %eq3A_796 : vector<16xi32>
    %sub3A_798 = arith.constant 3.500000e-01 : f32
    %sub3A_799 = vector.broadcast %sub3A_798 : f32 to vector<16xf32>
    %sub3A_800 = arith.subf %get3A_795, %sub3A_799 : vector<16xf32>
    %mul3A_801 = arith.constant 6.400000e+01 : f32
    %mul3A_802 = vector.broadcast %mul3A_801 : f32 to vector<16xf32>
    %mul3A_803 = arith.mulf %sub3A_800, %mul3A_802 : vector<16xf32>
    %mul3A_804 = arith.constant 6.400000e+01 : f32
    %mul3A_805 = vector.broadcast %mul3A_804 : f32 to vector<16xf32>
    %mul3A_806 = arith.mulf %get3A_795, %mul3A_805 : vector<16xf32>
    %select_n3A_807 = arith.select %eq3A_797, %mul3A_803, %mul3A_806 : vector<16xi1>, vector<16xf32>
    %swap3A_808 = arith.constant 0 : i32
    %swap3A_809 = arith.index_cast %swap3A_808 : i32 to index
    %swap3A_810 = arith.constant 16 : index
    %swap3A_811 = tpu.vector_load %arg7[%swap3A_809, %swap3A_810] {strides = array<i32>} : memref<32x32xf32, #tpu.memory_space<vmem>>, vector<1x16xf32>,
    %swap3A_812 = vector.shape_cast %swap3A_811 : vector<1x16xf32> to vector<16xf32>
    %swap3A_813 = vector.shape_cast %select_n3A_807 : vector<16xf32> to vector<1x16xf32>
    tpu.vector_store %arg7[%swap3A_809, %swap3A_810], %swap3A_813 {strides = array<i32>} : memref<32x32xf32, #tpu.memory_space<vmem>>, vector<1x16xf32>,
    %get3A_814 = arith.constant 1 : i32
    %get3A_815 = arith.index_cast %get3A_814 : i32 to index
    %get3A_816 = arith.constant 0 : index
    %get3A_817 = tpu.vector_load %arg7[%get3A_815, %get3A_816] {strides = array<i32>} : memref<32x32xf32, #tpu.memory_space<vmem>>, vector<1x16xf32>,
    %get3A_818 = vector.shape_cast %get3A_817 : vector<1x16xf32> to vector<16xf32>
    %eq3A_819 = vector.broadcast %squeeze3A_9 : i32 to vector<16xi32>
    %eq3A_820 = arith.cmpi eq, %get3A_4, %eq3A_819 : vector<16xi32>
    %sub3A_821 = arith.constant 3.500000e-01 : f32
    %sub3A_822 = vector.broadcast %sub3A_821 : f32 to vector<16xf32>
    %sub3A_823 = arith.subf %get3A_818, %sub3A_822 : vector<16xf32>
    %mul3A_824 = arith.constant 6.400000e+01 : f32
    %mul3A_825 = vector.broadcast %mul3A_824 : f32 to vector<16xf32>
    %mul3A_826 = arith.mulf %sub3A_823, %mul3A_825 : vector<16xf32>
    %mul3A_827 = arith.constant 6.400000e+01 : f32
    %mul3A_828 = vector.broadcast %mul3A_827 : f32 to vector<16xf32>
    %mul3A_829 = arith.mulf %get3A_818, %mul3A_828 : vector<16xf32>
    %select_n3A_830 = arith.select %eq3A_820, %mul3A_826, %mul3A_829 : vector<16xi1>, vector<16xf32>
    %swap3A_831 = arith.constant 1 : i32
    %swap3A_832 = arith.index_cast %swap3A_831 : i32 to index
    %swap3A_833 = arith.constant 0 : index
    %swap3A_834 = tpu.vector_load %arg7[%swap3A_832, %swap3A_833] {strides = array<i32>} : memref<32x32xf32, #tpu.memory_space<vmem>>, vector<1x16xf32>,
    %swap3A_835 = vector.shape_cast %swap3A_834 : vector<1x16xf32> to vector<16xf32>
    %swap3A_836 = vector.shape_cast %select_n3A_830 : vector<16xf32> to vector<1x16xf32>
    tpu.vector_store %arg7[%swap3A_832, %swap3A_833], %swap3A_836 {strides = array<i32>} : memref<32x32xf32, #tpu.memory_space<vmem>>, vector<1x16xf32>,
    %get3A_837 = arith.constant 1 : i32
    %get3A_838 = arith.index_cast %get3A_837 : i32 to index
    %get3A_839 = arith.constant 16 : index
    %get3A_840 = tpu.vector_load %arg7[%get3A_838, %get3A_839] {strides = array<i32>} : memref<32x32xf32, #tpu.memory_space<vmem>>, vector<1x16xf32>,
    %get3A_841 = vector.shape_cast %get3A_840 : vector<1x16xf32> to vector<16xf32>
    %eq3A_842 = vector.broadcast %squeeze3A_9 : i32 to vector<16xi32>
    %eq3A_843 = arith.cmpi eq, %get3A_7, %eq3A_842 : vector<16xi32>
    %sub3A_844 = arith.constant 3.500000e-01 : f32
    %sub3A_845 = vector.broadcast %sub3A_844 : f32 to vector<16xf32>
    %sub3A_846 = arith.subf %get3A_841, %sub3A_845 : vector<16xf32>
    %mul3A_847 = arith.constant 6.400000e+01 : f32
    %mul3A_848 = vector.broadcast %mul3A_847 : f32 to vector<16xf32>
    %mul3A_849 = arith.mulf %sub3A_846, %mul3A_848 : vector<16xf32>
    %mul3A_850 = arith.constant 6.400000e+01 : f32
    %mul3A_851 = vector.broadcast %mul3A_850 : f32 to vector<16xf32>
    %mul3A_852 = arith.mulf %get3A_841, %mul3A_851 : vector<16xf32>
    %select_n3A_853 = arith.select %eq3A_843, %mul3A_849, %mul3A_852 : vector<16xi1>, vector<16xf32>
    %swap3A_854 = arith.constant 1 : i32
    %swap3A_855 = arith.index_cast %swap3A_854 : i32 to index
    %swap3A_856 = arith.constant 16 : index
    %swap3A_857 = tpu.vector_load %arg7[%swap3A_855, %swap3A_856] {strides = array<i32>} : memref<32x32xf32, #tpu.memory_space<vmem>>, vector<1x16xf32>,
    %swap3A_858 = vector.shape_cast %swap3A_857 : vector<1x16xf32> to vector<16xf32>
    %swap3A_859 = vector.shape_cast %select_n3A_853 : vector<16xf32> to vector<1x16xf32>
    tpu.vector_store %arg7[%swap3A_855, %swap3A_856], %swap3A_859 {strides = array<i32>} : memref<32x32xf32, #tpu.memory_space<vmem>>, vector<1x16xf32>,
    %get3A_860 = arith.constant 2 : i32
    %get3A_861 = arith.index_cast %get3A_860 : i32 to index
    %get3A_862 = arith.constant 0 : index
    %get3A_863 = tpu.vector_load %arg7[%get3A_861, %get3A_862] {strides = array<i32>} : memref<32x32xf32, #tpu.memory_space<vmem>>, vector<1x16xf32>,
    %get3A_864 = vector.shape_cast %get3A_863 : vector<1x16xf32> to vector<16xf32>
    %eq3A_865 = vector.broadcast %squeeze3A_11 : i32 to vector<16xi32>
    %eq3A_866 = arith.cmpi eq, %get3A_4, %eq3A_865 : vector<16xi32>
    %sub3A_867 = arith.constant 3.500000e-01 : f32
    %sub3A_868 = vector.broadcast %sub3A_867 : f32 to vector<16xf32>
    %sub3A_869 = arith.subf %get3A_864, %sub3A_868 : vector<16xf32>
    %mul3A_870 = arith.constant 6.400000e+01 : f32
    %mul3A_871 = vector.broadcast %mul3A_870 : f32 to vector<16xf32>
    %mul3A_872 = arith.mulf %sub3A_869, %mul3A_871 : vector<16xf32>
    %mul3A_873 = arith.constant 6.400000e+01 : f32
    %mul3A_874 = vector.broadcast %mul3A_873 : f32 to vector<16xf32>
    %mul3A_875 = arith.mulf %get3A_864, %mul3A_874 : vector<16xf32>
    %select_n3A_876 = arith.select %eq3A_866, %mul3A_872, %mul3A_875 : vector<16xi1>, vector<16xf32>
    %swap3A_877 = arith.constant 2 : i32
    %swap3A_878 = arith.index_cast %swap3A_877 : i32 to index
    %swap3A_879 = arith.constant 0 : index
    %swap3A_880 = tpu.vector_load %arg7[%swap3A_878, %swap3A_879] {strides = array<i32>} : memref<32x32xf32, #tpu.memory_space<vmem>>, vector<1x16xf32>,
    %swap3A_881 = vector.shape_cast %swap3A_880 : vector<1x16xf32> to vector<16xf32>
    %swap3A_882 = vector.shape_cast %select_n3A_876 : vector<16xf32> to vector<1x16xf32>
    tpu.vector_store %arg7[%swap3A_878, %swap3A_879], %swap3A_882 {strides = array<i32>} : memref<32x32xf32, #tpu.memory_space<vmem>>, vector<1x16xf32>,
    %get3A_883 = arith.constant 2 : i32
    %get3A_884 = arith.index_cast %get3A_883 : i32 to index
    %get3A_885 = arith.constant 16 : index
    %get3A_886 = tpu.vector_load %arg7[%get3A_884, %get3A_885] {strides = array<i32>} : memref<32x32xf32, #tpu.memory_space<vmem>>, vector<1x16xf32>,
    %get3A_887 = vector.shape_cast %get3A_886 : vector<1x16xf32> to vector<16xf32>
    %eq3A_888 = vector.broadcast %squeeze3A_11 : i32 to vector<16xi32>
    %eq3A_889 = arith.cmpi eq, %get3A_7, %eq3A_888 : vector<16xi32>
    %sub3A_890 = arith.constant 3.500000e-01 : f32
    %sub3A_891 = vector.broadcast %sub3A_890 : f32 to vector<16xf32>
    %sub3A_892 = arith.subf %get3A_887, %sub3A_891 : vector<16xf32>
    %mul3A_893 = arith.constant 6.400000e+01 : f32
    %mul3A_894 = vector.broadcast %mul3A_893 : f32 to vector<16xf32>
    %mul3A_895 = arith.mulf %sub3A_892, %mul3A_894 : vector<16xf32>
    %mul3A_896 = arith.constant 6.400000e+01 : f32
    %mul3A_897 = vector.broadcast %mul3A_896 : f32 to vector<16xf32>
    %mul3A_898 = arith.mulf %get3A_887, %mul3A_897 : vector<16xf32>
    %select_n3A_899 = arith.select %eq3A_889, %mul3A_895, %mul3A_898 : vector<16xi1>, vector<16xf32>
    %swap3A_900 = arith.constant 2 : i32
    %swap3A_901 = arith.index_cast %swap3A_900 : i32 to index
    %swap3A_902 = arith.constant 16 : index
    %swap3A_903 = tpu.vector_load %arg7[%swap3A_901, %swap3A_902] {strides = array<i32>} : memref<32x32xf32, #tpu.memory_space<vmem>>, vector<1x16xf32>,
    %swap3A_904 = vector.shape_cast %swap3A_903 : vector<1x16xf32> to vector<16xf32>
    %swap3A_905 = vector.shape_cast %select_n3A_899 : vector<16xf32> to vector<1x16xf32>
    tpu.vector_store %arg7[%swap3A_901, %swap3A_902], %swap3A_905 {strides = array<i32>} : memref<32x32xf32, #tpu.memory_space<vmem>>, vector<1x16xf32>,
    %get3A_906 = arith.constant 3 : i32
    %get3A_907 = arith.index_cast %get3A_906 : i32 to index
    %get3A_908 = arith.constant 0 : index
    %get3A_909 = tpu.vector_load %arg7[%get3A_907, %get3A_908] {strides = array<i32>} : memref<32x32xf32, #tpu.memory_space<vmem>>, vector<1x16xf32>,
    %get3A_910 = vector.shape_cast %get3A_909 : vector<1x16xf32> to vector<16xf32>
    %eq3A_911 = vector.broadcast %squeeze3A_13 : i32 to vector<16xi32>
    %eq3A_912 = arith.cmpi eq, %get3A_4, %eq3A_911 : vector<16xi32>
    %sub3A_913 = arith.constant 3.500000e-01 : f32
    %sub3A_914 = vector.broadcast %sub3A_913 : f32 to vector<16xf32>
    %sub3A_915 = arith.subf %get3A_910, %sub3A_914 : vector<16xf32>
    %mul3A_916 = arith.constant 6.400000e+01 : f32
    %mul3A_917 = vector.broadcast %mul3A_916 : f32 to vector<16xf32>
    %mul3A_918 = arith.mulf %sub3A_915, %mul3A_917 : vector<16xf32>
    %mul3A_919 = arith.constant 6.400000e+01 : f32
    %mul3A_920 = vector.broadcast %mul3A_919 : f32 to vector<16xf32>
    %mul3A_921 = arith.mulf %get3A_910, %mul3A_920 : vector<16xf32>
    %select_n3A_922 = arith.select %eq3A_912, %mul3A_918, %mul3A_921 : vector<16xi1>, vector<16xf32>
    %swap3A_923 = arith.constant 3 : i32
    %swap3A_924 = arith.index_cast %swap3A_923 : i32 to index
    %swap3A_925 = arith.constant 0 : index
    %swap3A_926 = tpu.vector_load %arg7[%swap3A_924, %swap3A_925] {strides = array<i32>} : memref<32x32xf32, #tpu.memory_space<vmem>>, vector<1x16xf32>,
    %swap3A_927 = vector.shape_cast %swap3A_926 : vector<1x16xf32> to vector<16xf32>
    %swap3A_928 = vector.shape_cast %select_n3A_922 : vector<16xf32> to vector<1x16xf32>
    tpu.vector_store %arg7[%swap3A_924, %swap3A_925], %swap3A_928 {strides = array<i32>} : memref<32x32xf32, #tpu.memory_space<vmem>>, vector<1x16xf32>,
    %get3A_929 = arith.constant 3 : i32
    %get3A_930 = arith.index_cast %get3A_929 : i32 to index
    %get3A_931 = arith.constant 16 : index
    %get3A_932 = tpu.vector_load %arg7[%get3A_930, %get3A_931] {strides = array<i32>} : memref<32x32xf32, #tpu.memory_space<vmem>>, vector<1x16xf32>,
    %get3A_933 = vector.shape_cast %get3A_932 : vector<1x16xf32> to vector<16xf32>
    %eq3A_934 = vector.broadcast %squeeze3A_13 : i32 to vector<16xi32>
    %eq3A_935 = arith.cmpi eq, %get3A_7, %eq3A_934 : vector<16xi32>
    %sub3A_936 = arith.constant 3.500000e-01 : f32
    %sub3A_937 = vector.broadcast %sub3A_936 : f32 to vector<16xf32>
    %sub3A_938 = arith.subf %get3A_933, %sub3A_937 : vector<16xf32>
    %mul3A_939 = arith.constant 6.400000e+01 : f32
    %mul3A_940 = vector.broadcast %mul3A_939 : f32 to vector<16xf32>
    %mul3A_941 = arith.mulf %sub3A_938, %mul3A_940 : vector<16xf32>
    %mul3A_942 = arith.constant 6.400000e+01 : f32
    %mul3A_943 = vector.broadcast %mul3A_942 : f32 to vector<16xf32>
    %mul3A_944 = arith.mulf %get3A_933, %mul3A_943 : vector<16xf32>
    %select_n3A_945 = arith.select %eq3A_935, %mul3A_941, %mul3A_944 : vector<16xi1>, vector<16xf32>
    %swap3A_946 = arith.constant 3 : i32
    %swap3A_947 = arith.index_cast %swap3A_946 : i32 to index
    %swap3A_948 = arith.constant 16 : index
    %swap3A_949 = tpu.vector_load %arg7[%swap3A_947, %swap3A_948] {strides = array<i32>} : memref<32x32xf32, #tpu.memory_space<vmem>>, vector<1x16xf32>,
    %swap3A_950 = vector.shape_cast %swap3A_949 : vector<1x16xf32> to vector<16xf32>
    %swap3A_951 = vector.shape_cast %select_n3A_945 : vector<16xf32> to vector<1x16xf32>
    tpu.vector_store %arg7[%swap3A_947, %swap3A_948], %swap3A_951 {strides = array<i32>} : memref<32x32xf32, #tpu.memory_space<vmem>>, vector<1x16xf32>,
    %get3A_952 = arith.constant 4 : i32
    %get3A_953 = arith.index_cast %get3A_952 : i32 to index
    %get3A_954 = arith.constant 0 : index
    %get3A_955 = tpu.vector_load %arg7[%get3A_953, %get3A_954] {strides = array<i32>} : memref<32x32xf32, #tpu.memory_space<vmem>>, vector<1x16xf32>,
    %get3A_956 = vector.shape_cast %get3A_955 : vector<1x16xf32> to vector<16xf32>
    %eq3A_957 = vector.broadcast %squeeze3A_15 : i32 to vector<16xi32>
    %eq3A_958 = arith.cmpi eq, %get3A_4, %eq3A_957 : vector<16xi32>
    %sub3A_959 = arith.constant 3.500000e-01 : f32
    %sub3A_960 = vector.broadcast %sub3A_959 : f32 to vector<16xf32>
    %sub3A_961 = arith.subf %get3A_956, %sub3A_960 : vector<16xf32>
    %mul3A_962 = arith.constant 6.400000e+01 : f32
    %mul3A_963 = vector.broadcast %mul3A_962 : f32 to vector<16xf32>
    %mul3A_964 = arith.mulf %sub3A_961, %mul3A_963 : vector<16xf32>
    %mul3A_965 = arith.constant 6.400000e+01 : f32
    %mul3A_966 = vector.broadcast %mul3A_965 : f32 to vector<16xf32>
    %mul3A_967 = arith.mulf %get3A_956, %mul3A_966 : vector<16xf32>
    %select_n3A_968 = arith.select %eq3A_958, %mul3A_964, %mul3A_967 : vector<16xi1>, vector<16xf32>
    %swap3A_969 = arith.constant 4 : i32
    %swap3A_970 = arith.index_cast %swap3A_969 : i32 to index
    %swap3A_971 = arith.constant 0 : index
    %swap3A_972 = tpu.vector_load %arg7[%swap3A_970, %swap3A_971] {strides = array<i32>} : memref<32x32xf32, #tpu.memory_space<vmem>>, vector<1x16xf32>,
    %swap3A_973 = vector.shape_cast %swap3A_972 : vector<1x16xf32> to vector<16xf32>
    %swap3A_974 = vector.shape_cast %select_n3A_968 : vector<16xf32> to vector<1x16xf32>
    tpu.vector_store %arg7[%swap3A_970, %swap3A_971], %swap3A_974 {strides = array<i32>} : memref<32x32xf32, #tpu.memory_space<vmem>>, vector<1x16xf32>,
    %get3A_975 = arith.constant 4 : i32
    %get3A_976 = arith.index_cast %get3A_975 : i32 to index
    %get3A_977 = arith.constant 16 : index
    %get3A_978 = tpu.vector_load %arg7[%get3A_976, %get3A_977] {strides = array<i32>} : memref<32x32xf32, #tpu.memory_space<vmem>>, vector<1x16xf32>,
    %get3A_979 = vector.shape_cast %get3A_978 : vector<1x16xf32> to vector<16xf32>
    %eq3A_980 = vector.broadcast %squeeze3A_15 : i32 to vector<16xi32>
    %eq3A_981 = arith.cmpi eq, %get3A_7, %eq3A_980 : vector<16xi32>
    %sub3A_982 = arith.constant 3.500000e-01 : f32
    %sub3A_983 = vector.broadcast %sub3A_982 : f32 to vector<16xf32>
    %sub3A_984 = arith.subf %get3A_979, %sub3A_983 : vector<16xf32>
    %mul3A_985 = arith.constant 6.400000e+01 : f32
    %mul3A_986 = vector.broadcast %mul3A_985 : f32 to vector<16xf32>
    %mul3A_987 = arith.mulf %sub3A_984, %mul3A_986 : vector<16xf32>
    %mul3A_988 = arith.constant 6.400000e+01 : f32
    %mul3A_989 = vector.broadcast %mul3A_988 : f32 to vector<16xf32>
    %mul3A_990 = arith.mulf %get3A_979, %mul3A_989 : vector<16xf32>
    %select_n3A_991 = arith.select %eq3A_981, %mul3A_987, %mul3A_990 : vector<16xi1>, vector<16xf32>
    %swap3A_992 = arith.constant 4 : i32
    %swap3A_993 = arith.index_cast %swap3A_992 : i32 to index
    %swap3A_994 = arith.constant 16 : index
    %swap3A_995 = tpu.vector_load %arg7[%swap3A_993, %swap3A_994] {strides = array<i32>} : memref<32x32xf32, #tpu.memory_space<vmem>>, vector<1x16xf32>,
    %swap3A_996 = vector.shape_cast %swap3A_995 : vector<1x16xf32> to vector<16xf32>
    %swap3A_997 = vector.shape_cast %select_n3A_991 : vector<16xf32> to vector<1x16xf32>
    tpu.vector_store %arg7[%swap3A_993, %swap3A_994], %swap3A_997 {strides = array<i32>} : memref<32x32xf32, #tpu.memory_space<vmem>>, vector<1x16xf32>,
    %get3A_998 = arith.constant 5 : i32
    %get3A_999 = arith.index_cast %get3A_998 : i32 to index
    %get3A_1000 = arith.constant 0 : index
    %get3A_1001 = tpu.vector_load %arg7[%get3A_999, %get3A_1000] {strides = array<i32>} : memref<32x32xf32, #tpu.memory_space<vmem>>, vector<1x16xf32>,
    %get3A_1002 = vector.shape_cast %get3A_1001 : vector<1x16xf32> to vector<16xf32>
    %eq3A_1003 = vector.broadcast %squeeze3A_17 : i32 to vector<16xi32>
    %eq3A_1004 = arith.cmpi eq, %get3A_4, %eq3A_1003 : vector<16xi32>
    %sub3A_1005 = arith.constant 3.500000e-01 : f32
    %sub3A_1006 = vector.broadcast %sub3A_1005 : f32 to vector<16xf32>
    %sub3A_1007 = arith.subf %get3A_1002, %sub3A_1006 : vector<16xf32>
    %mul3A_1008 = arith.constant 6.400000e+01 : f32
    %mul3A_1009 = vector.broadcast %mul3A_1008 : f32 to vector<16xf32>
    %mul3A_1010 = arith.mulf %sub3A_1007, %mul3A_1009 : vector<16xf32>
    %mul3A_1011 = arith.constant 6.400000e+01 : f32
    %mul3A_1012 = vector.broadcast %mul3A_1011 : f32 to vector<16xf32>
    %mul3A_1013 = arith.mulf %get3A_1002, %mul3A_1012 : vector<16xf32>
    %select_n3A_1014 = arith.select %eq3A_1004, %mul3A_1010, %mul3A_1013 : vector<16xi1>, vector<16xf32>
    %swap3A_1015 = arith.constant 5 : i32
    %swap3A_1016 = arith.index_cast %swap3A_1015 : i32 to index
    %swap3A_1017 = arith.constant 0 : index
    %swap3A_1018 = tpu.vector_load %arg7[%swap3A_1016, %swap3A_1017] {strides = array<i32>} : memref<32x32xf32, #tpu.memory_space<vmem>>, vector<1x16xf32>,
    %swap3A_1019 = vector.shape_cast %swap3A_1018 : vector<1x16xf32> to vector<16xf32>
    %swap3A_1020 = vector.shape_cast %select_n3A_1014 : vector<16xf32> to vector<1x16xf32>
    tpu.vector_store %arg7[%swap3A_1016, %swap3A_1017], %swap3A_1020 {strides = array<i32>} : memref<32x32xf32, #tpu.memory_space<vmem>>, vector<1x16xf32>,
    %get3A_1021 = arith.constant 5 : i32
    %get3A_1022 = arith.index_cast %get3A_1021 : i32 to index
    %get3A_1023 = arith.constant 16 : index
    %get3A_1024 = tpu.vector_load %arg7[%get3A_1022, %get3A_1023] {strides = array<i32>} : memref<32x32xf32, #tpu.memory_space<vmem>>, vector<1x16xf32>,
    %get3A_1025 = vector.shape_cast %get3A_1024 : vector<1x16xf32> to vector<16xf32>
    %eq3A_1026 = vector.broadcast %squeeze3A_17 : i32 to vector<16xi32>
    %eq3A_1027 = arith.cmpi eq, %get3A_7, %eq3A_1026 : vector<16xi32>
    %sub3A_1028 = arith.constant 3.500000e-01 : f32
    %sub3A_1029 = vector.broadcast %sub3A_1028 : f32 to vector<16xf32>
    %sub3A_1030 = arith.subf %get3A_1025, %sub3A_1029 : vector<16xf32>
    %mul3A_1031 = arith.constant 6.400000e+01 : f32
    %mul3A_1032 = vector.broadcast %mul3A_1031 : f32 to vector<16xf32>
    %mul3A_1033 = arith.mulf %sub3A_1030, %mul3A_1032 : vector<16xf32>
    %mul3A_1034 = arith.constant 6.400000e+01 : f32
    %mul3A_1035 = vector.broadcast %mul3A_1034 : f32 to vector<16xf32>
    %mul3A_1036 = arith.mulf %get3A_1025, %mul3A_1035 : vector<16xf32>
    %select_n3A_1037 = arith.select %eq3A_1027, %mul3A_1033, %mul3A_1036 : vector<16xi1>, vector<16xf32>
    %swap3A_1038 = arith.constant 5 : i32
    %swap3A_1039 = arith.index_cast %swap3A_1038 : i32 to index
    %swap3A_1040 = arith.constant 16 : index
    %swap3A_1041 = tpu.vector_load %arg7[%swap3A_1039, %swap3A_1040] {strides = array<i32>} : memref<32x32xf32, #tpu.memory_space<vmem>>, vector<1x16xf32>,
    %swap3A_1042 = vector.shape_cast %swap3A_1041 : vector<1x16xf32> to vector<16xf32>
    %swap3A_1043 = vector.shape_cast %select_n3A_1037 : vector<16xf32> to vector<1x16xf32>
    tpu.vector_store %arg7[%swap3A_1039, %swap3A_1040], %swap3A_1043 {strides = array<i32>} : memref<32x32xf32, #tpu.memory_space<vmem>>, vector<1x16xf32>,
    %get3A_1044 = arith.constant 6 : i32
    %get3A_1045 = arith.index_cast %get3A_1044 : i32 to index
    %get3A_1046 = arith.constant 0 : index
    %get3A_1047 = tpu.vector_load %arg7[%get3A_1045, %get3A_1046] {strides = array<i32>} : memref<32x32xf32, #tpu.memory_space<vmem>>, vector<1x16xf32>,
    %get3A_1048 = vector.shape_cast %get3A_1047 : vector<1x16xf32> to vector<16xf32>
    %eq3A_1049 = vector.broadcast %squeeze3A_19 : i32 to vector<16xi32>
    %eq3A_1050 = arith.cmpi eq, %get3A_4, %eq3A_1049 : vector<16xi32>
    %sub3A_1051 = arith.constant 3.500000e-01 : f32
    %sub3A_1052 = vector.broadcast %sub3A_1051 : f32 to vector<16xf32>
    %sub3A_1053 = arith.subf %get3A_1048, %sub3A_1052 : vector<16xf32>
    %mul3A_1054 = arith.constant 6.400000e+01 : f32
    %mul3A_1055 = vector.broadcast %mul3A_1054 : f32 to vector<16xf32>
    %mul3A_1056 = arith.mulf %sub3A_1053, %mul3A_1055 : vector<16xf32>
    %mul3A_1057 = arith.constant 6.400000e+01 : f32
    %mul3A_1058 = vector.broadcast %mul3A_1057 : f32 to vector<16xf32>
    %mul3A_1059 = arith.mulf %get3A_1048, %mul3A_1058 : vector<16xf32>
    %select_n3A_1060 = arith.select %eq3A_1050, %mul3A_1056, %mul3A_1059 : vector<16xi1>, vector<16xf32>
    %swap3A_1061 = arith.constant 6 : i32
    %swap3A_1062 = arith.index_cast %swap3A_1061 : i32 to index
    %swap3A_1063 = arith.constant 0 : index
    %swap3A_1064 = tpu.vector_load %arg7[%swap3A_1062, %swap3A_1063] {strides = array<i32>} : memref<32x32xf32, #tpu.memory_space<vmem>>, vector<1x16xf32>,
    %swap3A_1065 = vector.shape_cast %swap3A_1064 : vector<1x16xf32> to vector<16xf32>
    %swap3A_1066 = vector.shape_cast %select_n3A_1060 : vector<16xf32> to vector<1x16xf32>
    tpu.vector_store %arg7[%swap3A_1062, %swap3A_1063], %swap3A_1066 {strides = array<i32>} : memref<32x32xf32, #tpu.memory_space<vmem>>, vector<1x16xf32>,
    %get3A_1067 = arith.constant 6 : i32
    %get3A_1068 = arith.index_cast %get3A_1067 : i32 to index
    %get3A_1069 = arith.constant 16 : index
    %get3A_1070 = tpu.vector_load %arg7[%get3A_1068, %get3A_1069] {strides = array<i32>} : memref<32x32xf32, #tpu.memory_space<vmem>>, vector<1x16xf32>,
    %get3A_1071 = vector.shape_cast %get3A_1070 : vector<1x16xf32> to vector<16xf32>
    %eq3A_1072 = vector.broadcast %squeeze3A_19 : i32 to vector<16xi32>
    %eq3A_1073 = arith.cmpi eq, %get3A_7, %eq3A_1072 : vector<16xi32>
    %sub3A_1074 = arith.constant 3.500000e-01 : f32
    %sub3A_1075 = vector.broadcast %sub3A_1074 : f32 to vector<16xf32>
    %sub3A_1076 = arith.subf %get3A_1071, %sub3A_1075 : vector<16xf32>
    %mul3A_1077 = arith.constant 6.400000e+01 : f32
    %mul3A_1078 = vector.broadcast %mul3A_1077 : f32 to vector<16xf32>
    %mul3A_1079 = arith.mulf %sub3A_1076, %mul3A_1078 : vector<16xf32>
    %mul3A_1080 = arith.constant 6.400000e+01 : f32
    %mul3A_1081 = vector.broadcast %mul3A_1080 : f32 to vector<16xf32>
    %mul3A_1082 = arith.mulf %get3A_1071, %mul3A_1081 : vector<16xf32>
    %select_n3A_1083 = arith.select %eq3A_1073, %mul3A_1079, %mul3A_1082 : vector<16xi1>, vector<16xf32>
    %swap3A_1084 = arith.constant 6 : i32
    %swap3A_1085 = arith.index_cast %swap3A_1084 : i32 to index
    %swap3A_1086 = arith.constant 16 : index
    %swap3A_1087 = tpu.vector_load %arg7[%swap3A_1085, %swap3A_1086] {strides = array<i32>} : memref<32x32xf32, #tpu.memory_space<vmem>>, vector<1x16xf32>,
    %swap3A_1088 = vector.shape_cast %swap3A_1087 : vector<1x16xf32> to vector<16xf32>
    %swap3A_1089 = vector.shape_cast %select_n3A_1083 : vector<16xf32> to vector<1x16xf32>
    tpu.vector_store %arg7[%swap3A_1085, %swap3A_1086], %swap3A_1089 {strides = array<i32>} : memref<32x32xf32, #tpu.memory_space<vmem>>, vector<1x16xf32>,
    %get3A_1090 = arith.constant 7 : i32
    %get3A_1091 = arith.index_cast %get3A_1090 : i32 to index
    %get3A_1092 = arith.constant 0 : index
    %get3A_1093 = tpu.vector_load %arg7[%get3A_1091, %get3A_1092] {strides = array<i32>} : memref<32x32xf32, #tpu.memory_space<vmem>>, vector<1x16xf32>,
    %get3A_1094 = vector.shape_cast %get3A_1093 : vector<1x16xf32> to vector<16xf32>
    %eq3A_1095 = vector.broadcast %squeeze3A_21 : i32 to vector<16xi32>
    %eq3A_1096 = arith.cmpi eq, %get3A_4, %eq3A_1095 : vector<16xi32>
    %sub3A_1097 = arith.constant 3.500000e-01 : f32
    %sub3A_1098 = vector.broadcast %sub3A_1097 : f32 to vector<16xf32>
    %sub3A_1099 = arith.subf %get3A_1094, %sub3A_1098 : vector<16xf32>
    %mul3A_1100 = arith.constant 6.400000e+01 : f32
    %mul3A_1101 = vector.broadcast %mul3A_1100 : f32 to vector<16xf32>
    %mul3A_1102 = arith.mulf %sub3A_1099, %mul3A_1101 : vector<16xf32>
    %mul3A_1103 = arith.constant 6.400000e+01 : f32
    %mul3A_1104 = vector.broadcast %mul3A_1103 : f32 to vector<16xf32>
    %mul3A_1105 = arith.mulf %get3A_1094, %mul3A_1104 : vector<16xf32>
    %select_n3A_1106 = arith.select %eq3A_1096, %mul3A_1102, %mul3A_1105 : vector<16xi1>, vector<16xf32>
    %swap3A_1107 = arith.constant 7 : i32
    %swap3A_1108 = arith.index_cast %swap3A_1107 : i32 to index
    %swap3A_1109 = arith.constant 0 : index
    %swap3A_1110 = tpu.vector_load %arg7[%swap3A_1108, %swap3A_1109] {strides = array<i32>} : memref<32x32xf32, #tpu.memory_space<vmem>>, vector<1x16xf32>,
    %swap3A_1111 = vector.shape_cast %swap3A_1110 : vector<1x16xf32> to vector<16xf32>
    %swap3A_1112 = vector.shape_cast %select_n3A_1106 : vector<16xf32> to vector<1x16xf32>
    tpu.vector_store %arg7[%swap3A_1108, %swap3A_1109], %swap3A_1112 {strides = array<i32>} : memref<32x32xf32, #tpu.memory_space<vmem>>, vector<1x16xf32>,
    %get3A_1113 = arith.constant 7 : i32
    %get3A_1114 = arith.index_cast %get3A_1113 : i32 to index
    %get3A_1115 = arith.constant 16 : index
    %get3A_1116 = tpu.vector_load %arg7[%get3A_1114, %get3A_1115] {strides = array<i32>} : memref<32x32xf32, #tpu.memory_space<vmem>>, vector<1x16xf32>,
    %get3A_1117 = vector.shape_cast %get3A_1116 : vector<1x16xf32> to vector<16xf32>
    %eq3A_1118 = vector.broadcast %squeeze3A_21 : i32 to vector<16xi32>
    %eq3A_1119 = arith.cmpi eq, %get3A_7, %eq3A_1118 : vector<16xi32>
    %sub3A_1120 = arith.constant 3.500000e-01 : f32
    %sub3A_1121 = vector.broadcast %sub3A_1120 : f32 to vector<16xf32>
    %sub3A_1122 = arith.subf %get3A_1117, %sub3A_1121 : vector<16xf32>
    %mul3A_1123 = arith.constant 6.400000e+01 : f32
    %mul3A_1124 = vector.broadcast %mul3A_1123 : f32 to vector<16xf32>
    %mul3A_1125 = arith.mulf %sub3A_1122, %mul3A_1124 : vector<16xf32>
    %mul3A_1126 = arith.constant 6.400000e+01 : f32
    %mul3A_1127 = vector.broadcast %mul3A_1126 : f32 to vector<16xf32>
    %mul3A_1128 = arith.mulf %get3A_1117, %mul3A_1127 : vector<16xf32>
    %select_n3A_1129 = arith.select %eq3A_1119, %mul3A_1125, %mul3A_1128 : vector<16xi1>, vector<16xf32>
    %swap3A_1130 = arith.constant 7 : i32
    %swap3A_1131 = arith.index_cast %swap3A_1130 : i32 to index
    %swap3A_1132 = arith.constant 16 : index
    %swap3A_1133 = tpu.vector_load %arg7[%swap3A_1131, %swap3A_1132] {strides = array<i32>} : memref<32x32xf32, #tpu.memory_space<vmem>>, vector<1x16xf32>,
    %swap3A_1134 = vector.shape_cast %swap3A_1133 : vector<1x16xf32> to vector<16xf32>
    %swap3A_1135 = vector.shape_cast %select_n3A_1129 : vector<16xf32> to vector<1x16xf32>
    tpu.vector_store %arg7[%swap3A_1131, %swap3A_1132], %swap3A_1135 {strides = array<i32>} : memref<32x32xf32, #tpu.memory_space<vmem>>, vector<1x16xf32>,
    %get3A_1136 = arith.constant 8 : i32
    %get3A_1137 = arith.index_cast %get3A_1136 : i32 to index
    %get3A_1138 = arith.constant 0 : index
    %get3A_1139 = tpu.vector_load %arg7[%get3A_1137, %get3A_1138] {strides = array<i32>} : memref<32x32xf32, #tpu.memory_space<vmem>>, vector<1x16xf32>,
    %get3A_1140 = vector.shape_cast %get3A_1139 : vector<1x16xf32> to vector<16xf32>
    %eq3A_1141 = vector.broadcast %squeeze3A_23 : i32 to vector<16xi32>
    %eq3A_1142 = arith.cmpi eq, %get3A_4, %eq3A_1141 : vector<16xi32>
    %sub3A_1143 = arith.constant 3.500000e-01 : f32
    %sub3A_1144 = vector.broadcast %sub3A_1143 : f32 to vector<16xf32>
    %sub3A_1145 = arith.subf %get3A_1140, %sub3A_1144 : vector<16xf32>
    %mul3A_1146 = arith.constant 6.400000e+01 : f32
    %mul3A_1147 = vector.broadcast %mul3A_1146 : f32 to vector<16xf32>
    %mul3A_1148 = arith.mulf %sub3A_1145, %mul3A_1147 : vector<16xf32>
    %mul3A_1149 = arith.constant 6.400000e+01 : f32
    %mul3A_1150 = vector.broadcast %mul3A_1149 : f32 to vector<16xf32>
    %mul3A_1151 = arith.mulf %get3A_1140, %mul3A_1150 : vector<16xf32>
    %select_n3A_1152 = arith.select %eq3A_1142, %mul3A_1148, %mul3A_1151 : vector<16xi1>, vector<16xf32>
    %swap3A_1153 = arith.constant 8 : i32
    %swap3A_1154 = arith.index_cast %swap3A_1153 : i32 to index
    %swap3A_1155 = arith.constant 0 : index
    %swap3A_1156 = tpu.vector_load %arg7[%swap3A_1154, %swap3A_1155] {strides = array<i32>} : memref<32x32xf32, #tpu.memory_space<vmem>>, vector<1x16xf32>,
    %swap3A_1157 = vector.shape_cast %swap3A_1156 : vector<1x16xf32> to vector<16xf32>
    %swap3A_1158 = vector.shape_cast %select_n3A_1152 : vector<16xf32> to vector<1x16xf32>
    tpu.vector_store %arg7[%swap3A_1154, %swap3A_1155], %swap3A_1158 {strides = array<i32>} : memref<32x32xf32, #tpu.memory_space<vmem>>, vector<1x16xf32>,
    %get3A_1159 = arith.constant 8 : i32
    %get3A_1160 = arith.index_cast %get3A_1159 : i32 to index
    %get3A_1161 = arith.constant 16 : index
    %get3A_1162 = tpu.vector_load %arg7[%get3A_1160, %get3A_1161] {strides = array<i32>} : memref<32x32xf32, #tpu.memory_space<vmem>>, vector<1x16xf32>,
    %get3A_1163 = vector.shape_cast %get3A_1162 : vector<1x16xf32> to vector<16xf32>
    %eq3A_1164 = vector.broadcast %squeeze3A_23 : i32 to vector<16xi32>
    %eq3A_1165 = arith.cmpi eq, %get3A_7, %eq3A_1164 : vector<16xi32>
    %sub3A_1166 = arith.constant 3.500000e-01 : f32
    %sub3A_1167 = vector.broadcast %sub3A_1166 : f32 to vector<16xf32>
    %sub3A_1168 = arith.subf %get3A_1163, %sub3A_1167 : vector<16xf32>
    %mul3A_1169 = arith.constant 6.400000e+01 : f32
    %mul3A_1170 = vector.broadcast %mul3A_1169 : f32 to vector<16xf32>
    %mul3A_1171 = arith.mulf %sub3A_1168, %mul3A_1170 : vector<16xf32>
    %mul3A_1172 = arith.constant 6.400000e+01 : f32
    %mul3A_1173 = vector.broadcast %mul3A_1172 : f32 to vector<16xf32>
    %mul3A_1174 = arith.mulf %get3A_1163, %mul3A_1173 : vector<16xf32>
    %select_n3A_1175 = arith.select %eq3A_1165, %mul3A_1171, %mul3A_1174 : vector<16xi1>, vector<16xf32>
    %swap3A_1176 = arith.constant 8 : i32
    %swap3A_1177 = arith.index_cast %swap3A_1176 : i32 to index
    %swap3A_1178 = arith.constant 16 : index
    %swap3A_1179 = tpu.vector_load %arg7[%swap3A_1177, %swap3A_1178] {strides = array<i32>} : memref<32x32xf32, #tpu.memory_space<vmem>>, vector<1x16xf32>,
    %swap3A_1180 = vector.shape_cast %swap3A_1179 : vector<1x16xf32> to vector<16xf32>
    %swap3A_1181 = vector.shape_cast %select_n3A_1175 : vector<16xf32> to vector<1x16xf32>
    tpu.vector_store %arg7[%swap3A_1177, %swap3A_1178], %swap3A_1181 {strides = array<i32>} : memref<32x32xf32, #tpu.memory_space<vmem>>, vector<1x16xf32>,
    %get3A_1182 = arith.constant 9 : i32
    %get3A_1183 = arith.index_cast %get3A_1182 : i32 to index
    %get3A_1184 = arith.constant 0 : index
    %get3A_1185 = tpu.vector_load %arg7[%get3A_1183, %get3A_1184] {strides = array<i32>} : memref<32x32xf32, #tpu.memory_space<vmem>>, vector<1x16xf32>,
    %get3A_1186 = vector.shape_cast %get3A_1185 : vector<1x16xf32> to vector<16xf32>
    %eq3A_1187 = vector.broadcast %squeeze3A_25 : i32 to vector<16xi32>
    %eq3A_1188 = arith.cmpi eq, %get3A_4, %eq3A_1187 : vector<16xi32>
    %sub3A_1189 = arith.constant 3.500000e-01 : f32
    %sub3A_1190 = vector.broadcast %sub3A_1189 : f32 to vector<16xf32>
    %sub3A_1191 = arith.subf %get3A_1186, %sub3A_1190 : vector<16xf32>
    %mul3A_1192 = arith.constant 6.400000e+01 : f32
    %mul3A_1193 = vector.broadcast %mul3A_1192 : f32 to vector<16xf32>
    %mul3A_1194 = arith.mulf %sub3A_1191, %mul3A_1193 : vector<16xf32>
    %mul3A_1195 = arith.constant 6.400000e+01 : f32
    %mul3A_1196 = vector.broadcast %mul3A_1195 : f32 to vector<16xf32>
    %mul3A_1197 = arith.mulf %get3A_1186, %mul3A_1196 : vector<16xf32>
    %select_n3A_1198 = arith.select %eq3A_1188, %mul3A_1194, %mul3A_1197 : vector<16xi1>, vector<16xf32>
    %swap3A_1199 = arith.constant 9 : i32
    %swap3A_1200 = arith.index_cast %swap3A_1199 : i32 to index
    %swap3A_1201 = arith.constant 0 : index
    %swap3A_1202 = tpu.vector_load %arg7[%swap3A_1200, %swap3A_1201] {strides = array<i32>} : memref<32x32xf32, #tpu.memory_space<vmem>>, vector<1x16xf32>,
    %swap3A_1203 = vector.shape_cast %swap3A_1202 : vector<1x16xf32> to vector<16xf32>
    %swap3A_1204 = vector.shape_cast %select_n3A_1198 : vector<16xf32> to vector<1x16xf32>
    tpu.vector_store %arg7[%swap3A_1200, %swap3A_1201], %swap3A_1204 {strides = array<i32>} : memref<32x32xf32, #tpu.memory_space<vmem>>, vector<1x16xf32>,
    %get3A_1205 = arith.constant 9 : i32
    %get3A_1206 = arith.index_cast %get3A_1205 : i32 to index
    %get3A_1207 = arith.constant 16 : index
    %get3A_1208 = tpu.vector_load %arg7[%get3A_1206, %get3A_1207] {strides = array<i32>} : memref<32x32xf32, #tpu.memory_space<vmem>>, vector<1x16xf32>,
    %get3A_1209 = vector.shape_cast %get3A_1208 : vector<1x16xf32> to vector<16xf32>
    %eq3A_1210 = vector.broadcast %squeeze3A_25 : i32 to vector<16xi32>
    %eq3A_1211 = arith.cmpi eq, %get3A_7, %eq3A_1210 : vector<16xi32>
    %sub3A_1212 = arith.constant 3.500000e-01 : f32
    %sub3A_1213 = vector.broadcast %sub3A_1212 : f32 to vector<16xf32>
    %sub3A_1214 = arith.subf %get3A_1209, %sub3A_1213 : vector<16xf32>
    %mul3A_1215 = arith.constant 6.400000e+01 : f32
    %mul3A_1216 = vector.broadcast %mul3A_1215 : f32 to vector<16xf32>
    %mul3A_1217 = arith.mulf %sub3A_1214, %mul3A_1216 : vector<16xf32>
    %mul3A_1218 = arith.constant 6.400000e+01 : f32
    %mul3A_1219 = vector.broadcast %mul3A_1218 : f32 to vector<16xf32>
    %mul3A_1220 = arith.mulf %get3A_1209, %mul3A_1219 : vector<16xf32>
    %select_n3A_1221 = arith.select %eq3A_1211, %mul3A_1217, %mul3A_1220 : vector<16xi1>, vector<16xf32>
    %swap3A_1222 = arith.constant 9 : i32
    %swap3A_1223 = arith.index_cast %swap3A_1222 : i32 to index
    %swap3A_1224 = arith.constant 16 : index
    %swap3A_1225 = tpu.vector_load %arg7[%swap3A_1223, %swap3A_1224] {strides = array<i32>} : memref<32x32xf32, #tpu.memory_space<vmem>>, vector<1x16xf32>,
    %swap3A_1226 = vector.shape_cast %swap3A_1225 : vector<1x16xf32> to vector<16xf32>
    %swap3A_1227 = vector.shape_cast %select_n3A_1221 : vector<16xf32> to vector<1x16xf32>
    tpu.vector_store %arg7[%swap3A_1223, %swap3A_1224], %swap3A_1227 {strides = array<i32>} : memref<32x32xf32, #tpu.memory_space<vmem>>, vector<1x16xf32>,
    %get3A_1228 = arith.constant 10 : i32
    %get3A_1229 = arith.index_cast %get3A_1228 : i32 to index
    %get3A_1230 = arith.constant 0 : index
    %get3A_1231 = tpu.vector_load %arg7[%get3A_1229, %get3A_1230] {strides = array<i32>} : memref<32x32xf32, #tpu.memory_space<vmem>>, vector<1x16xf32>,
    %get3A_1232 = vector.shape_cast %get3A_1231 : vector<1x16xf32> to vector<16xf32>
    %eq3A_1233 = vector.broadcast %squeeze3A_27 : i32 to vector<16xi32>
    %eq3A_1234 = arith.cmpi eq, %get3A_4, %eq3A_1233 : vector<16xi32>
    %sub3A_1235 = arith.constant 3.500000e-01 : f32
    %sub3A_1236 = vector.broadcast %sub3A_1235 : f32 to vector<16xf32>
    %sub3A_1237 = arith.subf %get3A_1232, %sub3A_1236 : vector<16xf32>
    %mul3A_1238 = arith.constant 6.400000e+01 : f32
    %mul3A_1239 = vector.broadcast %mul3A_1238 : f32 to vector<16xf32>
    %mul3A_1240 = arith.mulf %sub3A_1237, %mul3A_1239 : vector<16xf32>
    %mul3A_1241 = arith.constant 6.400000e+01 : f32
    %mul3A_1242 = vector.broadcast %mul3A_1241 : f32 to vector<16xf32>
    %mul3A_1243 = arith.mulf %get3A_1232, %mul3A_1242 : vector<16xf32>
    %select_n3A_1244 = arith.select %eq3A_1234, %mul3A_1240, %mul3A_1243 : vector<16xi1>, vector<16xf32>
    %swap3A_1245 = arith.constant 10 : i32
    %swap3A_1246 = arith.index_cast %swap3A_1245 : i32 to index
    %swap3A_1247 = arith.constant 0 : index
    %swap3A_1248 = tpu.vector_load %arg7[%swap3A_1246, %swap3A_1247] {strides = array<i32>} : memref<32x32xf32, #tpu.memory_space<vmem>>, vector<1x16xf32>,
    %swap3A_1249 = vector.shape_cast %swap3A_1248 : vector<1x16xf32> to vector<16xf32>
    %swap3A_1250 = vector.shape_cast %select_n3A_1244 : vector<16xf32> to vector<1x16xf32>
    tpu.vector_store %arg7[%swap3A_1246, %swap3A_1247], %swap3A_1250 {strides = array<i32>} : memref<32x32xf32, #tpu.memory_space<vmem>>, vector<1x16xf32>,
    %get3A_1251 = arith.constant 10 : i32
    %get3A_1252 = arith.index_cast %get3A_1251 : i32 to index
    %get3A_1253 = arith.constant 16 : index
    %get3A_1254 = tpu.vector_load %arg7[%get3A_1252, %get3A_1253] {strides = array<i32>} : memref<32x32xf32, #tpu.memory_space<vmem>>, vector<1x16xf32>,
    %get3A_1255 = vector.shape_cast %get3A_1254 : vector<1x16xf32> to vector<16xf32>
    %eq3A_1256 = vector.broadcast %squeeze3A_27 : i32 to vector<16xi32>
    %eq3A_1257 = arith.cmpi eq, %get3A_7, %eq3A_1256 : vector<16xi32>
    %sub3A_1258 = arith.constant 3.500000e-01 : f32
    %sub3A_1259 = vector.broadcast %sub3A_1258 : f32 to vector<16xf32>
    %sub3A_1260 = arith.subf %get3A_1255, %sub3A_1259 : vector<16xf32>
    %mul3A_1261 = arith.constant 6.400000e+01 : f32
    %mul3A_1262 = vector.broadcast %mul3A_1261 : f32 to vector<16xf32>
    %mul3A_1263 = arith.mulf %sub3A_1260, %mul3A_1262 : vector<16xf32>
    %mul3A_1264 = arith.constant 6.400000e+01 : f32
    %mul3A_1265 = vector.broadcast %mul3A_1264 : f32 to vector<16xf32>
    %mul3A_1266 = arith.mulf %get3A_1255, %mul3A_1265 : vector<16xf32>
    %select_n3A_1267 = arith.select %eq3A_1257, %mul3A_1263, %mul3A_1266 : vector<16xi1>, vector<16xf32>
    %swap3A_1268 = arith.constant 10 : i32
    %swap3A_1269 = arith.index_cast %swap3A_1268 : i32 to index
    %swap3A_1270 = arith.constant 16 : index
    %swap3A_1271 = tpu.vector_load %arg7[%swap3A_1269, %swap3A_1270] {strides = array<i32>} : memref<32x32xf32, #tpu.memory_space<vmem>>, vector<1x16xf32>,
    %swap3A_1272 = vector.shape_cast %swap3A_1271 : vector<1x16xf32> to vector<16xf32>
    %swap3A_1273 = vector.shape_cast %select_n3A_1267 : vector<16xf32> to vector<1x16xf32>
    tpu.vector_store %arg7[%swap3A_1269, %swap3A_1270], %swap3A_1273 {strides = array<i32>} : memref<32x32xf32, #tpu.memory_space<vmem>>, vector<1x16xf32>,
    %get3A_1274 = arith.constant 11 : i32
    %get3A_1275 = arith.index_cast %get3A_1274 : i32 to index
    %get3A_1276 = arith.constant 0 : index
    %get3A_1277 = tpu.vector_load %arg7[%get3A_1275, %get3A_1276] {strides = array<i32>} : memref<32x32xf32, #tpu.memory_space<vmem>>, vector<1x16xf32>,
    %get3A_1278 = vector.shape_cast %get3A_1277 : vector<1x16xf32> to vector<16xf32>
    %eq3A_1279 = vector.broadcast %squeeze3A_29 : i32 to vector<16xi32>
    %eq3A_1280 = arith.cmpi eq, %get3A_4, %eq3A_1279 : vector<16xi32>
    %sub3A_1281 = arith.constant 3.500000e-01 : f32
    %sub3A_1282 = vector.broadcast %sub3A_1281 : f32 to vector<16xf32>
    %sub3A_1283 = arith.subf %get3A_1278, %sub3A_1282 : vector<16xf32>
    %mul3A_1284 = arith.constant 6.400000e+01 : f32
    %mul3A_1285 = vector.broadcast %mul3A_1284 : f32 to vector<16xf32>
    %mul3A_1286 = arith.mulf %sub3A_1283, %mul3A_1285 : vector<16xf32>
    %mul3A_1287 = arith.constant 6.400000e+01 : f32
    %mul3A_1288 = vector.broadcast %mul3A_1287 : f32 to vector<16xf32>
    %mul3A_1289 = arith.mulf %get3A_1278, %mul3A_1288 : vector<16xf32>
    %select_n3A_1290 = arith.select %eq3A_1280, %mul3A_1286, %mul3A_1289 : vector<16xi1>, vector<16xf32>
    %swap3A_1291 = arith.constant 11 : i32
    %swap3A_1292 = arith.index_cast %swap3A_1291 : i32 to index
    %swap3A_1293 = arith.constant 0 : index
    %swap3A_1294 = tpu.vector_load %arg7[%swap3A_1292, %swap3A_1293] {strides = array<i32>} : memref<32x32xf32, #tpu.memory_space<vmem>>, vector<1x16xf32>,
    %swap3A_1295 = vector.shape_cast %swap3A_1294 : vector<1x16xf32> to vector<16xf32>
    %swap3A_1296 = vector.shape_cast %select_n3A_1290 : vector<16xf32> to vector<1x16xf32>
    tpu.vector_store %arg7[%swap3A_1292, %swap3A_1293], %swap3A_1296 {strides = array<i32>} : memref<32x32xf32, #tpu.memory_space<vmem>>, vector<1x16xf32>,
    %get3A_1297 = arith.constant 11 : i32
    %get3A_1298 = arith.index_cast %get3A_1297 : i32 to index
    %get3A_1299 = arith.constant 16 : index
    %get3A_1300 = tpu.vector_load %arg7[%get3A_1298, %get3A_1299] {strides = array<i32>} : memref<32x32xf32, #tpu.memory_space<vmem>>, vector<1x16xf32>,
    %get3A_1301 = vector.shape_cast %get3A_1300 : vector<1x16xf32> to vector<16xf32>
    %eq3A_1302 = vector.broadcast %squeeze3A_29 : i32 to vector<16xi32>
    %eq3A_1303 = arith.cmpi eq, %get3A_7, %eq3A_1302 : vector<16xi32>
    %sub3A_1304 = arith.constant 3.500000e-01 : f32
    %sub3A_1305 = vector.broadcast %sub3A_1304 : f32 to vector<16xf32>
    %sub3A_1306 = arith.subf %get3A_1301, %sub3A_1305 : vector<16xf32>
    %mul3A_1307 = arith.constant 6.400000e+01 : f32
    %mul3A_1308 = vector.broadcast %mul3A_1307 : f32 to vector<16xf32>
    %mul3A_1309 = arith.mulf %sub3A_1306, %mul3A_1308 : vector<16xf32>
    %mul3A_1310 = arith.constant 6.400000e+01 : f32
    %mul3A_1311 = vector.broadcast %mul3A_1310 : f32 to vector<16xf32>
    %mul3A_1312 = arith.mulf %get3A_1301, %mul3A_1311 : vector<16xf32>
    %select_n3A_1313 = arith.select %eq3A_1303, %mul3A_1309, %mul3A_1312 : vector<16xi1>, vector<16xf32>
    %swap3A_1314 = arith.constant 11 : i32
    %swap3A_1315 = arith.index_cast %swap3A_1314 : i32 to index
    %swap3A_1316 = arith.constant 16 : index
    %swap3A_1317 = tpu.vector_load %arg7[%swap3A_1315, %swap3A_1316] {strides = array<i32>} : memref<32x32xf32, #tpu.memory_space<vmem>>, vector<1x16xf32>,
    %swap3A_1318 = vector.shape_cast %swap3A_1317 : vector<1x16xf32> to vector<16xf32>
    %swap3A_1319 = vector.shape_cast %select_n3A_1313 : vector<16xf32> to vector<1x16xf32>
    tpu.vector_store %arg7[%swap3A_1315, %swap3A_1316], %swap3A_1319 {strides = array<i32>} : memref<32x32xf32, #tpu.memory_space<vmem>>, vector<1x16xf32>,
    %get3A_1320 = arith.constant 12 : i32
    %get3A_1321 = arith.index_cast %get3A_1320 : i32 to index
    %get3A_1322 = arith.constant 0 : index
    %get3A_1323 = tpu.vector_load %arg7[%get3A_1321, %get3A_1322] {strides = array<i32>} : memref<32x32xf32, #tpu.memory_space<vmem>>, vector<1x16xf32>,
    %get3A_1324 = vector.shape_cast %get3A_1323 : vector<1x16xf32> to vector<16xf32>
    %eq3A_1325 = vector.broadcast %squeeze3A_31 : i32 to vector<16xi32>
    %eq3A_1326 = arith.cmpi eq, %get3A_4, %eq3A_1325 : vector<16xi32>
    %sub3A_1327 = arith.constant 3.500000e-01 : f32
    %sub3A_1328 = vector.broadcast %sub3A_1327 : f32 to vector<16xf32>
    %sub3A_1329 = arith.subf %get3A_1324, %sub3A_1328 : vector<16xf32>
    %mul3A_1330 = arith.constant 6.400000e+01 : f32
    %mul3A_1331 = vector.broadcast %mul3A_1330 : f32 to vector<16xf32>
    %mul3A_1332 = arith.mulf %sub3A_1329, %mul3A_1331 : vector<16xf32>
    %mul3A_1333 = arith.constant 6.400000e+01 : f32
    %mul3A_1334 = vector.broadcast %mul3A_1333 : f32 to vector<16xf32>
    %mul3A_1335 = arith.mulf %get3A_1324, %mul3A_1334 : vector<16xf32>
    %select_n3A_1336 = arith.select %eq3A_1326, %mul3A_1332, %mul3A_1335 : vector<16xi1>, vector<16xf32>
    %swap3A_1337 = arith.constant 12 : i32
    %swap3A_1338 = arith.index_cast %swap3A_1337 : i32 to index
    %swap3A_1339 = arith.constant 0 : index
    %swap3A_1340 = tpu.vector_load %arg7[%swap3A_1338, %swap3A_1339] {strides = array<i32>} : memref<32x32xf32, #tpu.memory_space<vmem>>, vector<1x16xf32>,
    %swap3A_1341 = vector.shape_cast %swap3A_1340 : vector<1x16xf32> to vector<16xf32>
    %swap3A_1342 = vector.shape_cast %select_n3A_1336 : vector<16xf32> to vector<1x16xf32>
    tpu.vector_store %arg7[%swap3A_1338, %swap3A_1339], %swap3A_1342 {strides = array<i32>} : memref<32x32xf32, #tpu.memory_space<vmem>>, vector<1x16xf32>,
    %get3A_1343 = arith.constant 12 : i32
    %get3A_1344 = arith.index_cast %get3A_1343 : i32 to index
    %get3A_1345 = arith.constant 16 : index
    %get3A_1346 = tpu.vector_load %arg7[%get3A_1344, %get3A_1345] {strides = array<i32>} : memref<32x32xf32, #tpu.memory_space<vmem>>, vector<1x16xf32>,
    %get3A_1347 = vector.shape_cast %get3A_1346 : vector<1x16xf32> to vector<16xf32>
    %eq3A_1348 = vector.broadcast %squeeze3A_31 : i32 to vector<16xi32>
    %eq3A_1349 = arith.cmpi eq, %get3A_7, %eq3A_1348 : vector<16xi32>
    %sub3A_1350 = arith.constant 3.500000e-01 : f32
    %sub3A_1351 = vector.broadcast %sub3A_1350 : f32 to vector<16xf32>
    %sub3A_1352 = arith.subf %get3A_1347, %sub3A_1351 : vector<16xf32>
    %mul3A_1353 = arith.constant 6.400000e+01 : f32
    %mul3A_1354 = vector.broadcast %mul3A_1353 : f32 to vector<16xf32>
    %mul3A_1355 = arith.mulf %sub3A_1352, %mul3A_1354 : vector<16xf32>
    %mul3A_1356 = arith.constant 6.400000e+01 : f32
    %mul3A_1357 = vector.broadcast %mul3A_1356 : f32 to vector<16xf32>
    %mul3A_1358 = arith.mulf %get3A_1347, %mul3A_1357 : vector<16xf32>
    %select_n3A_1359 = arith.select %eq3A_1349, %mul3A_1355, %mul3A_1358 : vector<16xi1>, vector<16xf32>
    %swap3A_1360 = arith.constant 12 : i32
    %swap3A_1361 = arith.index_cast %swap3A_1360 : i32 to index
    %swap3A_1362 = arith.constant 16 : index
    %swap3A_1363 = tpu.vector_load %arg7[%swap3A_1361, %swap3A_1362] {strides = array<i32>} : memref<32x32xf32, #tpu.memory_space<vmem>>, vector<1x16xf32>,
    %swap3A_1364 = vector.shape_cast %swap3A_1363 : vector<1x16xf32> to vector<16xf32>
    %swap3A_1365 = vector.shape_cast %select_n3A_1359 : vector<16xf32> to vector<1x16xf32>
    tpu.vector_store %arg7[%swap3A_1361, %swap3A_1362], %swap3A_1365 {strides = array<i32>} : memref<32x32xf32, #tpu.memory_space<vmem>>, vector<1x16xf32>,
    %get3A_1366 = arith.constant 13 : i32
    %get3A_1367 = arith.index_cast %get3A_1366 : i32 to index
    %get3A_1368 = arith.constant 0 : index
    %get3A_1369 = tpu.vector_load %arg7[%get3A_1367, %get3A_1368] {strides = array<i32>} : memref<32x32xf32, #tpu.memory_space<vmem>>, vector<1x16xf32>,
    %get3A_1370 = vector.shape_cast %get3A_1369 : vector<1x16xf32> to vector<16xf32>
    %eq3A_1371 = vector.broadcast %squeeze3A_33 : i32 to vector<16xi32>
    %eq3A_1372 = arith.cmpi eq, %get3A_4, %eq3A_1371 : vector<16xi32>
    %sub3A_1373 = arith.constant 3.500000e-01 : f32
    %sub3A_1374 = vector.broadcast %sub3A_1373 : f32 to vector<16xf32>
    %sub3A_1375 = arith.subf %get3A_1370, %sub3A_1374 : vector<16xf32>
    %mul3A_1376 = arith.constant 6.400000e+01 : f32
    %mul3A_1377 = vector.broadcast %mul3A_1376 : f32 to vector<16xf32>
    %mul3A_1378 = arith.mulf %sub3A_1375, %mul3A_1377 : vector<16xf32>
    %mul3A_1379 = arith.constant 6.400000e+01 : f32
    %mul3A_1380 = vector.broadcast %mul3A_1379 : f32 to vector<16xf32>
    %mul3A_1381 = arith.mulf %get3A_1370, %mul3A_1380 : vector<16xf32>
    %select_n3A_1382 = arith.select %eq3A_1372, %mul3A_1378, %mul3A_1381 : vector<16xi1>, vector<16xf32>
    %swap3A_1383 = arith.constant 13 : i32
    %swap3A_1384 = arith.index_cast %swap3A_1383 : i32 to index
    %swap3A_1385 = arith.constant 0 : index
    %swap3A_1386 = tpu.vector_load %arg7[%swap3A_1384, %swap3A_1385] {strides = array<i32>} : memref<32x32xf32, #tpu.memory_space<vmem>>, vector<1x16xf32>,
    %swap3A_1387 = vector.shape_cast %swap3A_1386 : vector<1x16xf32> to vector<16xf32>
    %swap3A_1388 = vector.shape_cast %select_n3A_1382 : vector<16xf32> to vector<1x16xf32>
    tpu.vector_store %arg7[%swap3A_1384, %swap3A_1385], %swap3A_1388 {strides = array<i32>} : memref<32x32xf32, #tpu.memory_space<vmem>>, vector<1x16xf32>,
    %get3A_1389 = arith.constant 13 : i32
    %get3A_1390 = arith.index_cast %get3A_1389 : i32 to index
    %get3A_1391 = arith.constant 16 : index
    %get3A_1392 = tpu.vector_load %arg7[%get3A_1390, %get3A_1391] {strides = array<i32>} : memref<32x32xf32, #tpu.memory_space<vmem>>, vector<1x16xf32>,
    %get3A_1393 = vector.shape_cast %get3A_1392 : vector<1x16xf32> to vector<16xf32>
    %eq3A_1394 = vector.broadcast %squeeze3A_33 : i32 to vector<16xi32>
    %eq3A_1395 = arith.cmpi eq, %get3A_7, %eq3A_1394 : vector<16xi32>
    %sub3A_1396 = arith.constant 3.500000e-01 : f32
    %sub3A_1397 = vector.broadcast %sub3A_1396 : f32 to vector<16xf32>
    %sub3A_1398 = arith.subf %get3A_1393, %sub3A_1397 : vector<16xf32>
    %mul3A_1399 = arith.constant 6.400000e+01 : f32
    %mul3A_1400 = vector.broadcast %mul3A_1399 : f32 to vector<16xf32>
    %mul3A_1401 = arith.mulf %sub3A_1398, %mul3A_1400 : vector<16xf32>
    %mul3A_1402 = arith.constant 6.400000e+01 : f32
    %mul3A_1403 = vector.broadcast %mul3A_1402 : f32 to vector<16xf32>
    %mul3A_1404 = arith.mulf %get3A_1393, %mul3A_1403 : vector<16xf32>
    %select_n3A_1405 = arith.select %eq3A_1395, %mul3A_1401, %mul3A_1404 : vector<16xi1>, vector<16xf32>
    %swap3A_1406 = arith.constant 13 : i32
    %swap3A_1407 = arith.index_cast %swap3A_1406 : i32 to index
    %swap3A_1408 = arith.constant 16 : index
    %swap3A_1409 = tpu.vector_load %arg7[%swap3A_1407, %swap3A_1408] {strides = array<i32>} : memref<32x32xf32, #tpu.memory_space<vmem>>, vector<1x16xf32>,
    %swap3A_1410 = vector.shape_cast %swap3A_1409 : vector<1x16xf32> to vector<16xf32>
    %swap3A_1411 = vector.shape_cast %select_n3A_1405 : vector<16xf32> to vector<1x16xf32>
    tpu.vector_store %arg7[%swap3A_1407, %swap3A_1408], %swap3A_1411 {strides = array<i32>} : memref<32x32xf32, #tpu.memory_space<vmem>>, vector<1x16xf32>,
    %get3A_1412 = arith.constant 14 : i32
    %get3A_1413 = arith.index_cast %get3A_1412 : i32 to index
    %get3A_1414 = arith.constant 0 : index
    %get3A_1415 = tpu.vector_load %arg7[%get3A_1413, %get3A_1414] {strides = array<i32>} : memref<32x32xf32, #tpu.memory_space<vmem>>, vector<1x16xf32>,
    %get3A_1416 = vector.shape_cast %get3A_1415 : vector<1x16xf32> to vector<16xf32>
    %eq3A_1417 = vector.broadcast %squeeze3A_35 : i32 to vector<16xi32>
    %eq3A_1418 = arith.cmpi eq, %get3A_4, %eq3A_1417 : vector<16xi32>
    %sub3A_1419 = arith.constant 3.500000e-01 : f32
    %sub3A_1420 = vector.broadcast %sub3A_1419 : f32 to vector<16xf32>
    %sub3A_1421 = arith.subf %get3A_1416, %sub3A_1420 : vector<16xf32>
    %mul3A_1422 = arith.constant 6.400000e+01 : f32
    %mul3A_1423 = vector.broadcast %mul3A_1422 : f32 to vector<16xf32>
    %mul3A_1424 = arith.mulf %sub3A_1421, %mul3A_1423 : vector<16xf32>
    %mul3A_1425 = arith.constant 6.400000e+01 : f32
    %mul3A_1426 = vector.broadcast %mul3A_1425 : f32 to vector<16xf32>
    %mul3A_1427 = arith.mulf %get3A_1416, %mul3A_1426 : vector<16xf32>
    %select_n3A_1428 = arith.select %eq3A_1418, %mul3A_1424, %mul3A_1427 : vector<16xi1>, vector<16xf32>
    %swap3A_1429 = arith.constant 14 : i32
    %swap3A_1430 = arith.index_cast %swap3A_1429 : i32 to index
    %swap3A_1431 = arith.constant 0 : index
    %swap3A_1432 = tpu.vector_load %arg7[%swap3A_1430, %swap3A_1431] {strides = array<i32>} : memref<32x32xf32, #tpu.memory_space<vmem>>, vector<1x16xf32>,
    %swap3A_1433 = vector.shape_cast %swap3A_1432 : vector<1x16xf32> to vector<16xf32>
    %swap3A_1434 = vector.shape_cast %select_n3A_1428 : vector<16xf32> to vector<1x16xf32>
    tpu.vector_store %arg7[%swap3A_1430, %swap3A_1431], %swap3A_1434 {strides = array<i32>} : memref<32x32xf32, #tpu.memory_space<vmem>>, vector<1x16xf32>,
    %get3A_1435 = arith.constant 14 : i32
    %get3A_1436 = arith.index_cast %get3A_1435 : i32 to index
    %get3A_1437 = arith.constant 16 : index
    %get3A_1438 = tpu.vector_load %arg7[%get3A_1436, %get3A_1437] {strides = array<i32>} : memref<32x32xf32, #tpu.memory_space<vmem>>, vector<1x16xf32>,
    %get3A_1439 = vector.shape_cast %get3A_1438 : vector<1x16xf32> to vector<16xf32>
    %eq3A_1440 = vector.broadcast %squeeze3A_35 : i32 to vector<16xi32>
    %eq3A_1441 = arith.cmpi eq, %get3A_7, %eq3A_1440 : vector<16xi32>
    %sub3A_1442 = arith.constant 3.500000e-01 : f32
    %sub3A_1443 = vector.broadcast %sub3A_1442 : f32 to vector<16xf32>
    %sub3A_1444 = arith.subf %get3A_1439, %sub3A_1443 : vector<16xf32>
    %mul3A_1445 = arith.constant 6.400000e+01 : f32
    %mul3A_1446 = vector.broadcast %mul3A_1445 : f32 to vector<16xf32>
    %mul3A_1447 = arith.mulf %sub3A_1444, %mul3A_1446 : vector<16xf32>
    %mul3A_1448 = arith.constant 6.400000e+01 : f32
    %mul3A_1449 = vector.broadcast %mul3A_1448 : f32 to vector<16xf32>
    %mul3A_1450 = arith.mulf %get3A_1439, %mul3A_1449 : vector<16xf32>
    %select_n3A_1451 = arith.select %eq3A_1441, %mul3A_1447, %mul3A_1450 : vector<16xi1>, vector<16xf32>
    %swap3A_1452 = arith.constant 14 : i32
    %swap3A_1453 = arith.index_cast %swap3A_1452 : i32 to index
    %swap3A_1454 = arith.constant 16 : index
    %swap3A_1455 = tpu.vector_load %arg7[%swap3A_1453, %swap3A_1454] {strides = array<i32>} : memref<32x32xf32, #tpu.memory_space<vmem>>, vector<1x16xf32>,
    %swap3A_1456 = vector.shape_cast %swap3A_1455 : vector<1x16xf32> to vector<16xf32>
    %swap3A_1457 = vector.shape_cast %select_n3A_1451 : vector<16xf32> to vector<1x16xf32>
    tpu.vector_store %arg7[%swap3A_1453, %swap3A_1454], %swap3A_1457 {strides = array<i32>} : memref<32x32xf32, #tpu.memory_space<vmem>>, vector<1x16xf32>,
    %get3A_1458 = arith.constant 15 : i32
    %get3A_1459 = arith.index_cast %get3A_1458 : i32 to index
    %get3A_1460 = arith.constant 0 : index
    %get3A_1461 = tpu.vector_load %arg7[%get3A_1459, %get3A_1460] {strides = array<i32>} : memref<32x32xf32, #tpu.memory_space<vmem>>, vector<1x16xf32>,
    %get3A_1462 = vector.shape_cast %get3A_1461 : vector<1x16xf32> to vector<16xf32>
    %eq3A_1463 = vector.broadcast %squeeze3A_37 : i32 to vector<16xi32>
    %eq3A_1464 = arith.cmpi eq, %get3A_4, %eq3A_1463 : vector<16xi32>
    %sub3A_1465 = arith.constant 3.500000e-01 : f32
    %sub3A_1466 = vector.broadcast %sub3A_1465 : f32 to vector<16xf32>
    %sub3A_1467 = arith.subf %get3A_1462, %sub3A_1466 : vector<16xf32>
    %mul3A_1468 = arith.constant 6.400000e+01 : f32
    %mul3A_1469 = vector.broadcast %mul3A_1468 : f32 to vector<16xf32>
    %mul3A_1470 = arith.mulf %sub3A_1467, %mul3A_1469 : vector<16xf32>
    %mul3A_1471 = arith.constant 6.400000e+01 : f32
    %mul3A_1472 = vector.broadcast %mul3A_1471 : f32 to vector<16xf32>
    %mul3A_1473 = arith.mulf %get3A_1462, %mul3A_1472 : vector<16xf32>
    %select_n3A_1474 = arith.select %eq3A_1464, %mul3A_1470, %mul3A_1473 : vector<16xi1>, vector<16xf32>
    %swap3A_1475 = arith.constant 15 : i32
    %swap3A_1476 = arith.index_cast %swap3A_1475 : i32 to index
    %swap3A_1477 = arith.constant 0 : index
    %swap3A_1478 = tpu.vector_load %arg7[%swap3A_1476, %swap3A_1477] {strides = array<i32>} : memref<32x32xf32, #tpu.memory_space<vmem>>, vector<1x16xf32>,
    %swap3A_1479 = vector.shape_cast %swap3A_1478 : vector<1x16xf32> to vector<16xf32>
    %swap3A_1480 = vector.shape_cast %select_n3A_1474 : vector<16xf32> to vector<1x16xf32>
    tpu.vector_store %arg7[%swap3A_1476, %swap3A_1477], %swap3A_1480 {strides = array<i32>} : memref<32x32xf32, #tpu.memory_space<vmem>>, vector<1x16xf32>,
    %get3A_1481 = arith.constant 15 : i32
    %get3A_1482 = arith.index_cast %get3A_1481 : i32 to index
    %get3A_1483 = arith.constant 16 : index
    %get3A_1484 = tpu.vector_load %arg7[%get3A_1482, %get3A_1483] {strides = array<i32>} : memref<32x32xf32, #tpu.memory_space<vmem>>, vector<1x16xf32>,
    %get3A_1485 = vector.shape_cast %get3A_1484 : vector<1x16xf32> to vector<16xf32>
    %eq3A_1486 = vector.broadcast %squeeze3A_37 : i32 to vector<16xi32>
    %eq3A_1487 = arith.cmpi eq, %get3A_7, %eq3A_1486 : vector<16xi32>
    %sub3A_1488 = arith.constant 3.500000e-01 : f32
    %sub3A_1489 = vector.broadcast %sub3A_1488 : f32 to vector<16xf32>
    %sub3A_1490 = arith.subf %get3A_1485, %sub3A_1489 : vector<16xf32>
    %mul3A_1491 = arith.constant 6.400000e+01 : f32
    %mul3A_1492 = vector.broadcast %mul3A_1491 : f32 to vector<16xf32>
    %mul3A_1493 = arith.mulf %sub3A_1490, %mul3A_1492 : vector<16xf32>
    %mul3A_1494 = arith.constant 6.400000e+01 : f32
    %mul3A_1495 = vector.broadcast %mul3A_1494 : f32 to vector<16xf32>
    %mul3A_1496 = arith.mulf %get3A_1485, %mul3A_1495 : vector<16xf32>
    %select_n3A_1497 = arith.select %eq3A_1487, %mul3A_1493, %mul3A_1496 : vector<16xi1>, vector<16xf32>
    %swap3A_1498 = arith.constant 15 : i32
    %swap3A_1499 = arith.index_cast %swap3A_1498 : i32 to index
    %swap3A_1500 = arith.constant 16 : index
    %swap3A_1501 = tpu.vector_load %arg7[%swap3A_1499, %swap3A_1500] {strides = array<i32>} : memref<32x32xf32, #tpu.memory_space<vmem>>, vector<1x16xf32>,
    %swap3A_1502 = vector.shape_cast %swap3A_1501 : vector<1x16xf32> to vector<16xf32>
    %swap3A_1503 = vector.shape_cast %select_n3A_1497 : vector<16xf32> to vector<1x16xf32>
    tpu.vector_store %arg7[%swap3A_1499, %swap3A_1500], %swap3A_1503 {strides = array<i32>} : memref<32x32xf32, #tpu.memory_space<vmem>>, vector<1x16xf32>,
    %get3A_1504 = arith.constant 16 : i32
    %get3A_1505 = arith.index_cast %get3A_1504 : i32 to index
    %get3A_1506 = arith.constant 0 : index
    %get3A_1507 = tpu.vector_load %arg7[%get3A_1505, %get3A_1506] {strides = array<i32>} : memref<32x32xf32, #tpu.memory_space<vmem>>, vector<1x16xf32>,
    %get3A_1508 = vector.shape_cast %get3A_1507 : vector<1x16xf32> to vector<16xf32>
    %eq3A_1509 = vector.broadcast %squeeze3A_39 : i32 to vector<16xi32>
    %eq3A_1510 = arith.cmpi eq, %get3A_4, %eq3A_1509 : vector<16xi32>
    %sub3A_1511 = arith.constant 3.500000e-01 : f32
    %sub3A_1512 = vector.broadcast %sub3A_1511 : f32 to vector<16xf32>
    %sub3A_1513 = arith.subf %get3A_1508, %sub3A_1512 : vector<16xf32>
    %mul3A_1514 = arith.constant 6.400000e+01 : f32
    %mul3A_1515 = vector.broadcast %mul3A_1514 : f32 to vector<16xf32>
    %mul3A_1516 = arith.mulf %sub3A_1513, %mul3A_1515 : vector<16xf32>
    %mul3A_1517 = arith.constant 6.400000e+01 : f32
    %mul3A_1518 = vector.broadcast %mul3A_1517 : f32 to vector<16xf32>
    %mul3A_1519 = arith.mulf %get3A_1508, %mul3A_1518 : vector<16xf32>
    %select_n3A_1520 = arith.select %eq3A_1510, %mul3A_1516, %mul3A_1519 : vector<16xi1>, vector<16xf32>
    %swap3A_1521 = arith.constant 16 : i32
    %swap3A_1522 = arith.index_cast %swap3A_1521 : i32 to index
    %swap3A_1523 = arith.constant 0 : index
    %swap3A_1524 = tpu.vector_load %arg7[%swap3A_1522, %swap3A_1523] {strides = array<i32>} : memref<32x32xf32, #tpu.memory_space<vmem>>, vector<1x16xf32>,
    %swap3A_1525 = vector.shape_cast %swap3A_1524 : vector<1x16xf32> to vector<16xf32>
    %swap3A_1526 = vector.shape_cast %select_n3A_1520 : vector<16xf32> to vector<1x16xf32>
    tpu.vector_store %arg7[%swap3A_1522, %swap3A_1523], %swap3A_1526 {strides = array<i32>} : memref<32x32xf32, #tpu.memory_space<vmem>>, vector<1x16xf32>,
    %get3A_1527 = arith.constant 16 : i32
    %get3A_1528 = arith.index_cast %get3A_1527 : i32 to index
    %get3A_1529 = arith.constant 16 : index
    %get3A_1530 = tpu.vector_load %arg7[%get3A_1528, %get3A_1529] {strides = array<i32>} : memref<32x32xf32, #tpu.memory_space<vmem>>, vector<1x16xf32>,
    %get3A_1531 = vector.shape_cast %get3A_1530 : vector<1x16xf32> to vector<16xf32>
    %eq3A_1532 = vector.broadcast %squeeze3A_39 : i32 to vector<16xi32>
    %eq3A_1533 = arith.cmpi eq, %get3A_7, %eq3A_1532 : vector<16xi32>
    %sub3A_1534 = arith.constant 3.500000e-01 : f32
    %sub3A_1535 = vector.broadcast %sub3A_1534 : f32 to vector<16xf32>
    %sub3A_1536 = arith.subf %get3A_1531, %sub3A_1535 : vector<16xf32>
    %mul3A_1537 = arith.constant 6.400000e+01 : f32
    %mul3A_1538 = vector.broadcast %mul3A_1537 : f32 to vector<16xf32>
    %mul3A_1539 = arith.mulf %sub3A_1536, %mul3A_1538 : vector<16xf32>
    %mul3A_1540 = arith.constant 6.400000e+01 : f32
    %mul3A_1541 = vector.broadcast %mul3A_1540 : f32 to vector<16xf32>
    %mul3A_1542 = arith.mulf %get3A_1531, %mul3A_1541 : vector<16xf32>
    %select_n3A_1543 = arith.select %eq3A_1533, %mul3A_1539, %mul3A_1542 : vector<16xi1>, vector<16xf32>
    %swap3A_1544 = arith.constant 16 : i32
    %swap3A_1545 = arith.index_cast %swap3A_1544 : i32 to index
    %swap3A_1546 = arith.constant 16 : index
    %swap3A_1547 = tpu.vector_load %arg7[%swap3A_1545, %swap3A_1546] {strides = array<i32>} : memref<32x32xf32, #tpu.memory_space<vmem>>, vector<1x16xf32>,
    %swap3A_1548 = vector.shape_cast %swap3A_1547 : vector<1x16xf32> to vector<16xf32>
    %swap3A_1549 = vector.shape_cast %select_n3A_1543 : vector<16xf32> to vector<1x16xf32>
    tpu.vector_store %arg7[%swap3A_1545, %swap3A_1546], %swap3A_1549 {strides = array<i32>} : memref<32x32xf32, #tpu.memory_space<vmem>>, vector<1x16xf32>,
    %get3A_1550 = arith.constant 17 : i32
    %get3A_1551 = arith.index_cast %get3A_1550 : i32 to index
    %get3A_1552 = arith.constant 0 : index
    %get3A_1553 = tpu.vector_load %arg7[%get3A_1551, %get3A_1552] {strides = array<i32>} : memref<32x32xf32, #tpu.memory_space<vmem>>, vector<1x16xf32>,
    %get3A_1554 = vector.shape_cast %get3A_1553 : vector<1x16xf32> to vector<16xf32>
    %eq3A_1555 = vector.broadcast %squeeze3A_41 : i32 to vector<16xi32>
    %eq3A_1556 = arith.cmpi eq, %get3A_4, %eq3A_1555 : vector<16xi32>
    %sub3A_1557 = arith.constant 3.500000e-01 : f32
    %sub3A_1558 = vector.broadcast %sub3A_1557 : f32 to vector<16xf32>
    %sub3A_1559 = arith.subf %get3A_1554, %sub3A_1558 : vector<16xf32>
    %mul3A_1560 = arith.constant 6.400000e+01 : f32
    %mul3A_1561 = vector.broadcast %mul3A_1560 : f32 to vector<16xf32>
    %mul3A_1562 = arith.mulf %sub3A_1559, %mul3A_1561 : vector<16xf32>
    %mul3A_1563 = arith.constant 6.400000e+01 : f32
    %mul3A_1564 = vector.broadcast %mul3A_1563 : f32 to vector<16xf32>
    %mul3A_1565 = arith.mulf %get3A_1554, %mul3A_1564 : vector<16xf32>
    %select_n3A_1566 = arith.select %eq3A_1556, %mul3A_1562, %mul3A_1565 : vector<16xi1>, vector<16xf32>
    %swap3A_1567 = arith.constant 17 : i32
    %swap3A_1568 = arith.index_cast %swap3A_1567 : i32 to index
    %swap3A_1569 = arith.constant 0 : index
    %swap3A_1570 = tpu.vector_load %arg7[%swap3A_1568, %swap3A_1569] {strides = array<i32>} : memref<32x32xf32, #tpu.memory_space<vmem>>, vector<1x16xf32>,
    %swap3A_1571 = vector.shape_cast %swap3A_1570 : vector<1x16xf32> to vector<16xf32>
    %swap3A_1572 = vector.shape_cast %select_n3A_1566 : vector<16xf32> to vector<1x16xf32>
    tpu.vector_store %arg7[%swap3A_1568, %swap3A_1569], %swap3A_1572 {strides = array<i32>} : memref<32x32xf32, #tpu.memory_space<vmem>>, vector<1x16xf32>,
    %get3A_1573 = arith.constant 17 : i32
    %get3A_1574 = arith.index_cast %get3A_1573 : i32 to index
    %get3A_1575 = arith.constant 16 : index
    %get3A_1576 = tpu.vector_load %arg7[%get3A_1574, %get3A_1575] {strides = array<i32>} : memref<32x32xf32, #tpu.memory_space<vmem>>, vector<1x16xf32>,
    %get3A_1577 = vector.shape_cast %get3A_1576 : vector<1x16xf32> to vector<16xf32>
    %eq3A_1578 = vector.broadcast %squeeze3A_41 : i32 to vector<16xi32>
    %eq3A_1579 = arith.cmpi eq, %get3A_7, %eq3A_1578 : vector<16xi32>
    %sub3A_1580 = arith.constant 3.500000e-01 : f32
    %sub3A_1581 = vector.broadcast %sub3A_1580 : f32 to vector<16xf32>
    %sub3A_1582 = arith.subf %get3A_1577, %sub3A_1581 : vector<16xf32>
    %mul3A_1583 = arith.constant 6.400000e+01 : f32
    %mul3A_1584 = vector.broadcast %mul3A_1583 : f32 to vector<16xf32>
    %mul3A_1585 = arith.mulf %sub3A_1582, %mul3A_1584 : vector<16xf32>
    %mul3A_1586 = arith.constant 6.400000e+01 : f32
    %mul3A_1587 = vector.broadcast %mul3A_1586 : f32 to vector<16xf32>
    %mul3A_1588 = arith.mulf %get3A_1577, %mul3A_1587 : vector<16xf32>
    %select_n3A_1589 = arith.select %eq3A_1579, %mul3A_1585, %mul3A_1588 : vector<16xi1>, vector<16xf32>
    %swap3A_1590 = arith.constant 17 : i32
    %swap3A_1591 = arith.index_cast %swap3A_1590 : i32 to index
    %swap3A_1592 = arith.constant 16 : index
    %swap3A_1593 = tpu.vector_load %arg7[%swap3A_1591, %swap3A_1592] {strides = array<i32>} : memref<32x32xf32, #tpu.memory_space<vmem>>, vector<1x16xf32>,
    %swap3A_1594 = vector.shape_cast %swap3A_1593 : vector<1x16xf32> to vector<16xf32>
    %swap3A_1595 = vector.shape_cast %select_n3A_1589 : vector<16xf32> to vector<1x16xf32>
    tpu.vector_store %arg7[%swap3A_1591, %swap3A_1592], %swap3A_1595 {strides = array<i32>} : memref<32x32xf32, #tpu.memory_space<vmem>>, vector<1x16xf32>,
    %get3A_1596 = arith.constant 18 : i32
    %get3A_1597 = arith.index_cast %get3A_1596 : i32 to index
    %get3A_1598 = arith.constant 0 : index
    %get3A_1599 = tpu.vector_load %arg7[%get3A_1597, %get3A_1598] {strides = array<i32>} : memref<32x32xf32, #tpu.memory_space<vmem>>, vector<1x16xf32>,
    %get3A_1600 = vector.shape_cast %get3A_1599 : vector<1x16xf32> to vector<16xf32>
    %eq3A_1601 = vector.broadcast %squeeze3A_43 : i32 to vector<16xi32>
    %eq3A_1602 = arith.cmpi eq, %get3A_4, %eq3A_1601 : vector<16xi32>
    %sub3A_1603 = arith.constant 3.500000e-01 : f32
    %sub3A_1604 = vector.broadcast %sub3A_1603 : f32 to vector<16xf32>
    %sub3A_1605 = arith.subf %get3A_1600, %sub3A_1604 : vector<16xf32>
    %mul3A_1606 = arith.constant 6.400000e+01 : f32
    %mul3A_1607 = vector.broadcast %mul3A_1606 : f32 to vector<16xf32>
    %mul3A_1608 = arith.mulf %sub3A_1605, %mul3A_1607 : vector<16xf32>
    %mul3A_1609 = arith.constant 6.400000e+01 : f32
    %mul3A_1610 = vector.broadcast %mul3A_1609 : f32 to vector<16xf32>
    %mul3A_1611 = arith.mulf %get3A_1600, %mul3A_1610 : vector<16xf32>
    %select_n3A_1612 = arith.select %eq3A_1602, %mul3A_1608, %mul3A_1611 : vector<16xi1>, vector<16xf32>
    %swap3A_1613 = arith.constant 18 : i32
    %swap3A_1614 = arith.index_cast %swap3A_1613 : i32 to index
    %swap3A_1615 = arith.constant 0 : index
    %swap3A_1616 = tpu.vector_load %arg7[%swap3A_1614, %swap3A_1615] {strides = array<i32>} : memref<32x32xf32, #tpu.memory_space<vmem>>, vector<1x16xf32>,
    %swap3A_1617 = vector.shape_cast %swap3A_1616 : vector<1x16xf32> to vector<16xf32>
    %swap3A_1618 = vector.shape_cast %select_n3A_1612 : vector<16xf32> to vector<1x16xf32>
    tpu.vector_store %arg7[%swap3A_1614, %swap3A_1615], %swap3A_1618 {strides = array<i32>} : memref<32x32xf32, #tpu.memory_space<vmem>>, vector<1x16xf32>,
    %get3A_1619 = arith.constant 18 : i32
    %get3A_1620 = arith.index_cast %get3A_1619 : i32 to index
    %get3A_1621 = arith.constant 16 : index
    %get3A_1622 = tpu.vector_load %arg7[%get3A_1620, %get3A_1621] {strides = array<i32>} : memref<32x32xf32, #tpu.memory_space<vmem>>, vector<1x16xf32>,
    %get3A_1623 = vector.shape_cast %get3A_1622 : vector<1x16xf32> to vector<16xf32>
    %eq3A_1624 = vector.broadcast %squeeze3A_43 : i32 to vector<16xi32>
    %eq3A_1625 = arith.cmpi eq, %get3A_7, %eq3A_1624 : vector<16xi32>
    %sub3A_1626 = arith.constant 3.500000e-01 : f32
    %sub3A_1627 = vector.broadcast %sub3A_1626 : f32 to vector<16xf32>
    %sub3A_1628 = arith.subf %get3A_1623, %sub3A_1627 : vector<16xf32>
    %mul3A_1629 = arith.constant 6.400000e+01 : f32
    %mul3A_1630 = vector.broadcast %mul3A_1629 : f32 to vector<16xf32>
    %mul3A_1631 = arith.mulf %sub3A_1628, %mul3A_1630 : vector<16xf32>
    %mul3A_1632 = arith.constant 6.400000e+01 : f32
    %mul3A_1633 = vector.broadcast %mul3A_1632 : f32 to vector<16xf32>
    %mul3A_1634 = arith.mulf %get3A_1623, %mul3A_1633 : vector<16xf32>
    %select_n3A_1635 = arith.select %eq3A_1625, %mul3A_1631, %mul3A_1634 : vector<16xi1>, vector<16xf32>
    %swap3A_1636 = arith.constant 18 : i32
    %swap3A_1637 = arith.index_cast %swap3A_1636 : i32 to index
    %swap3A_1638 = arith.constant 16 : index
    %swap3A_1639 = tpu.vector_load %arg7[%swap3A_1637, %swap3A_1638] {strides = array<i32>} : memref<32x32xf32, #tpu.memory_space<vmem>>, vector<1x16xf32>,
    %swap3A_1640 = vector.shape_cast %swap3A_1639 : vector<1x16xf32> to vector<16xf32>
    %swap3A_1641 = vector.shape_cast %select_n3A_1635 : vector<16xf32> to vector<1x16xf32>
    tpu.vector_store %arg7[%swap3A_1637, %swap3A_1638], %swap3A_1641 {strides = array<i32>} : memref<32x32xf32, #tpu.memory_space<vmem>>, vector<1x16xf32>,
    %get3A_1642 = arith.constant 19 : i32
    %get3A_1643 = arith.index_cast %get3A_1642 : i32 to index
    %get3A_1644 = arith.constant 0 : index
    %get3A_1645 = tpu.vector_load %arg7[%get3A_1643, %get3A_1644] {strides = array<i32>} : memref<32x32xf32, #tpu.memory_space<vmem>>, vector<1x16xf32>,
    %get3A_1646 = vector.shape_cast %get3A_1645 : vector<1x16xf32> to vector<16xf32>
    %eq3A_1647 = vector.broadcast %squeeze3A_45 : i32 to vector<16xi32>
    %eq3A_1648 = arith.cmpi eq, %get3A_4, %eq3A_1647 : vector<16xi32>
    %sub3A_1649 = arith.constant 3.500000e-01 : f32
    %sub3A_1650 = vector.broadcast %sub3A_1649 : f32 to vector<16xf32>
    %sub3A_1651 = arith.subf %get3A_1646, %sub3A_1650 : vector<16xf32>
    %mul3A_1652 = arith.constant 6.400000e+01 : f32
    %mul3A_1653 = vector.broadcast %mul3A_1652 : f32 to vector<16xf32>
    %mul3A_1654 = arith.mulf %sub3A_1651, %mul3A_1653 : vector<16xf32>
    %mul3A_1655 = arith.constant 6.400000e+01 : f32
    %mul3A_1656 = vector.broadcast %mul3A_1655 : f32 to vector<16xf32>
    %mul3A_1657 = arith.mulf %get3A_1646, %mul3A_1656 : vector<16xf32>
    %select_n3A_1658 = arith.select %eq3A_1648, %mul3A_1654, %mul3A_1657 : vector<16xi1>, vector<16xf32>
    %swap3A_1659 = arith.constant 19 : i32
    %swap3A_1660 = arith.index_cast %swap3A_1659 : i32 to index
    %swap3A_1661 = arith.constant 0 : index
    %swap3A_1662 = tpu.vector_load %arg7[%swap3A_1660, %swap3A_1661] {strides = array<i32>} : memref<32x32xf32, #tpu.memory_space<vmem>>, vector<1x16xf32>,
    %swap3A_1663 = vector.shape_cast %swap3A_1662 : vector<1x16xf32> to vector<16xf32>
    %swap3A_1664 = vector.shape_cast %select_n3A_1658 : vector<16xf32> to vector<1x16xf32>
    tpu.vector_store %arg7[%swap3A_1660, %swap3A_1661], %swap3A_1664 {strides = array<i32>} : memref<32x32xf32, #tpu.memory_space<vmem>>, vector<1x16xf32>,
    %get3A_1665 = arith.constant 19 : i32
    %get3A_1666 = arith.index_cast %get3A_1665 : i32 to index
    %get3A_1667 = arith.constant 16 : index
    %get3A_1668 = tpu.vector_load %arg7[%get3A_1666, %get3A_1667] {strides = array<i32>} : memref<32x32xf32, #tpu.memory_space<vmem>>, vector<1x16xf32>,
    %get3A_1669 = vector.shape_cast %get3A_1668 : vector<1x16xf32> to vector<16xf32>
    %eq3A_1670 = vector.broadcast %squeeze3A_45 : i32 to vector<16xi32>
    %eq3A_1671 = arith.cmpi eq, %get3A_7, %eq3A_1670 : vector<16xi32>
    %sub3A_1672 = arith.constant 3.500000e-01 : f32
    %sub3A_1673 = vector.broadcast %sub3A_1672 : f32 to vector<16xf32>
    %sub3A_1674 = arith.subf %get3A_1669, %sub3A_1673 : vector<16xf32>
    %mul3A_1675 = arith.constant 6.400000e+01 : f32
    %mul3A_1676 = vector.broadcast %mul3A_1675 : f32 to vector<16xf32>
    %mul3A_1677 = arith.mulf %sub3A_1674, %mul3A_1676 : vector<16xf32>
    %mul3A_1678 = arith.constant 6.400000e+01 : f32
    %mul3A_1679 = vector.broadcast %mul3A_1678 : f32 to vector<16xf32>
    %mul3A_1680 = arith.mulf %get3A_1669, %mul3A_1679 : vector<16xf32>
    %select_n3A_1681 = arith.select %eq3A_1671, %mul3A_1677, %mul3A_1680 : vector<16xi1>, vector<16xf32>
    %swap3A_1682 = arith.constant 19 : i32
    %swap3A_1683 = arith.index_cast %swap3A_1682 : i32 to index
    %swap3A_1684 = arith.constant 16 : index
    %swap3A_1685 = tpu.vector_load %arg7[%swap3A_1683, %swap3A_1684] {strides = array<i32>} : memref<32x32xf32, #tpu.memory_space<vmem>>, vector<1x16xf32>,
    %swap3A_1686 = vector.shape_cast %swap3A_1685 : vector<1x16xf32> to vector<16xf32>
    %swap3A_1687 = vector.shape_cast %select_n3A_1681 : vector<16xf32> to vector<1x16xf32>
    tpu.vector_store %arg7[%swap3A_1683, %swap3A_1684], %swap3A_1687 {strides = array<i32>} : memref<32x32xf32, #tpu.memory_space<vmem>>, vector<1x16xf32>,
    %get3A_1688 = arith.constant 20 : i32
    %get3A_1689 = arith.index_cast %get3A_1688 : i32 to index
    %get3A_1690 = arith.constant 0 : index
    %get3A_1691 = tpu.vector_load %arg7[%get3A_1689, %get3A_1690] {strides = array<i32>} : memref<32x32xf32, #tpu.memory_space<vmem>>, vector<1x16xf32>,
    %get3A_1692 = vector.shape_cast %get3A_1691 : vector<1x16xf32> to vector<16xf32>
    %eq3A_1693 = vector.broadcast %squeeze3A_47 : i32 to vector<16xi32>
    %eq3A_1694 = arith.cmpi eq, %get3A_4, %eq3A_1693 : vector<16xi32>
    %sub3A_1695 = arith.constant 3.500000e-01 : f32
    %sub3A_1696 = vector.broadcast %sub3A_1695 : f32 to vector<16xf32>
    %sub3A_1697 = arith.subf %get3A_1692, %sub3A_1696 : vector<16xf32>
    %mul3A_1698 = arith.constant 6.400000e+01 : f32
    %mul3A_1699 = vector.broadcast %mul3A_1698 : f32 to vector<16xf32>
    %mul3A_1700 = arith.mulf %sub3A_1697, %mul3A_1699 : vector<16xf32>
    %mul3A_1701 = arith.constant 6.400000e+01 : f32
    %mul3A_1702 = vector.broadcast %mul3A_1701 : f32 to vector<16xf32>
    %mul3A_1703 = arith.mulf %get3A_1692, %mul3A_1702 : vector<16xf32>
    %select_n3A_1704 = arith.select %eq3A_1694, %mul3A_1700, %mul3A_1703 : vector<16xi1>, vector<16xf32>
    %swap3A_1705 = arith.constant 20 : i32
    %swap3A_1706 = arith.index_cast %swap3A_1705 : i32 to index
    %swap3A_1707 = arith.constant 0 : index
    %swap3A_1708 = tpu.vector_load %arg7[%swap3A_1706, %swap3A_1707] {strides = array<i32>} : memref<32x32xf32, #tpu.memory_space<vmem>>, vector<1x16xf32>,
    %swap3A_1709 = vector.shape_cast %swap3A_1708 : vector<1x16xf32> to vector<16xf32>
    %swap3A_1710 = vector.shape_cast %select_n3A_1704 : vector<16xf32> to vector<1x16xf32>
    tpu.vector_store %arg7[%swap3A_1706, %swap3A_1707], %swap3A_1710 {strides = array<i32>} : memref<32x32xf32, #tpu.memory_space<vmem>>, vector<1x16xf32>,
    %get3A_1711 = arith.constant 20 : i32
    %get3A_1712 = arith.index_cast %get3A_1711 : i32 to index
    %get3A_1713 = arith.constant 16 : index
    %get3A_1714 = tpu.vector_load %arg7[%get3A_1712, %get3A_1713] {strides = array<i32>} : memref<32x32xf32, #tpu.memory_space<vmem>>, vector<1x16xf32>,
    %get3A_1715 = vector.shape_cast %get3A_1714 : vector<1x16xf32> to vector<16xf32>
    %eq3A_1716 = vector.broadcast %squeeze3A_47 : i32 to vector<16xi32>
    %eq3A_1717 = arith.cmpi eq, %get3A_7, %eq3A_1716 : vector<16xi32>
    %sub3A_1718 = arith.constant 3.500000e-01 : f32
    %sub3A_1719 = vector.broadcast %sub3A_1718 : f32 to vector<16xf32>
    %sub3A_1720 = arith.subf %get3A_1715, %sub3A_1719 : vector<16xf32>
    %mul3A_1721 = arith.constant 6.400000e+01 : f32
    %mul3A_1722 = vector.broadcast %mul3A_1721 : f32 to vector<16xf32>
    %mul3A_1723 = arith.mulf %sub3A_1720, %mul3A_1722 : vector<16xf32>
    %mul3A_1724 = arith.constant 6.400000e+01 : f32
    %mul3A_1725 = vector.broadcast %mul3A_1724 : f32 to vector<16xf32>
    %mul3A_1726 = arith.mulf %get3A_1715, %mul3A_1725 : vector<16xf32>
    %select_n3A_1727 = arith.select %eq3A_1717, %mul3A_1723, %mul3A_1726 : vector<16xi1>, vector<16xf32>
    %swap3A_1728 = arith.constant 20 : i32
    %swap3A_1729 = arith.index_cast %swap3A_1728 : i32 to index
    %swap3A_1730 = arith.constant 16 : index
    %swap3A_1731 = tpu.vector_load %arg7[%swap3A_1729, %swap3A_1730] {strides = array<i32>} : memref<32x32xf32, #tpu.memory_space<vmem>>, vector<1x16xf32>,
    %swap3A_1732 = vector.shape_cast %swap3A_1731 : vector<1x16xf32> to vector<16xf32>
    %swap3A_1733 = vector.shape_cast %select_n3A_1727 : vector<16xf32> to vector<1x16xf32>
    tpu.vector_store %arg7[%swap3A_1729, %swap3A_1730], %swap3A_1733 {strides = array<i32>} : memref<32x32xf32, #tpu.memory_space<vmem>>, vector<1x16xf32>,
    %get3A_1734 = arith.constant 21 : i32
    %get3A_1735 = arith.index_cast %get3A_1734 : i32 to index
    %get3A_1736 = arith.constant 0 : index
    %get3A_1737 = tpu.vector_load %arg7[%get3A_1735, %get3A_1736] {strides = array<i32>} : memref<32x32xf32, #tpu.memory_space<vmem>>, vector<1x16xf32>,
    %get3A_1738 = vector.shape_cast %get3A_1737 : vector<1x16xf32> to vector<16xf32>
    %eq3A_1739 = vector.broadcast %squeeze3A_49 : i32 to vector<16xi32>
    %eq3A_1740 = arith.cmpi eq, %get3A_4, %eq3A_1739 : vector<16xi32>
    %sub3A_1741 = arith.constant 3.500000e-01 : f32
    %sub3A_1742 = vector.broadcast %sub3A_1741 : f32 to vector<16xf32>
    %sub3A_1743 = arith.subf %get3A_1738, %sub3A_1742 : vector<16xf32>
    %mul3A_1744 = arith.constant 6.400000e+01 : f32
    %mul3A_1745 = vector.broadcast %mul3A_1744 : f32 to vector<16xf32>
    %mul3A_1746 = arith.mulf %sub3A_1743, %mul3A_1745 : vector<16xf32>
    %mul3A_1747 = arith.constant 6.400000e+01 : f32
    %mul3A_1748 = vector.broadcast %mul3A_1747 : f32 to vector<16xf32>
    %mul3A_1749 = arith.mulf %get3A_1738, %mul3A_1748 : vector<16xf32>
    %select_n3A_1750 = arith.select %eq3A_1740, %mul3A_1746, %mul3A_1749 : vector<16xi1>, vector<16xf32>
    %swap3A_1751 = arith.constant 21 : i32
    %swap3A_1752 = arith.index_cast %swap3A_1751 : i32 to index
    %swap3A_1753 = arith.constant 0 : index
    %swap3A_1754 = tpu.vector_load %arg7[%swap3A_1752, %swap3A_1753] {strides = array<i32>} : memref<32x32xf32, #tpu.memory_space<vmem>>, vector<1x16xf32>,
    %swap3A_1755 = vector.shape_cast %swap3A_1754 : vector<1x16xf32> to vector<16xf32>
    %swap3A_1756 = vector.shape_cast %select_n3A_1750 : vector<16xf32> to vector<1x16xf32>
    tpu.vector_store %arg7[%swap3A_1752, %swap3A_1753], %swap3A_1756 {strides = array<i32>} : memref<32x32xf32, #tpu.memory_space<vmem>>, vector<1x16xf32>,
    %get3A_1757 = arith.constant 21 : i32
    %get3A_1758 = arith.index_cast %get3A_1757 : i32 to index
    %get3A_1759 = arith.constant 16 : index
    %get3A_1760 = tpu.vector_load %arg7[%get3A_1758, %get3A_1759] {strides = array<i32>} : memref<32x32xf32, #tpu.memory_space<vmem>>, vector<1x16xf32>,
    %get3A_1761 = vector.shape_cast %get3A_1760 : vector<1x16xf32> to vector<16xf32>
    %eq3A_1762 = vector.broadcast %squeeze3A_49 : i32 to vector<16xi32>
    %eq3A_1763 = arith.cmpi eq, %get3A_7, %eq3A_1762 : vector<16xi32>
    %sub3A_1764 = arith.constant 3.500000e-01 : f32
    %sub3A_1765 = vector.broadcast %sub3A_1764 : f32 to vector<16xf32>
    %sub3A_1766 = arith.subf %get3A_1761, %sub3A_1765 : vector<16xf32>
    %mul3A_1767 = arith.constant 6.400000e+01 : f32
    %mul3A_1768 = vector.broadcast %mul3A_1767 : f32 to vector<16xf32>
    %mul3A_1769 = arith.mulf %sub3A_1766, %mul3A_1768 : vector<16xf32>
    %mul3A_1770 = arith.constant 6.400000e+01 : f32
    %mul3A_1771 = vector.broadcast %mul3A_1770 : f32 to vector<16xf32>
    %mul3A_1772 = arith.mulf %get3A_1761, %mul3A_1771 : vector<16xf32>
    %select_n3A_1773 = arith.select %eq3A_1763, %mul3A_1769, %mul3A_1772 : vector<16xi1>, vector<16xf32>
    %swap3A_1774 = arith.constant 21 : i32
    %swap3A_1775 = arith.index_cast %swap3A_1774 : i32 to index
    %swap3A_1776 = arith.constant 16 : index
    %swap3A_1777 = tpu.vector_load %arg7[%swap3A_1775, %swap3A_1776] {strides = array<i32>} : memref<32x32xf32, #tpu.memory_space<vmem>>, vector<1x16xf32>,
    %swap3A_1778 = vector.shape_cast %swap3A_1777 : vector<1x16xf32> to vector<16xf32>
    %swap3A_1779 = vector.shape_cast %select_n3A_1773 : vector<16xf32> to vector<1x16xf32>
    tpu.vector_store %arg7[%swap3A_1775, %swap3A_1776], %swap3A_1779 {strides = array<i32>} : memref<32x32xf32, #tpu.memory_space<vmem>>, vector<1x16xf32>,
    %get3A_1780 = arith.constant 22 : i32
    %get3A_1781 = arith.index_cast %get3A_1780 : i32 to index
    %get3A_1782 = arith.constant 0 : index
    %get3A_1783 = tpu.vector_load %arg7[%get3A_1781, %get3A_1782] {strides = array<i32>} : memref<32x32xf32, #tpu.memory_space<vmem>>, vector<1x16xf32>,
    %get3A_1784 = vector.shape_cast %get3A_1783 : vector<1x16xf32> to vector<16xf32>
    %eq3A_1785 = vector.broadcast %squeeze3A_51 : i32 to vector<16xi32>
    %eq3A_1786 = arith.cmpi eq, %get3A_4, %eq3A_1785 : vector<16xi32>
    %sub3A_1787 = arith.constant 3.500000e-01 : f32
    %sub3A_1788 = vector.broadcast %sub3A_1787 : f32 to vector<16xf32>
    %sub3A_1789 = arith.subf %get3A_1784, %sub3A_1788 : vector<16xf32>
    %mul3A_1790 = arith.constant 6.400000e+01 : f32
    %mul3A_1791 = vector.broadcast %mul3A_1790 : f32 to vector<16xf32>
    %mul3A_1792 = arith.mulf %sub3A_1789, %mul3A_1791 : vector<16xf32>
    %mul3A_1793 = arith.constant 6.400000e+01 : f32
    %mul3A_1794 = vector.broadcast %mul3A_1793 : f32 to vector<16xf32>
    %mul3A_1795 = arith.mulf %get3A_1784, %mul3A_1794 : vector<16xf32>
    %select_n3A_1796 = arith.select %eq3A_1786, %mul3A_1792, %mul3A_1795 : vector<16xi1>, vector<16xf32>
    %swap3A_1797 = arith.constant 22 : i32
    %swap3A_1798 = arith.index_cast %swap3A_1797 : i32 to index
    %swap3A_1799 = arith.constant 0 : index
    %swap3A_1800 = tpu.vector_load %arg7[%swap3A_1798, %swap3A_1799] {strides = array<i32>} : memref<32x32xf32, #tpu.memory_space<vmem>>, vector<1x16xf32>,
    %swap3A_1801 = vector.shape_cast %swap3A_1800 : vector<1x16xf32> to vector<16xf32>
    %swap3A_1802 = vector.shape_cast %select_n3A_1796 : vector<16xf32> to vector<1x16xf32>
    tpu.vector_store %arg7[%swap3A_1798, %swap3A_1799], %swap3A_1802 {strides = array<i32>} : memref<32x32xf32, #tpu.memory_space<vmem>>, vector<1x16xf32>,
    %get3A_1803 = arith.constant 22 : i32
    %get3A_1804 = arith.index_cast %get3A_1803 : i32 to index
    %get3A_1805 = arith.constant 16 : index
    %get3A_1806 = tpu.vector_load %arg7[%get3A_1804, %get3A_1805] {strides = array<i32>} : memref<32x32xf32, #tpu.memory_space<vmem>>, vector<1x16xf32>,
    %get3A_1807 = vector.shape_cast %get3A_1806 : vector<1x16xf32> to vector<16xf32>
    %eq3A_1808 = vector.broadcast %squeeze3A_51 : i32 to vector<16xi32>
    %eq3A_1809 = arith.cmpi eq, %get3A_7, %eq3A_1808 : vector<16xi32>
    %sub3A_1810 = arith.constant 3.500000e-01 : f32
    %sub3A_1811 = vector.broadcast %sub3A_1810 : f32 to vector<16xf32>
    %sub3A_1812 = arith.subf %get3A_1807, %sub3A_1811 : vector<16xf32>
    %mul3A_1813 = arith.constant 6.400000e+01 : f32
    %mul3A_1814 = vector.broadcast %mul3A_1813 : f32 to vector<16xf32>
    %mul3A_1815 = arith.mulf %sub3A_1812, %mul3A_1814 : vector<16xf32>
    %mul3A_1816 = arith.constant 6.400000e+01 : f32
    %mul3A_1817 = vector.broadcast %mul3A_1816 : f32 to vector<16xf32>
    %mul3A_1818 = arith.mulf %get3A_1807, %mul3A_1817 : vector<16xf32>
    %select_n3A_1819 = arith.select %eq3A_1809, %mul3A_1815, %mul3A_1818 : vector<16xi1>, vector<16xf32>
    %swap3A_1820 = arith.constant 22 : i32
    %swap3A_1821 = arith.index_cast %swap3A_1820 : i32 to index
    %swap3A_1822 = arith.constant 16 : index
    %swap3A_1823 = tpu.vector_load %arg7[%swap3A_1821, %swap3A_1822] {strides = array<i32>} : memref<32x32xf32, #tpu.memory_space<vmem>>, vector<1x16xf32>,
    %swap3A_1824 = vector.shape_cast %swap3A_1823 : vector<1x16xf32> to vector<16xf32>
    %swap3A_1825 = vector.shape_cast %select_n3A_1819 : vector<16xf32> to vector<1x16xf32>
    tpu.vector_store %arg7[%swap3A_1821, %swap3A_1822], %swap3A_1825 {strides = array<i32>} : memref<32x32xf32, #tpu.memory_space<vmem>>, vector<1x16xf32>,
    %get3A_1826 = arith.constant 23 : i32
    %get3A_1827 = arith.index_cast %get3A_1826 : i32 to index
    %get3A_1828 = arith.constant 0 : index
    %get3A_1829 = tpu.vector_load %arg7[%get3A_1827, %get3A_1828] {strides = array<i32>} : memref<32x32xf32, #tpu.memory_space<vmem>>, vector<1x16xf32>,
    %get3A_1830 = vector.shape_cast %get3A_1829 : vector<1x16xf32> to vector<16xf32>
    %eq3A_1831 = vector.broadcast %squeeze3A_53 : i32 to vector<16xi32>
    %eq3A_1832 = arith.cmpi eq, %get3A_4, %eq3A_1831 : vector<16xi32>
    %sub3A_1833 = arith.constant 3.500000e-01 : f32
    %sub3A_1834 = vector.broadcast %sub3A_1833 : f32 to vector<16xf32>
    %sub3A_1835 = arith.subf %get3A_1830, %sub3A_1834 : vector<16xf32>
    %mul3A_1836 = arith.constant 6.400000e+01 : f32
    %mul3A_1837 = vector.broadcast %mul3A_1836 : f32 to vector<16xf32>
    %mul3A_1838 = arith.mulf %sub3A_1835, %mul3A_1837 : vector<16xf32>
    %mul3A_1839 = arith.constant 6.400000e+01 : f32
    %mul3A_1840 = vector.broadcast %mul3A_1839 : f32 to vector<16xf32>
    %mul3A_1841 = arith.mulf %get3A_1830, %mul3A_1840 : vector<16xf32>
    %select_n3A_1842 = arith.select %eq3A_1832, %mul3A_1838, %mul3A_1841 : vector<16xi1>, vector<16xf32>
    %swap3A_1843 = arith.constant 23 : i32
    %swap3A_1844 = arith.index_cast %swap3A_1843 : i32 to index
    %swap3A_1845 = arith.constant 0 : index
    %swap3A_1846 = tpu.vector_load %arg7[%swap3A_1844, %swap3A_1845] {strides = array<i32>} : memref<32x32xf32, #tpu.memory_space<vmem>>, vector<1x16xf32>,
    %swap3A_1847 = vector.shape_cast %swap3A_1846 : vector<1x16xf32> to vector<16xf32>
    %swap3A_1848 = vector.shape_cast %select_n3A_1842 : vector<16xf32> to vector<1x16xf32>
    tpu.vector_store %arg7[%swap3A_1844, %swap3A_1845], %swap3A_1848 {strides = array<i32>} : memref<32x32xf32, #tpu.memory_space<vmem>>, vector<1x16xf32>,
    %get3A_1849 = arith.constant 23 : i32
    %get3A_1850 = arith.index_cast %get3A_1849 : i32 to index
    %get3A_1851 = arith.constant 16 : index
    %get3A_1852 = tpu.vector_load %arg7[%get3A_1850, %get3A_1851] {strides = array<i32>} : memref<32x32xf32, #tpu.memory_space<vmem>>, vector<1x16xf32>,
    %get3A_1853 = vector.shape_cast %get3A_1852 : vector<1x16xf32> to vector<16xf32>
    %eq3A_1854 = vector.broadcast %squeeze3A_53 : i32 to vector<16xi32>
    %eq3A_1855 = arith.cmpi eq, %get3A_7, %eq3A_1854 : vector<16xi32>
    %sub3A_1856 = arith.constant 3.500000e-01 : f32
    %sub3A_1857 = vector.broadcast %sub3A_1856 : f32 to vector<16xf32>
    %sub3A_1858 = arith.subf %get3A_1853, %sub3A_1857 : vector<16xf32>
    %mul3A_1859 = arith.constant 6.400000e+01 : f32
    %mul3A_1860 = vector.broadcast %mul3A_1859 : f32 to vector<16xf32>
    %mul3A_1861 = arith.mulf %sub3A_1858, %mul3A_1860 : vector<16xf32>
    %mul3A_1862 = arith.constant 6.400000e+01 : f32
    %mul3A_1863 = vector.broadcast %mul3A_1862 : f32 to vector<16xf32>
    %mul3A_1864 = arith.mulf %get3A_1853, %mul3A_1863 : vector<16xf32>
    %select_n3A_1865 = arith.select %eq3A_1855, %mul3A_1861, %mul3A_1864 : vector<16xi1>, vector<16xf32>
    %swap3A_1866 = arith.constant 23 : i32
    %swap3A_1867 = arith.index_cast %swap3A_1866 : i32 to index
    %swap3A_1868 = arith.constant 16 : index
    %swap3A_1869 = tpu.vector_load %arg7[%swap3A_1867, %swap3A_1868] {strides = array<i32>} : memref<32x32xf32, #tpu.memory_space<vmem>>, vector<1x16xf32>,
    %swap3A_1870 = vector.shape_cast %swap3A_1869 : vector<1x16xf32> to vector<16xf32>
    %swap3A_1871 = vector.shape_cast %select_n3A_1865 : vector<16xf32> to vector<1x16xf32>
    tpu.vector_store %arg7[%swap3A_1867, %swap3A_1868], %swap3A_1871 {strides = array<i32>} : memref<32x32xf32, #tpu.memory_space<vmem>>, vector<1x16xf32>,
    %get3A_1872 = arith.constant 24 : i32
    %get3A_1873 = arith.index_cast %get3A_1872 : i32 to index
    %get3A_1874 = arith.constant 0 : index
    %get3A_1875 = tpu.vector_load %arg7[%get3A_1873, %get3A_1874] {strides = array<i32>} : memref<32x32xf32, #tpu.memory_space<vmem>>, vector<1x16xf32>,
    %get3A_1876 = vector.shape_cast %get3A_1875 : vector<1x16xf32> to vector<16xf32>
    %eq3A_1877 = vector.broadcast %squeeze3A_55 : i32 to vector<16xi32>
    %eq3A_1878 = arith.cmpi eq, %get3A_4, %eq3A_1877 : vector<16xi32>
    %sub3A_1879 = arith.constant 3.500000e-01 : f32
    %sub3A_1880 = vector.broadcast %sub3A_1879 : f32 to vector<16xf32>
    %sub3A_1881 = arith.subf %get3A_1876, %sub3A_1880 : vector<16xf32>
    %mul3A_1882 = arith.constant 6.400000e+01 : f32
    %mul3A_1883 = vector.broadcast %mul3A_1882 : f32 to vector<16xf32>
    %mul3A_1884 = arith.mulf %sub3A_1881, %mul3A_1883 : vector<16xf32>
    %mul3A_1885 = arith.constant 6.400000e+01 : f32
    %mul3A_1886 = vector.broadcast %mul3A_1885 : f32 to vector<16xf32>
    %mul3A_1887 = arith.mulf %get3A_1876, %mul3A_1886 : vector<16xf32>
    %select_n3A_1888 = arith.select %eq3A_1878, %mul3A_1884, %mul3A_1887 : vector<16xi1>, vector<16xf32>
    %swap3A_1889 = arith.constant 24 : i32
    %swap3A_1890 = arith.index_cast %swap3A_1889 : i32 to index
    %swap3A_1891 = arith.constant 0 : index
    %swap3A_1892 = tpu.vector_load %arg7[%swap3A_1890, %swap3A_1891] {strides = array<i32>} : memref<32x32xf32, #tpu.memory_space<vmem>>, vector<1x16xf32>,
    %swap3A_1893 = vector.shape_cast %swap3A_1892 : vector<1x16xf32> to vector<16xf32>
    %swap3A_1894 = vector.shape_cast %select_n3A_1888 : vector<16xf32> to vector<1x16xf32>
    tpu.vector_store %arg7[%swap3A_1890, %swap3A_1891], %swap3A_1894 {strides = array<i32>} : memref<32x32xf32, #tpu.memory_space<vmem>>, vector<1x16xf32>,
    %get3A_1895 = arith.constant 24 : i32
    %get3A_1896 = arith.index_cast %get3A_1895 : i32 to index
    %get3A_1897 = arith.constant 16 : index
    %get3A_1898 = tpu.vector_load %arg7[%get3A_1896, %get3A_1897] {strides = array<i32>} : memref<32x32xf32, #tpu.memory_space<vmem>>, vector<1x16xf32>,
    %get3A_1899 = vector.shape_cast %get3A_1898 : vector<1x16xf32> to vector<16xf32>
    %eq3A_1900 = vector.broadcast %squeeze3A_55 : i32 to vector<16xi32>
    %eq3A_1901 = arith.cmpi eq, %get3A_7, %eq3A_1900 : vector<16xi32>
    %sub3A_1902 = arith.constant 3.500000e-01 : f32
    %sub3A_1903 = vector.broadcast %sub3A_1902 : f32 to vector<16xf32>
    %sub3A_1904 = arith.subf %get3A_1899, %sub3A_1903 : vector<16xf32>
    %mul3A_1905 = arith.constant 6.400000e+01 : f32
    %mul3A_1906 = vector.broadcast %mul3A_1905 : f32 to vector<16xf32>
    %mul3A_1907 = arith.mulf %sub3A_1904, %mul3A_1906 : vector<16xf32>
    %mul3A_1908 = arith.constant 6.400000e+01 : f32
    %mul3A_1909 = vector.broadcast %mul3A_1908 : f32 to vector<16xf32>
    %mul3A_1910 = arith.mulf %get3A_1899, %mul3A_1909 : vector<16xf32>
    %select_n3A_1911 = arith.select %eq3A_1901, %mul3A_1907, %mul3A_1910 : vector<16xi1>, vector<16xf32>
    %swap3A_1912 = arith.constant 24 : i32
    %swap3A_1913 = arith.index_cast %swap3A_1912 : i32 to index
    %swap3A_1914 = arith.constant 16 : index
    %swap3A_1915 = tpu.vector_load %arg7[%swap3A_1913, %swap3A_1914] {strides = array<i32>} : memref<32x32xf32, #tpu.memory_space<vmem>>, vector<1x16xf32>,
    %swap3A_1916 = vector.shape_cast %swap3A_1915 : vector<1x16xf32> to vector<16xf32>
    %swap3A_1917 = vector.shape_cast %select_n3A_1911 : vector<16xf32> to vector<1x16xf32>
    tpu.vector_store %arg7[%swap3A_1913, %swap3A_1914], %swap3A_1917 {strides = array<i32>} : memref<32x32xf32, #tpu.memory_space<vmem>>, vector<1x16xf32>,
    %get3A_1918 = arith.constant 25 : i32
    %get3A_1919 = arith.index_cast %get3A_1918 : i32 to index
    %get3A_1920 = arith.constant 0 : index
    %get3A_1921 = tpu.vector_load %arg7[%get3A_1919, %get3A_1920] {strides = array<i32>} : memref<32x32xf32, #tpu.memory_space<vmem>>, vector<1x16xf32>,
    %get3A_1922 = vector.shape_cast %get3A_1921 : vector<1x16xf32> to vector<16xf32>
    %eq3A_1923 = vector.broadcast %squeeze3A_57 : i32 to vector<16xi32>
    %eq3A_1924 = arith.cmpi eq, %get3A_4, %eq3A_1923 : vector<16xi32>
    %sub3A_1925 = arith.constant 3.500000e-01 : f32
    %sub3A_1926 = vector.broadcast %sub3A_1925 : f32 to vector<16xf32>
    %sub3A_1927 = arith.subf %get3A_1922, %sub3A_1926 : vector<16xf32>
    %mul3A_1928 = arith.constant 6.400000e+01 : f32
    %mul3A_1929 = vector.broadcast %mul3A_1928 : f32 to vector<16xf32>
    %mul3A_1930 = arith.mulf %sub3A_1927, %mul3A_1929 : vector<16xf32>
    %mul3A_1931 = arith.constant 6.400000e+01 : f32
    %mul3A_1932 = vector.broadcast %mul3A_1931 : f32 to vector<16xf32>
    %mul3A_1933 = arith.mulf %get3A_1922, %mul3A_1932 : vector<16xf32>
    %select_n3A_1934 = arith.select %eq3A_1924, %mul3A_1930, %mul3A_1933 : vector<16xi1>, vector<16xf32>
    %swap3A_1935 = arith.constant 25 : i32
    %swap3A_1936 = arith.index_cast %swap3A_1935 : i32 to index
    %swap3A_1937 = arith.constant 0 : index
    %swap3A_1938 = tpu.vector_load %arg7[%swap3A_1936, %swap3A_1937] {strides = array<i32>} : memref<32x32xf32, #tpu.memory_space<vmem>>, vector<1x16xf32>,
    %swap3A_1939 = vector.shape_cast %swap3A_1938 : vector<1x16xf32> to vector<16xf32>
    %swap3A_1940 = vector.shape_cast %select_n3A_1934 : vector<16xf32> to vector<1x16xf32>
    tpu.vector_store %arg7[%swap3A_1936, %swap3A_1937], %swap3A_1940 {strides = array<i32>} : memref<32x32xf32, #tpu.memory_space<vmem>>, vector<1x16xf32>,
    %get3A_1941 = arith.constant 25 : i32
    %get3A_1942 = arith.index_cast %get3A_1941 : i32 to index
    %get3A_1943 = arith.constant 16 : index
    %get3A_1944 = tpu.vector_load %arg7[%get3A_1942, %get3A_1943] {strides = array<i32>} : memref<32x32xf32, #tpu.memory_space<vmem>>, vector<1x16xf32>,
    %get3A_1945 = vector.shape_cast %get3A_1944 : vector<1x16xf32> to vector<16xf32>
    %eq3A_1946 = vector.broadcast %squeeze3A_57 : i32 to vector<16xi32>
    %eq3A_1947 = arith.cmpi eq, %get3A_7, %eq3A_1946 : vector<16xi32>
    %sub3A_1948 = arith.constant 3.500000e-01 : f32
    %sub3A_1949 = vector.broadcast %sub3A_1948 : f32 to vector<16xf32>
    %sub3A_1950 = arith.subf %get3A_1945, %sub3A_1949 : vector<16xf32>
    %mul3A_1951 = arith.constant 6.400000e+01 : f32
    %mul3A_1952 = vector.broadcast %mul3A_1951 : f32 to vector<16xf32>
    %mul3A_1953 = arith.mulf %sub3A_1950, %mul3A_1952 : vector<16xf32>
    %mul3A_1954 = arith.constant 6.400000e+01 : f32
    %mul3A_1955 = vector.broadcast %mul3A_1954 : f32 to vector<16xf32>
    %mul3A_1956 = arith.mulf %get3A_1945, %mul3A_1955 : vector<16xf32>
    %select_n3A_1957 = arith.select %eq3A_1947, %mul3A_1953, %mul3A_1956 : vector<16xi1>, vector<16xf32>
    %swap3A_1958 = arith.constant 25 : i32
    %swap3A_1959 = arith.index_cast %swap3A_1958 : i32 to index
    %swap3A_1960 = arith.constant 16 : index
    %swap3A_1961 = tpu.vector_load %arg7[%swap3A_1959, %swap3A_1960] {strides = array<i32>} : memref<32x32xf32, #tpu.memory_space<vmem>>, vector<1x16xf32>,
    %swap3A_1962 = vector.shape_cast %swap3A_1961 : vector<1x16xf32> to vector<16xf32>
    %swap3A_1963 = vector.shape_cast %select_n3A_1957 : vector<16xf32> to vector<1x16xf32>
    tpu.vector_store %arg7[%swap3A_1959, %swap3A_1960], %swap3A_1963 {strides = array<i32>} : memref<32x32xf32, #tpu.memory_space<vmem>>, vector<1x16xf32>,
    %get3A_1964 = arith.constant 26 : i32
    %get3A_1965 = arith.index_cast %get3A_1964 : i32 to index
    %get3A_1966 = arith.constant 0 : index
    %get3A_1967 = tpu.vector_load %arg7[%get3A_1965, %get3A_1966] {strides = array<i32>} : memref<32x32xf32, #tpu.memory_space<vmem>>, vector<1x16xf32>,
    %get3A_1968 = vector.shape_cast %get3A_1967 : vector<1x16xf32> to vector<16xf32>
    %eq3A_1969 = vector.broadcast %squeeze3A_59 : i32 to vector<16xi32>
    %eq3A_1970 = arith.cmpi eq, %get3A_4, %eq3A_1969 : vector<16xi32>
    %sub3A_1971 = arith.constant 3.500000e-01 : f32
    %sub3A_1972 = vector.broadcast %sub3A_1971 : f32 to vector<16xf32>
    %sub3A_1973 = arith.subf %get3A_1968, %sub3A_1972 : vector<16xf32>
    %mul3A_1974 = arith.constant 6.400000e+01 : f32
    %mul3A_1975 = vector.broadcast %mul3A_1974 : f32 to vector<16xf32>
    %mul3A_1976 = arith.mulf %sub3A_1973, %mul3A_1975 : vector<16xf32>
    %mul3A_1977 = arith.constant 6.400000e+01 : f32
    %mul3A_1978 = vector.broadcast %mul3A_1977 : f32 to vector<16xf32>
    %mul3A_1979 = arith.mulf %get3A_1968, %mul3A_1978 : vector<16xf32>
    %select_n3A_1980 = arith.select %eq3A_1970, %mul3A_1976, %mul3A_1979 : vector<16xi1>, vector<16xf32>
    %swap3A_1981 = arith.constant 26 : i32
    %swap3A_1982 = arith.index_cast %swap3A_1981 : i32 to index
    %swap3A_1983 = arith.constant 0 : index
    %swap3A_1984 = tpu.vector_load %arg7[%swap3A_1982, %swap3A_1983] {strides = array<i32>} : memref<32x32xf32, #tpu.memory_space<vmem>>, vector<1x16xf32>,
    %swap3A_1985 = vector.shape_cast %swap3A_1984 : vector<1x16xf32> to vector<16xf32>
    %swap3A_1986 = vector.shape_cast %select_n3A_1980 : vector<16xf32> to vector<1x16xf32>
    tpu.vector_store %arg7[%swap3A_1982, %swap3A_1983], %swap3A_1986 {strides = array<i32>} : memref<32x32xf32, #tpu.memory_space<vmem>>, vector<1x16xf32>,
    %get3A_1987 = arith.constant 26 : i32
    %get3A_1988 = arith.index_cast %get3A_1987 : i32 to index
    %get3A_1989 = arith.constant 16 : index
    %get3A_1990 = tpu.vector_load %arg7[%get3A_1988, %get3A_1989] {strides = array<i32>} : memref<32x32xf32, #tpu.memory_space<vmem>>, vector<1x16xf32>,
    %get3A_1991 = vector.shape_cast %get3A_1990 : vector<1x16xf32> to vector<16xf32>
    %eq3A_1992 = vector.broadcast %squeeze3A_59 : i32 to vector<16xi32>
    %eq3A_1993 = arith.cmpi eq, %get3A_7, %eq3A_1992 : vector<16xi32>
    %sub3A_1994 = arith.constant 3.500000e-01 : f32
    %sub3A_1995 = vector.broadcast %sub3A_1994 : f32 to vector<16xf32>
    %sub3A_1996 = arith.subf %get3A_1991, %sub3A_1995 : vector<16xf32>
    %mul3A_1997 = arith.constant 6.400000e+01 : f32
    %mul3A_1998 = vector.broadcast %mul3A_1997 : f32 to vector<16xf32>
    %mul3A_1999 = arith.mulf %sub3A_1996, %mul3A_1998 : vector<16xf32>
    %mul3A_2000 = arith.constant 6.400000e+01 : f32
    %mul3A_2001 = vector.broadcast %mul3A_2000 : f32 to vector<16xf32>
    %mul3A_2002 = arith.mulf %get3A_1991, %mul3A_2001 : vector<16xf32>
    %select_n3A_2003 = arith.select %eq3A_1993, %mul3A_1999, %mul3A_2002 : vector<16xi1>, vector<16xf32>
    %swap3A_2004 = arith.constant 26 : i32
    %swap3A_2005 = arith.index_cast %swap3A_2004 : i32 to index
    %swap3A_2006 = arith.constant 16 : index
    %swap3A_2007 = tpu.vector_load %arg7[%swap3A_2005, %swap3A_2006] {strides = array<i32>} : memref<32x32xf32, #tpu.memory_space<vmem>>, vector<1x16xf32>,
    %swap3A_2008 = vector.shape_cast %swap3A_2007 : vector<1x16xf32> to vector<16xf32>
    %swap3A_2009 = vector.shape_cast %select_n3A_2003 : vector<16xf32> to vector<1x16xf32>
    tpu.vector_store %arg7[%swap3A_2005, %swap3A_2006], %swap3A_2009 {strides = array<i32>} : memref<32x32xf32, #tpu.memory_space<vmem>>, vector<1x16xf32>,
    %get3A_2010 = arith.constant 27 : i32
    %get3A_2011 = arith.index_cast %get3A_2010 : i32 to index
    %get3A_2012 = arith.constant 0 : index
    %get3A_2013 = tpu.vector_load %arg7[%get3A_2011, %get3A_2012] {strides = array<i32>} : memref<32x32xf32, #tpu.memory_space<vmem>>, vector<1x16xf32>,
    %get3A_2014 = vector.shape_cast %get3A_2013 : vector<1x16xf32> to vector<16xf32>
    %eq3A_2015 = vector.broadcast %squeeze3A_61 : i32 to vector<16xi32>
    %eq3A_2016 = arith.cmpi eq, %get3A_4, %eq3A_2015 : vector<16xi32>
    %sub3A_2017 = arith.constant 3.500000e-01 : f32
    %sub3A_2018 = vector.broadcast %sub3A_2017 : f32 to vector<16xf32>
    %sub3A_2019 = arith.subf %get3A_2014, %sub3A_2018 : vector<16xf32>
    %mul3A_2020 = arith.constant 6.400000e+01 : f32
    %mul3A_2021 = vector.broadcast %mul3A_2020 : f32 to vector<16xf32>
    %mul3A_2022 = arith.mulf %sub3A_2019, %mul3A_2021 : vector<16xf32>
    %mul3A_2023 = arith.constant 6.400000e+01 : f32
    %mul3A_2024 = vector.broadcast %mul3A_2023 : f32 to vector<16xf32>
    %mul3A_2025 = arith.mulf %get3A_2014, %mul3A_2024 : vector<16xf32>
    %select_n3A_2026 = arith.select %eq3A_2016, %mul3A_2022, %mul3A_2025 : vector<16xi1>, vector<16xf32>
    %swap3A_2027 = arith.constant 27 : i32
    %swap3A_2028 = arith.index_cast %swap3A_2027 : i32 to index
    %swap3A_2029 = arith.constant 0 : index
    %swap3A_2030 = tpu.vector_load %arg7[%swap3A_2028, %swap3A_2029] {strides = array<i32>} : memref<32x32xf32, #tpu.memory_space<vmem>>, vector<1x16xf32>,
    %swap3A_2031 = vector.shape_cast %swap3A_2030 : vector<1x16xf32> to vector<16xf32>
    %swap3A_2032 = vector.shape_cast %select_n3A_2026 : vector<16xf32> to vector<1x16xf32>
    tpu.vector_store %arg7[%swap3A_2028, %swap3A_2029], %swap3A_2032 {strides = array<i32>} : memref<32x32xf32, #tpu.memory_space<vmem>>, vector<1x16xf32>,
    %get3A_2033 = arith.constant 27 : i32
    %get3A_2034 = arith.index_cast %get3A_2033 : i32 to index
    %get3A_2035 = arith.constant 16 : index
    %get3A_2036 = tpu.vector_load %arg7[%get3A_2034, %get3A_2035] {strides = array<i32>} : memref<32x32xf32, #tpu.memory_space<vmem>>, vector<1x16xf32>,
    %get3A_2037 = vector.shape_cast %get3A_2036 : vector<1x16xf32> to vector<16xf32>
    %eq3A_2038 = vector.broadcast %squeeze3A_61 : i32 to vector<16xi32>
    %eq3A_2039 = arith.cmpi eq, %get3A_7, %eq3A_2038 : vector<16xi32>
    %sub3A_2040 = arith.constant 3.500000e-01 : f32
    %sub3A_2041 = vector.broadcast %sub3A_2040 : f32 to vector<16xf32>
    %sub3A_2042 = arith.subf %get3A_2037, %sub3A_2041 : vector<16xf32>
    %mul3A_2043 = arith.constant 6.400000e+01 : f32
    %mul3A_2044 = vector.broadcast %mul3A_2043 : f32 to vector<16xf32>
    %mul3A_2045 = arith.mulf %sub3A_2042, %mul3A_2044 : vector<16xf32>
    %mul3A_2046 = arith.constant 6.400000e+01 : f32
    %mul3A_2047 = vector.broadcast %mul3A_2046 : f32 to vector<16xf32>
    %mul3A_2048 = arith.mulf %get3A_2037, %mul3A_2047 : vector<16xf32>
    %select_n3A_2049 = arith.select %eq3A_2039, %mul3A_2045, %mul3A_2048 : vector<16xi1>, vector<16xf32>
    %swap3A_2050 = arith.constant 27 : i32
    %swap3A_2051 = arith.index_cast %swap3A_2050 : i32 to index
    %swap3A_2052 = arith.constant 16 : index
    %swap3A_2053 = tpu.vector_load %arg7[%swap3A_2051, %swap3A_2052] {strides = array<i32>} : memref<32x32xf32, #tpu.memory_space<vmem>>, vector<1x16xf32>,
    %swap3A_2054 = vector.shape_cast %swap3A_2053 : vector<1x16xf32> to vector<16xf32>
    %swap3A_2055 = vector.shape_cast %select_n3A_2049 : vector<16xf32> to vector<1x16xf32>
    tpu.vector_store %arg7[%swap3A_2051, %swap3A_2052], %swap3A_2055 {strides = array<i32>} : memref<32x32xf32, #tpu.memory_space<vmem>>, vector<1x16xf32>,
    %get3A_2056 = arith.constant 28 : i32
    %get3A_2057 = arith.index_cast %get3A_2056 : i32 to index
    %get3A_2058 = arith.constant 0 : index
    %get3A_2059 = tpu.vector_load %arg7[%get3A_2057, %get3A_2058] {strides = array<i32>} : memref<32x32xf32, #tpu.memory_space<vmem>>, vector<1x16xf32>,
    %get3A_2060 = vector.shape_cast %get3A_2059 : vector<1x16xf32> to vector<16xf32>
    %eq3A_2061 = vector.broadcast %squeeze3A_63 : i32 to vector<16xi32>
    %eq3A_2062 = arith.cmpi eq, %get3A_4, %eq3A_2061 : vector<16xi32>
    %sub3A_2063 = arith.constant 3.500000e-01 : f32
    %sub3A_2064 = vector.broadcast %sub3A_2063 : f32 to vector<16xf32>
    %sub3A_2065 = arith.subf %get3A_2060, %sub3A_2064 : vector<16xf32>
    %mul3A_2066 = arith.constant 6.400000e+01 : f32
    %mul3A_2067 = vector.broadcast %mul3A_2066 : f32 to vector<16xf32>
    %mul3A_2068 = arith.mulf %sub3A_2065, %mul3A_2067 : vector<16xf32>
    %mul3A_2069 = arith.constant 6.400000e+01 : f32
    %mul3A_2070 = vector.broadcast %mul3A_2069 : f32 to vector<16xf32>
    %mul3A_2071 = arith.mulf %get3A_2060, %mul3A_2070 : vector<16xf32>
    %select_n3A_2072 = arith.select %eq3A_2062, %mul3A_2068, %mul3A_2071 : vector<16xi1>, vector<16xf32>
    %swap3A_2073 = arith.constant 28 : i32
    %swap3A_2074 = arith.index_cast %swap3A_2073 : i32 to index
    %swap3A_2075 = arith.constant 0 : index
    %swap3A_2076 = tpu.vector_load %arg7[%swap3A_2074, %swap3A_2075] {strides = array<i32>} : memref<32x32xf32, #tpu.memory_space<vmem>>, vector<1x16xf32>,
    %swap3A_2077 = vector.shape_cast %swap3A_2076 : vector<1x16xf32> to vector<16xf32>
    %swap3A_2078 = vector.shape_cast %select_n3A_2072 : vector<16xf32> to vector<1x16xf32>
    tpu.vector_store %arg7[%swap3A_2074, %swap3A_2075], %swap3A_2078 {strides = array<i32>} : memref<32x32xf32, #tpu.memory_space<vmem>>, vector<1x16xf32>,
    %get3A_2079 = arith.constant 28 : i32
    %get3A_2080 = arith.index_cast %get3A_2079 : i32 to index
    %get3A_2081 = arith.constant 16 : index
    %get3A_2082 = tpu.vector_load %arg7[%get3A_2080, %get3A_2081] {strides = array<i32>} : memref<32x32xf32, #tpu.memory_space<vmem>>, vector<1x16xf32>,
    %get3A_2083 = vector.shape_cast %get3A_2082 : vector<1x16xf32> to vector<16xf32>
    %eq3A_2084 = vector.broadcast %squeeze3A_63 : i32 to vector<16xi32>
    %eq3A_2085 = arith.cmpi eq, %get3A_7, %eq3A_2084 : vector<16xi32>
    %sub3A_2086 = arith.constant 3.500000e-01 : f32
    %sub3A_2087 = vector.broadcast %sub3A_2086 : f32 to vector<16xf32>
    %sub3A_2088 = arith.subf %get3A_2083, %sub3A_2087 : vector<16xf32>
    %mul3A_2089 = arith.constant 6.400000e+01 : f32
    %mul3A_2090 = vector.broadcast %mul3A_2089 : f32 to vector<16xf32>
    %mul3A_2091 = arith.mulf %sub3A_2088, %mul3A_2090 : vector<16xf32>
    %mul3A_2092 = arith.constant 6.400000e+01 : f32
    %mul3A_2093 = vector.broadcast %mul3A_2092 : f32 to vector<16xf32>
    %mul3A_2094 = arith.mulf %get3A_2083, %mul3A_2093 : vector<16xf32>
    %select_n3A_2095 = arith.select %eq3A_2085, %mul3A_2091, %mul3A_2094 : vector<16xi1>, vector<16xf32>
    %swap3A_2096 = arith.constant 28 : i32
    %swap3A_2097 = arith.index_cast %swap3A_2096 : i32 to index
    %swap3A_2098 = arith.constant 16 : index
    %swap3A_2099 = tpu.vector_load %arg7[%swap3A_2097, %swap3A_2098] {strides = array<i32>} : memref<32x32xf32, #tpu.memory_space<vmem>>, vector<1x16xf32>,
    %swap3A_2100 = vector.shape_cast %swap3A_2099 : vector<1x16xf32> to vector<16xf32>
    %swap3A_2101 = vector.shape_cast %select_n3A_2095 : vector<16xf32> to vector<1x16xf32>
    tpu.vector_store %arg7[%swap3A_2097, %swap3A_2098], %swap3A_2101 {strides = array<i32>} : memref<32x32xf32, #tpu.memory_space<vmem>>, vector<1x16xf32>,
    %get3A_2102 = arith.constant 29 : i32
    %get3A_2103 = arith.index_cast %get3A_2102 : i32 to index
    %get3A_2104 = arith.constant 0 : index
    %get3A_2105 = tpu.vector_load %arg7[%get3A_2103, %get3A_2104] {strides = array<i32>} : memref<32x32xf32, #tpu.memory_space<vmem>>, vector<1x16xf32>,
    %get3A_2106 = vector.shape_cast %get3A_2105 : vector<1x16xf32> to vector<16xf32>
    %eq3A_2107 = vector.broadcast %squeeze3A_65 : i32 to vector<16xi32>
    %eq3A_2108 = arith.cmpi eq, %get3A_4, %eq3A_2107 : vector<16xi32>
    %sub3A_2109 = arith.constant 3.500000e-01 : f32
    %sub3A_2110 = vector.broadcast %sub3A_2109 : f32 to vector<16xf32>
    %sub3A_2111 = arith.subf %get3A_2106, %sub3A_2110 : vector<16xf32>
    %mul3A_2112 = arith.constant 6.400000e+01 : f32
    %mul3A_2113 = vector.broadcast %mul3A_2112 : f32 to vector<16xf32>
    %mul3A_2114 = arith.mulf %sub3A_2111, %mul3A_2113 : vector<16xf32>
    %mul3A_2115 = arith.constant 6.400000e+01 : f32
    %mul3A_2116 = vector.broadcast %mul3A_2115 : f32 to vector<16xf32>
    %mul3A_2117 = arith.mulf %get3A_2106, %mul3A_2116 : vector<16xf32>
    %select_n3A_2118 = arith.select %eq3A_2108, %mul3A_2114, %mul3A_2117 : vector<16xi1>, vector<16xf32>
    %swap3A_2119 = arith.constant 29 : i32
    %swap3A_2120 = arith.index_cast %swap3A_2119 : i32 to index
    %swap3A_2121 = arith.constant 0 : index
    %swap3A_2122 = tpu.vector_load %arg7[%swap3A_2120, %swap3A_2121] {strides = array<i32>} : memref<32x32xf32, #tpu.memory_space<vmem>>, vector<1x16xf32>,
    %swap3A_2123 = vector.shape_cast %swap3A_2122 : vector<1x16xf32> to vector<16xf32>
    %swap3A_2124 = vector.shape_cast %select_n3A_2118 : vector<16xf32> to vector<1x16xf32>
    tpu.vector_store %arg7[%swap3A_2120, %swap3A_2121], %swap3A_2124 {strides = array<i32>} : memref<32x32xf32, #tpu.memory_space<vmem>>, vector<1x16xf32>,
    %get3A_2125 = arith.constant 29 : i32
    %get3A_2126 = arith.index_cast %get3A_2125 : i32 to index
    %get3A_2127 = arith.constant 16 : index
    %get3A_2128 = tpu.vector_load %arg7[%get3A_2126, %get3A_2127] {strides = array<i32>} : memref<32x32xf32, #tpu.memory_space<vmem>>, vector<1x16xf32>,
    %get3A_2129 = vector.shape_cast %get3A_2128 : vector<1x16xf32> to vector<16xf32>
    %eq3A_2130 = vector.broadcast %squeeze3A_65 : i32 to vector<16xi32>
    %eq3A_2131 = arith.cmpi eq, %get3A_7, %eq3A_2130 : vector<16xi32>
    %sub3A_2132 = arith.constant 3.500000e-01 : f32
    %sub3A_2133 = vector.broadcast %sub3A_2132 : f32 to vector<16xf32>
    %sub3A_2134 = arith.subf %get3A_2129, %sub3A_2133 : vector<16xf32>
    %mul3A_2135 = arith.constant 6.400000e+01 : f32
    %mul3A_2136 = vector.broadcast %mul3A_2135 : f32 to vector<16xf32>
    %mul3A_2137 = arith.mulf %sub3A_2134, %mul3A_2136 : vector<16xf32>
    %mul3A_2138 = arith.constant 6.400000e+01 : f32
    %mul3A_2139 = vector.broadcast %mul3A_2138 : f32 to vector<16xf32>
    %mul3A_2140 = arith.mulf %get3A_2129, %mul3A_2139 : vector<16xf32>
    %select_n3A_2141 = arith.select %eq3A_2131, %mul3A_2137, %mul3A_2140 : vector<16xi1>, vector<16xf32>
    %swap3A_2142 = arith.constant 29 : i32
    %swap3A_2143 = arith.index_cast %swap3A_2142 : i32 to index
    %swap3A_2144 = arith.constant 16 : index
    %swap3A_2145 = tpu.vector_load %arg7[%swap3A_2143, %swap3A_2144] {strides = array<i32>} : memref<32x32xf32, #tpu.memory_space<vmem>>, vector<1x16xf32>,
    %swap3A_2146 = vector.shape_cast %swap3A_2145 : vector<1x16xf32> to vector<16xf32>
    %swap3A_2147 = vector.shape_cast %select_n3A_2141 : vector<16xf32> to vector<1x16xf32>
    tpu.vector_store %arg7[%swap3A_2143, %swap3A_2144], %swap3A_2147 {strides = array<i32>} : memref<32x32xf32, #tpu.memory_space<vmem>>, vector<1x16xf32>,
    %get3A_2148 = arith.constant 30 : i32
    %get3A_2149 = arith.index_cast %get3A_2148 : i32 to index
    %get3A_2150 = arith.constant 0 : index
    %get3A_2151 = tpu.vector_load %arg7[%get3A_2149, %get3A_2150] {strides = array<i32>} : memref<32x32xf32, #tpu.memory_space<vmem>>, vector<1x16xf32>,
    %get3A_2152 = vector.shape_cast %get3A_2151 : vector<1x16xf32> to vector<16xf32>
    %eq3A_2153 = vector.broadcast %squeeze3A_67 : i32 to vector<16xi32>
    %eq3A_2154 = arith.cmpi eq, %get3A_4, %eq3A_2153 : vector<16xi32>
    %sub3A_2155 = arith.constant 3.500000e-01 : f32
    %sub3A_2156 = vector.broadcast %sub3A_2155 : f32 to vector<16xf32>
    %sub3A_2157 = arith.subf %get3A_2152, %sub3A_2156 : vector<16xf32>
    %mul3A_2158 = arith.constant 6.400000e+01 : f32
    %mul3A_2159 = vector.broadcast %mul3A_2158 : f32 to vector<16xf32>
    %mul3A_2160 = arith.mulf %sub3A_2157, %mul3A_2159 : vector<16xf32>
    %mul3A_2161 = arith.constant 6.400000e+01 : f32
    %mul3A_2162 = vector.broadcast %mul3A_2161 : f32 to vector<16xf32>
    %mul3A_2163 = arith.mulf %get3A_2152, %mul3A_2162 : vector<16xf32>
    %select_n3A_2164 = arith.select %eq3A_2154, %mul3A_2160, %mul3A_2163 : vector<16xi1>, vector<16xf32>
    %swap3A_2165 = arith.constant 30 : i32
    %swap3A_2166 = arith.index_cast %swap3A_2165 : i32 to index
    %swap3A_2167 = arith.constant 0 : index
    %swap3A_2168 = tpu.vector_load %arg7[%swap3A_2166, %swap3A_2167] {strides = array<i32>} : memref<32x32xf32, #tpu.memory_space<vmem>>, vector<1x16xf32>,
    %swap3A_2169 = vector.shape_cast %swap3A_2168 : vector<1x16xf32> to vector<16xf32>
    %swap3A_2170 = vector.shape_cast %select_n3A_2164 : vector<16xf32> to vector<1x16xf32>
    tpu.vector_store %arg7[%swap3A_2166, %swap3A_2167], %swap3A_2170 {strides = array<i32>} : memref<32x32xf32, #tpu.memory_space<vmem>>, vector<1x16xf32>,
    %get3A_2171 = arith.constant 30 : i32
    %get3A_2172 = arith.index_cast %get3A_2171 : i32 to index
    %get3A_2173 = arith.constant 16 : index
    %get3A_2174 = tpu.vector_load %arg7[%get3A_2172, %get3A_2173] {strides = array<i32>} : memref<32x32xf32, #tpu.memory_space<vmem>>, vector<1x16xf32>,
    %get3A_2175 = vector.shape_cast %get3A_2174 : vector<1x16xf32> to vector<16xf32>
    %eq3A_2176 = vector.broadcast %squeeze3A_67 : i32 to vector<16xi32>
    %eq3A_2177 = arith.cmpi eq, %get3A_7, %eq3A_2176 : vector<16xi32>
    %sub3A_2178 = arith.constant 3.500000e-01 : f32
    %sub3A_2179 = vector.broadcast %sub3A_2178 : f32 to vector<16xf32>
    %sub3A_2180 = arith.subf %get3A_2175, %sub3A_2179 : vector<16xf32>
    %mul3A_2181 = arith.constant 6.400000e+01 : f32
    %mul3A_2182 = vector.broadcast %mul3A_2181 : f32 to vector<16xf32>
    %mul3A_2183 = arith.mulf %sub3A_2180, %mul3A_2182 : vector<16xf32>
    %mul3A_2184 = arith.constant 6.400000e+01 : f32
    %mul3A_2185 = vector.broadcast %mul3A_2184 : f32 to vector<16xf32>
    %mul3A_2186 = arith.mulf %get3A_2175, %mul3A_2185 : vector<16xf32>
    %select_n3A_2187 = arith.select %eq3A_2177, %mul3A_2183, %mul3A_2186 : vector<16xi1>, vector<16xf32>
    %swap3A_2188 = arith.constant 30 : i32
    %swap3A_2189 = arith.index_cast %swap3A_2188 : i32 to index
    %swap3A_2190 = arith.constant 16 : index
    %swap3A_2191 = tpu.vector_load %arg7[%swap3A_2189, %swap3A_2190] {strides = array<i32>} : memref<32x32xf32, #tpu.memory_space<vmem>>, vector<1x16xf32>,
    %swap3A_2192 = vector.shape_cast %swap3A_2191 : vector<1x16xf32> to vector<16xf32>
    %swap3A_2193 = vector.shape_cast %select_n3A_2187 : vector<16xf32> to vector<1x16xf32>
    tpu.vector_store %arg7[%swap3A_2189, %swap3A_2190], %swap3A_2193 {strides = array<i32>} : memref<32x32xf32, #tpu.memory_space<vmem>>, vector<1x16xf32>,
    %get3A_2194 = arith.constant 31 : i32
    %get3A_2195 = arith.index_cast %get3A_2194 : i32 to index
    %get3A_2196 = arith.constant 0 : index
    %get3A_2197 = tpu.vector_load %arg7[%get3A_2195, %get3A_2196] {strides = array<i32>} : memref<32x32xf32, #tpu.memory_space<vmem>>, vector<1x16xf32>,
    %get3A_2198 = vector.shape_cast %get3A_2197 : vector<1x16xf32> to vector<16xf32>
    %eq3A_2199 = vector.broadcast %squeeze3A_69 : i32 to vector<16xi32>
    %eq3A_2200 = arith.cmpi eq, %get3A_4, %eq3A_2199 : vector<16xi32>
    %sub3A_2201 = arith.constant 3.500000e-01 : f32
    %sub3A_2202 = vector.broadcast %sub3A_2201 : f32 to vector<16xf32>
    %sub3A_2203 = arith.subf %get3A_2198, %sub3A_2202 : vector<16xf32>
    %mul3A_2204 = arith.constant 6.400000e+01 : f32
    %mul3A_2205 = vector.broadcast %mul3A_2204 : f32 to vector<16xf32>
    %mul3A_2206 = arith.mulf %sub3A_2203, %mul3A_2205 : vector<16xf32>
    %mul3A_2207 = arith.constant 6.400000e+01 : f32
    %mul3A_2208 = vector.broadcast %mul3A_2207 : f32 to vector<16xf32>
    %mul3A_2209 = arith.mulf %get3A_2198, %mul3A_2208 : vector<16xf32>
    %select_n3A_2210 = arith.select %eq3A_2200, %mul3A_2206, %mul3A_2209 : vector<16xi1>, vector<16xf32>
    %swap3A_2211 = arith.constant 31 : i32
    %swap3A_2212 = arith.index_cast %swap3A_2211 : i32 to index
    %swap3A_2213 = arith.constant 0 : index
    %swap3A_2214 = tpu.vector_load %arg7[%swap3A_2212, %swap3A_2213] {strides = array<i32>} : memref<32x32xf32, #tpu.memory_space<vmem>>, vector<1x16xf32>,
    %swap3A_2215 = vector.shape_cast %swap3A_2214 : vector<1x16xf32> to vector<16xf32>
    %swap3A_2216 = vector.shape_cast %select_n3A_2210 : vector<16xf32> to vector<1x16xf32>
    tpu.vector_store %arg7[%swap3A_2212, %swap3A_2213], %swap3A_2216 {strides = array<i32>} : memref<32x32xf32, #tpu.memory_space<vmem>>, vector<1x16xf32>,
    %get3A_2217 = arith.constant 31 : i32
    %get3A_2218 = arith.index_cast %get3A_2217 : i32 to index
    %get3A_2219 = arith.constant 16 : index
    %get3A_2220 = tpu.vector_load %arg7[%get3A_2218, %get3A_2219] {strides = array<i32>} : memref<32x32xf32, #tpu.memory_space<vmem>>, vector<1x16xf32>,
    %get3A_2221 = vector.shape_cast %get3A_2220 : vector<1x16xf32> to vector<16xf32>
    %eq3A_2222 = vector.broadcast %squeeze3A_69 : i32 to vector<16xi32>
    %eq3A_2223 = arith.cmpi eq, %get3A_7, %eq3A_2222 : vector<16xi32>
    %sub3A_2224 = arith.constant 3.500000e-01 : f32
    %sub3A_2225 = vector.broadcast %sub3A_2224 : f32 to vector<16xf32>
    %sub3A_2226 = arith.subf %get3A_2221, %sub3A_2225 : vector<16xf32>
    %mul3A_2227 = arith.constant 6.400000e+01 : f32
    %mul3A_2228 = vector.broadcast %mul3A_2227 : f32 to vector<16xf32>
    %mul3A_2229 = arith.mulf %sub3A_2226, %mul3A_2228 : vector<16xf32>
    %mul3A_2230 = arith.constant 6.400000e+01 : f32
    %mul3A_2231 = vector.broadcast %mul3A_2230 : f32 to vector<16xf32>
    %mul3A_2232 = arith.mulf %get3A_2221, %mul3A_2231 : vector<16xf32>
    %select_n3A_2233 = arith.select %eq3A_2223, %mul3A_2229, %mul3A_2232 : vector<16xi1>, vector<16xf32>
    %swap3A_2234 = arith.constant 31 : i32
    %swap3A_2235 = arith.index_cast %swap3A_2234 : i32 to index
    %swap3A_2236 = arith.constant 16 : index
    %swap3A_2237 = tpu.vector_load %arg7[%swap3A_2235, %swap3A_2236] {strides = array<i32>} : memref<32x32xf32, #tpu.memory_space<vmem>>, vector<1x16xf32>,
    %swap3A_2238 = vector.shape_cast %swap3A_2237 : vector<1x16xf32> to vector<16xf32>
    %swap3A_2239 = vector.shape_cast %select_n3A_2233 : vector<16xf32> to vector<1x16xf32>
    tpu.vector_store %arg7[%swap3A_2235, %swap3A_2236], %swap3A_2239 {strides = array<i32>} : memref<32x32xf32, #tpu.memory_space<vmem>>, vector<1x16xf32>,
    %dma_start3A_2240 = arith.constant 0 : i32
    %dma_start3A_2241 = arith.constant 0 : i32
    %dma_start3A_2242 = tpu.memref_slice %arg7[%dma_start3A_2240, %dma_start3A_2241] : memref<32x32xf32, #tpu.memory_space<vmem>> -> memref<1x32xf32, #tpu.memory_space<vmem>>
    %dma_start3A_2243 = tpu.memref_squeeze %dma_start3A_2242 : memref<1x32xf32, #tpu.memory_space<vmem>> -> memref<32xf32, #tpu.memory_space<vmem>>
    %dma_start3A_2244 = tpu.memref_slice %arg3[%squeeze3A, %mul3A_2] : memref<100000x1024xf32, #tpu.memory_space<hbm>> -> memref<1x32xf32, #tpu.memory_space<hbm>>
    %dma_start3A_2245 = tpu.memref_squeeze %dma_start3A_2244 : memref<1x32xf32, #tpu.memory_space<hbm>> -> memref<32xf32, #tpu.memory_space<hbm>>
    %dma_start3A_2246 = tpu.memref_slice %arg3[%squeeze3A, %mul3A_2] : memref<100000x1024xf32, #tpu.memory_space<hbm>> -> memref<1x32xf32, #tpu.memory_space<hbm>>
    %dma_start3A_2247 = tpu.memref_squeeze %dma_start3A_2246 : memref<1x32xf32, #tpu.memory_space<hbm>> -> memref<32xf32, #tpu.memory_space<hbm>>
    %dma_start3A_2248 = arith.constant 0 : i32
    %dma_start3A_2249 = tpu.memref_slice %arg7[%dma_start3A_2240, %dma_start3A_2248] : memref<32x32xf32, #tpu.memory_space<vmem>> -> memref<1x32xf32, #tpu.memory_space<vmem>>
    %dma_start3A_2250 = tpu.memref_squeeze %dma_start3A_2249 : memref<1x32xf32, #tpu.memory_space<vmem>> -> memref<32xf32, #tpu.memory_space<vmem>>
    tpu.enqueue_dma source(%dma_start3A_2250 : memref<32xf32, #tpu.memory_space<vmem>>) target(%dma_start3A_2247 : memref<32xf32, #tpu.memory_space<hbm>>) target_semaphore(%arg8 : memref<!tpu.dma_semaphore, #tpu.memory_space<semaphore_mem>>)
    %dma_start3A_2251 = arith.constant 1 : i32
    %dma_start3A_2252 = arith.constant 0 : i32
    %dma_start3A_2253 = tpu.memref_slice %arg7[%dma_start3A_2251, %dma_start3A_2252] : memref<32x32xf32, #tpu.memory_space<vmem>> -> memref<1x32xf32, #tpu.memory_space<vmem>>
    %dma_start3A_2254 = tpu.memref_squeeze %dma_start3A_2253 : memref<1x32xf32, #tpu.memory_space<vmem>> -> memref<32xf32, #tpu.memory_space<vmem>>
    %dma_start3A_2255 = tpu.memref_slice %arg3[%squeeze3A_9, %mul3A_2] : memref<100000x1024xf32, #tpu.memory_space<hbm>> -> memref<1x32xf32, #tpu.memory_space<hbm>>
    %dma_start3A_2256 = tpu.memref_squeeze %dma_start3A_2255 : memref<1x32xf32, #tpu.memory_space<hbm>> -> memref<32xf32, #tpu.memory_space<hbm>>
    %dma_start3A_2257 = tpu.memref_slice %arg3[%squeeze3A_9, %mul3A_2] : memref<100000x1024xf32, #tpu.memory_space<hbm>> -> memref<1x32xf32, #tpu.memory_space<hbm>>
    %dma_start3A_2258 = tpu.memref_squeeze %dma_start3A_2257 : memref<1x32xf32, #tpu.memory_space<hbm>> -> memref<32xf32, #tpu.memory_space<hbm>>
    %dma_start3A_2259 = arith.constant 0 : i32
    %dma_start3A_2260 = tpu.memref_slice %arg7[%dma_start3A_2251, %dma_start3A_2259] : memref<32x32xf32, #tpu.memory_space<vmem>> -> memref<1x32xf32, #tpu.memory_space<vmem>>
    %dma_start3A_2261 = tpu.memref_squeeze %dma_start3A_2260 : memref<1x32xf32, #tpu.memory_space<vmem>> -> memref<32xf32, #tpu.memory_space<vmem>>
    tpu.enqueue_dma source(%dma_start3A_2261 : memref<32xf32, #tpu.memory_space<vmem>>) target(%dma_start3A_2258 : memref<32xf32, #tpu.memory_space<hbm>>) target_semaphore(%arg8 : memref<!tpu.dma_semaphore, #tpu.memory_space<semaphore_mem>>)
    %dma_start3A_2262 = arith.constant 2 : i32
    %dma_start3A_2263 = arith.constant 0 : i32
    %dma_start3A_2264 = tpu.memref_slice %arg7[%dma_start3A_2262, %dma_start3A_2263] : memref<32x32xf32, #tpu.memory_space<vmem>> -> memref<1x32xf32, #tpu.memory_space<vmem>>
    %dma_start3A_2265 = tpu.memref_squeeze %dma_start3A_2264 : memref<1x32xf32, #tpu.memory_space<vmem>> -> memref<32xf32, #tpu.memory_space<vmem>>
    %dma_start3A_2266 = tpu.memref_slice %arg3[%squeeze3A_11, %mul3A_2] : memref<100000x1024xf32, #tpu.memory_space<hbm>> -> memref<1x32xf32, #tpu.memory_space<hbm>>
    %dma_start3A_2267 = tpu.memref_squeeze %dma_start3A_2266 : memref<1x32xf32, #tpu.memory_space<hbm>> -> memref<32xf32, #tpu.memory_space<hbm>>
    %dma_start3A_2268 = tpu.memref_slice %arg3[%squeeze3A_11, %mul3A_2] : memref<100000x1024xf32, #tpu.memory_space<hbm>> -> memref<1x32xf32, #tpu.memory_space<hbm>>
    %dma_start3A_2269 = tpu.memref_squeeze %dma_start3A_2268 : memref<1x32xf32, #tpu.memory_space<hbm>> -> memref<32xf32, #tpu.memory_space<hbm>>
    %dma_start3A_2270 = arith.constant 0 : i32
    %dma_start3A_2271 = tpu.memref_slice %arg7[%dma_start3A_2262, %dma_start3A_2270] : memref<32x32xf32, #tpu.memory_space<vmem>> -> memref<1x32xf32, #tpu.memory_space<vmem>>
    %dma_start3A_2272 = tpu.memref_squeeze %dma_start3A_2271 : memref<1x32xf32, #tpu.memory_space<vmem>> -> memref<32xf32, #tpu.memory_space<vmem>>
    tpu.enqueue_dma source(%dma_start3A_2272 : memref<32xf32, #tpu.memory_space<vmem>>) target(%dma_start3A_2269 : memref<32xf32, #tpu.memory_space<hbm>>) target_semaphore(%arg8 : memref<!tpu.dma_semaphore, #tpu.memory_space<semaphore_mem>>)
    %dma_start3A_2273 = arith.constant 3 : i32
    %dma_start3A_2274 = arith.constant 0 : i32
    %dma_start3A_2275 = tpu.memref_slice %arg7[%dma_start3A_2273, %dma_start3A_2274] : memref<32x32xf32, #tpu.memory_space<vmem>> -> memref<1x32xf32, #tpu.memory_space<vmem>>
    %dma_start3A_2276 = tpu.memref_squeeze %dma_start3A_2275 : memref<1x32xf32, #tpu.memory_space<vmem>> -> memref<32xf32, #tpu.memory_space<vmem>>
    %dma_start3A_2277 = tpu.memref_slice %arg3[%squeeze3A_13, %mul3A_2] : memref<100000x1024xf32, #tpu.memory_space<hbm>> -> memref<1x32xf32, #tpu.memory_space<hbm>>
    %dma_start3A_2278 = tpu.memref_squeeze %dma_start3A_2277 : memref<1x32xf32, #tpu.memory_space<hbm>> -> memref<32xf32, #tpu.memory_space<hbm>>
    %dma_start3A_2279 = tpu.memref_slice %arg3[%squeeze3A_13, %mul3A_2] : memref<100000x1024xf32, #tpu.memory_space<hbm>> -> memref<1x32xf32, #tpu.memory_space<hbm>>
    %dma_start3A_2280 = tpu.memref_squeeze %dma_start3A_2279 : memref<1x32xf32, #tpu.memory_space<hbm>> -> memref<32xf32, #tpu.memory_space<hbm>>
    %dma_start3A_2281 = arith.constant 0 : i32
    %dma_start3A_2282 = tpu.memref_slice %arg7[%dma_start3A_2273, %dma_start3A_2281] : memref<32x32xf32, #tpu.memory_space<vmem>> -> memref<1x32xf32, #tpu.memory_space<vmem>>
    %dma_start3A_2283 = tpu.memref_squeeze %dma_start3A_2282 : memref<1x32xf32, #tpu.memory_space<vmem>> -> memref<32xf32, #tpu.memory_space<vmem>>
    tpu.enqueue_dma source(%dma_start3A_2283 : memref<32xf32, #tpu.memory_space<vmem>>) target(%dma_start3A_2280 : memref<32xf32, #tpu.memory_space<hbm>>) target_semaphore(%arg8 : memref<!tpu.dma_semaphore, #tpu.memory_space<semaphore_mem>>)
    %dma_start3A_2284 = arith.constant 4 : i32
    %dma_start3A_2285 = arith.constant 0 : i32
    %dma_start3A_2286 = tpu.memref_slice %arg7[%dma_start3A_2284, %dma_start3A_2285] : memref<32x32xf32, #tpu.memory_space<vmem>> -> memref<1x32xf32, #tpu.memory_space<vmem>>
    %dma_start3A_2287 = tpu.memref_squeeze %dma_start3A_2286 : memref<1x32xf32, #tpu.memory_space<vmem>> -> memref<32xf32, #tpu.memory_space<vmem>>
    %dma_start3A_2288 = tpu.memref_slice %arg3[%squeeze3A_15, %mul3A_2] : memref<100000x1024xf32, #tpu.memory_space<hbm>> -> memref<1x32xf32, #tpu.memory_space<hbm>>
    %dma_start3A_2289 = tpu.memref_squeeze %dma_start3A_2288 : memref<1x32xf32, #tpu.memory_space<hbm>> -> memref<32xf32, #tpu.memory_space<hbm>>
    %dma_start3A_2290 = tpu.memref_slice %arg3[%squeeze3A_15, %mul3A_2] : memref<100000x1024xf32, #tpu.memory_space<hbm>> -> memref<1x32xf32, #tpu.memory_space<hbm>>
    %dma_start3A_2291 = tpu.memref_squeeze %dma_start3A_2290 : memref<1x32xf32, #tpu.memory_space<hbm>> -> memref<32xf32, #tpu.memory_space<hbm>>
    %dma_start3A_2292 = arith.constant 0 : i32
    %dma_start3A_2293 = tpu.memref_slice %arg7[%dma_start3A_2284, %dma_start3A_2292] : memref<32x32xf32, #tpu.memory_space<vmem>> -> memref<1x32xf32, #tpu.memory_space<vmem>>
    %dma_start3A_2294 = tpu.memref_squeeze %dma_start3A_2293 : memref<1x32xf32, #tpu.memory_space<vmem>> -> memref<32xf32, #tpu.memory_space<vmem>>
    tpu.enqueue_dma source(%dma_start3A_2294 : memref<32xf32, #tpu.memory_space<vmem>>) target(%dma_start3A_2291 : memref<32xf32, #tpu.memory_space<hbm>>) target_semaphore(%arg8 : memref<!tpu.dma_semaphore, #tpu.memory_space<semaphore_mem>>)
    %dma_start3A_2295 = arith.constant 5 : i32
    %dma_start3A_2296 = arith.constant 0 : i32
    %dma_start3A_2297 = tpu.memref_slice %arg7[%dma_start3A_2295, %dma_start3A_2296] : memref<32x32xf32, #tpu.memory_space<vmem>> -> memref<1x32xf32, #tpu.memory_space<vmem>>
    %dma_start3A_2298 = tpu.memref_squeeze %dma_start3A_2297 : memref<1x32xf32, #tpu.memory_space<vmem>> -> memref<32xf32, #tpu.memory_space<vmem>>
    %dma_start3A_2299 = tpu.memref_slice %arg3[%squeeze3A_17, %mul3A_2] : memref<100000x1024xf32, #tpu.memory_space<hbm>> -> memref<1x32xf32, #tpu.memory_space<hbm>>
    %dma_start3A_2300 = tpu.memref_squeeze %dma_start3A_2299 : memref<1x32xf32, #tpu.memory_space<hbm>> -> memref<32xf32, #tpu.memory_space<hbm>>
    %dma_start3A_2301 = tpu.memref_slice %arg3[%squeeze3A_17, %mul3A_2] : memref<100000x1024xf32, #tpu.memory_space<hbm>> -> memref<1x32xf32, #tpu.memory_space<hbm>>
    %dma_start3A_2302 = tpu.memref_squeeze %dma_start3A_2301 : memref<1x32xf32, #tpu.memory_space<hbm>> -> memref<32xf32, #tpu.memory_space<hbm>>
    %dma_start3A_2303 = arith.constant 0 : i32
    %dma_start3A_2304 = tpu.memref_slice %arg7[%dma_start3A_2295, %dma_start3A_2303] : memref<32x32xf32, #tpu.memory_space<vmem>> -> memref<1x32xf32, #tpu.memory_space<vmem>>
    %dma_start3A_2305 = tpu.memref_squeeze %dma_start3A_2304 : memref<1x32xf32, #tpu.memory_space<vmem>> -> memref<32xf32, #tpu.memory_space<vmem>>
    tpu.enqueue_dma source(%dma_start3A_2305 : memref<32xf32, #tpu.memory_space<vmem>>) target(%dma_start3A_2302 : memref<32xf32, #tpu.memory_space<hbm>>) target_semaphore(%arg8 : memref<!tpu.dma_semaphore, #tpu.memory_space<semaphore_mem>>)
    %dma_start3A_2306 = arith.constant 6 : i32
    %dma_start3A_2307 = arith.constant 0 : i32
    %dma_start3A_2308 = tpu.memref_slice %arg7[%dma_start3A_2306, %dma_start3A_2307] : memref<32x32xf32, #tpu.memory_space<vmem>> -> memref<1x32xf32, #tpu.memory_space<vmem>>
    %dma_start3A_2309 = tpu.memref_squeeze %dma_start3A_2308 : memref<1x32xf32, #tpu.memory_space<vmem>> -> memref<32xf32, #tpu.memory_space<vmem>>
    %dma_start3A_2310 = tpu.memref_slice %arg3[%squeeze3A_19, %mul3A_2] : memref<100000x1024xf32, #tpu.memory_space<hbm>> -> memref<1x32xf32, #tpu.memory_space<hbm>>
    %dma_start3A_2311 = tpu.memref_squeeze %dma_start3A_2310 : memref<1x32xf32, #tpu.memory_space<hbm>> -> memref<32xf32, #tpu.memory_space<hbm>>
    %dma_start3A_2312 = tpu.memref_slice %arg3[%squeeze3A_19, %mul3A_2] : memref<100000x1024xf32, #tpu.memory_space<hbm>> -> memref<1x32xf32, #tpu.memory_space<hbm>>
    %dma_start3A_2313 = tpu.memref_squeeze %dma_start3A_2312 : memref<1x32xf32, #tpu.memory_space<hbm>> -> memref<32xf32, #tpu.memory_space<hbm>>
    %dma_start3A_2314 = arith.constant 0 : i32
    %dma_start3A_2315 = tpu.memref_slice %arg7[%dma_start3A_2306, %dma_start3A_2314] : memref<32x32xf32, #tpu.memory_space<vmem>> -> memref<1x32xf32, #tpu.memory_space<vmem>>
    %dma_start3A_2316 = tpu.memref_squeeze %dma_start3A_2315 : memref<1x32xf32, #tpu.memory_space<vmem>> -> memref<32xf32, #tpu.memory_space<vmem>>
    tpu.enqueue_dma source(%dma_start3A_2316 : memref<32xf32, #tpu.memory_space<vmem>>) target(%dma_start3A_2313 : memref<32xf32, #tpu.memory_space<hbm>>) target_semaphore(%arg8 : memref<!tpu.dma_semaphore, #tpu.memory_space<semaphore_mem>>)
    %dma_start3A_2317 = arith.constant 7 : i32
    %dma_start3A_2318 = arith.constant 0 : i32
    %dma_start3A_2319 = tpu.memref_slice %arg7[%dma_start3A_2317, %dma_start3A_2318] : memref<32x32xf32, #tpu.memory_space<vmem>> -> memref<1x32xf32, #tpu.memory_space<vmem>>
    %dma_start3A_2320 = tpu.memref_squeeze %dma_start3A_2319 : memref<1x32xf32, #tpu.memory_space<vmem>> -> memref<32xf32, #tpu.memory_space<vmem>>
    %dma_start3A_2321 = tpu.memref_slice %arg3[%squeeze3A_21, %mul3A_2] : memref<100000x1024xf32, #tpu.memory_space<hbm>> -> memref<1x32xf32, #tpu.memory_space<hbm>>
    %dma_start3A_2322 = tpu.memref_squeeze %dma_start3A_2321 : memref<1x32xf32, #tpu.memory_space<hbm>> -> memref<32xf32, #tpu.memory_space<hbm>>
    %dma_start3A_2323 = tpu.memref_slice %arg3[%squeeze3A_21, %mul3A_2] : memref<100000x1024xf32, #tpu.memory_space<hbm>> -> memref<1x32xf32, #tpu.memory_space<hbm>>
    %dma_start3A_2324 = tpu.memref_squeeze %dma_start3A_2323 : memref<1x32xf32, #tpu.memory_space<hbm>> -> memref<32xf32, #tpu.memory_space<hbm>>
    %dma_start3A_2325 = arith.constant 0 : i32
    %dma_start3A_2326 = tpu.memref_slice %arg7[%dma_start3A_2317, %dma_start3A_2325] : memref<32x32xf32, #tpu.memory_space<vmem>> -> memref<1x32xf32, #tpu.memory_space<vmem>>
    %dma_start3A_2327 = tpu.memref_squeeze %dma_start3A_2326 : memref<1x32xf32, #tpu.memory_space<vmem>> -> memref<32xf32, #tpu.memory_space<vmem>>
    tpu.enqueue_dma source(%dma_start3A_2327 : memref<32xf32, #tpu.memory_space<vmem>>) target(%dma_start3A_2324 : memref<32xf32, #tpu.memory_space<hbm>>) target_semaphore(%arg8 : memref<!tpu.dma_semaphore, #tpu.memory_space<semaphore_mem>>)
    %dma_start3A_2328 = arith.constant 8 : i32
    %dma_start3A_2329 = arith.constant 0 : i32
    %dma_start3A_2330 = tpu.memref_slice %arg7[%dma_start3A_2328, %dma_start3A_2329] : memref<32x32xf32, #tpu.memory_space<vmem>> -> memref<1x32xf32, #tpu.memory_space<vmem>>
    %dma_start3A_2331 = tpu.memref_squeeze %dma_start3A_2330 : memref<1x32xf32, #tpu.memory_space<vmem>> -> memref<32xf32, #tpu.memory_space<vmem>>
    %dma_start3A_2332 = tpu.memref_slice %arg3[%squeeze3A_23, %mul3A_2] : memref<100000x1024xf32, #tpu.memory_space<hbm>> -> memref<1x32xf32, #tpu.memory_space<hbm>>
    %dma_start3A_2333 = tpu.memref_squeeze %dma_start3A_2332 : memref<1x32xf32, #tpu.memory_space<hbm>> -> memref<32xf32, #tpu.memory_space<hbm>>
    %dma_start3A_2334 = tpu.memref_slice %arg3[%squeeze3A_23, %mul3A_2] : memref<100000x1024xf32, #tpu.memory_space<hbm>> -> memref<1x32xf32, #tpu.memory_space<hbm>>
    %dma_start3A_2335 = tpu.memref_squeeze %dma_start3A_2334 : memref<1x32xf32, #tpu.memory_space<hbm>> -> memref<32xf32, #tpu.memory_space<hbm>>
    %dma_start3A_2336 = arith.constant 0 : i32
    %dma_start3A_2337 = tpu.memref_slice %arg7[%dma_start3A_2328, %dma_start3A_2336] : memref<32x32xf32, #tpu.memory_space<vmem>> -> memref<1x32xf32, #tpu.memory_space<vmem>>
    %dma_start3A_2338 = tpu.memref_squeeze %dma_start3A_2337 : memref<1x32xf32, #tpu.memory_space<vmem>> -> memref<32xf32, #tpu.memory_space<vmem>>
    tpu.enqueue_dma source(%dma_start3A_2338 : memref<32xf32, #tpu.memory_space<vmem>>) target(%dma_start3A_2335 : memref<32xf32, #tpu.memory_space<hbm>>) target_semaphore(%arg8 : memref<!tpu.dma_semaphore, #tpu.memory_space<semaphore_mem>>)
    %dma_start3A_2339 = arith.constant 9 : i32
    %dma_start3A_2340 = arith.constant 0 : i32
    %dma_start3A_2341 = tpu.memref_slice %arg7[%dma_start3A_2339, %dma_start3A_2340] : memref<32x32xf32, #tpu.memory_space<vmem>> -> memref<1x32xf32, #tpu.memory_space<vmem>>
    %dma_start3A_2342 = tpu.memref_squeeze %dma_start3A_2341 : memref<1x32xf32, #tpu.memory_space<vmem>> -> memref<32xf32, #tpu.memory_space<vmem>>
    %dma_start3A_2343 = tpu.memref_slice %arg3[%squeeze3A_25, %mul3A_2] : memref<100000x1024xf32, #tpu.memory_space<hbm>> -> memref<1x32xf32, #tpu.memory_space<hbm>>
    %dma_start3A_2344 = tpu.memref_squeeze %dma_start3A_2343 : memref<1x32xf32, #tpu.memory_space<hbm>> -> memref<32xf32, #tpu.memory_space<hbm>>
    %dma_start3A_2345 = tpu.memref_slice %arg3[%squeeze3A_25, %mul3A_2] : memref<100000x1024xf32, #tpu.memory_space<hbm>> -> memref<1x32xf32, #tpu.memory_space<hbm>>
    %dma_start3A_2346 = tpu.memref_squeeze %dma_start3A_2345 : memref<1x32xf32, #tpu.memory_space<hbm>> -> memref<32xf32, #tpu.memory_space<hbm>>
    %dma_start3A_2347 = arith.constant 0 : i32
    %dma_start3A_2348 = tpu.memref_slice %arg7[%dma_start3A_2339, %dma_start3A_2347] : memref<32x32xf32, #tpu.memory_space<vmem>> -> memref<1x32xf32, #tpu.memory_space<vmem>>
    %dma_start3A_2349 = tpu.memref_squeeze %dma_start3A_2348 : memref<1x32xf32, #tpu.memory_space<vmem>> -> memref<32xf32, #tpu.memory_space<vmem>>
    tpu.enqueue_dma source(%dma_start3A_2349 : memref<32xf32, #tpu.memory_space<vmem>>) target(%dma_start3A_2346 : memref<32xf32, #tpu.memory_space<hbm>>) target_semaphore(%arg8 : memref<!tpu.dma_semaphore, #tpu.memory_space<semaphore_mem>>)
    %dma_start3A_2350 = arith.constant 10 : i32
    %dma_start3A_2351 = arith.constant 0 : i32
    %dma_start3A_2352 = tpu.memref_slice %arg7[%dma_start3A_2350, %dma_start3A_2351] : memref<32x32xf32, #tpu.memory_space<vmem>> -> memref<1x32xf32, #tpu.memory_space<vmem>>
    %dma_start3A_2353 = tpu.memref_squeeze %dma_start3A_2352 : memref<1x32xf32, #tpu.memory_space<vmem>> -> memref<32xf32, #tpu.memory_space<vmem>>
    %dma_start3A_2354 = tpu.memref_slice %arg3[%squeeze3A_27, %mul3A_2] : memref<100000x1024xf32, #tpu.memory_space<hbm>> -> memref<1x32xf32, #tpu.memory_space<hbm>>
    %dma_start3A_2355 = tpu.memref_squeeze %dma_start3A_2354 : memref<1x32xf32, #tpu.memory_space<hbm>> -> memref<32xf32, #tpu.memory_space<hbm>>
    %dma_start3A_2356 = tpu.memref_slice %arg3[%squeeze3A_27, %mul3A_2] : memref<100000x1024xf32, #tpu.memory_space<hbm>> -> memref<1x32xf32, #tpu.memory_space<hbm>>
    %dma_start3A_2357 = tpu.memref_squeeze %dma_start3A_2356 : memref<1x32xf32, #tpu.memory_space<hbm>> -> memref<32xf32, #tpu.memory_space<hbm>>
    %dma_start3A_2358 = arith.constant 0 : i32
    %dma_start3A_2359 = tpu.memref_slice %arg7[%dma_start3A_2350, %dma_start3A_2358] : memref<32x32xf32, #tpu.memory_space<vmem>> -> memref<1x32xf32, #tpu.memory_space<vmem>>
    %dma_start3A_2360 = tpu.memref_squeeze %dma_start3A_2359 : memref<1x32xf32, #tpu.memory_space<vmem>> -> memref<32xf32, #tpu.memory_space<vmem>>
    tpu.enqueue_dma source(%dma_start3A_2360 : memref<32xf32, #tpu.memory_space<vmem>>) target(%dma_start3A_2357 : memref<32xf32, #tpu.memory_space<hbm>>) target_semaphore(%arg8 : memref<!tpu.dma_semaphore, #tpu.memory_space<semaphore_mem>>)
    %dma_start3A_2361 = arith.constant 11 : i32
    %dma_start3A_2362 = arith.constant 0 : i32
    %dma_start3A_2363 = tpu.memref_slice %arg7[%dma_start3A_2361, %dma_start3A_2362] : memref<32x32xf32, #tpu.memory_space<vmem>> -> memref<1x32xf32, #tpu.memory_space<vmem>>
    %dma_start3A_2364 = tpu.memref_squeeze %dma_start3A_2363 : memref<1x32xf32, #tpu.memory_space<vmem>> -> memref<32xf32, #tpu.memory_space<vmem>>
    %dma_start3A_2365 = tpu.memref_slice %arg3[%squeeze3A_29, %mul3A_2] : memref<100000x1024xf32, #tpu.memory_space<hbm>> -> memref<1x32xf32, #tpu.memory_space<hbm>>
    %dma_start3A_2366 = tpu.memref_squeeze %dma_start3A_2365 : memref<1x32xf32, #tpu.memory_space<hbm>> -> memref<32xf32, #tpu.memory_space<hbm>>
    %dma_start3A_2367 = tpu.memref_slice %arg3[%squeeze3A_29, %mul3A_2] : memref<100000x1024xf32, #tpu.memory_space<hbm>> -> memref<1x32xf32, #tpu.memory_space<hbm>>
    %dma_start3A_2368 = tpu.memref_squeeze %dma_start3A_2367 : memref<1x32xf32, #tpu.memory_space<hbm>> -> memref<32xf32, #tpu.memory_space<hbm>>
    %dma_start3A_2369 = arith.constant 0 : i32
    %dma_start3A_2370 = tpu.memref_slice %arg7[%dma_start3A_2361, %dma_start3A_2369] : memref<32x32xf32, #tpu.memory_space<vmem>> -> memref<1x32xf32, #tpu.memory_space<vmem>>
    %dma_start3A_2371 = tpu.memref_squeeze %dma_start3A_2370 : memref<1x32xf32, #tpu.memory_space<vmem>> -> memref<32xf32, #tpu.memory_space<vmem>>
    tpu.enqueue_dma source(%dma_start3A_2371 : memref<32xf32, #tpu.memory_space<vmem>>) target(%dma_start3A_2368 : memref<32xf32, #tpu.memory_space<hbm>>) target_semaphore(%arg8 : memref<!tpu.dma_semaphore, #tpu.memory_space<semaphore_mem>>)
    %dma_start3A_2372 = arith.constant 12 : i32
    %dma_start3A_2373 = arith.constant 0 : i32
    %dma_start3A_2374 = tpu.memref_slice %arg7[%dma_start3A_2372, %dma_start3A_2373] : memref<32x32xf32, #tpu.memory_space<vmem>> -> memref<1x32xf32, #tpu.memory_space<vmem>>
    %dma_start3A_2375 = tpu.memref_squeeze %dma_start3A_2374 : memref<1x32xf32, #tpu.memory_space<vmem>> -> memref<32xf32, #tpu.memory_space<vmem>>
    %dma_start3A_2376 = tpu.memref_slice %arg3[%squeeze3A_31, %mul3A_2] : memref<100000x1024xf32, #tpu.memory_space<hbm>> -> memref<1x32xf32, #tpu.memory_space<hbm>>
    %dma_start3A_2377 = tpu.memref_squeeze %dma_start3A_2376 : memref<1x32xf32, #tpu.memory_space<hbm>> -> memref<32xf32, #tpu.memory_space<hbm>>
    %dma_start3A_2378 = tpu.memref_slice %arg3[%squeeze3A_31, %mul3A_2] : memref<100000x1024xf32, #tpu.memory_space<hbm>> -> memref<1x32xf32, #tpu.memory_space<hbm>>
    %dma_start3A_2379 = tpu.memref_squeeze %dma_start3A_2378 : memref<1x32xf32, #tpu.memory_space<hbm>> -> memref<32xf32, #tpu.memory_space<hbm>>
    %dma_start3A_2380 = arith.constant 0 : i32
    %dma_start3A_2381 = tpu.memref_slice %arg7[%dma_start3A_2372, %dma_start3A_2380] : memref<32x32xf32, #tpu.memory_space<vmem>> -> memref<1x32xf32, #tpu.memory_space<vmem>>
    %dma_start3A_2382 = tpu.memref_squeeze %dma_start3A_2381 : memref<1x32xf32, #tpu.memory_space<vmem>> -> memref<32xf32, #tpu.memory_space<vmem>>
    tpu.enqueue_dma source(%dma_start3A_2382 : memref<32xf32, #tpu.memory_space<vmem>>) target(%dma_start3A_2379 : memref<32xf32, #tpu.memory_space<hbm>>) target_semaphore(%arg8 : memref<!tpu.dma_semaphore, #tpu.memory_space<semaphore_mem>>)
    %dma_start3A_2383 = arith.constant 13 : i32
    %dma_start3A_2384 = arith.constant 0 : i32
    %dma_start3A_2385 = tpu.memref_slice %arg7[%dma_start3A_2383, %dma_start3A_2384] : memref<32x32xf32, #tpu.memory_space<vmem>> -> memref<1x32xf32, #tpu.memory_space<vmem>>
    %dma_start3A_2386 = tpu.memref_squeeze %dma_start3A_2385 : memref<1x32xf32, #tpu.memory_space<vmem>> -> memref<32xf32, #tpu.memory_space<vmem>>
    %dma_start3A_2387 = tpu.memref_slice %arg3[%squeeze3A_33, %mul3A_2] : memref<100000x1024xf32, #tpu.memory_space<hbm>> -> memref<1x32xf32, #tpu.memory_space<hbm>>
    %dma_start3A_2388 = tpu.memref_squeeze %dma_start3A_2387 : memref<1x32xf32, #tpu.memory_space<hbm>> -> memref<32xf32, #tpu.memory_space<hbm>>
    %dma_start3A_2389 = tpu.memref_slice %arg3[%squeeze3A_33, %mul3A_2] : memref<100000x1024xf32, #tpu.memory_space<hbm>> -> memref<1x32xf32, #tpu.memory_space<hbm>>
    %dma_start3A_2390 = tpu.memref_squeeze %dma_start3A_2389 : memref<1x32xf32, #tpu.memory_space<hbm>> -> memref<32xf32, #tpu.memory_space<hbm>>
    %dma_start3A_2391 = arith.constant 0 : i32
    %dma_start3A_2392 = tpu.memref_slice %arg7[%dma_start3A_2383, %dma_start3A_2391] : memref<32x32xf32, #tpu.memory_space<vmem>> -> memref<1x32xf32, #tpu.memory_space<vmem>>
    %dma_start3A_2393 = tpu.memref_squeeze %dma_start3A_2392 : memref<1x32xf32, #tpu.memory_space<vmem>> -> memref<32xf32, #tpu.memory_space<vmem>>
    tpu.enqueue_dma source(%dma_start3A_2393 : memref<32xf32, #tpu.memory_space<vmem>>) target(%dma_start3A_2390 : memref<32xf32, #tpu.memory_space<hbm>>) target_semaphore(%arg8 : memref<!tpu.dma_semaphore, #tpu.memory_space<semaphore_mem>>)
    %dma_start3A_2394 = arith.constant 14 : i32
    %dma_start3A_2395 = arith.constant 0 : i32
    %dma_start3A_2396 = tpu.memref_slice %arg7[%dma_start3A_2394, %dma_start3A_2395] : memref<32x32xf32, #tpu.memory_space<vmem>> -> memref<1x32xf32, #tpu.memory_space<vmem>>
    %dma_start3A_2397 = tpu.memref_squeeze %dma_start3A_2396 : memref<1x32xf32, #tpu.memory_space<vmem>> -> memref<32xf32, #tpu.memory_space<vmem>>
    %dma_start3A_2398 = tpu.memref_slice %arg3[%squeeze3A_35, %mul3A_2] : memref<100000x1024xf32, #tpu.memory_space<hbm>> -> memref<1x32xf32, #tpu.memory_space<hbm>>
    %dma_start3A_2399 = tpu.memref_squeeze %dma_start3A_2398 : memref<1x32xf32, #tpu.memory_space<hbm>> -> memref<32xf32, #tpu.memory_space<hbm>>
    %dma_start3A_2400 = tpu.memref_slice %arg3[%squeeze3A_35, %mul3A_2] : memref<100000x1024xf32, #tpu.memory_space<hbm>> -> memref<1x32xf32, #tpu.memory_space<hbm>>
    %dma_start3A_2401 = tpu.memref_squeeze %dma_start3A_2400 : memref<1x32xf32, #tpu.memory_space<hbm>> -> memref<32xf32, #tpu.memory_space<hbm>>
    %dma_start3A_2402 = arith.constant 0 : i32
    %dma_start3A_2403 = tpu.memref_slice %arg7[%dma_start3A_2394, %dma_start3A_2402] : memref<32x32xf32, #tpu.memory_space<vmem>> -> memref<1x32xf32, #tpu.memory_space<vmem>>
    %dma_start3A_2404 = tpu.memref_squeeze %dma_start3A_2403 : memref<1x32xf32, #tpu.memory_space<vmem>> -> memref<32xf32, #tpu.memory_space<vmem>>
    tpu.enqueue_dma source(%dma_start3A_2404 : memref<32xf32, #tpu.memory_space<vmem>>) target(%dma_start3A_2401 : memref<32xf32, #tpu.memory_space<hbm>>) target_semaphore(%arg8 : memref<!tpu.dma_semaphore, #tpu.memory_space<semaphore_mem>>)
    %dma_start3A_2405 = arith.constant 15 : i32
    %dma_start3A_2406 = arith.constant 0 : i32
    %dma_start3A_2407 = tpu.memref_slice %arg7[%dma_start3A_2405, %dma_start3A_2406] : memref<32x32xf32, #tpu.memory_space<vmem>> -> memref<1x32xf32, #tpu.memory_space<vmem>>
    %dma_start3A_2408 = tpu.memref_squeeze %dma_start3A_2407 : memref<1x32xf32, #tpu.memory_space<vmem>> -> memref<32xf32, #tpu.memory_space<vmem>>
    %dma_start3A_2409 = tpu.memref_slice %arg3[%squeeze3A_37, %mul3A_2] : memref<100000x1024xf32, #tpu.memory_space<hbm>> -> memref<1x32xf32, #tpu.memory_space<hbm>>
    %dma_start3A_2410 = tpu.memref_squeeze %dma_start3A_2409 : memref<1x32xf32, #tpu.memory_space<hbm>> -> memref<32xf32, #tpu.memory_space<hbm>>
    %dma_start3A_2411 = tpu.memref_slice %arg3[%squeeze3A_37, %mul3A_2] : memref<100000x1024xf32, #tpu.memory_space<hbm>> -> memref<1x32xf32, #tpu.memory_space<hbm>>
    %dma_start3A_2412 = tpu.memref_squeeze %dma_start3A_2411 : memref<1x32xf32, #tpu.memory_space<hbm>> -> memref<32xf32, #tpu.memory_space<hbm>>
    %dma_start3A_2413 = arith.constant 0 : i32
    %dma_start3A_2414 = tpu.memref_slice %arg7[%dma_start3A_2405, %dma_start3A_2413] : memref<32x32xf32, #tpu.memory_space<vmem>> -> memref<1x32xf32, #tpu.memory_space<vmem>>
    %dma_start3A_2415 = tpu.memref_squeeze %dma_start3A_2414 : memref<1x32xf32, #tpu.memory_space<vmem>> -> memref<32xf32, #tpu.memory_space<vmem>>
    tpu.enqueue_dma source(%dma_start3A_2415 : memref<32xf32, #tpu.memory_space<vmem>>) target(%dma_start3A_2412 : memref<32xf32, #tpu.memory_space<hbm>>) target_semaphore(%arg8 : memref<!tpu.dma_semaphore, #tpu.memory_space<semaphore_mem>>)
    %dma_start3A_2416 = arith.constant 16 : i32
    %dma_start3A_2417 = arith.constant 0 : i32
    %dma_start3A_2418 = tpu.memref_slice %arg7[%dma_start3A_2416, %dma_start3A_2417] : memref<32x32xf32, #tpu.memory_space<vmem>> -> memref<1x32xf32, #tpu.memory_space<vmem>>
    %dma_start3A_2419 = tpu.memref_squeeze %dma_start3A_2418 : memref<1x32xf32, #tpu.memory_space<vmem>> -> memref<32xf32, #tpu.memory_space<vmem>>
    %dma_start3A_2420 = tpu.memref_slice %arg3[%squeeze3A_39, %mul3A_2] : memref<100000x1024xf32, #tpu.memory_space<hbm>> -> memref<1x32xf32, #tpu.memory_space<hbm>>
    %dma_start3A_2421 = tpu.memref_squeeze %dma_start3A_2420 : memref<1x32xf32, #tpu.memory_space<hbm>> -> memref<32xf32, #tpu.memory_space<hbm>>
    %dma_start3A_2422 = tpu.memref_slice %arg3[%squeeze3A_39, %mul3A_2] : memref<100000x1024xf32, #tpu.memory_space<hbm>> -> memref<1x32xf32, #tpu.memory_space<hbm>>
    %dma_start3A_2423 = tpu.memref_squeeze %dma_start3A_2422 : memref<1x32xf32, #tpu.memory_space<hbm>> -> memref<32xf32, #tpu.memory_space<hbm>>
    %dma_start3A_2424 = arith.constant 0 : i32
    %dma_start3A_2425 = tpu.memref_slice %arg7[%dma_start3A_2416, %dma_start3A_2424] : memref<32x32xf32, #tpu.memory_space<vmem>> -> memref<1x32xf32, #tpu.memory_space<vmem>>
    %dma_start3A_2426 = tpu.memref_squeeze %dma_start3A_2425 : memref<1x32xf32, #tpu.memory_space<vmem>> -> memref<32xf32, #tpu.memory_space<vmem>>
    tpu.enqueue_dma source(%dma_start3A_2426 : memref<32xf32, #tpu.memory_space<vmem>>) target(%dma_start3A_2423 : memref<32xf32, #tpu.memory_space<hbm>>) target_semaphore(%arg8 : memref<!tpu.dma_semaphore, #tpu.memory_space<semaphore_mem>>)
    %dma_start3A_2427 = arith.constant 17 : i32
    %dma_start3A_2428 = arith.constant 0 : i32
    %dma_start3A_2429 = tpu.memref_slice %arg7[%dma_start3A_2427, %dma_start3A_2428] : memref<32x32xf32, #tpu.memory_space<vmem>> -> memref<1x32xf32, #tpu.memory_space<vmem>>
    %dma_start3A_2430 = tpu.memref_squeeze %dma_start3A_2429 : memref<1x32xf32, #tpu.memory_space<vmem>> -> memref<32xf32, #tpu.memory_space<vmem>>
    %dma_start3A_2431 = tpu.memref_slice %arg3[%squeeze3A_41, %mul3A_2] : memref<100000x1024xf32, #tpu.memory_space<hbm>> -> memref<1x32xf32, #tpu.memory_space<hbm>>
    %dma_start3A_2432 = tpu.memref_squeeze %dma_start3A_2431 : memref<1x32xf32, #tpu.memory_space<hbm>> -> memref<32xf32, #tpu.memory_space<hbm>>
    %dma_start3A_2433 = tpu.memref_slice %arg3[%squeeze3A_41, %mul3A_2] : memref<100000x1024xf32, #tpu.memory_space<hbm>> -> memref<1x32xf32, #tpu.memory_space<hbm>>
    %dma_start3A_2434 = tpu.memref_squeeze %dma_start3A_2433 : memref<1x32xf32, #tpu.memory_space<hbm>> -> memref<32xf32, #tpu.memory_space<hbm>>
    %dma_start3A_2435 = arith.constant 0 : i32
    %dma_start3A_2436 = tpu.memref_slice %arg7[%dma_start3A_2427, %dma_start3A_2435] : memref<32x32xf32, #tpu.memory_space<vmem>> -> memref<1x32xf32, #tpu.memory_space<vmem>>
    %dma_start3A_2437 = tpu.memref_squeeze %dma_start3A_2436 : memref<1x32xf32, #tpu.memory_space<vmem>> -> memref<32xf32, #tpu.memory_space<vmem>>
    tpu.enqueue_dma source(%dma_start3A_2437 : memref<32xf32, #tpu.memory_space<vmem>>) target(%dma_start3A_2434 : memref<32xf32, #tpu.memory_space<hbm>>) target_semaphore(%arg8 : memref<!tpu.dma_semaphore, #tpu.memory_space<semaphore_mem>>)
    %dma_start3A_2438 = arith.constant 18 : i32
    %dma_start3A_2439 = arith.constant 0 : i32
    %dma_start3A_2440 = tpu.memref_slice %arg7[%dma_start3A_2438, %dma_start3A_2439] : memref<32x32xf32, #tpu.memory_space<vmem>> -> memref<1x32xf32, #tpu.memory_space<vmem>>
    %dma_start3A_2441 = tpu.memref_squeeze %dma_start3A_2440 : memref<1x32xf32, #tpu.memory_space<vmem>> -> memref<32xf32, #tpu.memory_space<vmem>>
    %dma_start3A_2442 = tpu.memref_slice %arg3[%squeeze3A_43, %mul3A_2] : memref<100000x1024xf32, #tpu.memory_space<hbm>> -> memref<1x32xf32, #tpu.memory_space<hbm>>
    %dma_start3A_2443 = tpu.memref_squeeze %dma_start3A_2442 : memref<1x32xf32, #tpu.memory_space<hbm>> -> memref<32xf32, #tpu.memory_space<hbm>>
    %dma_start3A_2444 = tpu.memref_slice %arg3[%squeeze3A_43, %mul3A_2] : memref<100000x1024xf32, #tpu.memory_space<hbm>> -> memref<1x32xf32, #tpu.memory_space<hbm>>
    %dma_start3A_2445 = tpu.memref_squeeze %dma_start3A_2444 : memref<1x32xf32, #tpu.memory_space<hbm>> -> memref<32xf32, #tpu.memory_space<hbm>>
    %dma_start3A_2446 = arith.constant 0 : i32
    %dma_start3A_2447 = tpu.memref_slice %arg7[%dma_start3A_2438, %dma_start3A_2446] : memref<32x32xf32, #tpu.memory_space<vmem>> -> memref<1x32xf32, #tpu.memory_space<vmem>>
    %dma_start3A_2448 = tpu.memref_squeeze %dma_start3A_2447 : memref<1x32xf32, #tpu.memory_space<vmem>> -> memref<32xf32, #tpu.memory_space<vmem>>
    tpu.enqueue_dma source(%dma_start3A_2448 : memref<32xf32, #tpu.memory_space<vmem>>) target(%dma_start3A_2445 : memref<32xf32, #tpu.memory_space<hbm>>) target_semaphore(%arg8 : memref<!tpu.dma_semaphore, #tpu.memory_space<semaphore_mem>>)
    %dma_start3A_2449 = arith.constant 19 : i32
    %dma_start3A_2450 = arith.constant 0 : i32
    %dma_start3A_2451 = tpu.memref_slice %arg7[%dma_start3A_2449, %dma_start3A_2450] : memref<32x32xf32, #tpu.memory_space<vmem>> -> memref<1x32xf32, #tpu.memory_space<vmem>>
    %dma_start3A_2452 = tpu.memref_squeeze %dma_start3A_2451 : memref<1x32xf32, #tpu.memory_space<vmem>> -> memref<32xf32, #tpu.memory_space<vmem>>
    %dma_start3A_2453 = tpu.memref_slice %arg3[%squeeze3A_45, %mul3A_2] : memref<100000x1024xf32, #tpu.memory_space<hbm>> -> memref<1x32xf32, #tpu.memory_space<hbm>>
    %dma_start3A_2454 = tpu.memref_squeeze %dma_start3A_2453 : memref<1x32xf32, #tpu.memory_space<hbm>> -> memref<32xf32, #tpu.memory_space<hbm>>
    %dma_start3A_2455 = tpu.memref_slice %arg3[%squeeze3A_45, %mul3A_2] : memref<100000x1024xf32, #tpu.memory_space<hbm>> -> memref<1x32xf32, #tpu.memory_space<hbm>>
    %dma_start3A_2456 = tpu.memref_squeeze %dma_start3A_2455 : memref<1x32xf32, #tpu.memory_space<hbm>> -> memref<32xf32, #tpu.memory_space<hbm>>
    %dma_start3A_2457 = arith.constant 0 : i32
    %dma_start3A_2458 = tpu.memref_slice %arg7[%dma_start3A_2449, %dma_start3A_2457] : memref<32x32xf32, #tpu.memory_space<vmem>> -> memref<1x32xf32, #tpu.memory_space<vmem>>
    %dma_start3A_2459 = tpu.memref_squeeze %dma_start3A_2458 : memref<1x32xf32, #tpu.memory_space<vmem>> -> memref<32xf32, #tpu.memory_space<vmem>>
    tpu.enqueue_dma source(%dma_start3A_2459 : memref<32xf32, #tpu.memory_space<vmem>>) target(%dma_start3A_2456 : memref<32xf32, #tpu.memory_space<hbm>>) target_semaphore(%arg8 : memref<!tpu.dma_semaphore, #tpu.memory_space<semaphore_mem>>)
    %dma_start3A_2460 = arith.constant 20 : i32
    %dma_start3A_2461 = arith.constant 0 : i32
    %dma_start3A_2462 = tpu.memref_slice %arg7[%dma_start3A_2460, %dma_start3A_2461] : memref<32x32xf32, #tpu.memory_space<vmem>> -> memref<1x32xf32, #tpu.memory_space<vmem>>
    %dma_start3A_2463 = tpu.memref_squeeze %dma_start3A_2462 : memref<1x32xf32, #tpu.memory_space<vmem>> -> memref<32xf32, #tpu.memory_space<vmem>>
    %dma_start3A_2464 = tpu.memref_slice %arg3[%squeeze3A_47, %mul3A_2] : memref<100000x1024xf32, #tpu.memory_space<hbm>> -> memref<1x32xf32, #tpu.memory_space<hbm>>
    %dma_start3A_2465 = tpu.memref_squeeze %dma_start3A_2464 : memref<1x32xf32, #tpu.memory_space<hbm>> -> memref<32xf32, #tpu.memory_space<hbm>>
    %dma_start3A_2466 = tpu.memref_slice %arg3[%squeeze3A_47, %mul3A_2] : memref<100000x1024xf32, #tpu.memory_space<hbm>> -> memref<1x32xf32, #tpu.memory_space<hbm>>
    %dma_start3A_2467 = tpu.memref_squeeze %dma_start3A_2466 : memref<1x32xf32, #tpu.memory_space<hbm>> -> memref<32xf32, #tpu.memory_space<hbm>>
    %dma_start3A_2468 = arith.constant 0 : i32
    %dma_start3A_2469 = tpu.memref_slice %arg7[%dma_start3A_2460, %dma_start3A_2468] : memref<32x32xf32, #tpu.memory_space<vmem>> -> memref<1x32xf32, #tpu.memory_space<vmem>>
    %dma_start3A_2470 = tpu.memref_squeeze %dma_start3A_2469 : memref<1x32xf32, #tpu.memory_space<vmem>> -> memref<32xf32, #tpu.memory_space<vmem>>
    tpu.enqueue_dma source(%dma_start3A_2470 : memref<32xf32, #tpu.memory_space<vmem>>) target(%dma_start3A_2467 : memref<32xf32, #tpu.memory_space<hbm>>) target_semaphore(%arg8 : memref<!tpu.dma_semaphore, #tpu.memory_space<semaphore_mem>>)
    %dma_start3A_2471 = arith.constant 21 : i32
    %dma_start3A_2472 = arith.constant 0 : i32
    %dma_start3A_2473 = tpu.memref_slice %arg7[%dma_start3A_2471, %dma_start3A_2472] : memref<32x32xf32, #tpu.memory_space<vmem>> -> memref<1x32xf32, #tpu.memory_space<vmem>>
    %dma_start3A_2474 = tpu.memref_squeeze %dma_start3A_2473 : memref<1x32xf32, #tpu.memory_space<vmem>> -> memref<32xf32, #tpu.memory_space<vmem>>
    %dma_start3A_2475 = tpu.memref_slice %arg3[%squeeze3A_49, %mul3A_2] : memref<100000x1024xf32, #tpu.memory_space<hbm>> -> memref<1x32xf32, #tpu.memory_space<hbm>>
    %dma_start3A_2476 = tpu.memref_squeeze %dma_start3A_2475 : memref<1x32xf32, #tpu.memory_space<hbm>> -> memref<32xf32, #tpu.memory_space<hbm>>
    %dma_start3A_2477 = tpu.memref_slice %arg3[%squeeze3A_49, %mul3A_2] : memref<100000x1024xf32, #tpu.memory_space<hbm>> -> memref<1x32xf32, #tpu.memory_space<hbm>>
    %dma_start3A_2478 = tpu.memref_squeeze %dma_start3A_2477 : memref<1x32xf32, #tpu.memory_space<hbm>> -> memref<32xf32, #tpu.memory_space<hbm>>
    %dma_start3A_2479 = arith.constant 0 : i32
    %dma_start3A_2480 = tpu.memref_slice %arg7[%dma_start3A_2471, %dma_start3A_2479] : memref<32x32xf32, #tpu.memory_space<vmem>> -> memref<1x32xf32, #tpu.memory_space<vmem>>
    %dma_start3A_2481 = tpu.memref_squeeze %dma_start3A_2480 : memref<1x32xf32, #tpu.memory_space<vmem>> -> memref<32xf32, #tpu.memory_space<vmem>>
    tpu.enqueue_dma source(%dma_start3A_2481 : memref<32xf32, #tpu.memory_space<vmem>>) target(%dma_start3A_2478 : memref<32xf32, #tpu.memory_space<hbm>>) target_semaphore(%arg8 : memref<!tpu.dma_semaphore, #tpu.memory_space<semaphore_mem>>)
    %dma_start3A_2482 = arith.constant 22 : i32
    %dma_start3A_2483 = arith.constant 0 : i32
    %dma_start3A_2484 = tpu.memref_slice %arg7[%dma_start3A_2482, %dma_start3A_2483] : memref<32x32xf32, #tpu.memory_space<vmem>> -> memref<1x32xf32, #tpu.memory_space<vmem>>
    %dma_start3A_2485 = tpu.memref_squeeze %dma_start3A_2484 : memref<1x32xf32, #tpu.memory_space<vmem>> -> memref<32xf32, #tpu.memory_space<vmem>>
    %dma_start3A_2486 = tpu.memref_slice %arg3[%squeeze3A_51, %mul3A_2] : memref<100000x1024xf32, #tpu.memory_space<hbm>> -> memref<1x32xf32, #tpu.memory_space<hbm>>
    %dma_start3A_2487 = tpu.memref_squeeze %dma_start3A_2486 : memref<1x32xf32, #tpu.memory_space<hbm>> -> memref<32xf32, #tpu.memory_space<hbm>>
    %dma_start3A_2488 = tpu.memref_slice %arg3[%squeeze3A_51, %mul3A_2] : memref<100000x1024xf32, #tpu.memory_space<hbm>> -> memref<1x32xf32, #tpu.memory_space<hbm>>
    %dma_start3A_2489 = tpu.memref_squeeze %dma_start3A_2488 : memref<1x32xf32, #tpu.memory_space<hbm>> -> memref<32xf32, #tpu.memory_space<hbm>>
    %dma_start3A_2490 = arith.constant 0 : i32
    %dma_start3A_2491 = tpu.memref_slice %arg7[%dma_start3A_2482, %dma_start3A_2490] : memref<32x32xf32, #tpu.memory_space<vmem>> -> memref<1x32xf32, #tpu.memory_space<vmem>>
    %dma_start3A_2492 = tpu.memref_squeeze %dma_start3A_2491 : memref<1x32xf32, #tpu.memory_space<vmem>> -> memref<32xf32, #tpu.memory_space<vmem>>
    tpu.enqueue_dma source(%dma_start3A_2492 : memref<32xf32, #tpu.memory_space<vmem>>) target(%dma_start3A_2489 : memref<32xf32, #tpu.memory_space<hbm>>) target_semaphore(%arg8 : memref<!tpu.dma_semaphore, #tpu.memory_space<semaphore_mem>>)
    %dma_start3A_2493 = arith.constant 23 : i32
    %dma_start3A_2494 = arith.constant 0 : i32
    %dma_start3A_2495 = tpu.memref_slice %arg7[%dma_start3A_2493, %dma_start3A_2494] : memref<32x32xf32, #tpu.memory_space<vmem>> -> memref<1x32xf32, #tpu.memory_space<vmem>>
    %dma_start3A_2496 = tpu.memref_squeeze %dma_start3A_2495 : memref<1x32xf32, #tpu.memory_space<vmem>> -> memref<32xf32, #tpu.memory_space<vmem>>
    %dma_start3A_2497 = tpu.memref_slice %arg3[%squeeze3A_53, %mul3A_2] : memref<100000x1024xf32, #tpu.memory_space<hbm>> -> memref<1x32xf32, #tpu.memory_space<hbm>>
    %dma_start3A_2498 = tpu.memref_squeeze %dma_start3A_2497 : memref<1x32xf32, #tpu.memory_space<hbm>> -> memref<32xf32, #tpu.memory_space<hbm>>
    %dma_start3A_2499 = tpu.memref_slice %arg3[%squeeze3A_53, %mul3A_2] : memref<100000x1024xf32, #tpu.memory_space<hbm>> -> memref<1x32xf32, #tpu.memory_space<hbm>>
    %dma_start3A_2500 = tpu.memref_squeeze %dma_start3A_2499 : memref<1x32xf32, #tpu.memory_space<hbm>> -> memref<32xf32, #tpu.memory_space<hbm>>
    %dma_start3A_2501 = arith.constant 0 : i32
    %dma_start3A_2502 = tpu.memref_slice %arg7[%dma_start3A_2493, %dma_start3A_2501] : memref<32x32xf32, #tpu.memory_space<vmem>> -> memref<1x32xf32, #tpu.memory_space<vmem>>
    %dma_start3A_2503 = tpu.memref_squeeze %dma_start3A_2502 : memref<1x32xf32, #tpu.memory_space<vmem>> -> memref<32xf32, #tpu.memory_space<vmem>>
    tpu.enqueue_dma source(%dma_start3A_2503 : memref<32xf32, #tpu.memory_space<vmem>>) target(%dma_start3A_2500 : memref<32xf32, #tpu.memory_space<hbm>>) target_semaphore(%arg8 : memref<!tpu.dma_semaphore, #tpu.memory_space<semaphore_mem>>)
    %dma_start3A_2504 = arith.constant 24 : i32
    %dma_start3A_2505 = arith.constant 0 : i32
    %dma_start3A_2506 = tpu.memref_slice %arg7[%dma_start3A_2504, %dma_start3A_2505] : memref<32x32xf32, #tpu.memory_space<vmem>> -> memref<1x32xf32, #tpu.memory_space<vmem>>
    %dma_start3A_2507 = tpu.memref_squeeze %dma_start3A_2506 : memref<1x32xf32, #tpu.memory_space<vmem>> -> memref<32xf32, #tpu.memory_space<vmem>>
    %dma_start3A_2508 = tpu.memref_slice %arg3[%squeeze3A_55, %mul3A_2] : memref<100000x1024xf32, #tpu.memory_space<hbm>> -> memref<1x32xf32, #tpu.memory_space<hbm>>
    %dma_start3A_2509 = tpu.memref_squeeze %dma_start3A_2508 : memref<1x32xf32, #tpu.memory_space<hbm>> -> memref<32xf32, #tpu.memory_space<hbm>>
    %dma_start3A_2510 = tpu.memref_slice %arg3[%squeeze3A_55, %mul3A_2] : memref<100000x1024xf32, #tpu.memory_space<hbm>> -> memref<1x32xf32, #tpu.memory_space<hbm>>
    %dma_start3A_2511 = tpu.memref_squeeze %dma_start3A_2510 : memref<1x32xf32, #tpu.memory_space<hbm>> -> memref<32xf32, #tpu.memory_space<hbm>>
    %dma_start3A_2512 = arith.constant 0 : i32
    %dma_start3A_2513 = tpu.memref_slice %arg7[%dma_start3A_2504, %dma_start3A_2512] : memref<32x32xf32, #tpu.memory_space<vmem>> -> memref<1x32xf32, #tpu.memory_space<vmem>>
    %dma_start3A_2514 = tpu.memref_squeeze %dma_start3A_2513 : memref<1x32xf32, #tpu.memory_space<vmem>> -> memref<32xf32, #tpu.memory_space<vmem>>
    tpu.enqueue_dma source(%dma_start3A_2514 : memref<32xf32, #tpu.memory_space<vmem>>) target(%dma_start3A_2511 : memref<32xf32, #tpu.memory_space<hbm>>) target_semaphore(%arg8 : memref<!tpu.dma_semaphore, #tpu.memory_space<semaphore_mem>>)
    %dma_start3A_2515 = arith.constant 25 : i32
    %dma_start3A_2516 = arith.constant 0 : i32
    %dma_start3A_2517 = tpu.memref_slice %arg7[%dma_start3A_2515, %dma_start3A_2516] : memref<32x32xf32, #tpu.memory_space<vmem>> -> memref<1x32xf32, #tpu.memory_space<vmem>>
    %dma_start3A_2518 = tpu.memref_squeeze %dma_start3A_2517 : memref<1x32xf32, #tpu.memory_space<vmem>> -> memref<32xf32, #tpu.memory_space<vmem>>
    %dma_start3A_2519 = tpu.memref_slice %arg3[%squeeze3A_57, %mul3A_2] : memref<100000x1024xf32, #tpu.memory_space<hbm>> -> memref<1x32xf32, #tpu.memory_space<hbm>>
    %dma_start3A_2520 = tpu.memref_squeeze %dma_start3A_2519 : memref<1x32xf32, #tpu.memory_space<hbm>> -> memref<32xf32, #tpu.memory_space<hbm>>
    %dma_start3A_2521 = tpu.memref_slice %arg3[%squeeze3A_57, %mul3A_2] : memref<100000x1024xf32, #tpu.memory_space<hbm>> -> memref<1x32xf32, #tpu.memory_space<hbm>>
    %dma_start3A_2522 = tpu.memref_squeeze %dma_start3A_2521 : memref<1x32xf32, #tpu.memory_space<hbm>> -> memref<32xf32, #tpu.memory_space<hbm>>
    %dma_start3A_2523 = arith.constant 0 : i32
    %dma_start3A_2524 = tpu.memref_slice %arg7[%dma_start3A_2515, %dma_start3A_2523] : memref<32x32xf32, #tpu.memory_space<vmem>> -> memref<1x32xf32, #tpu.memory_space<vmem>>
    %dma_start3A_2525 = tpu.memref_squeeze %dma_start3A_2524 : memref<1x32xf32, #tpu.memory_space<vmem>> -> memref<32xf32, #tpu.memory_space<vmem>>
    tpu.enqueue_dma source(%dma_start3A_2525 : memref<32xf32, #tpu.memory_space<vmem>>) target(%dma_start3A_2522 : memref<32xf32, #tpu.memory_space<hbm>>) target_semaphore(%arg8 : memref<!tpu.dma_semaphore, #tpu.memory_space<semaphore_mem>>)
    %dma_start3A_2526 = arith.constant 26 : i32
    %dma_start3A_2527 = arith.constant 0 : i32
    %dma_start3A_2528 = tpu.memref_slice %arg7[%dma_start3A_2526, %dma_start3A_2527] : memref<32x32xf32, #tpu.memory_space<vmem>> -> memref<1x32xf32, #tpu.memory_space<vmem>>
    %dma_start3A_2529 = tpu.memref_squeeze %dma_start3A_2528 : memref<1x32xf32, #tpu.memory_space<vmem>> -> memref<32xf32, #tpu.memory_space<vmem>>
    %dma_start3A_2530 = tpu.memref_slice %arg3[%squeeze3A_59, %mul3A_2] : memref<100000x1024xf32, #tpu.memory_space<hbm>> -> memref<1x32xf32, #tpu.memory_space<hbm>>
    %dma_start3A_2531 = tpu.memref_squeeze %dma_start3A_2530 : memref<1x32xf32, #tpu.memory_space<hbm>> -> memref<32xf32, #tpu.memory_space<hbm>>
    %dma_start3A_2532 = tpu.memref_slice %arg3[%squeeze3A_59, %mul3A_2] : memref<100000x1024xf32, #tpu.memory_space<hbm>> -> memref<1x32xf32, #tpu.memory_space<hbm>>
    %dma_start3A_2533 = tpu.memref_squeeze %dma_start3A_2532 : memref<1x32xf32, #tpu.memory_space<hbm>> -> memref<32xf32, #tpu.memory_space<hbm>>
    %dma_start3A_2534 = arith.constant 0 : i32
    %dma_start3A_2535 = tpu.memref_slice %arg7[%dma_start3A_2526, %dma_start3A_2534] : memref<32x32xf32, #tpu.memory_space<vmem>> -> memref<1x32xf32, #tpu.memory_space<vmem>>
    %dma_start3A_2536 = tpu.memref_squeeze %dma_start3A_2535 : memref<1x32xf32, #tpu.memory_space<vmem>> -> memref<32xf32, #tpu.memory_space<vmem>>
    tpu.enqueue_dma source(%dma_start3A_2536 : memref<32xf32, #tpu.memory_space<vmem>>) target(%dma_start3A_2533 : memref<32xf32, #tpu.memory_space<hbm>>) target_semaphore(%arg8 : memref<!tpu.dma_semaphore, #tpu.memory_space<semaphore_mem>>)
    %dma_start3A_2537 = arith.constant 27 : i32
    %dma_start3A_2538 = arith.constant 0 : i32
    %dma_start3A_2539 = tpu.memref_slice %arg7[%dma_start3A_2537, %dma_start3A_2538] : memref<32x32xf32, #tpu.memory_space<vmem>> -> memref<1x32xf32, #tpu.memory_space<vmem>>
    %dma_start3A_2540 = tpu.memref_squeeze %dma_start3A_2539 : memref<1x32xf32, #tpu.memory_space<vmem>> -> memref<32xf32, #tpu.memory_space<vmem>>
    %dma_start3A_2541 = tpu.memref_slice %arg3[%squeeze3A_61, %mul3A_2] : memref<100000x1024xf32, #tpu.memory_space<hbm>> -> memref<1x32xf32, #tpu.memory_space<hbm>>
    %dma_start3A_2542 = tpu.memref_squeeze %dma_start3A_2541 : memref<1x32xf32, #tpu.memory_space<hbm>> -> memref<32xf32, #tpu.memory_space<hbm>>
    %dma_start3A_2543 = tpu.memref_slice %arg3[%squeeze3A_61, %mul3A_2] : memref<100000x1024xf32, #tpu.memory_space<hbm>> -> memref<1x32xf32, #tpu.memory_space<hbm>>
    %dma_start3A_2544 = tpu.memref_squeeze %dma_start3A_2543 : memref<1x32xf32, #tpu.memory_space<hbm>> -> memref<32xf32, #tpu.memory_space<hbm>>
    %dma_start3A_2545 = arith.constant 0 : i32
    %dma_start3A_2546 = tpu.memref_slice %arg7[%dma_start3A_2537, %dma_start3A_2545] : memref<32x32xf32, #tpu.memory_space<vmem>> -> memref<1x32xf32, #tpu.memory_space<vmem>>
    %dma_start3A_2547 = tpu.memref_squeeze %dma_start3A_2546 : memref<1x32xf32, #tpu.memory_space<vmem>> -> memref<32xf32, #tpu.memory_space<vmem>>
    tpu.enqueue_dma source(%dma_start3A_2547 : memref<32xf32, #tpu.memory_space<vmem>>) target(%dma_start3A_2544 : memref<32xf32, #tpu.memory_space<hbm>>) target_semaphore(%arg8 : memref<!tpu.dma_semaphore, #tpu.memory_space<semaphore_mem>>)
    %dma_start3A_2548 = arith.constant 28 : i32
    %dma_start3A_2549 = arith.constant 0 : i32
    %dma_start3A_2550 = tpu.memref_slice %arg7[%dma_start3A_2548, %dma_start3A_2549] : memref<32x32xf32, #tpu.memory_space<vmem>> -> memref<1x32xf32, #tpu.memory_space<vmem>>
    %dma_start3A_2551 = tpu.memref_squeeze %dma_start3A_2550 : memref<1x32xf32, #tpu.memory_space<vmem>> -> memref<32xf32, #tpu.memory_space<vmem>>
    %dma_start3A_2552 = tpu.memref_slice %arg3[%squeeze3A_63, %mul3A_2] : memref<100000x1024xf32, #tpu.memory_space<hbm>> -> memref<1x32xf32, #tpu.memory_space<hbm>>
    %dma_start3A_2553 = tpu.memref_squeeze %dma_start3A_2552 : memref<1x32xf32, #tpu.memory_space<hbm>> -> memref<32xf32, #tpu.memory_space<hbm>>
    %dma_start3A_2554 = tpu.memref_slice %arg3[%squeeze3A_63, %mul3A_2] : memref<100000x1024xf32, #tpu.memory_space<hbm>> -> memref<1x32xf32, #tpu.memory_space<hbm>>
    %dma_start3A_2555 = tpu.memref_squeeze %dma_start3A_2554 : memref<1x32xf32, #tpu.memory_space<hbm>> -> memref<32xf32, #tpu.memory_space<hbm>>
    %dma_start3A_2556 = arith.constant 0 : i32
    %dma_start3A_2557 = tpu.memref_slice %arg7[%dma_start3A_2548, %dma_start3A_2556] : memref<32x32xf32, #tpu.memory_space<vmem>> -> memref<1x32xf32, #tpu.memory_space<vmem>>
    %dma_start3A_2558 = tpu.memref_squeeze %dma_start3A_2557 : memref<1x32xf32, #tpu.memory_space<vmem>> -> memref<32xf32, #tpu.memory_space<vmem>>
    tpu.enqueue_dma source(%dma_start3A_2558 : memref<32xf32, #tpu.memory_space<vmem>>) target(%dma_start3A_2555 : memref<32xf32, #tpu.memory_space<hbm>>) target_semaphore(%arg8 : memref<!tpu.dma_semaphore, #tpu.memory_space<semaphore_mem>>)
    %dma_start3A_2559 = arith.constant 29 : i32
    %dma_start3A_2560 = arith.constant 0 : i32
    %dma_start3A_2561 = tpu.memref_slice %arg7[%dma_start3A_2559, %dma_start3A_2560] : memref<32x32xf32, #tpu.memory_space<vmem>> -> memref<1x32xf32, #tpu.memory_space<vmem>>
    %dma_start3A_2562 = tpu.memref_squeeze %dma_start3A_2561 : memref<1x32xf32, #tpu.memory_space<vmem>> -> memref<32xf32, #tpu.memory_space<vmem>>
    %dma_start3A_2563 = tpu.memref_slice %arg3[%squeeze3A_65, %mul3A_2] : memref<100000x1024xf32, #tpu.memory_space<hbm>> -> memref<1x32xf32, #tpu.memory_space<hbm>>
    %dma_start3A_2564 = tpu.memref_squeeze %dma_start3A_2563 : memref<1x32xf32, #tpu.memory_space<hbm>> -> memref<32xf32, #tpu.memory_space<hbm>>
    %dma_start3A_2565 = tpu.memref_slice %arg3[%squeeze3A_65, %mul3A_2] : memref<100000x1024xf32, #tpu.memory_space<hbm>> -> memref<1x32xf32, #tpu.memory_space<hbm>>
    %dma_start3A_2566 = tpu.memref_squeeze %dma_start3A_2565 : memref<1x32xf32, #tpu.memory_space<hbm>> -> memref<32xf32, #tpu.memory_space<hbm>>
    %dma_start3A_2567 = arith.constant 0 : i32
    %dma_start3A_2568 = tpu.memref_slice %arg7[%dma_start3A_2559, %dma_start3A_2567] : memref<32x32xf32, #tpu.memory_space<vmem>> -> memref<1x32xf32, #tpu.memory_space<vmem>>
    %dma_start3A_2569 = tpu.memref_squeeze %dma_start3A_2568 : memref<1x32xf32, #tpu.memory_space<vmem>> -> memref<32xf32, #tpu.memory_space<vmem>>
    tpu.enqueue_dma source(%dma_start3A_2569 : memref<32xf32, #tpu.memory_space<vmem>>) target(%dma_start3A_2566 : memref<32xf32, #tpu.memory_space<hbm>>) target_semaphore(%arg8 : memref<!tpu.dma_semaphore, #tpu.memory_space<semaphore_mem>>)
    %dma_start3A_2570 = arith.constant 30 : i32
    %dma_start3A_2571 = arith.constant 0 : i32
    %dma_start3A_2572 = tpu.memref_slice %arg7[%dma_start3A_2570, %dma_start3A_2571] : memref<32x32xf32, #tpu.memory_space<vmem>> -> memref<1x32xf32, #tpu.memory_space<vmem>>
    %dma_start3A_2573 = tpu.memref_squeeze %dma_start3A_2572 : memref<1x32xf32, #tpu.memory_space<vmem>> -> memref<32xf32, #tpu.memory_space<vmem>>
    %dma_start3A_2574 = tpu.memref_slice %arg3[%squeeze3A_67, %mul3A_2] : memref<100000x1024xf32, #tpu.memory_space<hbm>> -> memref<1x32xf32, #tpu.memory_space<hbm>>
    %dma_start3A_2575 = tpu.memref_squeeze %dma_start3A_2574 : memref<1x32xf32, #tpu.memory_space<hbm>> -> memref<32xf32, #tpu.memory_space<hbm>>
    %dma_start3A_2576 = tpu.memref_slice %arg3[%squeeze3A_67, %mul3A_2] : memref<100000x1024xf32, #tpu.memory_space<hbm>> -> memref<1x32xf32, #tpu.memory_space<hbm>>
    %dma_start3A_2577 = tpu.memref_squeeze %dma_start3A_2576 : memref<1x32xf32, #tpu.memory_space<hbm>> -> memref<32xf32, #tpu.memory_space<hbm>>
    %dma_start3A_2578 = arith.constant 0 : i32
    %dma_start3A_2579 = tpu.memref_slice %arg7[%dma_start3A_2570, %dma_start3A_2578] : memref<32x32xf32, #tpu.memory_space<vmem>> -> memref<1x32xf32, #tpu.memory_space<vmem>>
    %dma_start3A_2580 = tpu.memref_squeeze %dma_start3A_2579 : memref<1x32xf32, #tpu.memory_space<vmem>> -> memref<32xf32, #tpu.memory_space<vmem>>
    tpu.enqueue_dma source(%dma_start3A_2580 : memref<32xf32, #tpu.memory_space<vmem>>) target(%dma_start3A_2577 : memref<32xf32, #tpu.memory_space<hbm>>) target_semaphore(%arg8 : memref<!tpu.dma_semaphore, #tpu.memory_space<semaphore_mem>>)
    %dma_start3A_2581 = arith.constant 31 : i32
    %dma_start3A_2582 = arith.constant 0 : i32
    %dma_start3A_2583 = tpu.memref_slice %arg7[%dma_start3A_2581, %dma_start3A_2582] : memref<32x32xf32, #tpu.memory_space<vmem>> -> memref<1x32xf32, #tpu.memory_space<vmem>>
    %dma_start3A_2584 = tpu.memref_squeeze %dma_start3A_2583 : memref<1x32xf32, #tpu.memory_space<vmem>> -> memref<32xf32, #tpu.memory_space<vmem>>
    %dma_start3A_2585 = tpu.memref_slice %arg3[%squeeze3A_69, %mul3A_2] : memref<100000x1024xf32, #tpu.memory_space<hbm>> -> memref<1x32xf32, #tpu.memory_space<hbm>>
    %dma_start3A_2586 = tpu.memref_squeeze %dma_start3A_2585 : memref<1x32xf32, #tpu.memory_space<hbm>> -> memref<32xf32, #tpu.memory_space<hbm>>
    %dma_start3A_2587 = tpu.memref_slice %arg3[%squeeze3A_69, %mul3A_2] : memref<100000x1024xf32, #tpu.memory_space<hbm>> -> memref<1x32xf32, #tpu.memory_space<hbm>>
    %dma_start3A_2588 = tpu.memref_squeeze %dma_start3A_2587 : memref<1x32xf32, #tpu.memory_space<hbm>> -> memref<32xf32, #tpu.memory_space<hbm>>
    %dma_start3A_2589 = arith.constant 0 : i32
    %dma_start3A_2590 = tpu.memref_slice %arg7[%dma_start3A_2581, %dma_start3A_2589] : memref<32x32xf32, #tpu.memory_space<vmem>> -> memref<1x32xf32, #tpu.memory_space<vmem>>
    %dma_start3A_2591 = tpu.memref_squeeze %dma_start3A_2590 : memref<1x32xf32, #tpu.memory_space<vmem>> -> memref<32xf32, #tpu.memory_space<vmem>>
    tpu.enqueue_dma source(%dma_start3A_2591 : memref<32xf32, #tpu.memory_space<vmem>>) target(%dma_start3A_2588 : memref<32xf32, #tpu.memory_space<hbm>>) target_semaphore(%arg8 : memref<!tpu.dma_semaphore, #tpu.memory_space<semaphore_mem>>)
    %dma_wait3A_2592 = arith.constant 0 : i32
    %dma_wait3A_2593 = arith.constant 0 : i32
    %dma_wait3A_2594 = tpu.memref_slice %arg7[%dma_wait3A_2592, %dma_wait3A_2593] : memref<32x32xf32, #tpu.memory_space<vmem>> -> memref<1x32xf32, #tpu.memory_space<vmem>>
    %dma_wait3A_2595 = tpu.memref_squeeze %dma_wait3A_2594 : memref<1x32xf32, #tpu.memory_space<vmem>> -> memref<32xf32, #tpu.memory_space<vmem>>
    %dma_wait3A_2596 = tpu.memref_slice %arg3[%squeeze3A, %mul3A_2] : memref<100000x1024xf32, #tpu.memory_space<hbm>> -> memref<1x32xf32, #tpu.memory_space<hbm>>
    %dma_wait3A_2597 = tpu.memref_squeeze %dma_wait3A_2596 : memref<1x32xf32, #tpu.memory_space<hbm>> -> memref<32xf32, #tpu.memory_space<hbm>>
    %dma_wait3A_2598 = tpu.memref_slice %arg3[%squeeze3A, %mul3A_2] : memref<100000x1024xf32, #tpu.memory_space<hbm>> -> memref<1x32xf32, #tpu.memory_space<hbm>>
    %dma_wait3A_2599 = tpu.memref_squeeze %dma_wait3A_2598 : memref<1x32xf32, #tpu.memory_space<hbm>> -> memref<32xf32, #tpu.memory_space<hbm>>
    %dma_wait3A_2600 = arith.constant 0 : i32
    %dma_wait3A_2601 = tpu.memref_slice %arg7[%dma_wait3A_2592, %dma_wait3A_2600] : memref<32x32xf32, #tpu.memory_space<vmem>> -> memref<1x32xf32, #tpu.memory_space<vmem>>
    %dma_wait3A_2602 = tpu.memref_squeeze %dma_wait3A_2601 : memref<1x32xf32, #tpu.memory_space<vmem>> -> memref<32xf32, #tpu.memory_space<vmem>>
    tpu.wait_dma2 semaphore(%arg8 : memref<!tpu.dma_semaphore, #tpu.memory_space<semaphore_mem>>) src(%dma_wait3A_2602 : memref<32xf32, #tpu.memory_space<vmem>>) dst(%dma_wait3A_2599 : memref<32xf32, #tpu.memory_space<hbm>>)
    %dma_wait3A_2603 = arith.constant 1 : i32
    %dma_wait3A_2604 = arith.constant 0 : i32
    %dma_wait3A_2605 = tpu.memref_slice %arg7[%dma_wait3A_2603, %dma_wait3A_2604] : memref<32x32xf32, #tpu.memory_space<vmem>> -> memref<1x32xf32, #tpu.memory_space<vmem>>
    %dma_wait3A_2606 = tpu.memref_squeeze %dma_wait3A_2605 : memref<1x32xf32, #tpu.memory_space<vmem>> -> memref<32xf32, #tpu.memory_space<vmem>>
    %dma_wait3A_2607 = tpu.memref_slice %arg3[%squeeze3A_9, %mul3A_2] : memref<100000x1024xf32, #tpu.memory_space<hbm>> -> memref<1x32xf32, #tpu.memory_space<hbm>>
    %dma_wait3A_2608 = tpu.memref_squeeze %dma_wait3A_2607 : memref<1x32xf32, #tpu.memory_space<hbm>> -> memref<32xf32, #tpu.memory_space<hbm>>
    %dma_wait3A_2609 = tpu.memref_slice %arg3[%squeeze3A_9, %mul3A_2] : memref<100000x1024xf32, #tpu.memory_space<hbm>> -> memref<1x32xf32, #tpu.memory_space<hbm>>
    %dma_wait3A_2610 = tpu.memref_squeeze %dma_wait3A_2609 : memref<1x32xf32, #tpu.memory_space<hbm>> -> memref<32xf32, #tpu.memory_space<hbm>>
    %dma_wait3A_2611 = arith.constant 0 : i32
    %dma_wait3A_2612 = tpu.memref_slice %arg7[%dma_wait3A_2603, %dma_wait3A_2611] : memref<32x32xf32, #tpu.memory_space<vmem>> -> memref<1x32xf32, #tpu.memory_space<vmem>>
    %dma_wait3A_2613 = tpu.memref_squeeze %dma_wait3A_2612 : memref<1x32xf32, #tpu.memory_space<vmem>> -> memref<32xf32, #tpu.memory_space<vmem>>
    tpu.wait_dma2 semaphore(%arg8 : memref<!tpu.dma_semaphore, #tpu.memory_space<semaphore_mem>>) src(%dma_wait3A_2613 : memref<32xf32, #tpu.memory_space<vmem>>) dst(%dma_wait3A_2610 : memref<32xf32, #tpu.memory_space<hbm>>)
    %dma_wait3A_2614 = arith.constant 2 : i32
    %dma_wait3A_2615 = arith.constant 0 : i32
    %dma_wait3A_2616 = tpu.memref_slice %arg7[%dma_wait3A_2614, %dma_wait3A_2615] : memref<32x32xf32, #tpu.memory_space<vmem>> -> memref<1x32xf32, #tpu.memory_space<vmem>>
    %dma_wait3A_2617 = tpu.memref_squeeze %dma_wait3A_2616 : memref<1x32xf32, #tpu.memory_space<vmem>> -> memref<32xf32, #tpu.memory_space<vmem>>
    %dma_wait3A_2618 = tpu.memref_slice %arg3[%squeeze3A_11, %mul3A_2] : memref<100000x1024xf32, #tpu.memory_space<hbm>> -> memref<1x32xf32, #tpu.memory_space<hbm>>
    %dma_wait3A_2619 = tpu.memref_squeeze %dma_wait3A_2618 : memref<1x32xf32, #tpu.memory_space<hbm>> -> memref<32xf32, #tpu.memory_space<hbm>>
    %dma_wait3A_2620 = tpu.memref_slice %arg3[%squeeze3A_11, %mul3A_2] : memref<100000x1024xf32, #tpu.memory_space<hbm>> -> memref<1x32xf32, #tpu.memory_space<hbm>>
    %dma_wait3A_2621 = tpu.memref_squeeze %dma_wait3A_2620 : memref<1x32xf32, #tpu.memory_space<hbm>> -> memref<32xf32, #tpu.memory_space<hbm>>
    %dma_wait3A_2622 = arith.constant 0 : i32
    %dma_wait3A_2623 = tpu.memref_slice %arg7[%dma_wait3A_2614, %dma_wait3A_2622] : memref<32x32xf32, #tpu.memory_space<vmem>> -> memref<1x32xf32, #tpu.memory_space<vmem>>
    %dma_wait3A_2624 = tpu.memref_squeeze %dma_wait3A_2623 : memref<1x32xf32, #tpu.memory_space<vmem>> -> memref<32xf32, #tpu.memory_space<vmem>>
    tpu.wait_dma2 semaphore(%arg8 : memref<!tpu.dma_semaphore, #tpu.memory_space<semaphore_mem>>) src(%dma_wait3A_2624 : memref<32xf32, #tpu.memory_space<vmem>>) dst(%dma_wait3A_2621 : memref<32xf32, #tpu.memory_space<hbm>>)
    %dma_wait3A_2625 = arith.constant 3 : i32
    %dma_wait3A_2626 = arith.constant 0 : i32
    %dma_wait3A_2627 = tpu.memref_slice %arg7[%dma_wait3A_2625, %dma_wait3A_2626] : memref<32x32xf32, #tpu.memory_space<vmem>> -> memref<1x32xf32, #tpu.memory_space<vmem>>
    %dma_wait3A_2628 = tpu.memref_squeeze %dma_wait3A_2627 : memref<1x32xf32, #tpu.memory_space<vmem>> -> memref<32xf32, #tpu.memory_space<vmem>>
    %dma_wait3A_2629 = tpu.memref_slice %arg3[%squeeze3A_13, %mul3A_2] : memref<100000x1024xf32, #tpu.memory_space<hbm>> -> memref<1x32xf32, #tpu.memory_space<hbm>>
    %dma_wait3A_2630 = tpu.memref_squeeze %dma_wait3A_2629 : memref<1x32xf32, #tpu.memory_space<hbm>> -> memref<32xf32, #tpu.memory_space<hbm>>
    %dma_wait3A_2631 = tpu.memref_slice %arg3[%squeeze3A_13, %mul3A_2] : memref<100000x1024xf32, #tpu.memory_space<hbm>> -> memref<1x32xf32, #tpu.memory_space<hbm>>
    %dma_wait3A_2632 = tpu.memref_squeeze %dma_wait3A_2631 : memref<1x32xf32, #tpu.memory_space<hbm>> -> memref<32xf32, #tpu.memory_space<hbm>>
    %dma_wait3A_2633 = arith.constant 0 : i32
    %dma_wait3A_2634 = tpu.memref_slice %arg7[%dma_wait3A_2625, %dma_wait3A_2633] : memref<32x32xf32, #tpu.memory_space<vmem>> -> memref<1x32xf32, #tpu.memory_space<vmem>>
    %dma_wait3A_2635 = tpu.memref_squeeze %dma_wait3A_2634 : memref<1x32xf32, #tpu.memory_space<vmem>> -> memref<32xf32, #tpu.memory_space<vmem>>
    tpu.wait_dma2 semaphore(%arg8 : memref<!tpu.dma_semaphore, #tpu.memory_space<semaphore_mem>>) src(%dma_wait3A_2635 : memref<32xf32, #tpu.memory_space<vmem>>) dst(%dma_wait3A_2632 : memref<32xf32, #tpu.memory_space<hbm>>)
    %dma_wait3A_2636 = arith.constant 4 : i32
    %dma_wait3A_2637 = arith.constant 0 : i32
    %dma_wait3A_2638 = tpu.memref_slice %arg7[%dma_wait3A_2636, %dma_wait3A_2637] : memref<32x32xf32, #tpu.memory_space<vmem>> -> memref<1x32xf32, #tpu.memory_space<vmem>>
    %dma_wait3A_2639 = tpu.memref_squeeze %dma_wait3A_2638 : memref<1x32xf32, #tpu.memory_space<vmem>> -> memref<32xf32, #tpu.memory_space<vmem>>
    %dma_wait3A_2640 = tpu.memref_slice %arg3[%squeeze3A_15, %mul3A_2] : memref<100000x1024xf32, #tpu.memory_space<hbm>> -> memref<1x32xf32, #tpu.memory_space<hbm>>
    %dma_wait3A_2641 = tpu.memref_squeeze %dma_wait3A_2640 : memref<1x32xf32, #tpu.memory_space<hbm>> -> memref<32xf32, #tpu.memory_space<hbm>>
    %dma_wait3A_2642 = tpu.memref_slice %arg3[%squeeze3A_15, %mul3A_2] : memref<100000x1024xf32, #tpu.memory_space<hbm>> -> memref<1x32xf32, #tpu.memory_space<hbm>>
    %dma_wait3A_2643 = tpu.memref_squeeze %dma_wait3A_2642 : memref<1x32xf32, #tpu.memory_space<hbm>> -> memref<32xf32, #tpu.memory_space<hbm>>
    %dma_wait3A_2644 = arith.constant 0 : i32
    %dma_wait3A_2645 = tpu.memref_slice %arg7[%dma_wait3A_2636, %dma_wait3A_2644] : memref<32x32xf32, #tpu.memory_space<vmem>> -> memref<1x32xf32, #tpu.memory_space<vmem>>
    %dma_wait3A_2646 = tpu.memref_squeeze %dma_wait3A_2645 : memref<1x32xf32, #tpu.memory_space<vmem>> -> memref<32xf32, #tpu.memory_space<vmem>>
    tpu.wait_dma2 semaphore(%arg8 : memref<!tpu.dma_semaphore, #tpu.memory_space<semaphore_mem>>) src(%dma_wait3A_2646 : memref<32xf32, #tpu.memory_space<vmem>>) dst(%dma_wait3A_2643 : memref<32xf32, #tpu.memory_space<hbm>>)
    %dma_wait3A_2647 = arith.constant 5 : i32
    %dma_wait3A_2648 = arith.constant 0 : i32
    %dma_wait3A_2649 = tpu.memref_slice %arg7[%dma_wait3A_2647, %dma_wait3A_2648] : memref<32x32xf32, #tpu.memory_space<vmem>> -> memref<1x32xf32, #tpu.memory_space<vmem>>
    %dma_wait3A_2650 = tpu.memref_squeeze %dma_wait3A_2649 : memref<1x32xf32, #tpu.memory_space<vmem>> -> memref<32xf32, #tpu.memory_space<vmem>>
    %dma_wait3A_2651 = tpu.memref_slice %arg3[%squeeze3A_17, %mul3A_2] : memref<100000x1024xf32, #tpu.memory_space<hbm>> -> memref<1x32xf32, #tpu.memory_space<hbm>>
    %dma_wait3A_2652 = tpu.memref_squeeze %dma_wait3A_2651 : memref<1x32xf32, #tpu.memory_space<hbm>> -> memref<32xf32, #tpu.memory_space<hbm>>
    %dma_wait3A_2653 = tpu.memref_slice %arg3[%squeeze3A_17, %mul3A_2] : memref<100000x1024xf32, #tpu.memory_space<hbm>> -> memref<1x32xf32, #tpu.memory_space<hbm>>
    %dma_wait3A_2654 = tpu.memref_squeeze %dma_wait3A_2653 : memref<1x32xf32, #tpu.memory_space<hbm>> -> memref<32xf32, #tpu.memory_space<hbm>>
    %dma_wait3A_2655 = arith.constant 0 : i32
    %dma_wait3A_2656 = tpu.memref_slice %arg7[%dma_wait3A_2647, %dma_wait3A_2655] : memref<32x32xf32, #tpu.memory_space<vmem>> -> memref<1x32xf32, #tpu.memory_space<vmem>>
    %dma_wait3A_2657 = tpu.memref_squeeze %dma_wait3A_2656 : memref<1x32xf32, #tpu.memory_space<vmem>> -> memref<32xf32, #tpu.memory_space<vmem>>
    tpu.wait_dma2 semaphore(%arg8 : memref<!tpu.dma_semaphore, #tpu.memory_space<semaphore_mem>>) src(%dma_wait3A_2657 : memref<32xf32, #tpu.memory_space<vmem>>) dst(%dma_wait3A_2654 : memref<32xf32, #tpu.memory_space<hbm>>)
    %dma_wait3A_2658 = arith.constant 6 : i32
    %dma_wait3A_2659 = arith.constant 0 : i32
    %dma_wait3A_2660 = tpu.memref_slice %arg7[%dma_wait3A_2658, %dma_wait3A_2659] : memref<32x32xf32, #tpu.memory_space<vmem>> -> memref<1x32xf32, #tpu.memory_space<vmem>>
    %dma_wait3A_2661 = tpu.memref_squeeze %dma_wait3A_2660 : memref<1x32xf32, #tpu.memory_space<vmem>> -> memref<32xf32, #tpu.memory_space<vmem>>
    %dma_wait3A_2662 = tpu.memref_slice %arg3[%squeeze3A_19, %mul3A_2] : memref<100000x1024xf32, #tpu.memory_space<hbm>> -> memref<1x32xf32, #tpu.memory_space<hbm>>
    %dma_wait3A_2663 = tpu.memref_squeeze %dma_wait3A_2662 : memref<1x32xf32, #tpu.memory_space<hbm>> -> memref<32xf32, #tpu.memory_space<hbm>>
    %dma_wait3A_2664 = tpu.memref_slice %arg3[%squeeze3A_19, %mul3A_2] : memref<100000x1024xf32, #tpu.memory_space<hbm>> -> memref<1x32xf32, #tpu.memory_space<hbm>>
    %dma_wait3A_2665 = tpu.memref_squeeze %dma_wait3A_2664 : memref<1x32xf32, #tpu.memory_space<hbm>> -> memref<32xf32, #tpu.memory_space<hbm>>
    %dma_wait3A_2666 = arith.constant 0 : i32
    %dma_wait3A_2667 = tpu.memref_slice %arg7[%dma_wait3A_2658, %dma_wait3A_2666] : memref<32x32xf32, #tpu.memory_space<vmem>> -> memref<1x32xf32, #tpu.memory_space<vmem>>
    %dma_wait3A_2668 = tpu.memref_squeeze %dma_wait3A_2667 : memref<1x32xf32, #tpu.memory_space<vmem>> -> memref<32xf32, #tpu.memory_space<vmem>>
    tpu.wait_dma2 semaphore(%arg8 : memref<!tpu.dma_semaphore, #tpu.memory_space<semaphore_mem>>) src(%dma_wait3A_2668 : memref<32xf32, #tpu.memory_space<vmem>>) dst(%dma_wait3A_2665 : memref<32xf32, #tpu.memory_space<hbm>>)
    %dma_wait3A_2669 = arith.constant 7 : i32
    %dma_wait3A_2670 = arith.constant 0 : i32
    %dma_wait3A_2671 = tpu.memref_slice %arg7[%dma_wait3A_2669, %dma_wait3A_2670] : memref<32x32xf32, #tpu.memory_space<vmem>> -> memref<1x32xf32, #tpu.memory_space<vmem>>
    %dma_wait3A_2672 = tpu.memref_squeeze %dma_wait3A_2671 : memref<1x32xf32, #tpu.memory_space<vmem>> -> memref<32xf32, #tpu.memory_space<vmem>>
    %dma_wait3A_2673 = tpu.memref_slice %arg3[%squeeze3A_21, %mul3A_2] : memref<100000x1024xf32, #tpu.memory_space<hbm>> -> memref<1x32xf32, #tpu.memory_space<hbm>>
    %dma_wait3A_2674 = tpu.memref_squeeze %dma_wait3A_2673 : memref<1x32xf32, #tpu.memory_space<hbm>> -> memref<32xf32, #tpu.memory_space<hbm>>
    %dma_wait3A_2675 = tpu.memref_slice %arg3[%squeeze3A_21, %mul3A_2] : memref<100000x1024xf32, #tpu.memory_space<hbm>> -> memref<1x32xf32, #tpu.memory_space<hbm>>
    %dma_wait3A_2676 = tpu.memref_squeeze %dma_wait3A_2675 : memref<1x32xf32, #tpu.memory_space<hbm>> -> memref<32xf32, #tpu.memory_space<hbm>>
    %dma_wait3A_2677 = arith.constant 0 : i32
    %dma_wait3A_2678 = tpu.memref_slice %arg7[%dma_wait3A_2669, %dma_wait3A_2677] : memref<32x32xf32, #tpu.memory_space<vmem>> -> memref<1x32xf32, #tpu.memory_space<vmem>>
    %dma_wait3A_2679 = tpu.memref_squeeze %dma_wait3A_2678 : memref<1x32xf32, #tpu.memory_space<vmem>> -> memref<32xf32, #tpu.memory_space<vmem>>
    tpu.wait_dma2 semaphore(%arg8 : memref<!tpu.dma_semaphore, #tpu.memory_space<semaphore_mem>>) src(%dma_wait3A_2679 : memref<32xf32, #tpu.memory_space<vmem>>) dst(%dma_wait3A_2676 : memref<32xf32, #tpu.memory_space<hbm>>)
    %dma_wait3A_2680 = arith.constant 8 : i32
    %dma_wait3A_2681 = arith.constant 0 : i32
    %dma_wait3A_2682 = tpu.memref_slice %arg7[%dma_wait3A_2680, %dma_wait3A_2681] : memref<32x32xf32, #tpu.memory_space<vmem>> -> memref<1x32xf32, #tpu.memory_space<vmem>>
    %dma_wait3A_2683 = tpu.memref_squeeze %dma_wait3A_2682 : memref<1x32xf32, #tpu.memory_space<vmem>> -> memref<32xf32, #tpu.memory_space<vmem>>
    %dma_wait3A_2684 = tpu.memref_slice %arg3[%squeeze3A_23, %mul3A_2] : memref<100000x1024xf32, #tpu.memory_space<hbm>> -> memref<1x32xf32, #tpu.memory_space<hbm>>
    %dma_wait3A_2685 = tpu.memref_squeeze %dma_wait3A_2684 : memref<1x32xf32, #tpu.memory_space<hbm>> -> memref<32xf32, #tpu.memory_space<hbm>>
    %dma_wait3A_2686 = tpu.memref_slice %arg3[%squeeze3A_23, %mul3A_2] : memref<100000x1024xf32, #tpu.memory_space<hbm>> -> memref<1x32xf32, #tpu.memory_space<hbm>>
    %dma_wait3A_2687 = tpu.memref_squeeze %dma_wait3A_2686 : memref<1x32xf32, #tpu.memory_space<hbm>> -> memref<32xf32, #tpu.memory_space<hbm>>
    %dma_wait3A_2688 = arith.constant 0 : i32
    %dma_wait3A_2689 = tpu.memref_slice %arg7[%dma_wait3A_2680, %dma_wait3A_2688] : memref<32x32xf32, #tpu.memory_space<vmem>> -> memref<1x32xf32, #tpu.memory_space<vmem>>
    %dma_wait3A_2690 = tpu.memref_squeeze %dma_wait3A_2689 : memref<1x32xf32, #tpu.memory_space<vmem>> -> memref<32xf32, #tpu.memory_space<vmem>>
    tpu.wait_dma2 semaphore(%arg8 : memref<!tpu.dma_semaphore, #tpu.memory_space<semaphore_mem>>) src(%dma_wait3A_2690 : memref<32xf32, #tpu.memory_space<vmem>>) dst(%dma_wait3A_2687 : memref<32xf32, #tpu.memory_space<hbm>>)
    %dma_wait3A_2691 = arith.constant 9 : i32
    %dma_wait3A_2692 = arith.constant 0 : i32
    %dma_wait3A_2693 = tpu.memref_slice %arg7[%dma_wait3A_2691, %dma_wait3A_2692] : memref<32x32xf32, #tpu.memory_space<vmem>> -> memref<1x32xf32, #tpu.memory_space<vmem>>
    %dma_wait3A_2694 = tpu.memref_squeeze %dma_wait3A_2693 : memref<1x32xf32, #tpu.memory_space<vmem>> -> memref<32xf32, #tpu.memory_space<vmem>>
    %dma_wait3A_2695 = tpu.memref_slice %arg3[%squeeze3A_25, %mul3A_2] : memref<100000x1024xf32, #tpu.memory_space<hbm>> -> memref<1x32xf32, #tpu.memory_space<hbm>>
    %dma_wait3A_2696 = tpu.memref_squeeze %dma_wait3A_2695 : memref<1x32xf32, #tpu.memory_space<hbm>> -> memref<32xf32, #tpu.memory_space<hbm>>
    %dma_wait3A_2697 = tpu.memref_slice %arg3[%squeeze3A_25, %mul3A_2] : memref<100000x1024xf32, #tpu.memory_space<hbm>> -> memref<1x32xf32, #tpu.memory_space<hbm>>
    %dma_wait3A_2698 = tpu.memref_squeeze %dma_wait3A_2697 : memref<1x32xf32, #tpu.memory_space<hbm>> -> memref<32xf32, #tpu.memory_space<hbm>>
    %dma_wait3A_2699 = arith.constant 0 : i32
    %dma_wait3A_2700 = tpu.memref_slice %arg7[%dma_wait3A_2691, %dma_wait3A_2699] : memref<32x32xf32, #tpu.memory_space<vmem>> -> memref<1x32xf32, #tpu.memory_space<vmem>>
    %dma_wait3A_2701 = tpu.memref_squeeze %dma_wait3A_2700 : memref<1x32xf32, #tpu.memory_space<vmem>> -> memref<32xf32, #tpu.memory_space<vmem>>
    tpu.wait_dma2 semaphore(%arg8 : memref<!tpu.dma_semaphore, #tpu.memory_space<semaphore_mem>>) src(%dma_wait3A_2701 : memref<32xf32, #tpu.memory_space<vmem>>) dst(%dma_wait3A_2698 : memref<32xf32, #tpu.memory_space<hbm>>)
    %dma_wait3A_2702 = arith.constant 10 : i32
    %dma_wait3A_2703 = arith.constant 0 : i32
    %dma_wait3A_2704 = tpu.memref_slice %arg7[%dma_wait3A_2702, %dma_wait3A_2703] : memref<32x32xf32, #tpu.memory_space<vmem>> -> memref<1x32xf32, #tpu.memory_space<vmem>>
    %dma_wait3A_2705 = tpu.memref_squeeze %dma_wait3A_2704 : memref<1x32xf32, #tpu.memory_space<vmem>> -> memref<32xf32, #tpu.memory_space<vmem>>
    %dma_wait3A_2706 = tpu.memref_slice %arg3[%squeeze3A_27, %mul3A_2] : memref<100000x1024xf32, #tpu.memory_space<hbm>> -> memref<1x32xf32, #tpu.memory_space<hbm>>
    %dma_wait3A_2707 = tpu.memref_squeeze %dma_wait3A_2706 : memref<1x32xf32, #tpu.memory_space<hbm>> -> memref<32xf32, #tpu.memory_space<hbm>>
    %dma_wait3A_2708 = tpu.memref_slice %arg3[%squeeze3A_27, %mul3A_2] : memref<100000x1024xf32, #tpu.memory_space<hbm>> -> memref<1x32xf32, #tpu.memory_space<hbm>>
    %dma_wait3A_2709 = tpu.memref_squeeze %dma_wait3A_2708 : memref<1x32xf32, #tpu.memory_space<hbm>> -> memref<32xf32, #tpu.memory_space<hbm>>
    %dma_wait3A_2710 = arith.constant 0 : i32
    %dma_wait3A_2711 = tpu.memref_slice %arg7[%dma_wait3A_2702, %dma_wait3A_2710] : memref<32x32xf32, #tpu.memory_space<vmem>> -> memref<1x32xf32, #tpu.memory_space<vmem>>
    %dma_wait3A_2712 = tpu.memref_squeeze %dma_wait3A_2711 : memref<1x32xf32, #tpu.memory_space<vmem>> -> memref<32xf32, #tpu.memory_space<vmem>>
    tpu.wait_dma2 semaphore(%arg8 : memref<!tpu.dma_semaphore, #tpu.memory_space<semaphore_mem>>) src(%dma_wait3A_2712 : memref<32xf32, #tpu.memory_space<vmem>>) dst(%dma_wait3A_2709 : memref<32xf32, #tpu.memory_space<hbm>>)
    %dma_wait3A_2713 = arith.constant 11 : i32
    %dma_wait3A_2714 = arith.constant 0 : i32
    %dma_wait3A_2715 = tpu.memref_slice %arg7[%dma_wait3A_2713, %dma_wait3A_2714] : memref<32x32xf32, #tpu.memory_space<vmem>> -> memref<1x32xf32, #tpu.memory_space<vmem>>
    %dma_wait3A_2716 = tpu.memref_squeeze %dma_wait3A_2715 : memref<1x32xf32, #tpu.memory_space<vmem>> -> memref<32xf32, #tpu.memory_space<vmem>>
    %dma_wait3A_2717 = tpu.memref_slice %arg3[%squeeze3A_29, %mul3A_2] : memref<100000x1024xf32, #tpu.memory_space<hbm>> -> memref<1x32xf32, #tpu.memory_space<hbm>>
    %dma_wait3A_2718 = tpu.memref_squeeze %dma_wait3A_2717 : memref<1x32xf32, #tpu.memory_space<hbm>> -> memref<32xf32, #tpu.memory_space<hbm>>
    %dma_wait3A_2719 = tpu.memref_slice %arg3[%squeeze3A_29, %mul3A_2] : memref<100000x1024xf32, #tpu.memory_space<hbm>> -> memref<1x32xf32, #tpu.memory_space<hbm>>
    %dma_wait3A_2720 = tpu.memref_squeeze %dma_wait3A_2719 : memref<1x32xf32, #tpu.memory_space<hbm>> -> memref<32xf32, #tpu.memory_space<hbm>>
    %dma_wait3A_2721 = arith.constant 0 : i32
    %dma_wait3A_2722 = tpu.memref_slice %arg7[%dma_wait3A_2713, %dma_wait3A_2721] : memref<32x32xf32, #tpu.memory_space<vmem>> -> memref<1x32xf32, #tpu.memory_space<vmem>>
    %dma_wait3A_2723 = tpu.memref_squeeze %dma_wait3A_2722 : memref<1x32xf32, #tpu.memory_space<vmem>> -> memref<32xf32, #tpu.memory_space<vmem>>
    tpu.wait_dma2 semaphore(%arg8 : memref<!tpu.dma_semaphore, #tpu.memory_space<semaphore_mem>>) src(%dma_wait3A_2723 : memref<32xf32, #tpu.memory_space<vmem>>) dst(%dma_wait3A_2720 : memref<32xf32, #tpu.memory_space<hbm>>)
    %dma_wait3A_2724 = arith.constant 12 : i32
    %dma_wait3A_2725 = arith.constant 0 : i32
    %dma_wait3A_2726 = tpu.memref_slice %arg7[%dma_wait3A_2724, %dma_wait3A_2725] : memref<32x32xf32, #tpu.memory_space<vmem>> -> memref<1x32xf32, #tpu.memory_space<vmem>>
    %dma_wait3A_2727 = tpu.memref_squeeze %dma_wait3A_2726 : memref<1x32xf32, #tpu.memory_space<vmem>> -> memref<32xf32, #tpu.memory_space<vmem>>
    %dma_wait3A_2728 = tpu.memref_slice %arg3[%squeeze3A_31, %mul3A_2] : memref<100000x1024xf32, #tpu.memory_space<hbm>> -> memref<1x32xf32, #tpu.memory_space<hbm>>
    %dma_wait3A_2729 = tpu.memref_squeeze %dma_wait3A_2728 : memref<1x32xf32, #tpu.memory_space<hbm>> -> memref<32xf32, #tpu.memory_space<hbm>>
    %dma_wait3A_2730 = tpu.memref_slice %arg3[%squeeze3A_31, %mul3A_2] : memref<100000x1024xf32, #tpu.memory_space<hbm>> -> memref<1x32xf32, #tpu.memory_space<hbm>>
    %dma_wait3A_2731 = tpu.memref_squeeze %dma_wait3A_2730 : memref<1x32xf32, #tpu.memory_space<hbm>> -> memref<32xf32, #tpu.memory_space<hbm>>
    %dma_wait3A_2732 = arith.constant 0 : i32
    %dma_wait3A_2733 = tpu.memref_slice %arg7[%dma_wait3A_2724, %dma_wait3A_2732] : memref<32x32xf32, #tpu.memory_space<vmem>> -> memref<1x32xf32, #tpu.memory_space<vmem>>
    %dma_wait3A_2734 = tpu.memref_squeeze %dma_wait3A_2733 : memref<1x32xf32, #tpu.memory_space<vmem>> -> memref<32xf32, #tpu.memory_space<vmem>>
    tpu.wait_dma2 semaphore(%arg8 : memref<!tpu.dma_semaphore, #tpu.memory_space<semaphore_mem>>) src(%dma_wait3A_2734 : memref<32xf32, #tpu.memory_space<vmem>>) dst(%dma_wait3A_2731 : memref<32xf32, #tpu.memory_space<hbm>>)
    %dma_wait3A_2735 = arith.constant 13 : i32
    %dma_wait3A_2736 = arith.constant 0 : i32
    %dma_wait3A_2737 = tpu.memref_slice %arg7[%dma_wait3A_2735, %dma_wait3A_2736] : memref<32x32xf32, #tpu.memory_space<vmem>> -> memref<1x32xf32, #tpu.memory_space<vmem>>
    %dma_wait3A_2738 = tpu.memref_squeeze %dma_wait3A_2737 : memref<1x32xf32, #tpu.memory_space<vmem>> -> memref<32xf32, #tpu.memory_space<vmem>>
    %dma_wait3A_2739 = tpu.memref_slice %arg3[%squeeze3A_33, %mul3A_2] : memref<100000x1024xf32, #tpu.memory_space<hbm>> -> memref<1x32xf32, #tpu.memory_space<hbm>>
    %dma_wait3A_2740 = tpu.memref_squeeze %dma_wait3A_2739 : memref<1x32xf32, #tpu.memory_space<hbm>> -> memref<32xf32, #tpu.memory_space<hbm>>
    %dma_wait3A_2741 = tpu.memref_slice %arg3[%squeeze3A_33, %mul3A_2] : memref<100000x1024xf32, #tpu.memory_space<hbm>> -> memref<1x32xf32, #tpu.memory_space<hbm>>
    %dma_wait3A_2742 = tpu.memref_squeeze %dma_wait3A_2741 : memref<1x32xf32, #tpu.memory_space<hbm>> -> memref<32xf32, #tpu.memory_space<hbm>>
    %dma_wait3A_2743 = arith.constant 0 : i32
    %dma_wait3A_2744 = tpu.memref_slice %arg7[%dma_wait3A_2735, %dma_wait3A_2743] : memref<32x32xf32, #tpu.memory_space<vmem>> -> memref<1x32xf32, #tpu.memory_space<vmem>>
    %dma_wait3A_2745 = tpu.memref_squeeze %dma_wait3A_2744 : memref<1x32xf32, #tpu.memory_space<vmem>> -> memref<32xf32, #tpu.memory_space<vmem>>
    tpu.wait_dma2 semaphore(%arg8 : memref<!tpu.dma_semaphore, #tpu.memory_space<semaphore_mem>>) src(%dma_wait3A_2745 : memref<32xf32, #tpu.memory_space<vmem>>) dst(%dma_wait3A_2742 : memref<32xf32, #tpu.memory_space<hbm>>)
    %dma_wait3A_2746 = arith.constant 14 : i32
    %dma_wait3A_2747 = arith.constant 0 : i32
    %dma_wait3A_2748 = tpu.memref_slice %arg7[%dma_wait3A_2746, %dma_wait3A_2747] : memref<32x32xf32, #tpu.memory_space<vmem>> -> memref<1x32xf32, #tpu.memory_space<vmem>>
    %dma_wait3A_2749 = tpu.memref_squeeze %dma_wait3A_2748 : memref<1x32xf32, #tpu.memory_space<vmem>> -> memref<32xf32, #tpu.memory_space<vmem>>
    %dma_wait3A_2750 = tpu.memref_slice %arg3[%squeeze3A_35, %mul3A_2] : memref<100000x1024xf32, #tpu.memory_space<hbm>> -> memref<1x32xf32, #tpu.memory_space<hbm>>
    %dma_wait3A_2751 = tpu.memref_squeeze %dma_wait3A_2750 : memref<1x32xf32, #tpu.memory_space<hbm>> -> memref<32xf32, #tpu.memory_space<hbm>>
    %dma_wait3A_2752 = tpu.memref_slice %arg3[%squeeze3A_35, %mul3A_2] : memref<100000x1024xf32, #tpu.memory_space<hbm>> -> memref<1x32xf32, #tpu.memory_space<hbm>>
    %dma_wait3A_2753 = tpu.memref_squeeze %dma_wait3A_2752 : memref<1x32xf32, #tpu.memory_space<hbm>> -> memref<32xf32, #tpu.memory_space<hbm>>
    %dma_wait3A_2754 = arith.constant 0 : i32
    %dma_wait3A_2755 = tpu.memref_slice %arg7[%dma_wait3A_2746, %dma_wait3A_2754] : memref<32x32xf32, #tpu.memory_space<vmem>> -> memref<1x32xf32, #tpu.memory_space<vmem>>
    %dma_wait3A_2756 = tpu.memref_squeeze %dma_wait3A_2755 : memref<1x32xf32, #tpu.memory_space<vmem>> -> memref<32xf32, #tpu.memory_space<vmem>>
    tpu.wait_dma2 semaphore(%arg8 : memref<!tpu.dma_semaphore, #tpu.memory_space<semaphore_mem>>) src(%dma_wait3A_2756 : memref<32xf32, #tpu.memory_space<vmem>>) dst(%dma_wait3A_2753 : memref<32xf32, #tpu.memory_space<hbm>>)
    %dma_wait3A_2757 = arith.constant 15 : i32
    %dma_wait3A_2758 = arith.constant 0 : i32
    %dma_wait3A_2759 = tpu.memref_slice %arg7[%dma_wait3A_2757, %dma_wait3A_2758] : memref<32x32xf32, #tpu.memory_space<vmem>> -> memref<1x32xf32, #tpu.memory_space<vmem>>
    %dma_wait3A_2760 = tpu.memref_squeeze %dma_wait3A_2759 : memref<1x32xf32, #tpu.memory_space<vmem>> -> memref<32xf32, #tpu.memory_space<vmem>>
    %dma_wait3A_2761 = tpu.memref_slice %arg3[%squeeze3A_37, %mul3A_2] : memref<100000x1024xf32, #tpu.memory_space<hbm>> -> memref<1x32xf32, #tpu.memory_space<hbm>>
    %dma_wait3A_2762 = tpu.memref_squeeze %dma_wait3A_2761 : memref<1x32xf32, #tpu.memory_space<hbm>> -> memref<32xf32, #tpu.memory_space<hbm>>
    %dma_wait3A_2763 = tpu.memref_slice %arg3[%squeeze3A_37, %mul3A_2] : memref<100000x1024xf32, #tpu.memory_space<hbm>> -> memref<1x32xf32, #tpu.memory_space<hbm>>
    %dma_wait3A_2764 = tpu.memref_squeeze %dma_wait3A_2763 : memref<1x32xf32, #tpu.memory_space<hbm>> -> memref<32xf32, #tpu.memory_space<hbm>>
    %dma_wait3A_2765 = arith.constant 0 : i32
    %dma_wait3A_2766 = tpu.memref_slice %arg7[%dma_wait3A_2757, %dma_wait3A_2765] : memref<32x32xf32, #tpu.memory_space<vmem>> -> memref<1x32xf32, #tpu.memory_space<vmem>>
    %dma_wait3A_2767 = tpu.memref_squeeze %dma_wait3A_2766 : memref<1x32xf32, #tpu.memory_space<vmem>> -> memref<32xf32, #tpu.memory_space<vmem>>
    tpu.wait_dma2 semaphore(%arg8 : memref<!tpu.dma_semaphore, #tpu.memory_space<semaphore_mem>>) src(%dma_wait3A_2767 : memref<32xf32, #tpu.memory_space<vmem>>) dst(%dma_wait3A_2764 : memref<32xf32, #tpu.memory_space<hbm>>)
    %dma_wait3A_2768 = arith.constant 16 : i32
    %dma_wait3A_2769 = arith.constant 0 : i32
    %dma_wait3A_2770 = tpu.memref_slice %arg7[%dma_wait3A_2768, %dma_wait3A_2769] : memref<32x32xf32, #tpu.memory_space<vmem>> -> memref<1x32xf32, #tpu.memory_space<vmem>>
    %dma_wait3A_2771 = tpu.memref_squeeze %dma_wait3A_2770 : memref<1x32xf32, #tpu.memory_space<vmem>> -> memref<32xf32, #tpu.memory_space<vmem>>
    %dma_wait3A_2772 = tpu.memref_slice %arg3[%squeeze3A_39, %mul3A_2] : memref<100000x1024xf32, #tpu.memory_space<hbm>> -> memref<1x32xf32, #tpu.memory_space<hbm>>
    %dma_wait3A_2773 = tpu.memref_squeeze %dma_wait3A_2772 : memref<1x32xf32, #tpu.memory_space<hbm>> -> memref<32xf32, #tpu.memory_space<hbm>>
    %dma_wait3A_2774 = tpu.memref_slice %arg3[%squeeze3A_39, %mul3A_2] : memref<100000x1024xf32, #tpu.memory_space<hbm>> -> memref<1x32xf32, #tpu.memory_space<hbm>>
    %dma_wait3A_2775 = tpu.memref_squeeze %dma_wait3A_2774 : memref<1x32xf32, #tpu.memory_space<hbm>> -> memref<32xf32, #tpu.memory_space<hbm>>
    %dma_wait3A_2776 = arith.constant 0 : i32
    %dma_wait3A_2777 = tpu.memref_slice %arg7[%dma_wait3A_2768, %dma_wait3A_2776] : memref<32x32xf32, #tpu.memory_space<vmem>> -> memref<1x32xf32, #tpu.memory_space<vmem>>
    %dma_wait3A_2778 = tpu.memref_squeeze %dma_wait3A_2777 : memref<1x32xf32, #tpu.memory_space<vmem>> -> memref<32xf32, #tpu.memory_space<vmem>>
    tpu.wait_dma2 semaphore(%arg8 : memref<!tpu.dma_semaphore, #tpu.memory_space<semaphore_mem>>) src(%dma_wait3A_2778 : memref<32xf32, #tpu.memory_space<vmem>>) dst(%dma_wait3A_2775 : memref<32xf32, #tpu.memory_space<hbm>>)
    %dma_wait3A_2779 = arith.constant 17 : i32
    %dma_wait3A_2780 = arith.constant 0 : i32
    %dma_wait3A_2781 = tpu.memref_slice %arg7[%dma_wait3A_2779, %dma_wait3A_2780] : memref<32x32xf32, #tpu.memory_space<vmem>> -> memref<1x32xf32, #tpu.memory_space<vmem>>
    %dma_wait3A_2782 = tpu.memref_squeeze %dma_wait3A_2781 : memref<1x32xf32, #tpu.memory_space<vmem>> -> memref<32xf32, #tpu.memory_space<vmem>>
    %dma_wait3A_2783 = tpu.memref_slice %arg3[%squeeze3A_41, %mul3A_2] : memref<100000x1024xf32, #tpu.memory_space<hbm>> -> memref<1x32xf32, #tpu.memory_space<hbm>>
    %dma_wait3A_2784 = tpu.memref_squeeze %dma_wait3A_2783 : memref<1x32xf32, #tpu.memory_space<hbm>> -> memref<32xf32, #tpu.memory_space<hbm>>
    %dma_wait3A_2785 = tpu.memref_slice %arg3[%squeeze3A_41, %mul3A_2] : memref<100000x1024xf32, #tpu.memory_space<hbm>> -> memref<1x32xf32, #tpu.memory_space<hbm>>
    %dma_wait3A_2786 = tpu.memref_squeeze %dma_wait3A_2785 : memref<1x32xf32, #tpu.memory_space<hbm>> -> memref<32xf32, #tpu.memory_space<hbm>>
    %dma_wait3A_2787 = arith.constant 0 : i32
    %dma_wait3A_2788 = tpu.memref_slice %arg7[%dma_wait3A_2779, %dma_wait3A_2787] : memref<32x32xf32, #tpu.memory_space<vmem>> -> memref<1x32xf32, #tpu.memory_space<vmem>>
    %dma_wait3A_2789 = tpu.memref_squeeze %dma_wait3A_2788 : memref<1x32xf32, #tpu.memory_space<vmem>> -> memref<32xf32, #tpu.memory_space<vmem>>
    tpu.wait_dma2 semaphore(%arg8 : memref<!tpu.dma_semaphore, #tpu.memory_space<semaphore_mem>>) src(%dma_wait3A_2789 : memref<32xf32, #tpu.memory_space<vmem>>) dst(%dma_wait3A_2786 : memref<32xf32, #tpu.memory_space<hbm>>)
    %dma_wait3A_2790 = arith.constant 18 : i32
    %dma_wait3A_2791 = arith.constant 0 : i32
    %dma_wait3A_2792 = tpu.memref_slice %arg7[%dma_wait3A_2790, %dma_wait3A_2791] : memref<32x32xf32, #tpu.memory_space<vmem>> -> memref<1x32xf32, #tpu.memory_space<vmem>>
    %dma_wait3A_2793 = tpu.memref_squeeze %dma_wait3A_2792 : memref<1x32xf32, #tpu.memory_space<vmem>> -> memref<32xf32, #tpu.memory_space<vmem>>
    %dma_wait3A_2794 = tpu.memref_slice %arg3[%squeeze3A_43, %mul3A_2] : memref<100000x1024xf32, #tpu.memory_space<hbm>> -> memref<1x32xf32, #tpu.memory_space<hbm>>
    %dma_wait3A_2795 = tpu.memref_squeeze %dma_wait3A_2794 : memref<1x32xf32, #tpu.memory_space<hbm>> -> memref<32xf32, #tpu.memory_space<hbm>>
    %dma_wait3A_2796 = tpu.memref_slice %arg3[%squeeze3A_43, %mul3A_2] : memref<100000x1024xf32, #tpu.memory_space<hbm>> -> memref<1x32xf32, #tpu.memory_space<hbm>>
    %dma_wait3A_2797 = tpu.memref_squeeze %dma_wait3A_2796 : memref<1x32xf32, #tpu.memory_space<hbm>> -> memref<32xf32, #tpu.memory_space<hbm>>
    %dma_wait3A_2798 = arith.constant 0 : i32
    %dma_wait3A_2799 = tpu.memref_slice %arg7[%dma_wait3A_2790, %dma_wait3A_2798] : memref<32x32xf32, #tpu.memory_space<vmem>> -> memref<1x32xf32, #tpu.memory_space<vmem>>
    %dma_wait3A_2800 = tpu.memref_squeeze %dma_wait3A_2799 : memref<1x32xf32, #tpu.memory_space<vmem>> -> memref<32xf32, #tpu.memory_space<vmem>>
    tpu.wait_dma2 semaphore(%arg8 : memref<!tpu.dma_semaphore, #tpu.memory_space<semaphore_mem>>) src(%dma_wait3A_2800 : memref<32xf32, #tpu.memory_space<vmem>>) dst(%dma_wait3A_2797 : memref<32xf32, #tpu.memory_space<hbm>>)
    %dma_wait3A_2801 = arith.constant 19 : i32
    %dma_wait3A_2802 = arith.constant 0 : i32
    %dma_wait3A_2803 = tpu.memref_slice %arg7[%dma_wait3A_2801, %dma_wait3A_2802] : memref<32x32xf32, #tpu.memory_space<vmem>> -> memref<1x32xf32, #tpu.memory_space<vmem>>
    %dma_wait3A_2804 = tpu.memref_squeeze %dma_wait3A_2803 : memref<1x32xf32, #tpu.memory_space<vmem>> -> memref<32xf32, #tpu.memory_space<vmem>>
    %dma_wait3A_2805 = tpu.memref_slice %arg3[%squeeze3A_45, %mul3A_2] : memref<100000x1024xf32, #tpu.memory_space<hbm>> -> memref<1x32xf32, #tpu.memory_space<hbm>>
    %dma_wait3A_2806 = tpu.memref_squeeze %dma_wait3A_2805 : memref<1x32xf32, #tpu.memory_space<hbm>> -> memref<32xf32, #tpu.memory_space<hbm>>
    %dma_wait3A_2807 = tpu.memref_slice %arg3[%squeeze3A_45, %mul3A_2] : memref<100000x1024xf32, #tpu.memory_space<hbm>> -> memref<1x32xf32, #tpu.memory_space<hbm>>
    %dma_wait3A_2808 = tpu.memref_squeeze %dma_wait3A_2807 : memref<1x32xf32, #tpu.memory_space<hbm>> -> memref<32xf32, #tpu.memory_space<hbm>>
    %dma_wait3A_2809 = arith.constant 0 : i32
    %dma_wait3A_2810 = tpu.memref_slice %arg7[%dma_wait3A_2801, %dma_wait3A_2809] : memref<32x32xf32, #tpu.memory_space<vmem>> -> memref<1x32xf32, #tpu.memory_space<vmem>>
    %dma_wait3A_2811 = tpu.memref_squeeze %dma_wait3A_2810 : memref<1x32xf32, #tpu.memory_space<vmem>> -> memref<32xf32, #tpu.memory_space<vmem>>
    tpu.wait_dma2 semaphore(%arg8 : memref<!tpu.dma_semaphore, #tpu.memory_space<semaphore_mem>>) src(%dma_wait3A_2811 : memref<32xf32, #tpu.memory_space<vmem>>) dst(%dma_wait3A_2808 : memref<32xf32, #tpu.memory_space<hbm>>)
    %dma_wait3A_2812 = arith.constant 20 : i32
    %dma_wait3A_2813 = arith.constant 0 : i32
    %dma_wait3A_2814 = tpu.memref_slice %arg7[%dma_wait3A_2812, %dma_wait3A_2813] : memref<32x32xf32, #tpu.memory_space<vmem>> -> memref<1x32xf32, #tpu.memory_space<vmem>>
    %dma_wait3A_2815 = tpu.memref_squeeze %dma_wait3A_2814 : memref<1x32xf32, #tpu.memory_space<vmem>> -> memref<32xf32, #tpu.memory_space<vmem>>
    %dma_wait3A_2816 = tpu.memref_slice %arg3[%squeeze3A_47, %mul3A_2] : memref<100000x1024xf32, #tpu.memory_space<hbm>> -> memref<1x32xf32, #tpu.memory_space<hbm>>
    %dma_wait3A_2817 = tpu.memref_squeeze %dma_wait3A_2816 : memref<1x32xf32, #tpu.memory_space<hbm>> -> memref<32xf32, #tpu.memory_space<hbm>>
    %dma_wait3A_2818 = tpu.memref_slice %arg3[%squeeze3A_47, %mul3A_2] : memref<100000x1024xf32, #tpu.memory_space<hbm>> -> memref<1x32xf32, #tpu.memory_space<hbm>>
    %dma_wait3A_2819 = tpu.memref_squeeze %dma_wait3A_2818 : memref<1x32xf32, #tpu.memory_space<hbm>> -> memref<32xf32, #tpu.memory_space<hbm>>
    %dma_wait3A_2820 = arith.constant 0 : i32
    %dma_wait3A_2821 = tpu.memref_slice %arg7[%dma_wait3A_2812, %dma_wait3A_2820] : memref<32x32xf32, #tpu.memory_space<vmem>> -> memref<1x32xf32, #tpu.memory_space<vmem>>
    %dma_wait3A_2822 = tpu.memref_squeeze %dma_wait3A_2821 : memref<1x32xf32, #tpu.memory_space<vmem>> -> memref<32xf32, #tpu.memory_space<vmem>>
    tpu.wait_dma2 semaphore(%arg8 : memref<!tpu.dma_semaphore, #tpu.memory_space<semaphore_mem>>) src(%dma_wait3A_2822 : memref<32xf32, #tpu.memory_space<vmem>>) dst(%dma_wait3A_2819 : memref<32xf32, #tpu.memory_space<hbm>>)
    %dma_wait3A_2823 = arith.constant 21 : i32
    %dma_wait3A_2824 = arith.constant 0 : i32
    %dma_wait3A_2825 = tpu.memref_slice %arg7[%dma_wait3A_2823, %dma_wait3A_2824] : memref<32x32xf32, #tpu.memory_space<vmem>> -> memref<1x32xf32, #tpu.memory_space<vmem>>
    %dma_wait3A_2826 = tpu.memref_squeeze %dma_wait3A_2825 : memref<1x32xf32, #tpu.memory_space<vmem>> -> memref<32xf32, #tpu.memory_space<vmem>>
    %dma_wait3A_2827 = tpu.memref_slice %arg3[%squeeze3A_49, %mul3A_2] : memref<100000x1024xf32, #tpu.memory_space<hbm>> -> memref<1x32xf32, #tpu.memory_space<hbm>>
    %dma_wait3A_2828 = tpu.memref_squeeze %dma_wait3A_2827 : memref<1x32xf32, #tpu.memory_space<hbm>> -> memref<32xf32, #tpu.memory_space<hbm>>
    %dma_wait3A_2829 = tpu.memref_slice %arg3[%squeeze3A_49, %mul3A_2] : memref<100000x1024xf32, #tpu.memory_space<hbm>> -> memref<1x32xf32, #tpu.memory_space<hbm>>
    %dma_wait3A_2830 = tpu.memref_squeeze %dma_wait3A_2829 : memref<1x32xf32, #tpu.memory_space<hbm>> -> memref<32xf32, #tpu.memory_space<hbm>>
    %dma_wait3A_2831 = arith.constant 0 : i32
    %dma_wait3A_2832 = tpu.memref_slice %arg7[%dma_wait3A_2823, %dma_wait3A_2831] : memref<32x32xf32, #tpu.memory_space<vmem>> -> memref<1x32xf32, #tpu.memory_space<vmem>>
    %dma_wait3A_2833 = tpu.memref_squeeze %dma_wait3A_2832 : memref<1x32xf32, #tpu.memory_space<vmem>> -> memref<32xf32, #tpu.memory_space<vmem>>
    tpu.wait_dma2 semaphore(%arg8 : memref<!tpu.dma_semaphore, #tpu.memory_space<semaphore_mem>>) src(%dma_wait3A_2833 : memref<32xf32, #tpu.memory_space<vmem>>) dst(%dma_wait3A_2830 : memref<32xf32, #tpu.memory_space<hbm>>)
    %dma_wait3A_2834 = arith.constant 22 : i32
    %dma_wait3A_2835 = arith.constant 0 : i32
    %dma_wait3A_2836 = tpu.memref_slice %arg7[%dma_wait3A_2834, %dma_wait3A_2835] : memref<32x32xf32, #tpu.memory_space<vmem>> -> memref<1x32xf32, #tpu.memory_space<vmem>>
    %dma_wait3A_2837 = tpu.memref_squeeze %dma_wait3A_2836 : memref<1x32xf32, #tpu.memory_space<vmem>> -> memref<32xf32, #tpu.memory_space<vmem>>
    %dma_wait3A_2838 = tpu.memref_slice %arg3[%squeeze3A_51, %mul3A_2] : memref<100000x1024xf32, #tpu.memory_space<hbm>> -> memref<1x32xf32, #tpu.memory_space<hbm>>
    %dma_wait3A_2839 = tpu.memref_squeeze %dma_wait3A_2838 : memref<1x32xf32, #tpu.memory_space<hbm>> -> memref<32xf32, #tpu.memory_space<hbm>>
    %dma_wait3A_2840 = tpu.memref_slice %arg3[%squeeze3A_51, %mul3A_2] : memref<100000x1024xf32, #tpu.memory_space<hbm>> -> memref<1x32xf32, #tpu.memory_space<hbm>>
    %dma_wait3A_2841 = tpu.memref_squeeze %dma_wait3A_2840 : memref<1x32xf32, #tpu.memory_space<hbm>> -> memref<32xf32, #tpu.memory_space<hbm>>
    %dma_wait3A_2842 = arith.constant 0 : i32
    %dma_wait3A_2843 = tpu.memref_slice %arg7[%dma_wait3A_2834, %dma_wait3A_2842] : memref<32x32xf32, #tpu.memory_space<vmem>> -> memref<1x32xf32, #tpu.memory_space<vmem>>
    %dma_wait3A_2844 = tpu.memref_squeeze %dma_wait3A_2843 : memref<1x32xf32, #tpu.memory_space<vmem>> -> memref<32xf32, #tpu.memory_space<vmem>>
    tpu.wait_dma2 semaphore(%arg8 : memref<!tpu.dma_semaphore, #tpu.memory_space<semaphore_mem>>) src(%dma_wait3A_2844 : memref<32xf32, #tpu.memory_space<vmem>>) dst(%dma_wait3A_2841 : memref<32xf32, #tpu.memory_space<hbm>>)
    %dma_wait3A_2845 = arith.constant 23 : i32
    %dma_wait3A_2846 = arith.constant 0 : i32
    %dma_wait3A_2847 = tpu.memref_slice %arg7[%dma_wait3A_2845, %dma_wait3A_2846] : memref<32x32xf32, #tpu.memory_space<vmem>> -> memref<1x32xf32, #tpu.memory_space<vmem>>
    %dma_wait3A_2848 = tpu.memref_squeeze %dma_wait3A_2847 : memref<1x32xf32, #tpu.memory_space<vmem>> -> memref<32xf32, #tpu.memory_space<vmem>>
    %dma_wait3A_2849 = tpu.memref_slice %arg3[%squeeze3A_53, %mul3A_2] : memref<100000x1024xf32, #tpu.memory_space<hbm>> -> memref<1x32xf32, #tpu.memory_space<hbm>>
    %dma_wait3A_2850 = tpu.memref_squeeze %dma_wait3A_2849 : memref<1x32xf32, #tpu.memory_space<hbm>> -> memref<32xf32, #tpu.memory_space<hbm>>
    %dma_wait3A_2851 = tpu.memref_slice %arg3[%squeeze3A_53, %mul3A_2] : memref<100000x1024xf32, #tpu.memory_space<hbm>> -> memref<1x32xf32, #tpu.memory_space<hbm>>
    %dma_wait3A_2852 = tpu.memref_squeeze %dma_wait3A_2851 : memref<1x32xf32, #tpu.memory_space<hbm>> -> memref<32xf32, #tpu.memory_space<hbm>>
    %dma_wait3A_2853 = arith.constant 0 : i32
    %dma_wait3A_2854 = tpu.memref_slice %arg7[%dma_wait3A_2845, %dma_wait3A_2853] : memref<32x32xf32, #tpu.memory_space<vmem>> -> memref<1x32xf32, #tpu.memory_space<vmem>>
    %dma_wait3A_2855 = tpu.memref_squeeze %dma_wait3A_2854 : memref<1x32xf32, #tpu.memory_space<vmem>> -> memref<32xf32, #tpu.memory_space<vmem>>
    tpu.wait_dma2 semaphore(%arg8 : memref<!tpu.dma_semaphore, #tpu.memory_space<semaphore_mem>>) src(%dma_wait3A_2855 : memref<32xf32, #tpu.memory_space<vmem>>) dst(%dma_wait3A_2852 : memref<32xf32, #tpu.memory_space<hbm>>)
    %dma_wait3A_2856 = arith.constant 24 : i32
    %dma_wait3A_2857 = arith.constant 0 : i32
    %dma_wait3A_2858 = tpu.memref_slice %arg7[%dma_wait3A_2856, %dma_wait3A_2857] : memref<32x32xf32, #tpu.memory_space<vmem>> -> memref<1x32xf32, #tpu.memory_space<vmem>>
    %dma_wait3A_2859 = tpu.memref_squeeze %dma_wait3A_2858 : memref<1x32xf32, #tpu.memory_space<vmem>> -> memref<32xf32, #tpu.memory_space<vmem>>
    %dma_wait3A_2860 = tpu.memref_slice %arg3[%squeeze3A_55, %mul3A_2] : memref<100000x1024xf32, #tpu.memory_space<hbm>> -> memref<1x32xf32, #tpu.memory_space<hbm>>
    %dma_wait3A_2861 = tpu.memref_squeeze %dma_wait3A_2860 : memref<1x32xf32, #tpu.memory_space<hbm>> -> memref<32xf32, #tpu.memory_space<hbm>>
    %dma_wait3A_2862 = tpu.memref_slice %arg3[%squeeze3A_55, %mul3A_2] : memref<100000x1024xf32, #tpu.memory_space<hbm>> -> memref<1x32xf32, #tpu.memory_space<hbm>>
    %dma_wait3A_2863 = tpu.memref_squeeze %dma_wait3A_2862 : memref<1x32xf32, #tpu.memory_space<hbm>> -> memref<32xf32, #tpu.memory_space<hbm>>
    %dma_wait3A_2864 = arith.constant 0 : i32
    %dma_wait3A_2865 = tpu.memref_slice %arg7[%dma_wait3A_2856, %dma_wait3A_2864] : memref<32x32xf32, #tpu.memory_space<vmem>> -> memref<1x32xf32, #tpu.memory_space<vmem>>
    %dma_wait3A_2866 = tpu.memref_squeeze %dma_wait3A_2865 : memref<1x32xf32, #tpu.memory_space<vmem>> -> memref<32xf32, #tpu.memory_space<vmem>>
    tpu.wait_dma2 semaphore(%arg8 : memref<!tpu.dma_semaphore, #tpu.memory_space<semaphore_mem>>) src(%dma_wait3A_2866 : memref<32xf32, #tpu.memory_space<vmem>>) dst(%dma_wait3A_2863 : memref<32xf32, #tpu.memory_space<hbm>>)
    %dma_wait3A_2867 = arith.constant 25 : i32
    %dma_wait3A_2868 = arith.constant 0 : i32
    %dma_wait3A_2869 = tpu.memref_slice %arg7[%dma_wait3A_2867, %dma_wait3A_2868] : memref<32x32xf32, #tpu.memory_space<vmem>> -> memref<1x32xf32, #tpu.memory_space<vmem>>
    %dma_wait3A_2870 = tpu.memref_squeeze %dma_wait3A_2869 : memref<1x32xf32, #tpu.memory_space<vmem>> -> memref<32xf32, #tpu.memory_space<vmem>>
    %dma_wait3A_2871 = tpu.memref_slice %arg3[%squeeze3A_57, %mul3A_2] : memref<100000x1024xf32, #tpu.memory_space<hbm>> -> memref<1x32xf32, #tpu.memory_space<hbm>>
    %dma_wait3A_2872 = tpu.memref_squeeze %dma_wait3A_2871 : memref<1x32xf32, #tpu.memory_space<hbm>> -> memref<32xf32, #tpu.memory_space<hbm>>
    %dma_wait3A_2873 = tpu.memref_slice %arg3[%squeeze3A_57, %mul3A_2] : memref<100000x1024xf32, #tpu.memory_space<hbm>> -> memref<1x32xf32, #tpu.memory_space<hbm>>
    %dma_wait3A_2874 = tpu.memref_squeeze %dma_wait3A_2873 : memref<1x32xf32, #tpu.memory_space<hbm>> -> memref<32xf32, #tpu.memory_space<hbm>>
    %dma_wait3A_2875 = arith.constant 0 : i32
    %dma_wait3A_2876 = tpu.memref_slice %arg7[%dma_wait3A_2867, %dma_wait3A_2875] : memref<32x32xf32, #tpu.memory_space<vmem>> -> memref<1x32xf32, #tpu.memory_space<vmem>>
    %dma_wait3A_2877 = tpu.memref_squeeze %dma_wait3A_2876 : memref<1x32xf32, #tpu.memory_space<vmem>> -> memref<32xf32, #tpu.memory_space<vmem>>
    tpu.wait_dma2 semaphore(%arg8 : memref<!tpu.dma_semaphore, #tpu.memory_space<semaphore_mem>>) src(%dma_wait3A_2877 : memref<32xf32, #tpu.memory_space<vmem>>) dst(%dma_wait3A_2874 : memref<32xf32, #tpu.memory_space<hbm>>)
    %dma_wait3A_2878 = arith.constant 26 : i32
    %dma_wait3A_2879 = arith.constant 0 : i32
    %dma_wait3A_2880 = tpu.memref_slice %arg7[%dma_wait3A_2878, %dma_wait3A_2879] : memref<32x32xf32, #tpu.memory_space<vmem>> -> memref<1x32xf32, #tpu.memory_space<vmem>>
    %dma_wait3A_2881 = tpu.memref_squeeze %dma_wait3A_2880 : memref<1x32xf32, #tpu.memory_space<vmem>> -> memref<32xf32, #tpu.memory_space<vmem>>
    %dma_wait3A_2882 = tpu.memref_slice %arg3[%squeeze3A_59, %mul3A_2] : memref<100000x1024xf32, #tpu.memory_space<hbm>> -> memref<1x32xf32, #tpu.memory_space<hbm>>
    %dma_wait3A_2883 = tpu.memref_squeeze %dma_wait3A_2882 : memref<1x32xf32, #tpu.memory_space<hbm>> -> memref<32xf32, #tpu.memory_space<hbm>>
    %dma_wait3A_2884 = tpu.memref_slice %arg3[%squeeze3A_59, %mul3A_2] : memref<100000x1024xf32, #tpu.memory_space<hbm>> -> memref<1x32xf32, #tpu.memory_space<hbm>>
    %dma_wait3A_2885 = tpu.memref_squeeze %dma_wait3A_2884 : memref<1x32xf32, #tpu.memory_space<hbm>> -> memref<32xf32, #tpu.memory_space<hbm>>
    %dma_wait3A_2886 = arith.constant 0 : i32
    %dma_wait3A_2887 = tpu.memref_slice %arg7[%dma_wait3A_2878, %dma_wait3A_2886] : memref<32x32xf32, #tpu.memory_space<vmem>> -> memref<1x32xf32, #tpu.memory_space<vmem>>
    %dma_wait3A_2888 = tpu.memref_squeeze %dma_wait3A_2887 : memref<1x32xf32, #tpu.memory_space<vmem>> -> memref<32xf32, #tpu.memory_space<vmem>>
    tpu.wait_dma2 semaphore(%arg8 : memref<!tpu.dma_semaphore, #tpu.memory_space<semaphore_mem>>) src(%dma_wait3A_2888 : memref<32xf32, #tpu.memory_space<vmem>>) dst(%dma_wait3A_2885 : memref<32xf32, #tpu.memory_space<hbm>>)
    %dma_wait3A_2889 = arith.constant 27 : i32
    %dma_wait3A_2890 = arith.constant 0 : i32
    %dma_wait3A_2891 = tpu.memref_slice %arg7[%dma_wait3A_2889, %dma_wait3A_2890] : memref<32x32xf32, #tpu.memory_space<vmem>> -> memref<1x32xf32, #tpu.memory_space<vmem>>
    %dma_wait3A_2892 = tpu.memref_squeeze %dma_wait3A_2891 : memref<1x32xf32, #tpu.memory_space<vmem>> -> memref<32xf32, #tpu.memory_space<vmem>>
    %dma_wait3A_2893 = tpu.memref_slice %arg3[%squeeze3A_61, %mul3A_2] : memref<100000x1024xf32, #tpu.memory_space<hbm>> -> memref<1x32xf32, #tpu.memory_space<hbm>>
    %dma_wait3A_2894 = tpu.memref_squeeze %dma_wait3A_2893 : memref<1x32xf32, #tpu.memory_space<hbm>> -> memref<32xf32, #tpu.memory_space<hbm>>
    %dma_wait3A_2895 = tpu.memref_slice %arg3[%squeeze3A_61, %mul3A_2] : memref<100000x1024xf32, #tpu.memory_space<hbm>> -> memref<1x32xf32, #tpu.memory_space<hbm>>
    %dma_wait3A_2896 = tpu.memref_squeeze %dma_wait3A_2895 : memref<1x32xf32, #tpu.memory_space<hbm>> -> memref<32xf32, #tpu.memory_space<hbm>>
    %dma_wait3A_2897 = arith.constant 0 : i32
    %dma_wait3A_2898 = tpu.memref_slice %arg7[%dma_wait3A_2889, %dma_wait3A_2897] : memref<32x32xf32, #tpu.memory_space<vmem>> -> memref<1x32xf32, #tpu.memory_space<vmem>>
    %dma_wait3A_2899 = tpu.memref_squeeze %dma_wait3A_2898 : memref<1x32xf32, #tpu.memory_space<vmem>> -> memref<32xf32, #tpu.memory_space<vmem>>
    tpu.wait_dma2 semaphore(%arg8 : memref<!tpu.dma_semaphore, #tpu.memory_space<semaphore_mem>>) src(%dma_wait3A_2899 : memref<32xf32, #tpu.memory_space<vmem>>) dst(%dma_wait3A_2896 : memref<32xf32, #tpu.memory_space<hbm>>)
    %dma_wait3A_2900 = arith.constant 28 : i32
    %dma_wait3A_2901 = arith.constant 0 : i32
    %dma_wait3A_2902 = tpu.memref_slice %arg7[%dma_wait3A_2900, %dma_wait3A_2901] : memref<32x32xf32, #tpu.memory_space<vmem>> -> memref<1x32xf32, #tpu.memory_space<vmem>>
    %dma_wait3A_2903 = tpu.memref_squeeze %dma_wait3A_2902 : memref<1x32xf32, #tpu.memory_space<vmem>> -> memref<32xf32, #tpu.memory_space<vmem>>
    %dma_wait3A_2904 = tpu.memref_slice %arg3[%squeeze3A_63, %mul3A_2] : memref<100000x1024xf32, #tpu.memory_space<hbm>> -> memref<1x32xf32, #tpu.memory_space<hbm>>
    %dma_wait3A_2905 = tpu.memref_squeeze %dma_wait3A_2904 : memref<1x32xf32, #tpu.memory_space<hbm>> -> memref<32xf32, #tpu.memory_space<hbm>>
    %dma_wait3A_2906 = tpu.memref_slice %arg3[%squeeze3A_63, %mul3A_2] : memref<100000x1024xf32, #tpu.memory_space<hbm>> -> memref<1x32xf32, #tpu.memory_space<hbm>>
    %dma_wait3A_2907 = tpu.memref_squeeze %dma_wait3A_2906 : memref<1x32xf32, #tpu.memory_space<hbm>> -> memref<32xf32, #tpu.memory_space<hbm>>
    %dma_wait3A_2908 = arith.constant 0 : i32
    %dma_wait3A_2909 = tpu.memref_slice %arg7[%dma_wait3A_2900, %dma_wait3A_2908] : memref<32x32xf32, #tpu.memory_space<vmem>> -> memref<1x32xf32, #tpu.memory_space<vmem>>
    %dma_wait3A_2910 = tpu.memref_squeeze %dma_wait3A_2909 : memref<1x32xf32, #tpu.memory_space<vmem>> -> memref<32xf32, #tpu.memory_space<vmem>>
    tpu.wait_dma2 semaphore(%arg8 : memref<!tpu.dma_semaphore, #tpu.memory_space<semaphore_mem>>) src(%dma_wait3A_2910 : memref<32xf32, #tpu.memory_space<vmem>>) dst(%dma_wait3A_2907 : memref<32xf32, #tpu.memory_space<hbm>>)
    %dma_wait3A_2911 = arith.constant 29 : i32
    %dma_wait3A_2912 = arith.constant 0 : i32
    %dma_wait3A_2913 = tpu.memref_slice %arg7[%dma_wait3A_2911, %dma_wait3A_2912] : memref<32x32xf32, #tpu.memory_space<vmem>> -> memref<1x32xf32, #tpu.memory_space<vmem>>
    %dma_wait3A_2914 = tpu.memref_squeeze %dma_wait3A_2913 : memref<1x32xf32, #tpu.memory_space<vmem>> -> memref<32xf32, #tpu.memory_space<vmem>>
    %dma_wait3A_2915 = tpu.memref_slice %arg3[%squeeze3A_65, %mul3A_2] : memref<100000x1024xf32, #tpu.memory_space<hbm>> -> memref<1x32xf32, #tpu.memory_space<hbm>>
    %dma_wait3A_2916 = tpu.memref_squeeze %dma_wait3A_2915 : memref<1x32xf32, #tpu.memory_space<hbm>> -> memref<32xf32, #tpu.memory_space<hbm>>
    %dma_wait3A_2917 = tpu.memref_slice %arg3[%squeeze3A_65, %mul3A_2] : memref<100000x1024xf32, #tpu.memory_space<hbm>> -> memref<1x32xf32, #tpu.memory_space<hbm>>
    %dma_wait3A_2918 = tpu.memref_squeeze %dma_wait3A_2917 : memref<1x32xf32, #tpu.memory_space<hbm>> -> memref<32xf32, #tpu.memory_space<hbm>>
    %dma_wait3A_2919 = arith.constant 0 : i32
    %dma_wait3A_2920 = tpu.memref_slice %arg7[%dma_wait3A_2911, %dma_wait3A_2919] : memref<32x32xf32, #tpu.memory_space<vmem>> -> memref<1x32xf32, #tpu.memory_space<vmem>>
    %dma_wait3A_2921 = tpu.memref_squeeze %dma_wait3A_2920 : memref<1x32xf32, #tpu.memory_space<vmem>> -> memref<32xf32, #tpu.memory_space<vmem>>
    tpu.wait_dma2 semaphore(%arg8 : memref<!tpu.dma_semaphore, #tpu.memory_space<semaphore_mem>>) src(%dma_wait3A_2921 : memref<32xf32, #tpu.memory_space<vmem>>) dst(%dma_wait3A_2918 : memref<32xf32, #tpu.memory_space<hbm>>)
    %dma_wait3A_2922 = arith.constant 30 : i32
    %dma_wait3A_2923 = arith.constant 0 : i32
    %dma_wait3A_2924 = tpu.memref_slice %arg7[%dma_wait3A_2922, %dma_wait3A_2923] : memref<32x32xf32, #tpu.memory_space<vmem>> -> memref<1x32xf32, #tpu.memory_space<vmem>>
    %dma_wait3A_2925 = tpu.memref_squeeze %dma_wait3A_2924 : memref<1x32xf32, #tpu.memory_space<vmem>> -> memref<32xf32, #tpu.memory_space<vmem>>
    %dma_wait3A_2926 = tpu.memref_slice %arg3[%squeeze3A_67, %mul3A_2] : memref<100000x1024xf32, #tpu.memory_space<hbm>> -> memref<1x32xf32, #tpu.memory_space<hbm>>
    %dma_wait3A_2927 = tpu.memref_squeeze %dma_wait3A_2926 : memref<1x32xf32, #tpu.memory_space<hbm>> -> memref<32xf32, #tpu.memory_space<hbm>>
    %dma_wait3A_2928 = tpu.memref_slice %arg3[%squeeze3A_67, %mul3A_2] : memref<100000x1024xf32, #tpu.memory_space<hbm>> -> memref<1x32xf32, #tpu.memory_space<hbm>>
    %dma_wait3A_2929 = tpu.memref_squeeze %dma_wait3A_2928 : memref<1x32xf32, #tpu.memory_space<hbm>> -> memref<32xf32, #tpu.memory_space<hbm>>
    %dma_wait3A_2930 = arith.constant 0 : i32
    %dma_wait3A_2931 = tpu.memref_slice %arg7[%dma_wait3A_2922, %dma_wait3A_2930] : memref<32x32xf32, #tpu.memory_space<vmem>> -> memref<1x32xf32, #tpu.memory_space<vmem>>
    %dma_wait3A_2932 = tpu.memref_squeeze %dma_wait3A_2931 : memref<1x32xf32, #tpu.memory_space<vmem>> -> memref<32xf32, #tpu.memory_space<vmem>>
    tpu.wait_dma2 semaphore(%arg8 : memref<!tpu.dma_semaphore, #tpu.memory_space<semaphore_mem>>) src(%dma_wait3A_2932 : memref<32xf32, #tpu.memory_space<vmem>>) dst(%dma_wait3A_2929 : memref<32xf32, #tpu.memory_space<hbm>>)
    %dma_wait3A_2933 = arith.constant 31 : i32
    %dma_wait3A_2934 = arith.constant 0 : i32
    %dma_wait3A_2935 = tpu.memref_slice %arg7[%dma_wait3A_2933, %dma_wait3A_2934] : memref<32x32xf32, #tpu.memory_space<vmem>> -> memref<1x32xf32, #tpu.memory_space<vmem>>
    %dma_wait3A_2936 = tpu.memref_squeeze %dma_wait3A_2935 : memref<1x32xf32, #tpu.memory_space<vmem>> -> memref<32xf32, #tpu.memory_space<vmem>>
    %dma_wait3A_2937 = tpu.memref_slice %arg3[%squeeze3A_69, %mul3A_2] : memref<100000x1024xf32, #tpu.memory_space<hbm>> -> memref<1x32xf32, #tpu.memory_space<hbm>>
    %dma_wait3A_2938 = tpu.memref_squeeze %dma_wait3A_2937 : memref<1x32xf32, #tpu.memory_space<hbm>> -> memref<32xf32, #tpu.memory_space<hbm>>
    %dma_wait3A_2939 = tpu.memref_slice %arg3[%squeeze3A_69, %mul3A_2] : memref<100000x1024xf32, #tpu.memory_space<hbm>> -> memref<1x32xf32, #tpu.memory_space<hbm>>
    %dma_wait3A_2940 = tpu.memref_squeeze %dma_wait3A_2939 : memref<1x32xf32, #tpu.memory_space<hbm>> -> memref<32xf32, #tpu.memory_space<hbm>>
    %dma_wait3A_2941 = arith.constant 0 : i32
    %dma_wait3A_2942 = tpu.memref_slice %arg7[%dma_wait3A_2933, %dma_wait3A_2941] : memref<32x32xf32, #tpu.memory_space<vmem>> -> memref<1x32xf32, #tpu.memory_space<vmem>>
    %dma_wait3A_2943 = tpu.memref_squeeze %dma_wait3A_2942 : memref<1x32xf32, #tpu.memory_space<vmem>> -> memref<32xf32, #tpu.memory_space<vmem>>
    tpu.wait_dma2 semaphore(%arg8 : memref<!tpu.dma_semaphore, #tpu.memory_space<semaphore_mem>>) src(%dma_wait3A_2943 : memref<32xf32, #tpu.memory_space<vmem>>) dst(%dma_wait3A_2940 : memref<32xf32, #tpu.memory_space<hbm>>)
    return
  }
}

module attributes {stable_mosaic.version = 14 : i64} {
  func.func @_scale_body(%arg0: i32, %arg1: memref<2000x1024xf32, #tpu.memory_space<vmem>>, %arg2: memref<2000x1024xf32, #tpu.memory_space<vmem>>) attributes {dimension_semantics = [#tpu.dimension_semantics<arbitrary>], iteration_bounds = array<i64: 50>, scalar_prefetch = 0 : i64, scratch_operands = 0 : i64, tpu.core_type = #tpu.core_type<tc>, window_params = [{transform_indices = @transform_0, window_bounds = array<i64: 2000, 1024>}, {transform_indices = @transform_1, window_bounds = array<i64: 2000, 1024>}]} {
    %get3A = arith.constant 0 : index
    %get3A_0 = arith.constant 0 : index
    %get3A_1 = vector.load %arg1[%get3A, %get3A_0] : memref<2000x1024xf32, #tpu.memory_space<vmem>>, vector<2000x1024xf32>
    %mul3A = arith.constant 6.400000e+01 : f32
    %mul3A_2 = vector.broadcast %mul3A : f32 to vector<2000x1024xf32>
    %mul3A_3 = arith.mulf %get3A_1, %mul3A_2 : vector<2000x1024xf32>
    %swap3A = arith.constant 0 : index
    %swap3A_4 = arith.constant 0 : index
    %swap3A_5 = vector.load %arg2[%swap3A, %swap3A_4] : memref<2000x1024xf32, #tpu.memory_space<vmem>>, vector<2000x1024xf32>
    tpu.vector_store %arg2[%swap3A, %swap3A_4], %mul3A_3 {strides = array<i32>} : memref<2000x1024xf32, #tpu.memory_space<vmem>>, vector<2000x1024xf32>,
    return
  }
  func.func @transform_0(%arg0: i32) -> (i32, i32) {
    %c0_i32 = arith.constant 0 : i32
    %c0_i32_0 = arith.constant 0 : i32
    return %arg0, %c0_i32 : i32, i32
  }
  func.func @transform_1(%arg0: i32) -> (i32, i32) {
    %c0_i32 = arith.constant 0 : i32
    %c0_i32_0 = arith.constant 0 : i32
    return %arg0, %c0_i32 : i32, i32
  }
}

</mosaic_0001>

<sc_bundles>
// kernel: _combined.4.cloned.1.call-start
scs
__scs_entry_jumppad:
0x0: {  	(pc) =	sbr.rel $0x88, $3  }
0x1: {  	(tag) =	ssettag $0x0;
	lr =	simm.s32 $0x1  }
0x2: {  	[smem:$0x3F9F] =	sst lr;
	_ =	strace $0xD0000000  }
0x3: {  	_ = 	snop  }
0x4: {  	_ = 	snop  }
0x5: {  	_ = 	snop  }
0x6: {  	_ = 	snop  }
0x7: {  	_ = 	snop  }
__scs_overlays_trampoline_lowered:
0x8: {  	[smem:$0x3FAE] =	sst s0  }
0x9: {  	[smem:$0x3FAF] =	sst s1  }
0xa: {  	[smem:$0x3FB0] =	sst s2  }
0xb: {  	[smem:$0x3FB1] =	sst s3  }
0xc: {  	[smem:$0x3FB2] =	sst s4  }
0xd: {  	[smem:$0x3FB3] =	sst s5  }
0xe: {  	[smem:$0x3FB4] =	sst s6  }
0xf: {  	[smem:$0x3FB5] =	sst s7  }
0x10: {  	[smem:$0x3FB6] =	sst s8  }
0x11: {  	[smem:$0x3FB7] =	sst s9;
	s0 =	simm.s32 @!p0 $0x0  }
0x12: {  	s1 =	sld [smem:$0x3F9D];
	s0 =	simm.s32 @p0 $0x1  }
0x13: {  	[smem:$0x3FB8] =	sst s0;
	s0 =	simm.s32 @!p1 $0x0  }
0x14: {  	s2 =	sld [smem:$0x3F9C];
	s0 =	simm.s32 @p1 $0x1  }
0x15: {  	[smem:$0x3FB9] =	sst s0;
	s0 =	simm.s32 @!p2 $0x0  }
0x16: {  	s3 =	sld [smem:$0x3FDB];
	s0 =	simm.s32 @p2 $0x1  }
0x17: {  	s4 =	simm.s32 $0x1BF5;
	[smem:$0x3FBB] =	sst s0  }
0x18: {  	s0 =	sld [smem:$0x3F9E];
	_ =	swait.ge [sflag:s4], $0x0  }
0x19: {  	s7 =	sld [smem:$0x3F9F]  }
0x1a: {  	s8 =	sadd.s32 $0xFFFFE003, lr  }
0x1b: {  	s9 =	sadd.s32 $0xFFFFFEF7, lr;
	s5 =	simm.s32 $0xFFFFFFFF;
	p2 =	slt.u32 s8, $0xFFFFF086  }
0x1c: {  	p1 =	slt.u32 s9, $0xF7A;
	s5 =	simm.s32 @!p2 $0x0  }
0x1d: {  	s5 =	simm.s32 @p1 $0x1;
	p0 =	seq.s32 s7, s2  }
0x1e: {  	s7 =	smul.u32 @!p0 $0xF7A, s2;
	p2 =	seq.s32 @!p0 s5, $0x0  }
0x1f: {  	s9 =	smul.u32 $0xF7A, s1;
	s8 =	simm.s32 @!p0 $0x1BF5;
	p2 =	por !p2, p0  }
0x20: {  	[sflag:s8] =	ssyncset.s32 @!p0 $0xFFFFF086;
	s6 =	sadd.s32 @!p0 s3, s7;
	s7 =	simm.s32 @!p0 $0x108  }
0x21: {  	s3 =	sadd.s32 s3, s9;
	s6 =	sadd.s32 @!p0 $0x88, s6;
	s7 =	simm.s32 @p2 $0x1082  }
0x22: {  	[simem:s7], [sflag:s8] =	dma.local @!p0 [hbm:s6], $0xF7A  }
0x23: {  	s9 =	sor.u32 $0xD0000000, s2;
	s6 =	simm.s32 $0x108;
	_ =	swait.ge @!p0 [sflag:s8], $0x0  }
0x24: {  	s3 =	sadd.s32 $0x88, s3;
	s6 =	simm.s32 @!p1 $0x1082;
	[sflag:s4] =	ssyncset.s32 $0xFFFFF086  }
0x25: {  	[simem:s6], [sflag:s4] =	dma.local [hbm:s3], $0xF7A  }
0x26: {  	[smem:$0x3F9F] =	sst s1;
	(tag) =	ssettag s2;
	_ =	strace s9  }
0x27: {  	s1 =	sld [smem:$0x3FAF]  }
0x28: {  	s2 =	sld [smem:$0x3FB0]  }
0x29: {  	s4 =	sld [smem:$0x3FB2]  }
0x2a: {  	p0 =	seq.s32 s5, $0x0;
	s5 =	sld [smem:$0x3FB3]  }
0x2b: {  	s6 =	sld [smem:$0x3FB4]  }
0x2c: {  	s7 =	sld [smem:$0x3FB5]  }
0x2d: {  	s3 =	simm.s32 $0x108;
	s8 =	sld [smem:$0x3FB6]  }
0x2e: {  	s3 =	simm.s32 @!p0 $0x1082;
	s9 =	sld [smem:$0x3FB7]  }
0x2f: {  	lr =	sadd.s32 s0, s3;
	s0 =	sld [smem:$0x3FAE]  }
0x30: {  	s3 =	sld [smem:$0x3FB1]  }
0x31: {  	[smem:$0x3FBA] =	sst s10  }
0x32: {  	s10 =	sld [smem:$0x3FB8];
	_ =	sdelay $0x3  }
0x33: {  	p0 =	seq.s32 s10, $0x1;
	s10 =	sld [smem:$0x3FBA];
	_ =	sdelay $0x3  }
0x34: {  	[smem:$0x3FBA] =	sst s10  }
0x35: {  	s10 =	sld [smem:$0x3FB9];
	_ =	sdelay $0x3  }
0x36: {  	p1 =	seq.s32 s10, $0x1;
	s10 =	sld [smem:$0x3FBA];
	_ =	sdelay $0x3  }
0x37: {  	[smem:$0x3FBA] =	sst s10  }
0x38: {  	s10 =	sld [smem:$0x3FBB]  }
0x39: {  	_ = 	snop;
	(pc) =	sbr.ind lr, $3  }
0x3a: {  	_ = 	snop  }
0x3b: {  	_ = 	snop  }
0x3c: {  	p2 =	seq.s32 s10, $0x1;
	s10 =	sld [smem:$0x3FBA]  }
0x3d: {  	_ =	shalt  }
0x3e: {  	_ =	shalt  }
0x3f: {  	_ =	shalt  }
0x40: {  	_ =	shalt  }
0x41: {  	_ =	shalt  }
0x42: {  	_ =	shalt  }
0x43: {  	_ =	shalt  }
0x44: {  	_ =	shalt  }
0x45: {  	_ =	shalt  }
0x46: {  	_ =	shalt  }
0x47: {  	_ =	shalt  }
0x48: {  	_ =	shalt  }
0x49: {  	_ =	shalt  }
0x4a: {  	_ =	shalt  }
0x4b: {  	_ =	shalt  }
0x4c: {  	_ =	shalt  }
0x4d: {  	_ =	shalt  }
0x4e: {  	_ =	shalt  }
0x4f: {  	_ =	shalt  }
0x50: {  	_ =	shalt  }
0x51: {  	_ =	shalt  }
0x52: {  	_ =	shalt  }
0x53: {  	_ =	shalt  }
0x54: {  	_ =	shalt  }
0x55: {  	_ =	shalt  }
0x56: {  	_ =	shalt  }
0x57: {  	_ =	shalt  }
0x58: {  	_ =	shalt  }
0x59: {  	_ =	shalt  }
0x5a: {  	_ =	shalt  }
0x5b: {  	_ =	shalt  }
0x5c: {  	_ =	shalt  }
0x5d: {  	_ =	shalt  }
0x5e: {  	_ =	shalt  }
0x5f: {  	_ =	shalt  }
0x60: {  	_ =	shalt  }
0x61: {  	_ =	shalt  }
0x62: {  	_ =	shalt  }
0x63: {  	_ =	shalt  }
0x64: {  	_ =	shalt  }
0x65: {  	_ =	shalt  }
0x66: {  	_ =	shalt  }
0x67: {  	_ =	shalt  }
0x68: {  	_ =	shalt  }
0x69: {  	_ =	shalt  }
0x6a: {  	_ =	shalt  }
0x6b: {  	_ =	shalt  }
0x6c: {  	_ =	shalt  }
0x6d: {  	_ =	shalt  }
0x6e: {  	_ =	shalt  }
0x6f: {  	_ =	shalt  }
0x70: {  	_ =	shalt  }
0x71: {  	_ =	shalt  }
0x72: {  	_ =	shalt  }
0x73: {  	_ =	shalt  }
0x74: {  	_ =	shalt  }
0x75: {  	_ =	shalt  }
0x76: {  	_ =	shalt  }
0x77: {  	_ =	shalt  }
0x78: {  	_ =	shalt  }
0x79: {  	_ =	shalt  }
0x7a: {  	_ =	shalt  }
0x7b: {  	_ =	shalt  }
0x7c: {  	_ =	shalt  }
0x7d: {  	_ =	shalt  }
0x7e: {  	_ =	shalt  }
0x7f: {  	_ =	shalt  }
0x80: {  	_ =	shalt  }
0x81: {  	_ =	shalt  }
0x82: {  	_ =	shalt  }
0x83: {  	_ =	shalt  }
0x84: {  	_ =	shalt  }
0x85: {  	_ =	shalt  }
0x86: {  	_ =	shalt  }
0x87: {  	_ =	shalt  }
.Lfunc_end0:
.L_simem_size_0:
called_computation_lowered:
.L_overlay_start_0:
0x88: {  	s2 =	sld [smem:$0x3FD9]  }
0x89: {  	s3 =	sld [smem:$0x3FFE];
	_ =	sdelay $0x1  }
0x8a: {  	s1 =	srdreg.scid  }
0x8b: {  	s0 =	sand.u32 $0x1, s1  }
0x8c: {  	s18 =	sshll.u32 s0, $0xA;
	s2 =	sadd.s32 s3, s2  }
0x8d: {  	s2 =	sadd.s32 s2, s18  }
0x8e: {  	[smem:$0x3FC6] =	sst s2  }
0x8f: {  	_ = 	snop  }
0x90: {  	s2 =	sld [smem:$0x3FC9]  }
0x91: {  	s19 =	sld [smem:$0x3FC8]  }
0x92: {  	s4 =	sld [smem:$0x3FD0];
	(tm) =	ssettm $0x1  }
0x93: {  	s5 =	sld [smem:$0x3FFB];
	_ =	sdelay $0x3  }
0x94: {  	_ =	strace s5  }
0x95: {  	s5 =	sld [smem:$0x3FFC];
	_ =	sdelay $0x3  }
0x96: {  	_ =	strace s5  }
0x97: {  	s5 =	sld [smem:$0x3FFD];
	_ =	sdelay $0x3  }
0x98: {  	_ =	strace s5  }
0x99: {  	_ =	strace $0x8FFFFFFF  }
0x9a: {  	s20 =	sld [smem:$0x3FDB];
	_ =	sdelay $0x1  }
0x9b: {  	s6 =	simm.s32 $_scs_section_size  }
0x9c: {  	s7 =	simm.s32 $_size__tile_overlayer_lowered;
	s8 =	simm.s32 $_tile_overlayer_lowered  }
0x9d: {  	s23 =	simm.s32 $0x1BFF;
	s22 =	sshll.u32 s8, $0x1;
	s5 =	sadd.s32 s6, s20  }
0x9e: {  	s9 =	simm.s32 $0x0;
	s21 =	sshll.u32 s7, $0x1;
	s7 =	sadd.s32 s22, s5  }
0x9f: {  	[timem:s9], [sflag:s23] =	dma.local [hbm:s7], s21  }
0xa0: {  	_ =	swait.ge [sflag:s23], s21  }
0xa1: {  	s6 =	ssub.s32 $0x0, s21;
	[sflag:s23] =	ssyncset.done $0x0  }
0xa2: {  	[sflag:s23] =	ssyncadd.s32 s6;
	_ =	sdelay $0x1  }
0xa3: {  	s24 =	simm.s32 $0x1B8B  }
0xa4: {  	_ =	swait.ge [sflag:s24], $0x1  }
0xa5: {  	[sflag:s24] =	ssyncset.done $0x0  }
0xa6: {  	s25 =	simm.s32 $0x1B8E;
	[sflag:s24] =	ssyncadd.s32 $0xFFFFFFFF  }
0xa7: {  	s26 =	simm.s32 $execute0_lowered;
	[smem:$0x3FD2] =	sst s25  }
0xa8: {  	s6 =	sshll.u32 s26, $0x1;
	_ =	strace $0x80000046;
	[dreg:$0x1] =	wrdreg $0xFFFFFFFF  }
0xa9: {  	s28 =	simm.s32 $_size_execute0_lowered;
	s5 =	sadd.s32 s5, s6;
	[dreg:$0x0] =	wrdreg $0x0  }
0xaa: {  	s6 =	sshll.u32 s28, $0x1;
	[dreg:$0x2] =	wrdreg s5  }
0xab: {  	[dreg:$0x3] =	wrdreg s6  }
0xac: {  	[dreg:$0x4] =	wrdreg $0xC0  }
0xad: {  	_ =	task [dreg:s9], $0x5FFFF  }
0xae: {  	[dreg:$0x1] =	wrdreg $0xFFFFFFFF  }
0xaf: {  	[dreg:$0x0] =	wrdreg $0x60  }
0xb0: {  	[dreg:$0x2] =	wrdreg s2  }
0xb1: {  	[dreg:$0x3] =	wrdreg s4  }
0xb2: {  	[dreg:$0x4] =	wrdreg s19  }
0xb3: {  	[dreg:$0x5] =	wrdreg $0x9  }
0xb4: {  	_ =	task.clear_ibuf [dreg:s9], $0x6FFFF;
	_ =	strace $0x90000046  }
0xb5: {  	s29 =	simm.s32 $0x9;
	_ =	strace $0x80000048  }
0xb6: {  	_ =	swait.ge [sflag:s29], $0x1  }
0xb7: {  	[sflag:s29] =	ssyncadd.s32 $0xFFFFFFFF  }
0xb8: {  	_ =	strace $0x90000048  }
0xb9: {  	_ =	sfence  }
0xba: {  	s30 =	sld [smem:$0x0];
	_ =	sdelay $0x2  }
0xbb: {  	s31 =	sshll.u32 s1, $0xD;
	s1 =	sshrl.u32 s1, $0x2  }
0xbc: {  	s3 =	sand.u32 $0x4000, s31;
	s1 =	sadd.s32 s1, s30  }
0xbd: {  	s0 =	sor.u32 s3, s0;
	s1 =	sshll.u32 s1, $0x11  }
0xbe: {  	s0 =	sor.u32 s1, s0  }
0xbf: {  	s0 =	sadd.s32 $0x8F2B, s0  }
0xc0: {  	[sflag:s0] =	ssyncadd.remote.s32 $0x1  }
0xc1: {  	_ =	sfence.sel $0xFFFF  }
0xc2: {  	[dreg:$0x0] =	wrdreg $0xFFFFFFFF;
	(pc) =	sbr.abs _section_cstart, $3  }
0xc3: {  	[dreg:$0x1] =	wrdreg $0xFFFFFFFF  }
0xc4: {  	_ =	task.clear_ibuf [dreg:s9], $0x2FFFF;
	_ =	strace $0x9FFFFFFF  }
0xc5: {  	(tm) =	ssettm $0x7FFFFFFF  }
tec
execute0_lowered:
.L_overlay_start_1:
0x0: {  	(tag) =	ssettag $0x1  }
0x1: {  	s10 =	rddreg [dreg:$0x0]  }
0x2: {  	s3 =	rddreg [dreg:$0x1]  }
0x3: {  	s0 =	rddreg [dreg:$0x2]  }
0x4: {  	s1 =	srdreg.scid;
	s7 =	stileid.u32  }
0x5: {  	s4 =	simm.s32 $0x0;
	s15 =	simm.s32 $0x1;
	s1 =	sand.u32 $0x1, s1  }
0x6: {  	s2 =	sshll.u32 s7, $0x6;
	[smem:$0x7FF] =	sst s4;
	s5 =	sshll.u32 s1, $0x5  }
0x7: {  	s30 =	sshll.u32 s7, $0x9;
	s1 =	ssub.s32 $0x2, s1;
	s2 =	sor.u32 s5, s2  }
0x8: {  	_ =	strace $0x80000047;
	s6 =	sshrl.u32 s1, $0x1;
	s5 =	sshrl.u32 s2, $0x3  }
0x9: {  	s1 =	ssub.s32 s1, s6;
	s31 =	sor.u32 s2, s30;
	s0 =	sadd.s32 s0, s5  }
0xa: {  	s1 =	smax.u32 s1, $0x1;
	s6 =	sand.u32 $0x1C60, s31;
	[dreg:$0x4] =	wrdreg s0  }
.LBB2_1:
0xb: {  	[dreg:$0x5] =	wrdreg s1  }
0xc: {  	s0 =	rddreg [dreg:$0x4];
	s8 =	simm.s32 $0x2  }
0xd: {  	[tilespmem:s4], [sflag:$0x2] =	stream.linear.gather [hbm4b:s0+s4], $0x20, $0x38;
	[tilespmem:$0x1080] =	vst v63  }
0xe: {  	_ =	swait.ge [sflag:s8], $0x20  }
0xf: {  	[sflag:s8] =	ssyncset.done $0x0  }
0x10: {  	[sflag:s8] =	ssyncadd.s32 $0xFFFFFFE0  }
0x11: {  	v0 =	vld [tilespmem:$0x0];
	_ =	sdelay $0x4  }
0x12: {  	(v2sf) =	vpush v0, $0x2  }
0x13: {  	(v2sf) =	vpush v0, $0x3  }
0x14: {  	(v2sf) =	vpush v0, $0x4  }
0x15: {  	(v2sf) =	vpush v0, $0x5  }
0x16: {  	(v2sf) =	vpush v0, $0x6  }
0x17: {  	(v2sf) =	vpush v0, $0x7  }
0x18: {  	(v2sf) =	vpush v0, $0x8  }
0x19: {  	(v2sf) =	vpush v0, $0x9  }
0x1a: {  	(v2sf) =	vpush v0, $0xA  }
0x1b: {  	v1 =	vld [tilespmem:$0x10];
	(v2sf) =	vpush v0, $0xB  }
0x1c: {  	(v2sf) =	vpush v0, $0xC  }
0x1d: {  	(v2sf) =	vpush v0, $0xD  }
0x1e: {  	(v2sf) =	vpush v0, $0xE  }
0x1f: {  	(v2sf) =	vpush v0, $0xF  }
0x20: {  	(v2sf) =	vpush v1, $0x0  }
0x21: {  	s7 =	spop (v2sf);
	(v2sf) =	vpush v1, $0x1  }
0x22: {  	s2 =	spop (v2sf);
	(v2sf) =	vpush v1, $0x2  }
0x23: {  	s1 =	spop (v2sf);
	(v2sf) =	vpush v1, $0x3  }
0x24: {  	s0 =	spop (v2sf);
	(v2sf) =	vpush v1, $0x4  }
0x25: {  	s5 =	spop (v2sf);
	(v2sf) =	vpush v1, $0x5  }
0x26: {  	s23 =	spop (v2sf);
	(v2sf) =	vpush v1, $0x6  }
0x27: {  	s24 =	spop (v2sf);
	(v2sf) =	vpush v1, $0x7  }
0x28: {  	s25 =	spop (v2sf);
	(v2sf) =	vpush v1, $0x8  }
0x29: {  	s26 =	spop (v2sf);
	(v2sf) =	vpush v1, $0x9  }
0x2a: {  	s28 =	spop (v2sf);
	(v2sf) =	vpush v1, $0xA  }
0x2b: {  	s29 =	spop (v2sf);
	(v2sf) =	vpush v1, $0xB  }
0x2c: {  	s30 =	spop (v2sf);
	(v2sf) =	vpush v1, $0xC  }
0x2d: {  	s31 =	spop (v2sf);
	(v2sf) =	vpush v1, $0xD  }
0x2e: {  	s22 =	spop (v2sf);
	(v2sf) =	vpush v1, $0xE  }
0x2f: {  	s21 =	spop (v2sf);
	(v2sf) =	vpush v1, $0xF  }
0x30: {  	s20 =	spop (v2sf);
	(v2sf) =	vpush v0, $0x0  }
0x31: {  	s19 =	spop (v2sf)  }
0x32: {  	s18 =	spop (v2sf)  }
0x33: {  	s17 =	spop (v2sf)  }
0x34: {  	s16 =	spop (v2sf)  }
0x35: {  	s13 =	spop (v2sf)  }
0x36: {  	s14 =	spop (v2sf)  }
0x37: {  	s12 =	spop (v2sf)  }
0x38: {  	(v2sf) =	vpush v0, $0x1;
	s11 =	spop (v2sf)  }
0x39: {  	s8 =	spop (v2sf)  }
0x3a: {  	s9 =	spop (v2sf)  }
0x3b: {  	[dreg:$0x12] =	wrdreg s9;
	s9 =	spop (v2sf)  }
0x3c: {  	[dreg:$0x11] =	wrdreg s9;
	s9 =	spop (v2sf)  }
0x3d: {  	[dreg:$0x10] =	wrdreg s9;
	s9 =	spop (v2sf)  }
0x3e: {  	[dreg:$0xf] =	wrdreg s9;
	s9 =	spop (v2sf)  }
0x3f: {  	[dreg:$0x13] =	wrdreg s8;
	s8 =	spop (v2sf)  }
0x40: {  	[dreg:$0xe] =	wrdreg s9;
	s9 =	sshll.u32 s8, $0xA;
	s8 =	sshll.u32 s8, $0x7  }
0x41: {  	s9 =	sand.u32 $0xFFFFE000, s9;
	s8 =	sand.u32 $0x380, s8  }
0x42: {  	s8 =	sor.u32 s9, s8  }
0x43: {  	s8 =	sor.u32 s6, s8  }
0x44: {  	s8 =	sshrl.u32 s8, $0x3  }
0x45: {  	s9 =	simm.s32 $0x80;
	[dreg:$0x6] =	wrdreg s8;
	s8 =	sadd.s32 s10, s8  }
0x46: {  	[tilespmem:s9], [sflag:$0x1] =	stream.linear.gather [hbm4b:s8+s4], $0x20, $0x38;
	[tilespmem:$0x1080] =	vst v63  }
0x47: {  	s8 =	spop (v2sf)  }
0x48: {  	s9 =	sshll.u32 s8, $0xA;
	s8 =	sshll.u32 s8, $0x7  }
0x49: {  	s9 =	sand.u32 $0xFFFFE000, s9;
	s8 =	sand.u32 $0x380, s8  }
0x4a: {  	s8 =	sor.u32 s9, s8  }
0x4b: {  	s8 =	sor.u32 s6, s8  }
0x4c: {  	s8 =	sshrl.u32 s8, $0x3  }
0x4d: {  	s9 =	simm.s32 $0x100;
	[dreg:$0x7] =	wrdreg s8;
	s8 =	sadd.s32 s10, s8  }
0x4e: {  	[tilespmem:s9], [sflag:$0x1] =	stream.linear.gather [hbm4b:s8+s4], $0x20, $0x38;
	[tilespmem:$0x1080] =	vst v63  }
0x4f: {  	s9 =	sshll.u32 s7, $0xA;
	s7 =	sshll.u32 s7, $0x7  }
0x50: {  	s8 =	sand.u32 $0xFFFFE000, s9;
	s7 =	sand.u32 $0x380, s7  }
0x51: {  	s7 =	sor.u32 s8, s7  }
0x52: {  	s7 =	sor.u32 s6, s7  }
0x53: {  	s9 =	simm.s32 $0x180;
	s8 =	sshll.u32 s2, $0xA;
	s7 =	sshrl.u32 s7, $0x3  }
0x54: {  	s2 =	sshll.u32 s2, $0x7;
	[dreg:$0x8] =	wrdreg s7;
	s7 =	sadd.s32 s10, s7  }
0x55: {  	[tilespmem:s9], [sflag:$0x1] =	stream.linear.gather [hbm4b:s7+s4], $0x20, $0x38;
	[tilespmem:$0x1080] =	vst v63  }
0x56: {  	s2 =	sand.u32 $0x380, s2;
	s7 =	sand.u32 $0xFFFFE000, s8  }
0x57: {  	s2 =	sor.u32 s7, s2  }
0x58: {  	s2 =	sor.u32 s6, s2  }
0x59: {  	s9 =	simm.s32 $0x200;
	s7 =	sshll.u32 s1, $0xA;
	s2 =	sshrl.u32 s2, $0x3  }
0x5a: {  	s1 =	sshll.u32 s1, $0x7;
	[dreg:$0x9] =	wrdreg s2;
	s2 =	sadd.s32 s10, s2  }
0x5b: {  	[tilespmem:s9], [sflag:$0x1] =	stream.linear.gather [hbm4b:s2+s4], $0x20, $0x38;
	[tilespmem:$0x1080] =	vst v63  }
0x5c: {  	s1 =	sand.u32 $0x380, s1;
	s2 =	sand.u32 $0xFFFFE000, s7  }
0x5d: {  	s1 =	sor.u32 s2, s1  }
0x5e: {  	s1 =	sor.u32 s6, s1  }
0x5f: {  	s8 =	simm.s32 $0x280;
	s9 =	sshll.u32 s0, $0xA;
	s1 =	sshrl.u32 s1, $0x3  }
0x60: {  	s0 =	sshll.u32 s0, $0x7;
	[dreg:$0xa] =	wrdreg s1;
	s1 =	sadd.s32 s10, s1  }
0x61: {  	[tilespmem:s8], [sflag:$0x1] =	stream.linear.gather [hbm4b:s1+s4], $0x20, $0x38;
	[tilespmem:$0x1080] =	vst v63  }
0x62: {  	s0 =	sand.u32 $0x380, s0;
	s1 =	sand.u32 $0xFFFFE000, s9  }
0x63: {  	s0 =	sor.u32 s1, s0  }
0x64: {  	s0 =	sor.u32 s6, s0  }
0x65: {  	s7 =	sshll.u32 s5, $0xA;
	s2 =	simm.s32 $0x300;
	s0 =	sshrl.u32 s0, $0x3  }
0x66: {  	s8 =	sshll.u32 s5, $0x7;
	[dreg:$0xb] =	wrdreg s0;
	s0 =	sadd.s32 s10, s0  }
0x67: {  	[tilespmem:s2], [sflag:$0x1] =	stream.linear.gather [hbm4b:s0+s4], $0x20, $0x38;
	[tilespmem:$0x1080] =	vst v63  }
0x68: {  	s1 =	sand.u32 $0x380, s8;
	s0 =	sand.u32 $0xFFFFE000, s7  }
0x69: {  	s0 =	sor.u32 s0, s1  }
0x6a: {  	s0 =	sor.u32 s6, s0  }
0x6b: {  	s9 =	simm.s32 $0x380;
	s5 =	sshll.u32 s23, $0x7;
	s0 =	sshrl.u32 s0, $0x3  }
0x6c: {  	s2 =	sshll.u32 s23, $0xA;
	[dreg:$0xc] =	wrdreg s0;
	s0 =	sadd.s32 s10, s0  }
0x6d: {  	[tilespmem:s9], [sflag:$0x1] =	stream.linear.gather [hbm4b:s0+s4], $0x20, $0x38;
	[tilespmem:$0x1080] =	vst v63  }
0x6e: {  	s1 =	sand.u32 $0x380, s5;
	s0 =	sand.u32 $0xFFFFE000, s2  }
0x6f: {  	s0 =	sor.u32 s0, s1  }
0x70: {  	s0 =	sor.u32 s6, s0  }
0x71: {  	s8 =	sshll.u32 s24, $0xA;
	s7 =	simm.s32 $0x400;
	s0 =	sshrl.u32 s0, $0x3  }
0x72: {  	s9 =	sshll.u32 s24, $0x7;
	[dreg:$0xd] =	wrdreg s0;
	s0 =	sadd.s32 s10, s0  }
0x73: {  	[tilespmem:s7], [sflag:$0x1] =	stream.linear.gather [hbm4b:s0+s4], $0x20, $0x38;
	[tilespmem:$0x1080] =	vst v63  }
0x74: {  	s1 =	sand.u32 $0x380, s9;
	s0 =	sand.u32 $0xFFFFE000, s8  }
0x75: {  	s0 =	sor.u32 s0, s1  }
0x76: {  	s0 =	sor.u32 s6, s0  }
0x77: {  	s23 =	simm.s32 $0x480;
	s24 =	sshrl.u32 s0, $0x3  }
0x78: {  	s5 =	sshll.u32 s25, $0x7;
	s2 =	sshll.u32 s25, $0xA;
	s0 =	sadd.s32 s10, s24  }
0x79: {  	[tilespmem:s23], [sflag:$0x1] =	stream.linear.gather [hbm4b:s0+s4], $0x20, $0x38;
	[tilespmem:$0x1080] =	vst v63  }
0x7a: {  	s1 =	sand.u32 $0x380, s5;
	s0 =	sand.u32 $0xFFFFE000, s2  }
0x7b: {  	s0 =	sor.u32 s0, s1  }
0x7c: {  	s0 =	sor.u32 s6, s0  }
0x7d: {  	s9 =	sshll.u32 s26, $0x7;
	s25 =	sshrl.u32 s0, $0x3  }
0x7e: {  	s7 =	simm.s32 $0x500;
	s8 =	sshll.u32 s26, $0xA;
	s0 =	sadd.s32 s10, s25  }
0x7f: {  	[tilespmem:s7], [sflag:$0x1] =	stream.linear.gather [hbm4b:s0+s4], $0x20, $0x38;
	[tilespmem:$0x1080] =	vst v63  }
0x80: {  	s1 =	sand.u32 $0x380, s9;
	s0 =	sand.u32 $0xFFFFE000, s8  }
0x81: {  	s0 =	sor.u32 s0, s1  }
0x82: {  	s0 =	sor.u32 s6, s0  }
0x83: {  	s23 =	simm.s32 $0x580;
	s26 =	sshrl.u32 s0, $0x3  }
0x84: {  	s2 =	sshll.u32 s28, $0x7;
	s1 =	sshll.u32 s28, $0xA;
	s0 =	sadd.s32 s10, s26  }
0x85: {  	[tilespmem:s23], [sflag:$0x1] =	stream.linear.gather [hbm4b:s0+s4], $0x20, $0x38;
	[tilespmem:$0x1080] =	vst v63  }
0x86: {  	s0 =	sand.u32 $0xFFFFE000, s1;
	s1 =	sand.u32 $0x380, s2  }
0x87: {  	s0 =	sor.u32 s0, s1  }
0x88: {  	s0 =	sor.u32 s6, s0  }
0x89: {  	s5 =	simm.s32 $0x600;
	s28 =	sshrl.u32 s0, $0x3  }
0x8a: {  	s7 =	sshll.u32 s29, $0xA;
	s8 =	sshll.u32 s29, $0x7;
	s0 =	sadd.s32 s10, s28  }
0x8b: {  	[tilespmem:s5], [sflag:$0x1] =	stream.linear.gather [hbm4b:s0+s4], $0x20, $0x38;
	[tilespmem:$0x1080] =	vst v63  }
0x8c: {  	s1 =	sand.u32 $0x380, s8;
	s0 =	sand.u32 $0xFFFFE000, s7  }
0x8d: {  	s0 =	sor.u32 s0, s1  }
0x8e: {  	s0 =	sor.u32 s6, s0  }
0x8f: {  	s9 =	simm.s32 $0x680;
	s29 =	sshrl.u32 s0, $0x3  }
0x90: {  	s23 =	sshll.u32 s30, $0xA;
	s30 =	sshll.u32 s30, $0x7;
	s0 =	sadd.s32 s10, s29  }
0x91: {  	[tilespmem:s9], [sflag:$0x1] =	stream.linear.gather [hbm4b:s0+s4], $0x20, $0x38;
	[tilespmem:$0x1080] =	vst v63  }
0x92: {  	s1 =	sand.u32 $0x380, s30;
	s0 =	sand.u32 $0xFFFFE000, s23  }
0x93: {  	s0 =	sor.u32 s0, s1  }
0x94: {  	s0 =	sor.u32 s6, s0  }
0x95: {  	s2 =	simm.s32 $0x700;
	s30 =	sshrl.u32 s0, $0x3  }
0x96: {  	s5 =	sshll.u32 s31, $0xA;
	s7 =	sshll.u32 s31, $0x7;
	s0 =	sadd.s32 s10, s30  }
0x97: {  	[tilespmem:s2], [sflag:$0x1] =	stream.linear.gather [hbm4b:s0+s4], $0x20, $0x38;
	[tilespmem:$0x1080] =	vst v63  }
0x98: {  	s1 =	sand.u32 $0x380, s7;
	s0 =	sand.u32 $0xFFFFE000, s5  }
0x99: {  	s0 =	sor.u32 s0, s1  }
0x9a: {  	s0 =	sor.u32 s6, s0  }
0x9b: {  	s8 =	simm.s32 $0x780;
	s31 =	sshrl.u32 s0, $0x3  }
0x9c: {  	s9 =	sshll.u32 s22, $0xA;
	s23 =	sshll.u32 s22, $0x7;
	s0 =	sadd.s32 s10, s31  }
0x9d: {  	[tilespmem:s8], [sflag:$0x1] =	stream.linear.gather [hbm4b:s0+s4], $0x20, $0x38;
	[tilespmem:$0x1080] =	vst v63  }
0x9e: {  	s1 =	sand.u32 $0x380, s23;
	s0 =	sand.u32 $0xFFFFE000, s9  }
0x9f: {  	s0 =	sor.u32 s0, s1  }
0xa0: {  	s0 =	sor.u32 s6, s0  }
0xa1: {  	s7 =	sshll.u32 s21, $0x7;
	s22 =	sshrl.u32 s0, $0x3  }
0xa2: {  	s2 =	simm.s32 $0x800;
	s5 =	sshll.u32 s21, $0xA;
	s0 =	sadd.s32 s10, s22  }
0xa3: {  	[tilespmem:s2], [sflag:$0x1] =	stream.linear.gather [hbm4b:s0+s4], $0x20, $0x38;
	[tilespmem:$0x1080] =	vst v63  }
0xa4: {  	s1 =	sand.u32 $0x380, s7;
	s0 =	sand.u32 $0xFFFFE000, s5  }
0xa5: {  	s0 =	sor.u32 s0, s1  }
0xa6: {  	s0 =	sor.u32 s6, s0  }
0xa7: {  	s23 =	sshll.u32 s20, $0x7;
	s21 =	sshrl.u32 s0, $0x3  }
0xa8: {  	s8 =	simm.s32 $0x880;
	s9 =	sshll.u32 s20, $0xA;
	s0 =	sadd.s32 s10, s21  }
0xa9: {  	[tilespmem:s8], [sflag:$0x1] =	stream.linear.gather [hbm4b:s0+s4], $0x20, $0x38;
	[tilespmem:$0x1080] =	vst v63  }
0xaa: {  	s1 =	sand.u32 $0x380, s23;
	s0 =	sand.u32 $0xFFFFE000, s9  }
0xab: {  	s0 =	sor.u32 s0, s1  }
0xac: {  	s0 =	sor.u32 s6, s0  }
0xad: {  	s7 =	sshll.u32 s19, $0x7;
	s20 =	sshrl.u32 s0, $0x3  }
0xae: {  	s2 =	simm.s32 $0x900;
	s5 =	sshll.u32 s19, $0xA;
	s0 =	sadd.s32 s10, s20  }
0xaf: {  	[tilespmem:s2], [sflag:$0x1] =	stream.linear.gather [hbm4b:s0+s4], $0x20, $0x38;
	[tilespmem:$0x1080] =	vst v63  }
0xb0: {  	s1 =	sand.u32 $0x380, s7;
	s0 =	sand.u32 $0xFFFFE000, s5  }
0xb1: {  	s0 =	sor.u32 s0, s1  }
0xb2: {  	s0 =	sor.u32 s6, s0  }
0xb3: {  	s23 =	sshll.u32 s18, $0x7;
	s19 =	sshrl.u32 s0, $0x3  }
0xb4: {  	s8 =	simm.s32 $0x980;
	s9 =	sshll.u32 s18, $0xA;
	s0 =	sadd.s32 s10, s19  }
0xb5: {  	[tilespmem:s8], [sflag:$0x1] =	stream.linear.gather [hbm4b:s0+s4], $0x20, $0x38;
	[tilespmem:$0x1080] =	vst v63  }
0xb6: {  	s1 =	sand.u32 $0x380, s23;
	s0 =	sand.u32 $0xFFFFE000, s9  }
0xb7: {  	s0 =	sor.u32 s0, s1  }
0xb8: {  	s0 =	sor.u32 s6, s0  }
0xb9: {  	s7 =	sshll.u32 s17, $0x7;
	s18 =	sshrl.u32 s0, $0x3  }
0xba: {  	s2 =	simm.s32 $0xA00;
	s5 =	sshll.u32 s17, $0xA;
	s0 =	sadd.s32 s10, s18  }
0xbb: {  	[tilespmem:s2], [sflag:$0x1] =	stream.linear.gather [hbm4b:s0+s4], $0x20, $0x38;
	[tilespmem:$0x1080] =	vst v63  }
0xbc: {  	s1 =	sand.u32 $0x380, s7;
	s0 =	sand.u32 $0xFFFFE000, s5  }
0xbd: {  	s0 =	sor.u32 s0, s1  }
0xbe: {  	s0 =	sor.u32 s6, s0  }
0xbf: {  	s23 =	sshll.u32 s16, $0x7;
	s17 =	sshrl.u32 s0, $0x3  }
0xc0: {  	s8 =	simm.s32 $0xA80;
	s9 =	sshll.u32 s16, $0xA;
	s0 =	sadd.s32 s10, s17  }
0xc1: {  	[tilespmem:s8], [sflag:$0x1] =	stream.linear.gather [hbm4b:s0+s4], $0x20, $0x38;
	[tilespmem:$0x1080] =	vst v63  }
0xc2: {  	s1 =	sand.u32 $0x380, s23;
	s0 =	sand.u32 $0xFFFFE000, s9  }
0xc3: {  	s0 =	sor.u32 s0, s1  }
0xc4: {  	s0 =	sor.u32 s6, s0  }
0xc5: {  	s7 =	sshll.u32 s13, $0x7;
	s16 =	sshrl.u32 s0, $0x3  }
0xc6: {  	s2 =	simm.s32 $0xB00;
	s5 =	sshll.u32 s13, $0xA;
	s0 =	sadd.s32 s10, s16  }
0xc7: {  	[tilespmem:s2], [sflag:$0x1] =	stream.linear.gather [hbm4b:s0+s4], $0x20, $0x38;
	[tilespmem:$0x1080] =	vst v63  }
0xc8: {  	s1 =	sand.u32 $0x380, s7;
	s0 =	sand.u32 $0xFFFFE000, s5  }
0xc9: {  	s0 =	sor.u32 s0, s1  }
0xca: {  	s0 =	sor.u32 s6, s0  }
0xcb: {  	s23 =	sshll.u32 s14, $0x7;
	s13 =	sshrl.u32 s0, $0x3  }
0xcc: {  	s8 =	simm.s32 $0xB80;
	s9 =	sshll.u32 s14, $0xA;
	s0 =	sadd.s32 s10, s13  }
0xcd: {  	[tilespmem:s8], [sflag:$0x1] =	stream.linear.gather [hbm4b:s0+s4], $0x20, $0x38;
	[tilespmem:$0x1080] =	vst v63  }
0xce: {  	s1 =	sand.u32 $0x380, s23;
	s0 =	sand.u32 $0xFFFFE000, s9  }
0xcf: {  	s0 =	sor.u32 s0, s1  }
0xd0: {  	s0 =	sor.u32 s6, s0  }
0xd1: {  	s7 =	sshll.u32 s12, $0x7;
	s14 =	sshrl.u32 s0, $0x3  }
0xd2: {  	s2 =	simm.s32 $0xC00;
	s5 =	sshll.u32 s12, $0xA;
	s0 =	sadd.s32 s10, s14  }
0xd3: {  	[tilespmem:s2], [sflag:$0x1] =	stream.linear.gather [hbm4b:s0+s4], $0x20, $0x38;
	[tilespmem:$0x1080] =	vst v63  }
0xd4: {  	s1 =	sand.u32 $0x380, s7;
	s0 =	sand.u32 $0xFFFFE000, s5  }
0xd5: {  	s0 =	sor.u32 s0, s1  }
0xd6: {  	s0 =	sor.u32 s6, s0  }
0xd7: {  	s8 =	simm.s32 $0xC80;
	s12 =	sshrl.u32 s0, $0x3  }
0xd8: {  	s9 =	sshll.u32 s11, $0xA;
	s11 =	sshll.u32 s11, $0x7;
	s0 =	sadd.s32 s10, s12  }
0xd9: {  	[tilespmem:s8], [sflag:$0x1] =	stream.linear.gather [hbm4b:s0+s4], $0x20, $0x38;
	[tilespmem:$0x1080] =	vst v63  }
0xda: {  	s1 =	sand.u32 $0x380, s11;
	s0 =	sand.u32 $0xFFFFE000, s9  }
0xdb: {  	s0 =	sor.u32 s0, s1  }
0xdc: {  	s0 =	sor.u32 s6, s0  }
0xdd: {  	s23 =	simm.s32 $0xD00;
	s2 =	rddreg [dreg:$0x13];
	s11 =	sshrl.u32 s0, $0x3  }
0xde: {  	s5 =	sshll.u32 s2, $0xA;
	s1 =	sshll.u32 s2, $0x7;
	s0 =	sadd.s32 s10, s11  }
0xdf: {  	[tilespmem:s23], [sflag:$0x1] =	stream.linear.gather [hbm4b:s0+s4], $0x20, $0x38;
	[tilespmem:$0x1080] =	vst v63  }
0xe0: {  	s1 =	sand.u32 $0x380, s1;
	s0 =	sand.u32 $0xFFFFE000, s5  }
0xe1: {  	s0 =	sor.u32 s0, s1  }
0xe2: {  	s0 =	sor.u32 s6, s0  }
0xe3: {  	s7 =	simm.s32 $0xD80;
	s9 =	rddreg [dreg:$0x12];
	s8 =	sshrl.u32 s0, $0x3  }
0xe4: {  	s23 =	sshll.u32 s9, $0xA;
	s1 =	sshll.u32 s9, $0x7;
	s0 =	sadd.s32 s10, s8  }
0xe5: {  	[tilespmem:s7], [sflag:$0x1] =	stream.linear.gather [hbm4b:s0+s4], $0x20, $0x38;
	[tilespmem:$0x1080] =	vst v63  }
0xe6: {  	s1 =	sand.u32 $0x380, s1;
	s0 =	sand.u32 $0xFFFFE000, s23  }
0xe7: {  	s0 =	sor.u32 s0, s1  }
0xe8: {  	s0 =	sor.u32 s6, s0  }
0xe9: {  	s2 =	simm.s32 $0xE00;
	s5 =	rddreg [dreg:$0x11];
	s7 =	sshrl.u32 s0, $0x3  }
0xea: {  	s9 =	sshll.u32 s5, $0xA;
	s1 =	sshll.u32 s5, $0x7;
	s0 =	sadd.s32 s10, s7  }
0xeb: {  	[tilespmem:s2], [sflag:$0x1] =	stream.linear.gather [hbm4b:s0+s4], $0x20, $0x38;
	[tilespmem:$0x1080] =	vst v63  }
0xec: {  	s1 =	sand.u32 $0x380, s1;
	s0 =	sand.u32 $0xFFFFE000, s9  }
0xed: {  	s0 =	sor.u32 s0, s1  }
0xee: {  	s0 =	sor.u32 s6, s0  }
0xef: {  	s23 =	simm.s32 $0xE80;
	s2 =	rddreg [dreg:$0x10];
	s5 =	sshrl.u32 s0, $0x3  }
0xf0: {  	s9 =	sshll.u32 s2, $0xA;
	s1 =	sshll.u32 s2, $0x7;
	s0 =	sadd.s32 s10, s5  }
0xf1: {  	[tilespmem:s23], [sflag:$0x1] =	stream.linear.gather [hbm4b:s0+s4], $0x20, $0x38;
	[tilespmem:$0x1080] =	vst v63  }
0xf2: {  	s1 =	sand.u32 $0x380, s1;
	s0 =	sand.u32 $0xFFFFE000, s9  }
0xf3: {  	s0 =	sor.u32 s0, s1  }
0xf4: {  	s0 =	sor.u32 s6, s0  }
0xf5: {  	s2 =	sshrl.u32 s0, $0x3  }
0xf6: {  	s23 =	simm.s32 $0xF00;
	s0 =	sadd.s32 s10, s2  }
0xf7: {  	[tilespmem:s23], [sflag:$0x1] =	stream.linear.gather [hbm4b:s0+s4], $0x20, $0x38;
	[tilespmem:$0x1080] =	vst v63  }
0xf8: {  	s0 =	rddreg [dreg:$0xf]  }
0xf9: {  	s9 =	sshll.u32 s0, $0xA;
	s1 =	sshll.u32 s0, $0x7  }
0xfa: {  	s0 =	sand.u32 $0xFFFFE000, s9;
	s1 =	sand.u32 $0x380, s1  }
0xfb: {  	s0 =	sor.u32 s0, s1  }
0xfc: {  	s0 =	sor.u32 s6, s0  }
0xfd: {  	s1 =	sshrl.u32 s0, $0x3  }
0xfe: {  	s23 =	simm.s32 $0xF80;
	s0 =	sadd.s32 s10, s1  }
0xff: {  	[tilespmem:s23], [sflag:$0x1] =	stream.linear.gather [hbm4b:s0+s4], $0x20, $0x38;
	[tilespmem:$0x1080] =	vst v63  }
0x100: {  	s0 =	rddreg [dreg:$0xe]  }
0x101: {  	s23 =	sshll.u32 s0, $0xA;
	s9 =	sshll.u32 s0, $0x7  }
0x102: {  	s0 =	sand.u32 $0xFFFFE000, s23;
	s9 =	sand.u32 $0x380, s9  }
0x103: {  	s0 =	sor.u32 s0, s9  }
0x104: {  	s0 =	sor.u32 s6, s0  }
0x105: {  	s0 =	sshrl.u32 s0, $0x3  }
0x106: {  	s23 =	simm.s32 $0x1000;
	s9 =	sadd.s32 s10, s0  }
0x107: {  	[tilespmem:s23], [sflag:$0x1] =	stream.linear.gather [hbm4b:s9+s4], $0x20, $0x38;
	[tilespmem:$0x1080] =	vst v63  }
0x108: {  	_ =	swait.ge [sflag:s15], $0x20  }
0x109: {  	[sflag:s15] =	ssyncset.done $0x0  }
0x10a: {  	[sflag:s15] =	ssyncadd.s32 $0xFFFFFFE0  }
0x10b: {  	_ =	swait.ge [sflag:s15], $0x20  }
0x10c: {  	[sflag:s15] =	ssyncset.done $0x0  }
0x10d: {  	[sflag:s15] =	ssyncadd.s32 $0xFFFFFFE0  }
0x10e: {  	_ =	swait.ge [sflag:s15], $0x20  }
0x10f: {  	[sflag:s15] =	ssyncset.done $0x0  }
0x110: {  	[sflag:s15] =	ssyncadd.s32 $0xFFFFFFE0  }
0x111: {  	_ =	swait.ge [sflag:s15], $0x20  }
0x112: {  	[sflag:s15] =	ssyncset.done $0x0  }
0x113: {  	[sflag:s15] =	ssyncadd.s32 $0xFFFFFFE0  }
0x114: {  	_ =	swait.ge [sflag:s15], $0x20  }
0x115: {  	[sflag:s15] =	ssyncset.done $0x0  }
0x116: {  	[sflag:s15] =	ssyncadd.s32 $0xFFFFFFE0  }
0x117: {  	_ =	swait.ge [sflag:s15], $0x20  }
0x118: {  	[sflag:s15] =	ssyncset.done $0x0  }
0x119: {  	[sflag:s15] =	ssyncadd.s32 $0xFFFFFFE0  }
0x11a: {  	_ =	swait.ge [sflag:s15], $0x20  }
0x11b: {  	[sflag:s15] =	ssyncset.done $0x0  }
0x11c: {  	[sflag:s15] =	ssyncadd.s32 $0xFFFFFFE0  }
0x11d: {  	_ =	swait.ge [sflag:s15], $0x20  }
0x11e: {  	[sflag:s15] =	ssyncset.done $0x0  }
0x11f: {  	[sflag:s15] =	ssyncadd.s32 $0xFFFFFFE0  }
0x120: {  	_ =	swait.ge [sflag:s15], $0x20  }
0x121: {  	[sflag:s15] =	ssyncset.done $0x0  }
0x122: {  	[sflag:s15] =	ssyncadd.s32 $0xFFFFFFE0  }
0x123: {  	_ =	swait.ge [sflag:s15], $0x20  }
0x124: {  	[sflag:s15] =	ssyncset.done $0x0  }
0x125: {  	[sflag:s15] =	ssyncadd.s32 $0xFFFFFFE0  }
0x126: {  	_ =	swait.ge [sflag:s15], $0x20  }
0x127: {  	[sflag:s15] =	ssyncset.done $0x0  }
0x128: {  	[sflag:s15] =	ssyncadd.s32 $0xFFFFFFE0  }
0x129: {  	_ =	swait.ge [sflag:s15], $0x20  }
0x12a: {  	[sflag:s15] =	ssyncset.done $0x0  }
0x12b: {  	[sflag:s15] =	ssyncadd.s32 $0xFFFFFFE0  }
0x12c: {  	_ =	swait.ge [sflag:s15], $0x20  }
0x12d: {  	[sflag:s15] =	ssyncset.done $0x0  }
0x12e: {  	[sflag:s15] =	ssyncadd.s32 $0xFFFFFFE0  }
0x12f: {  	_ =	swait.ge [sflag:s15], $0x20  }
0x130: {  	[sflag:s15] =	ssyncset.done $0x0  }
0x131: {  	[sflag:s15] =	ssyncadd.s32 $0xFFFFFFE0  }
0x132: {  	_ =	swait.ge [sflag:s15], $0x20  }
0x133: {  	[sflag:s15] =	ssyncset.done $0x0  }
0x134: {  	[sflag:s15] =	ssyncadd.s32 $0xFFFFFFE0  }
0x135: {  	_ =	swait.ge [sflag:s15], $0x20  }
0x136: {  	[sflag:s15] =	ssyncset.done $0x0  }
0x137: {  	[sflag:s15] =	ssyncadd.s32 $0xFFFFFFE0  }
0x138: {  	_ =	swait.ge [sflag:s15], $0x20  }
0x139: {  	[sflag:s15] =	ssyncset.done $0x0  }
0x13a: {  	[sflag:s15] =	ssyncadd.s32 $0xFFFFFFE0  }
0x13b: {  	_ =	swait.ge [sflag:s15], $0x20  }
0x13c: {  	[sflag:s15] =	ssyncset.done $0x0  }
0x13d: {  	[sflag:s15] =	ssyncadd.s32 $0xFFFFFFE0  }
0x13e: {  	_ =	swait.ge [sflag:s15], $0x20  }
0x13f: {  	[sflag:s15] =	ssyncset.done $0x0  }
0x140: {  	[sflag:s15] =	ssyncadd.s32 $0xFFFFFFE0  }
0x141: {  	_ =	swait.ge [sflag:s15], $0x20  }
0x142: {  	[sflag:s15] =	ssyncset.done $0x0  }
0x143: {  	[sflag:s15] =	ssyncadd.s32 $0xFFFFFFE0  }
0x144: {  	_ =	swait.ge [sflag:s15], $0x20  }
0x145: {  	[sflag:s15] =	ssyncset.done $0x0  }
0x146: {  	[sflag:s15] =	ssyncadd.s32 $0xFFFFFFE0  }
0x147: {  	_ =	swait.ge [sflag:s15], $0x20  }
0x148: {  	[sflag:s15] =	ssyncset.done $0x0  }
0x149: {  	[sflag:s15] =	ssyncadd.s32 $0xFFFFFFE0  }
0x14a: {  	_ =	swait.ge [sflag:s15], $0x20  }
0x14b: {  	[sflag:s15] =	ssyncset.done $0x0  }
0x14c: {  	[sflag:s15] =	ssyncadd.s32 $0xFFFFFFE0  }
0x14d: {  	_ =	swait.ge [sflag:s15], $0x20  }
0x14e: {  	[sflag:s15] =	ssyncset.done $0x0  }
0x14f: {  	[sflag:s15] =	ssyncadd.s32 $0xFFFFFFE0  }
0x150: {  	_ =	swait.ge [sflag:s15], $0x20  }
0x151: {  	[sflag:s15] =	ssyncset.done $0x0  }
0x152: {  	[sflag:s15] =	ssyncadd.s32 $0xFFFFFFE0  }
0x153: {  	_ =	swait.ge [sflag:s15], $0x20  }
0x154: {  	[sflag:s15] =	ssyncset.done $0x0  }
0x155: {  	[sflag:s15] =	ssyncadd.s32 $0xFFFFFFE0  }
0x156: {  	_ =	swait.ge [sflag:s15], $0x20  }
0x157: {  	[sflag:s15] =	ssyncset.done $0x0  }
0x158: {  	[sflag:s15] =	ssyncadd.s32 $0xFFFFFFE0  }
0x159: {  	_ =	swait.ge [sflag:s15], $0x20  }
0x15a: {  	[sflag:s15] =	ssyncset.done $0x0  }
0x15b: {  	[sflag:s15] =	ssyncadd.s32 $0xFFFFFFE0  }
0x15c: {  	_ =	swait.ge [sflag:s15], $0x20  }
0x15d: {  	[sflag:s15] =	ssyncset.done $0x0  }
0x15e: {  	[sflag:s15] =	ssyncadd.s32 $0xFFFFFFE0  }
0x15f: {  	_ =	swait.ge [sflag:s15], $0x20  }
0x160: {  	[sflag:s15] =	ssyncset.done $0x0  }
0x161: {  	[sflag:s15] =	ssyncadd.s32 $0xFFFFFFE0  }
0x162: {  	_ =	swait.ge [sflag:s15], $0x20  }
0x163: {  	[sflag:s15] =	ssyncset.done $0x0  }
0x164: {  	[sflag:s15] =	ssyncadd.s32 $0xFFFFFFE0  }
0x165: {  	_ =	swait.ge [sflag:s15], $0x20  }
0x166: {  	[sflag:s15] =	ssyncset.done $0x0  }
0x167: {  	[sflag:s15] =	ssyncadd.s32 $0xFFFFFFE0  }
0x168: {  	v2 =	vld [tilespmem:$0x80]  }
0x169: {  	v3 =	vld [tilespmem:$0x90]  }
0x16a: {  	v4 =	vld [tilespmem:$0x100]  }
0x16b: {  	v6 =	vld [tilespmem:$0x110]  }
0x16c: {  	v9 =	vld [tilespmem:$0x180]  }
0x16d: {  	v10 =	vld [tilespmem:$0x190]  }
0x16e: {  	v17 =	vld [tilespmem:$0x200]  }
0x16f: {  	v5 =	vbroadcast v0, $0x0;
	v12 =	vld [tilespmem:$0x210]  }
0x170: {  	v15 =	vbroadcast v0, $0x1;
	v11 =	vbroadcast v0, $0x2;
	v13 =	vld [tilespmem:$0x280]  }
0x171: {  	v21 =	vbroadcast v0, $0x3;
	v27 =	vbroadcast v0, $0x5;
	v22 =	vld [tilespmem:$0x290]  }
0x172: {  	v33 =	vbroadcast v0, $0x7;
	v39 =	vbroadcast v0, $0x9;
	v14 =	vld [tilespmem:$0x300]  }
0x173: {  	v45 =	vbroadcast v0, $0xB;
	v55 =	vbroadcast v0, $0xD;
	v28 =	vld [tilespmem:$0x390]  }
0x174: {  	v62 =	vbroadcast v0, $0xE;
	vm6 =	veq.s32 v0, v21;
	vm7 =	veq.s32 v1, v21;
	v21 =	vld [tilespmem:$0x480]  }
0x175: {  	vm0 =	veq.s32 v0, v5;
	vm1 =	veq.s32 v1, v5;
	vm14 =	veq.s32 v0, v15;
	v34 =	vld [tilespmem:$0x490]  }
0x176: {  	vm15 =	veq.s32 v1, v15;
	v40 =	vld [tilespmem:$0x590];
	v7 =	vadd.f32 $-3.499999940e-01, v2;
	v8 =	vadd.f32 $-3.499999940e-01, v3  }
0x177: {  	vm4 =	veq.s32 v0, v11;
	v46 =	vld [tilespmem:$0x690];
	v16 =	vadd.f32 $-3.499999940e-01, v4;
	v18 =	vadd.f32 $-3.499999940e-01, v6  }
0x178: {  	vm5 =	veq.s32 v1, v11;
	v50 =	vld [tilespmem:$0x710];
	v19 =	vadd.f32 $-3.499999940e-01, v9;
	v20 =	vadd.f32 $-3.499999940e-01, v10  }
0x179: {  	v15 =	vbroadcast v0, $0x4;
	v53 =	vld [tilespmem:$0x780];
	v23 =	vadd.f32 $-3.499999940e-01, v17;
	v24 =	vadd.f32 $-3.499999940e-01, v12  }
0x17a: {  	vm10 =	veq.s32 v0, v27;
	v25 =	vadd.f32 $-3.499999940e-01, v13;
	v26 =	vadd.f32 $-3.499999940e-01, v22  }
0x17b: {  	vm11 =	veq.s32 v1, v27;
	v29 =	vadd.f32 $-3.499999940e-01, v14;
	v32 =	vadd.f32 $-3.499999940e-01, v28  }
0x17c: {  	v27 =	vbroadcast v0, $0xA;
	v37 =	vadd.f32 $-3.499999940e-01, v21;
	v38 =	vadd.f32 $-3.499999940e-01, v34  }
0x17d: {  	vm8 =	veq.s32 v0, v15;
	v44 =	vadd.f32 $-3.499999940e-01, v40;
	v52 =	vadd.f32 $-3.499999940e-01, v46  }
0x17e: {  	vm9 =	veq.s32 v1, v15;
	v61 =	vadd.f32 $-3.499999940e-01, v50;
	v63 =	vadd.f32 $-3.499999940e-01, v53  }
0x17f: {  	v2 =	vsel vm0, v7, v2;
	v3 =	vsel vm1, v8, v3;
	v4 =	vsel vm14, v16, v4  }
0x180: {  	v6 =	vsel vm15, v18, v6;
	v5 =	vsel vm4, v19, v9;
	v7 =	vsel vm5, v20, v10  }
0x181: {  	v8 =	vsel vm6, v23, v17;
	v10 =	vsel vm7, v24, v12;
	v9 =	vsel vm8, v25, v13  }
0x182: {  	v11 =	vsel vm9, v26, v22;
	v12 =	vsel vm10, v29, v14;
	v19 =	vbroadcast v0, $0x6  }
0x183: {  	v56 =	vld [tilespmem:$0x790];
	vm14 =	veq.s32 v0, v33;
	v23 =	vbroadcast v0, $0x8;
	vm15 =	veq.s32 v1, v33  }
0x184: {  	v16 =	vld [tilespmem:$0x310];
	vm6 =	veq.s32 v0, v39;
	v2 =	vmul.f32 $6.400000000e+01, v2;
	v3 =	vmul.f32 $6.400000000e+01, v3  }
0x185: {  	v17 =	vld [tilespmem:$0x380];
	vm7 =	veq.s32 v1, v39;
	v4 =	vmul.f32 $6.400000000e+01, v4;
	v6 =	vmul.f32 $6.400000000e+01, v6  }
0x186: {  	v18 =	vld [tilespmem:$0x400];
	vm8 =	veq.s32 v0, v27;
	v5 =	vmul.f32 $6.400000000e+01, v5;
	v7 =	vmul.f32 $6.400000000e+01, v7  }
0x187: {  	v20 =	vld [tilespmem:$0x410];
	vm9 =	veq.s32 v1, v27;
	v8 =	vmul.f32 $6.400000000e+01, v8;
	v10 =	vmul.f32 $6.400000000e+01, v10  }
0x188: {  	v22 =	vld [tilespmem:$0x500];
	vm10 =	veq.s32 v0, v45;
	v9 =	vmul.f32 $6.400000000e+01, v9;
	v11 =	vmul.f32 $6.400000000e+01, v11  }
0x189: {  	v24 =	vld [tilespmem:$0x510];
	v12 =	vmul.f32 $6.400000000e+01, v12;
	vm12 =	veq.s32 v0, v19;
	vm13 =	veq.s32 v1, v19  }
0x18a: {  	v25 =	vld [tilespmem:$0x580];
	vm4 =	veq.s32 v0, v23;
	vm5 =	veq.s32 v1, v23;
	v23 =	vsel vm9, v44, v40  }
0x18b: {  	v26 =	vld [tilespmem:$0x600];
	v40 =	vbroadcast v1, $0x0;
	v15 =	vsel vm13, v32, v28;
	v19 =	vsel vm5, v38, v34  }
0x18c: {  	v29 =	vld [tilespmem:$0x680];
	v23 =	vmul.f32 $6.400000000e+01, v23;
	v32 =	vadd.f32 $-3.499999940e-01, v56;
	vm5 =	veq.s32 v1, v62  }
0x18d: {  	v34 =	vbroadcast v0, $0xF;
	v30 =	vadd.f32 $-3.499999940e-01, v16;
	v31 =	vadd.f32 $-3.499999940e-01, v17  }
0x18e: {  	v15 =	vmul.f32 $6.400000000e+01, v15;
	v35 =	vadd.f32 $-3.499999940e-01, v18;
	v36 =	vadd.f32 $-3.499999940e-01, v20  }
0x18f: {  	v19 =	vmul.f32 $6.400000000e+01, v19;
	v41 =	vadd.f32 $-3.499999940e-01, v22;
	v42 =	vadd.f32 $-3.499999940e-01, v24  }
0x190: {  	vm9 =	veq.s32 v1, v40;
	v43 =	vadd.f32 $-3.499999940e-01, v25;
	v47 =	vadd.f32 $-3.499999940e-01, v26  }
0x191: {  	v59 =	vld [tilespmem:$0x800];
	v49 =	vadd.f32 $-3.499999940e-01, v29;
	v14 =	vsel vm11, v30, v16;
	v13 =	vsel vm12, v31, v17  }
0x192: {  	v16 =	vsel vm14, v35, v18;
	v18 =	vsel vm15, v36, v20;
	v17 =	vsel vm4, v37, v21  }
0x193: {  	v20 =	vsel vm6, v41, v22;
	v22 =	vsel vm7, v42, v24;
	v21 =	vsel vm8, v43, v25  }
0x194: {  	v33 =	vld [tilespmem:$0x880];
	[tilespmem:$0x80] =	vst v2;
	v24 =	vsel vm10, v47, v26;
	v31 =	vbroadcast v0, $0xC;
	vm11 =	veq.s32 v1, v45  }
0x195: {  	[tilespmem:$0x90] =	vst v3;
	vm14 =	veq.s32 v0, v55;
	vm15 =	veq.s32 v1, v55;
	vm4 =	veq.s32 v0, v62  }
0x196: {  	v28 =	vld [tilespmem:$0x610];
	[tilespmem:$0x100] =	vst v4;
	v36 =	vsel vm5, v32, v56;
	v37 =	vadd.f32 $-3.499999940e-01, v59;
	v45 =	vbroadcast v1, $0x1  }
0x197: {  	[tilespmem:$0x110] =	vst v6;
	v38 =	vld [tilespmem:$0x900];
	vm6 =	veq.s32 v0, v34;
	v55 =	vbroadcast v1, $0x3;
	v14 =	vmul.f32 $6.400000000e+01, v14  }
0x198: {  	[tilespmem:$0x180] =	vst v5;
	vm7 =	veq.s32 v1, v34;
	v13 =	vmul.f32 $6.400000000e+01, v13;
	v16 =	vmul.f32 $6.400000000e+01, v16  }
0x199: {  	[tilespmem:$0x190] =	vst v7;
	v41 =	vadd.f32 $-3.499999940e-01, v33;
	v18 =	vmul.f32 $6.400000000e+01, v18;
	v17 =	vmul.f32 $6.400000000e+01, v17  }
0x19a: {  	[tilespmem:$0x200] =	vst v8;
	vm8 =	veq.s32 v0, v40;
	v20 =	vmul.f32 $6.400000000e+01, v20;
	v22 =	vmul.f32 $6.400000000e+01, v22  }
0x19b: {  	[tilespmem:$0x210] =	vst v10;
	v21 =	vmul.f32 $6.400000000e+01, v21;
	v48 =	vadd.f32 $-3.499999940e-01, v28;
	v2 =	vmul.f32 $6.400000000e+01, v24  }
0x19c: {  	[tilespmem:$0x290] =	vst v11;
	v8 =	vsel vm4, v63, v53;
	v11 =	vmul.f32 $6.400000000e+01, v36;
	v47 =	vadd.f32 $-3.499999940e-01, v38  }
0x19d: {  	v44 =	vld [tilespmem:$0x980];
	[tilespmem:$0x280] =	vst v9;
	v63 =	vbroadcast v1, $0x4;
	vm12 =	veq.s32 v0, v31;
	vm13 =	veq.s32 v1, v31  }
0x19e: {  	[tilespmem:$0x300] =	vst v12;
	v30 =	vld [tilespmem:$0x700];
	v31 =	vsel vm15, v61, v50;
	v8 =	vmul.f32 $6.400000000e+01, v8;
	v6 =	vsel vm6, v37, v59  }
0x19f: {  	[tilespmem:$0x590] =	vst v23;
	v35 =	vld [tilespmem:$0x890];
	v9 =	vsel vm8, v41, v33;
	vm10 =	veq.s32 v0, v45;
	v50 =	vbroadcast v1, $0x2  }
0x1a0: {  	[tilespmem:$0x390] =	vst v15;
	v42 =	vld [tilespmem:$0x910];
	vm15 =	veq.s32 v1, v55;
	v37 =	vbroadcast v1, $0x6;
	v51 =	vsel vm11, v48, v28  }
0x1a1: {  	[tilespmem:$0x490] =	vst v19;
	v56 =	vld [tilespmem:$0xA90];
	v54 =	vsel vm12, v49, v29;
	v57 =	vsel vm13, v52, v46;
	v10 =	vmul.f32 $6.400000000e+01, v31  }
0x1a2: {  	v25 =	vld [tilespmem:$0xB10];
	[tilespmem:$0x310] =	vst v14;
	v6 =	vmul.f32 $6.400000000e+01, v6;
	v9 =	vmul.f32 $6.400000000e+01, v9;
	v12 =	vsel vm10, v47, v38  }
0x1a3: {  	v34 =	vld [tilespmem:$0xC00];
	vm11 =	veq.s32 v1, v45;
	[tilespmem:$0x580] =	vst v21;
	v29 =	vbroadcast v1, $0x5;
	v21 =	vbroadcast v1, $0xA  }
0x1a4: {  	v40 =	vld [tilespmem:$0xC10];
	[tilespmem:$0x380] =	vst v13;
	vm4 =	veq.s32 v0, v63;
	v3 =	vmul.f32 $6.400000000e+01, v51;
	v4 =	vmul.f32 $6.400000000e+01, v54  }
0x1a5: {  	[tilespmem:$0x400] =	vst v16;
	vm5 =	veq.s32 v1, v63;
	v5 =	vmul.f32 $6.400000000e+01, v57;
	v12 =	vmul.f32 $6.400000000e+01, v12  }
0x1a6: {  	[tilespmem:$0x410] =	vst v18;
	v51 =	vadd.f32 $-3.499999940e-01, v44;
	vm12 =	veq.s32 v0, v50;
	v58 =	vadd.f32 $-3.499999940e-01, v30  }
0x1a7: {  	[tilespmem:$0x480] =	vst v17;
	vm13 =	veq.s32 v1, v50;
	v43 =	vadd.f32 $-3.499999940e-01, v35;
	v49 =	vadd.f32 $-3.499999940e-01, v42  }
0x1a8: {  	v46 =	vld [tilespmem:$0x990];
	[tilespmem:$0x500] =	vst v20;
	vm8 =	veq.s32 v0, v37;
	v27 =	vadd.f32 $-3.499999940e-01, v56;
	v36 =	vadd.f32 $-3.499999940e-01, v25  }
0x1a9: {  	v48 =	vld [tilespmem:$0xA00];
	[tilespmem:$0x510] =	vst v22;
	vm6 =	veq.s32 v0, v29;
	v47 =	vadd.f32 $-3.499999940e-01, v34;
	v50 =	vadd.f32 $-3.499999940e-01, v40  }
0x1aa: {  	v52 =	vld [tilespmem:$0xA10];
	[tilespmem:$0x600] =	vst v2;
	v16 =	vsel vm12, v51, v44;
	v44 =	vbroadcast v1, $0x7;
	v51 =	vbroadcast v1, $0x8  }
0x1ab: {  	[tilespmem:$0x790] =	vst v11;
	v60 =	vsel vm14, v58, v30;
	v15 =	vsel vm9, v43, v35;
	v13 =	vsel vm11, v49, v42  }
0x1ac: {  	v45 =	vld [tilespmem:$0xC90];
	[tilespmem:$0x780] =	vst v8;
	v58 =	vmul.f32 $6.400000000e+01, v16;
	vm14 =	veq.s32 v0, v55;
	v31 =	vsel vm5, v27, v56  }
0x1ad: {  	v54 =	vld [tilespmem:$0xA80];
	[tilespmem:$0x710] =	vst v10;
	vm9 =	veq.s32 v1, v37;
	vm5 =	veq.s32 v1, v21;
	v37 =	vbroadcast v1, $0xC  }
0x1ae: {  	[tilespmem:$0x800] =	vst v6;
	v7 =	vmul.f32 $6.400000000e+01, v60;
	v15 =	vmul.f32 $6.400000000e+01, v15;
	v53 =	vadd.f32 $-3.499999940e-01, v46  }
0x1af: {  	[tilespmem:$0x880] =	vst v9;
	v13 =	vmul.f32 $6.400000000e+01, v13;
	v57 =	vadd.f32 $-3.499999940e-01, v48;
	v62 =	vadd.f32 $-3.499999940e-01, v52  }
0x1b0: {  	[tilespmem:$0x610] =	vst v3;
	v33 =	vmul.f32 $6.400000000e+01, v31;
	vm10 =	veq.s32 v0, v44;
	vm11 =	veq.s32 v1, v44  }
0x1b1: {  	[tilespmem:$0x680] =	vst v4;
	v30 =	vld [tilespmem:$0x810];
	vm12 =	veq.s32 v0, v51;
	v55 =	vadd.f32 $-3.499999940e-01, v45;
	v44 =	vbroadcast v1, $0xD  }
0x1b2: {  	[tilespmem:$0x690] =	vst v5;
	v43 =	vld [tilespmem:$0xC80];
	v24 =	vadd.f32 $-3.499999940e-01, v54;
	v10 =	vsel vm10, v47, v34;
	v11 =	vsel vm11, v50, v40  }
0x1b3: {  	v49 =	vld [tilespmem:$0xD00];
	[tilespmem:$0x980] =	vst v58;
	v58 =	vbroadcast v1, $0x9;
	v18 =	vsel vm13, v53, v46;
	v61 =	vsel vm14, v57, v48  }
0x1b4: {  	[tilespmem:$0x900] =	vst v12;
	v56 =	vld [tilespmem:$0xD80];
	v26 =	vsel vm15, v62, v52;
	v52 =	vmul.f32 $6.400000000e+01, v10;
	vm13 =	veq.s32 v1, v51  }
0x1b5: {  	v60 =	vld [tilespmem:$0xB00];
	[tilespmem:$0x700] =	vst v7;
	vm10 =	veq.s32 v0, v44;
	vm11 =	veq.s32 v1, v44;
	v59 =	vmul.f32 $6.400000000e+01, v18  }
0x1b6: {  	v28 =	vld [tilespmem:$0xB80];
	[tilespmem:$0x890] =	vst v15;
	v3 =	vmul.f32 $6.400000000e+01, v61;
	v4 =	vsel vm4, v24, v54;
	v5 =	vmul.f32 $6.400000000e+01, v26  }
0x1b7: {  	[tilespmem:$0x910] =	vst v13;
	v61 =	vsel vm13, v55, v45;
	vm14 =	veq.s32 v0, v58;
	vm15 =	veq.s32 v1, v58  }
0x1b8: {  	[tilespmem:$0xA90] =	vst v33;
	vm4 =	veq.s32 v0, v21;
	v58 =	vbroadcast v1, $0xF;
	v39 =	vadd.f32 $-3.499999940e-01, v30  }
0x1b9: {  	v54 =	vld [tilespmem:$0xD10];
	v4 =	vmul.f32 $6.400000000e+01, v4;
	v53 =	vadd.f32 $-3.499999940e-01, v43;
	v62 =	vadd.f32 $-3.499999940e-01, v49;
	[tilespmem:$0xC00] =	vst v52  }
0x1ba: {  	v18 =	vld [tilespmem:$0xE00];
	v63 =	vmul.f32 $6.400000000e+01, v61;
	v23 =	vadd.f32 $-3.499999940e-01, v56;
	v32 =	vadd.f32 $-3.499999940e-01, v60;
	[tilespmem:$0x990] =	vst v59  }
0x1bb: {  	v24 =	vld [tilespmem:$0xE10];
	[tilespmem:$0xA00] =	vst v3;
	v14 =	vsel vm7, v39, v30;
	vm7 =	veq.s32 v1, v29;
	v39 =	vadd.f32 $-3.499999940e-01, v28  }
0x1bc: {  	v26 =	vld [tilespmem:$0xE80];
	[tilespmem:$0xA10] =	vst v5;
	v57 =	vsel vm12, v53, v43;
	v19 =	vsel vm14, v62, v49;
	v27 =	vsel vm4, v23, v56  }
0x1bd: {  	v45 =	vld [tilespmem:$0xF90];
	[tilespmem:$0xA80] =	vst v4;
	v14 =	vmul.f32 $6.400000000e+01, v14;
	v35 =	vsel vm6, v32, v60;
	v60 =	vmul.f32 $6.400000000e+01, v11  }
0x1be: {  	v52 =	vld [tilespmem:$0x1010];
	[tilespmem:$0xC90] =	vst v63;
	vm14 =	veq.s32 v0, v58;
	v3 =	vmul.f32 $6.400000000e+01, v57;
	v22 =	vmul.f32 $6.400000000e+01, v19  }
0x1bf: {  	v59 =	vld [tilespmem:$0xD90];
	v41 =	vsel vm7, v36, v25;
	v32 =	vmul.f32 $6.400000000e+01, v27;
	v38 =	vmul.f32 $6.400000000e+01, v35;
	[tilespmem:$0x810] =	vst v14  }
0x1c0: {  	v30 =	vld [tilespmem:$0xB90];
	v7 =	vsel vm8, v39, v28;
	v20 =	vadd.f32 $-3.499999940e-01, v54;
	v31 =	vadd.f32 $-3.499999940e-01, v18;
	[tilespmem:$0xC10] =	vst v60  }
0x1c1: {  	v28 =	vbroadcast v1, $0xB;
	v36 =	vadd.f32 $-3.499999940e-01, v24;
	v40 =	vadd.f32 $-3.499999940e-01, v26;
	[tilespmem:$0xC80] =	vst v3  }
0x1c2: {  	v29 =	vld [tilespmem:$0xE90];
	vm8 =	veq.s32 v0, v37;
	v56 =	vadd.f32 $-3.499999940e-01, v45;
	v14 =	vmul.f32 $6.400000000e+01, v41;
	[tilespmem:$0xD00] =	vst v22  }
0x1c3: {  	v7 =	vmul.f32 $6.400000000e+01, v7;
	[tilespmem:$0xD80] =	vst v32;
	v61 =	vadd.f32 $-3.499999940e-01, v52;
	v10 =	vsel vm15, v20, v54  }
0x1c4: {  	v34 =	vld [tilespmem:$0xF00];
	[tilespmem:$0xB00] =	vst v38;
	v25 =	vadd.f32 $-3.499999940e-01, v59;
	vm6 =	veq.s32 v0, v28;
	vm7 =	veq.s32 v1, v28  }
0x1c5: {  	v49 =	vld [tilespmem:$0x1000];
	v5 =	vsel vm8, v40, v26;
	v42 =	vadd.f32 $-3.499999940e-01, v30;
	[tilespmem:$0xB10] =	vst v14;
	v10 =	vmul.f32 $6.400000000e+01, v10  }
0x1c6: {  	v38 =	vld [tilespmem:$0xF10];
	vm15 =	veq.s32 v1, v58;
	[tilespmem:$0xB80] =	vst v7;
	v35 =	vsel vm6, v31, v18;
	v53 =	vmul.f32 $6.400000000e+01, v5  }
0x1c7: {  	v43 =	vadd.f32 $-3.499999940e-01, v29;
	v39 =	vmul.f32 $6.400000000e+01, v35;
	v46 =	vsel vm9, v42, v30;
	[tilespmem:$0xD10] =	vst v10  }
0x1c8: {  	v41 =	vld [tilespmem:$0xF80];
	v30 =	vsel vm5, v25, v59;
	v42 =	vsel vm7, v36, v24;
	[tilespmem:$0xE80] =	vst v53;
	v48 =	vmul.f32 $6.400000000e+01, v46  }
0x1c9: {  	vm9 =	veq.s32 v1, v37;
	v33 =	vmul.f32 $6.400000000e+01, v30;
	v46 =	vadd.f32 $-3.499999940e-01, v34;
	[tilespmem:$0xE00] =	vst v39  }
0x1ca: {  	v59 =	vadd.f32 $-3.499999940e-01, v49;
	v4 =	vmul.f32 $6.400000000e+01, v42;
	v9 =	vsel vm9, v43, v29;
	[tilespmem:$0xB90] =	vst v48  }
0x1cb: {  	v47 =	vadd.f32 $-3.499999940e-01, v38;
	v55 =	vmul.f32 $6.400000000e+01, v9;
	[tilespmem:$0xD90] =	vst v33;
	v50 =	vsel vm10, v46, v34  }
0x1cc: {  	v48 =	vbroadcast v1, $0xE;
	[tilespmem:$0xE10] =	vst v4;
	v4 =	vsel vm14, v59, v49;
	v57 =	vmul.f32 $6.400000000e+01, v50  }
0x1cd: {  	v51 =	vadd.f32 $-3.499999940e-01, v41;
	v2 =	vsel vm11, v47, v38;
	[tilespmem:$0xE90] =	vst v55;
	v63 =	vmul.f32 $6.400000000e+01, v4  }
0x1ce: {  	vm12 =	veq.s32 v0, v48;
	v2 =	vmul.f32 $6.400000000e+01, v2;
	v0 =	vsel vm15, v61, v52;
	[tilespmem:$0xF00] =	vst v57  }
0x1cf: {  	vm13 =	veq.s32 v1, v48;
	v54 =	vsel vm12, v51, v41;
	v0 =	vmul.f32 $6.400000000e+01, v0;
	[tilespmem:$0x1000] =	vst v63  }
0x1d0: {  	v6 =	vsel vm13, v56, v45;
	v60 =	vmul.f32 $6.400000000e+01, v54;
	[tilespmem:$0xF10] =	vst v2  }
0x1d1: {  	v62 =	vmul.f32 $6.400000000e+01, v6;
	[tilespmem:$0x1010] =	vst v0  }
0x1d2: {  	s23 =	rddreg [dreg:$0x6];
	[tilespmem:$0xF80] =	vst v60  }
0x1d3: {  	s9 =	sadd.s32 s3, s23;
	s23 =	simm.s32 $0x80;
	[tilespmem:$0xF90] =	vst v62  }
0x1d4: {  	[hbm4b:s9+s4] =	stream.linear.scatter [tilespmem:s23], [sflag:$0x1], $0x20, $0x38;
	[tilespmem:$0x1080] =	vst v63  }
0x1d5: {  	s23 =	rddreg [dreg:$0x7]  }
0x1d6: {  	s9 =	sadd.s32 s3, s23;
	s23 =	simm.s32 $0x100  }
0x1d7: {  	[hbm4b:s9+s4] =	stream.linear.scatter [tilespmem:s23], [sflag:$0x1], $0x20, $0x38;
	[tilespmem:$0x1080] =	vst v63  }
0x1d8: {  	s23 =	rddreg [dreg:$0x8]  }
0x1d9: {  	s9 =	sadd.s32 s3, s23;
	s23 =	simm.s32 $0x180  }
0x1da: {  	[hbm4b:s9+s4] =	stream.linear.scatter [tilespmem:s23], [sflag:$0x1], $0x20, $0x38;
	[tilespmem:$0x1080] =	vst v63  }
0x1db: {  	s23 =	rddreg [dreg:$0x9]  }
0x1dc: {  	s9 =	sadd.s32 s3, s23;
	s23 =	simm.s32 $0x200  }
0x1dd: {  	[hbm4b:s9+s4] =	stream.linear.scatter [tilespmem:s23], [sflag:$0x1], $0x20, $0x38;
	[tilespmem:$0x1080] =	vst v63  }
0x1de: {  	s23 =	rddreg [dreg:$0xa]  }
0x1df: {  	s9 =	sadd.s32 s3, s23;
	s23 =	simm.s32 $0x280  }
0x1e0: {  	[hbm4b:s9+s4] =	stream.linear.scatter [tilespmem:s23], [sflag:$0x1], $0x20, $0x38;
	[tilespmem:$0x1080] =	vst v63  }
0x1e1: {  	s23 =	rddreg [dreg:$0xb]  }
0x1e2: {  	s9 =	sadd.s32 s3, s23;
	s23 =	simm.s32 $0x300  }
0x1e3: {  	[hbm4b:s9+s4] =	stream.linear.scatter [tilespmem:s23], [sflag:$0x1], $0x20, $0x38;
	[tilespmem:$0x1080] =	vst v63  }
0x1e4: {  	s23 =	rddreg [dreg:$0xc]  }
0x1e5: {  	s9 =	sadd.s32 s3, s23;
	s23 =	simm.s32 $0x380  }
0x1e6: {  	[hbm4b:s9+s4] =	stream.linear.scatter [tilespmem:s23], [sflag:$0x1], $0x20, $0x38;
	[tilespmem:$0x1080] =	vst v63  }
0x1e7: {  	s23 =	rddreg [dreg:$0xd]  }
0x1e8: {  	s9 =	sadd.s32 s3, s23;
	s23 =	simm.s32 $0x400  }
0x1e9: {  	[hbm4b:s9+s4] =	stream.linear.scatter [tilespmem:s23], [sflag:$0x1], $0x20, $0x38;
	[tilespmem:$0x1080] =	vst v63  }
0x1ea: {  	s23 =	sadd.s32 s3, s24;
	s24 =	simm.s32 $0x480  }
0x1eb: {  	[hbm4b:s23+s4] =	stream.linear.scatter [tilespmem:s24], [sflag:$0x1], $0x20, $0x38;
	[tilespmem:$0x1080] =	vst v63  }
0x1ec: {  	s24 =	sadd.s32 s3, s25;
	s25 =	simm.s32 $0x500  }
0x1ed: {  	[hbm4b:s24+s4] =	stream.linear.scatter [tilespmem:s25], [sflag:$0x1], $0x20, $0x38;
	[tilespmem:$0x1080] =	vst v63  }
0x1ee: {  	s23 =	sadd.s32 s3, s26;
	s24 =	simm.s32 $0x580  }
0x1ef: {  	[hbm4b:s23+s4] =	stream.linear.scatter [tilespmem:s24], [sflag:$0x1], $0x20, $0x38;
	[tilespmem:$0x1080] =	vst v63  }
0x1f0: {  	s26 =	simm.s32 $0x600;
	s25 =	sadd.s32 s3, s28  }
0x1f1: {  	[hbm4b:s25+s4] =	stream.linear.scatter [tilespmem:s26], [sflag:$0x1], $0x20, $0x38;
	[tilespmem:$0x1080] =	vst v63  }
0x1f2: {  	s28 =	sadd.s32 s3, s29;
	s29 =	simm.s32 $0x680  }
0x1f3: {  	[hbm4b:s28+s4] =	stream.linear.scatter [tilespmem:s29], [sflag:$0x1], $0x20, $0x38;
	[tilespmem:$0x1080] =	vst v63  }
0x1f4: {  	s23 =	sadd.s32 s3, s30;
	s24 =	simm.s32 $0x700  }
0x1f5: {  	[hbm4b:s23+s4] =	stream.linear.scatter [tilespmem:s24], [sflag:$0x1], $0x20, $0x38;
	[tilespmem:$0x1080] =	vst v63  }
0x1f6: {  	s25 =	sadd.s32 s3, s31;
	s26 =	simm.s32 $0x780  }
0x1f7: {  	[hbm4b:s25+s4] =	stream.linear.scatter [tilespmem:s26], [sflag:$0x1], $0x20, $0x38;
	[tilespmem:$0x1080] =	vst v63  }
0x1f8: {  	s28 =	sadd.s32 s3, s22;
	s29 =	simm.s32 $0x800  }
0x1f9: {  	[hbm4b:s28+s4] =	stream.linear.scatter [tilespmem:s29], [sflag:$0x1], $0x20, $0x38;
	[tilespmem:$0x1080] =	vst v63  }
0x1fa: {  	s30 =	sadd.s32 s3, s21;
	s31 =	simm.s32 $0x880  }
0x1fb: {  	[hbm4b:s30+s4] =	stream.linear.scatter [tilespmem:s31], [sflag:$0x1], $0x20, $0x38;
	[tilespmem:$0x1080] =	vst v63  }
0x1fc: {  	s21 =	sadd.s32 s3, s20;
	s22 =	simm.s32 $0x900  }
0x1fd: {  	[hbm4b:s21+s4] =	stream.linear.scatter [tilespmem:s22], [sflag:$0x1], $0x20, $0x38;
	[tilespmem:$0x1080] =	vst v63  }
0x1fe: {  	s23 =	sadd.s32 s3, s19;
	s24 =	simm.s32 $0x980  }
0x1ff: {  	[hbm4b:s23+s4] =	stream.linear.scatter [tilespmem:s24], [sflag:$0x1], $0x20, $0x38;
	[tilespmem:$0x1080] =	vst v63  }
0x200: {  	s25 =	sadd.s32 s3, s18;
	s26 =	simm.s32 $0xA00  }
0x201: {  	[hbm4b:s25+s4] =	stream.linear.scatter [tilespmem:s26], [sflag:$0x1], $0x20, $0x38;
	[tilespmem:$0x1080] =	vst v63  }
0x202: {  	s28 =	sadd.s32 s3, s17;
	s29 =	simm.s32 $0xA80  }
0x203: {  	[hbm4b:s28+s4] =	stream.linear.scatter [tilespmem:s29], [sflag:$0x1], $0x20, $0x38;
	[tilespmem:$0x1080] =	vst v63  }
0x204: {  	s30 =	sadd.s32 s3, s16;
	s31 =	simm.s32 $0xB00  }
0x205: {  	[hbm4b:s30+s4] =	stream.linear.scatter [tilespmem:s31], [sflag:$0x1], $0x20, $0x38;
	[tilespmem:$0x1080] =	vst v63  }
0x206: {  	s17 =	simm.s32 $0xB80;
	s16 =	sadd.s32 s3, s13  }
0x207: {  	[hbm4b:s16+s4] =	stream.linear.scatter [tilespmem:s17], [sflag:$0x1], $0x20, $0x38;
	[tilespmem:$0x1080] =	vst v63  }
0x208: {  	s19 =	simm.s32 $0xC00;
	s18 =	sadd.s32 s3, s14  }
0x209: {  	[hbm4b:s18+s4] =	stream.linear.scatter [tilespmem:s19], [sflag:$0x1], $0x20, $0x38;
	[tilespmem:$0x1080] =	vst v63  }
0x20a: {  	s20 =	sadd.s32 s3, s12;
	s21 =	simm.s32 $0xC80  }
0x20b: {  	[hbm4b:s20+s4] =	stream.linear.scatter [tilespmem:s21], [sflag:$0x1], $0x20, $0x38;
	[tilespmem:$0x1080] =	vst v63  }
0x20c: {  	s22 =	sadd.s32 s3, s11;
	s23 =	simm.s32 $0xD00  }
0x20d: {  	[hbm4b:s22+s4] =	stream.linear.scatter [tilespmem:s23], [sflag:$0x1], $0x20, $0x38;
	[tilespmem:$0x1080] =	vst v63  }
0x20e: {  	s8 =	sadd.s32 s3, s8;
	s24 =	simm.s32 $0xD80  }
0x20f: {  	[hbm4b:s8+s4] =	stream.linear.scatter [tilespmem:s24], [sflag:$0x1], $0x20, $0x38;
	[tilespmem:$0x1080] =	vst v63  }
0x210: {  	s7 =	sadd.s32 s3, s7;
	s25 =	simm.s32 $0xE00  }
0x211: {  	[hbm4b:s7+s4] =	stream.linear.scatter [tilespmem:s25], [sflag:$0x1], $0x20, $0x38;
	[tilespmem:$0x1080] =	vst v63  }
0x212: {  	s5 =	sadd.s32 s3, s5;
	s26 =	simm.s32 $0xE80  }
0x213: {  	[hbm4b:s5+s4] =	stream.linear.scatter [tilespmem:s26], [sflag:$0x1], $0x20, $0x38;
	[tilespmem:$0x1080] =	vst v63  }
0x214: {  	s2 =	sadd.s32 s3, s2;
	s28 =	simm.s32 $0xF00  }
0x215: {  	[hbm4b:s2+s4] =	stream.linear.scatter [tilespmem:s28], [sflag:$0x1], $0x20, $0x38;
	[tilespmem:$0x1080] =	vst v63  }
0x216: {  	s1 =	sadd.s32 s3, s1;
	s29 =	simm.s32 $0xF80  }
0x217: {  	[hbm4b:s1+s4] =	stream.linear.scatter [tilespmem:s29], [sflag:$0x1], $0x20, $0x38;
	[tilespmem:$0x1080] =	vst v63  }
0x218: {  	s0 =	sadd.s32 s3, s0;
	s31 =	simm.s32 $0x1000  }
0x219: {  	[hbm4b:s0+s4] =	stream.linear.scatter [tilespmem:s31], [sflag:$0x1], $0x20, $0x38;
	[tilespmem:$0x1080] =	vst v63  }
0x21a: {  	s30 =	rddreg [dreg:$0x5];
	_ =	swait.ge [sflag:s15], $0x20  }
0x21b: {  	[sflag:s15] =	ssyncset.done $0x0  }
0x21c: {  	[sflag:s15] =	ssyncadd.s32 $0xFFFFFFE0  }
0x21d: {  	_ =	swait.ge [sflag:s15], $0x20  }
0x21e: {  	[sflag:s15] =	ssyncset.done $0x0  }
0x21f: {  	[sflag:s15] =	ssyncadd.s32 $0xFFFFFFE0  }
0x220: {  	_ =	swait.ge [sflag:s15], $0x20  }
0x221: {  	[sflag:s15] =	ssyncset.done $0x0  }
0x222: {  	[sflag:s15] =	ssyncadd.s32 $0xFFFFFFE0  }
0x223: {  	_ =	swait.ge [sflag:s15], $0x20  }
0x224: {  	[sflag:s15] =	ssyncset.done $0x0  }
0x225: {  	[sflag:s15] =	ssyncadd.s32 $0xFFFFFFE0  }
0x226: {  	_ =	swait.ge [sflag:s15], $0x20  }
0x227: {  	[sflag:s15] =	ssyncset.done $0x0  }
0x228: {  	[sflag:s15] =	ssyncadd.s32 $0xFFFFFFE0  }
0x229: {  	_ =	swait.ge [sflag:s15], $0x20  }
0x22a: {  	[sflag:s15] =	ssyncset.done $0x0  }
0x22b: {  	[sflag:s15] =	ssyncadd.s32 $0xFFFFFFE0  }
0x22c: {  	_ =	swait.ge [sflag:s15], $0x20  }
0x22d: {  	[sflag:s15] =	ssyncset.done $0x0  }
0x22e: {  	[sflag:s15] =	ssyncadd.s32 $0xFFFFFFE0  }
0x22f: {  	_ =	swait.ge [sflag:s15], $0x20  }
0x230: {  	[sflag:s15] =	ssyncset.done $0x0  }
0x231: {  	[sflag:s15] =	ssyncadd.s32 $0xFFFFFFE0  }
0x232: {  	_ =	swait.ge [sflag:s15], $0x20  }
0x233: {  	[sflag:s15] =	ssyncset.done $0x0  }
0x234: {  	[sflag:s15] =	ssyncadd.s32 $0xFFFFFFE0  }
0x235: {  	_ =	swait.ge [sflag:s15], $0x20  }
0x236: {  	[sflag:s15] =	ssyncset.done $0x0  }
0x237: {  	[sflag:s15] =	ssyncadd.s32 $0xFFFFFFE0  }
0x238: {  	_ =	swait.ge [sflag:s15], $0x20  }
0x239: {  	[sflag:s15] =	ssyncset.done $0x0  }
0x23a: {  	[sflag:s15] =	ssyncadd.s32 $0xFFFFFFE0  }
0x23b: {  	_ =	swait.ge [sflag:s15], $0x20  }
0x23c: {  	[sflag:s15] =	ssyncset.done $0x0  }
0x23d: {  	[sflag:s15] =	ssyncadd.s32 $0xFFFFFFE0  }
0x23e: {  	_ =	swait.ge [sflag:s15], $0x20  }
0x23f: {  	[sflag:s15] =	ssyncset.done $0x0  }
0x240: {  	[sflag:s15] =	ssyncadd.s32 $0xFFFFFFE0  }
0x241: {  	_ =	swait.ge [sflag:s15], $0x20  }
0x242: {  	[sflag:s15] =	ssyncset.done $0x0  }
0x243: {  	[sflag:s15] =	ssyncadd.s32 $0xFFFFFFE0  }
0x244: {  	_ =	swait.ge [sflag:s15], $0x20  }
0x245: {  	[sflag:s15] =	ssyncset.done $0x0  }
0x246: {  	[sflag:s15] =	ssyncadd.s32 $0xFFFFFFE0  }
0x247: {  	_ =	swait.ge [sflag:s15], $0x20  }
0x248: {  	[sflag:s15] =	ssyncset.done $0x0  }
0x249: {  	[sflag:s15] =	ssyncadd.s32 $0xFFFFFFE0  }
0x24a: {  	_ =	swait.ge [sflag:s15], $0x20  }
0x24b: {  	[sflag:s15] =	ssyncset.done $0x0  }
0x24c: {  	[sflag:s15] =	ssyncadd.s32 $0xFFFFFFE0  }
0x24d: {  	_ =	swait.ge [sflag:s15], $0x20  }
0x24e: {  	[sflag:s15] =	ssyncset.done $0x0  }
0x24f: {  	[sflag:s15] =	ssyncadd.s32 $0xFFFFFFE0  }
0x250: {  	_ =	swait.ge [sflag:s15], $0x20  }
0x251: {  	[sflag:s15] =	ssyncset.done $0x0  }
0x252: {  	[sflag:s15] =	ssyncadd.s32 $0xFFFFFFE0  }
0x253: {  	_ =	swait.ge [sflag:s15], $0x20  }
0x254: {  	[sflag:s15] =	ssyncset.done $0x0  }
0x255: {  	[sflag:s15] =	ssyncadd.s32 $0xFFFFFFE0  }
0x256: {  	_ =	swait.ge [sflag:s15], $0x20  }
0x257: {  	[sflag:s15] =	ssyncset.done $0x0  }
0x258: {  	[sflag:s15] =	ssyncadd.s32 $0xFFFFFFE0  }
0x259: {  	_ =	swait.ge [sflag:s15], $0x20  }
0x25a: {  	[sflag:s15] =	ssyncset.done $0x0  }
0x25b: {  	[sflag:s15] =	ssyncadd.s32 $0xFFFFFFE0  }
0x25c: {  	_ =	swait.ge [sflag:s15], $0x20  }
0x25d: {  	[sflag:s15] =	ssyncset.done $0x0  }
0x25e: {  	[sflag:s15] =	ssyncadd.s32 $0xFFFFFFE0  }
0x25f: {  	_ =	swait.ge [sflag:s15], $0x20  }
0x260: {  	[sflag:s15] =	ssyncset.done $0x0  }
0x261: {  	[sflag:s15] =	ssyncadd.s32 $0xFFFFFFE0  }
0x262: {  	_ =	swait.ge [sflag:s15], $0x20  }
0x263: {  	[sflag:s15] =	ssyncset.done $0x0  }
0x264: {  	[sflag:s15] =	ssyncadd.s32 $0xFFFFFFE0  }
0x265: {  	_ =	swait.ge [sflag:s15], $0x20  }
0x266: {  	[sflag:s15] =	ssyncset.done $0x0  }
0x267: {  	[sflag:s15] =	ssyncadd.s32 $0xFFFFFFE0  }
0x268: {  	_ =	swait.ge [sflag:s15], $0x20  }
0x269: {  	[sflag:s15] =	ssyncset.done $0x0  }
0x26a: {  	[sflag:s15] =	ssyncadd.s32 $0xFFFFFFE0  }
0x26b: {  	_ =	swait.ge [sflag:s15], $0x20  }
0x26c: {  	[sflag:s15] =	ssyncset.done $0x0  }
0x26d: {  	[sflag:s15] =	ssyncadd.s32 $0xFFFFFFE0  }
0x26e: {  	_ =	swait.ge [sflag:s15], $0x20  }
0x26f: {  	[sflag:s15] =	ssyncset.done $0x0  }
0x270: {  	[sflag:s15] =	ssyncadd.s32 $0xFFFFFFE0  }
0x271: {  	_ =	swait.ge [sflag:s15], $0x20  }
0x272: {  	[sflag:s15] =	ssyncset.done $0x0  }
0x273: {  	[sflag:s15] =	ssyncadd.s32 $0xFFFFFFE0  }
0x274: {  	p0 =	sne.s32 s30, $0x1;
	_ =	swait.ge [sflag:s15], $0x20  }
.Ltmp0:
0x275: {  	[sflag:s15] =	ssyncset.done $0x0;
	(pc) =	sbr.rel @p0 .LBB2_1-.Ltmp0, $4  }
0x276: {  	[sflag:s15] =	ssyncadd.s32 $0xFFFFFFE0  }
0x277: {  	_ =	swait.ge [sflag:s15], $0x20  }
0x278: {  	[sflag:s15] =	ssyncset.done $0x0  }
0x279: {  	s1 =	sadd.s32 $0xFFFFFFFF, s30;
	[sflag:s15] =	ssyncadd.s32 $0xFFFFFFE0  }
0x27a: {  	_ =	sfence.sel $0x180000  }
0x27b: {  	[bflag:$0x0] =	sbarrier.arrive $0xFFFF  }
0x27c: {  	_ =	strace $0x90000047  }
0x27d: {  	s0 =	stileid.u32;
	[bflag:$0x2] =	sbarrier.arrive $0xFFFF  }
0x27e: {  	p0 =	sne.s32 s0, $0x0;
	s0 =	rddreg [dreg:$0x3]  }
0x27f: {  	s0 =	sadd.s32 @!p0 $0x100000, s0  }
0x280: {  	[sflag:s0] =	ssyncadd.tile.s32 @!p0 $0x1;
	_ =	shalt  }
.Lfunc_end2:
_tile_overlayer_lowered:
.L_overlay_start_2:
0x281: {  	(tag) =	ssettag $0x2  }
0x282: {  	s0 =	rddreg [dreg:$0x0];
	s2 =	stileid.u32  }
0x283: {  	s1 =	rddreg [dreg:$0x1];
	p0 =	sne.s32 s2, $0x0  }
0x284: {  	s3 =	rddreg [dreg:$0x2];
	[bflag:$0x3] =	sbarrier.arrive $0xFFFF;
	s2 =	simm.s32 @!p0 $0x1C02  }
0x285: {  	[timem:s3], [sflag:s2] =	dma.local @!p0 [hbm:s0], s1  }
0x286: {  	s0 =	simm.s32 @!p0 $0x2  }
0x287: {  	_ =	swait.ge @!p0 [sflag:s0], s1  }
0x288: {  	s1 =	ssub.s32 @!p0 $0x0, s1;
	[sflag:s0] =	ssyncset.done @!p0 $0x0  }
0x289: {  	[sflag:s0] =	ssyncadd.s32 @!p0 s1  }
0x28a: {  	[bflag:$0x3] =	sbarrier.arrive $0xFFFF  }
0x28b: {  	_ =	shalt  }

</sc_bundles>
